<compile_context>
chip_gen: v7x
topology: tpu7x:2x2x1
jax: 0.10.2.dev20260603
libtpu: 0.0.44.dev20260713+nightly
codegen_flags: <defaults>
</compile_context>

<pallas_src>
import functools

import jax
import jax.numpy as jnp
from jax import lax
from jax.experimental import pallas as pl
from jax.experimental.pallas import tpu as pltpu
from jax.experimental.pallas import tpu_sc as plsc

N_NODES = 10000
N_EDGES = 320000
D = 128

NC = 2
NS = 16
DH = D // NC

CH = 128
NBUF = 5
NGRP = 32
NCH = NBUF * NGRP
E_TILE = CH * NCH
E_PAD = E_TILE * NS
N_PAD = 10240
ROWS_PER_TILE = N_PAD // NS
DUMMY_DST = N_NODES + 8


def _agg_body(src_hbm, dst_hbm, feat_hbm, zero2_hbm, zero1_hbm, one_hbm,
              acc_out, cnt_out,
              srcb_v, dstb_v, ones_v, rows_v, feat_sh, acc_sh, cnt_sh,
              gsem, ssem, csem, isem, *, with_counts):
    c = lax.axis_index("c")
    s = lax.axis_index("s")
    row0 = s * ROWS_PER_TILE

    pltpu.sync_copy(feat_hbm.at[c, pl.ds(row0, ROWS_PER_TILE)],
                    feat_sh.at[pl.ds(row0, ROWS_PER_TILE)])
    pltpu.sync_copy(zero2_hbm.at[pl.ds(row0, ROWS_PER_TILE)],
                    acc_sh.at[pl.ds(row0, ROWS_PER_TILE)])
    if with_counts:
        pltpu.sync_copy(zero1_hbm.at[pl.ds(row0, ROWS_PER_TILE)],
                        cnt_sh.at[pl.ds(row0, ROWS_PER_TILE)])
        pltpu.sync_copy(one_hbm, ones_v)
    pltpu.sync_copy(src_hbm.at[s, 0], srcb_v.at[pl.ds(0, NBUF)])
    pltpu.sync_copy(dst_hbm.at[s, 0], dstb_v.at[pl.ds(0, NBUF)])
    pltpu.async_copy(src_hbm.at[s, 1], srcb_v.at[pl.ds(NBUF, NBUF)],
                     isem.at[1])
    pltpu.async_copy(dst_hbm.at[s, 1], dstb_v.at[pl.ds(NBUF, NBUF)],
                     isem.at[1])
    plsc.subcore_barrier()

    for b in range(NBUF):
        pltpu.async_copy(feat_sh.at[srcb_v.at[b]], rows_v.at[b], gsem.at[b])

    def half(g2, par):
        pbase = par * NBUF
        qbase = (1 - par) * NBUF
        g = 2 * g2 + par
        cnt_here = jnp.logical_or(
            jnp.logical_and(c == 0, g < NGRP // 2),
            jnp.logical_and(c == 1, g >= NGRP // 2))
        scat = []
        for b in range(NBUF):
            pltpu.make_async_copy(feat_sh.at[srcb_v.at[0]],
                                  rows_v.at[b], gsem.at[b]).wait()
            scat.append(pltpu.async_copy(
                rows_v.at[b], acc_sh.at[dstb_v.at[pbase + b]], ssem.at[b],
                add=True))
            if with_counts:
                @pl.when(cnt_here)
                def _():
                    pltpu.async_copy(ones_v, cnt_sh.at[dstb_v.at[pbase + b]],
                                     csem, add=True)
        for b in range(NBUF):
            scat[b].wait()
        if with_counts:
            @pl.when(cnt_here)
            def _():
                pltpu.make_async_copy(src_hbm.at[s, 0],
                                      srcb_v.at[pl.ds(0, NBUF)], csem).wait()

        @pl.when(g + 1 < NGRP)
        def _():
            pltpu.make_async_copy(src_hbm.at[s, 0],
                                  srcb_v.at[pl.ds(qbase, NBUF)],
                                  isem.at[1 - par]).wait()
            pltpu.make_async_copy(dst_hbm.at[s, 0],
                                  dstb_v.at[pl.ds(qbase, NBUF)],
                                  isem.at[1 - par]).wait()
            for b in range(NBUF):
                pltpu.async_copy(feat_sh.at[srcb_v.at[qbase + b]],
                                 rows_v.at[b], gsem.at[b])

        @pl.when(g + 2 < NGRP)
        def _():
            pltpu.async_copy(src_hbm.at[s, g + 2],
                             srcb_v.at[pl.ds(pbase, NBUF)], isem.at[par])
            pltpu.async_copy(dst_hbm.at[s, g + 2],
                             dstb_v.at[pl.ds(pbase, NBUF)], isem.at[par])

    def super_group(g2, carry):
        half(g2, 0)
        half(g2, 1)
        return carry

    lax.fori_loop(0, NGRP // 2, super_group, 0)
    plsc.subcore_barrier()

    pltpu.sync_copy(acc_sh.at[pl.ds(row0, ROWS_PER_TILE)],
                    acc_out.at[c, pl.ds(row0, ROWS_PER_TILE)])
    if with_counts:
        pltpu.sync_copy(cnt_sh.at[pl.ds(row0, ROWS_PER_TILE)],
                        cnt_out.at[c, pl.ds(row0, ROWS_PER_TILE)])


def _aggregate(src, dst, feat, zero2, zero1, one, with_counts):
    mesh = plsc.VectorSubcoreMesh(core_axis_name="c", subcore_axis_name="s")
    f = pl.kernel(
        functools.partial(_agg_body, with_counts=with_counts),
        out_type=[
            jax.ShapeDtypeStruct((NC, N_PAD, DH), jnp.float32),
            jax.ShapeDtypeStruct((NC, N_PAD), jnp.float32),
        ],
        mesh=mesh,
        scratch_types=[
            pltpu.VMEM((2 * NBUF, CH), jnp.int32),
            pltpu.VMEM((2 * NBUF, CH), jnp.int32),
            pltpu.VMEM((CH,), jnp.float32),
            pltpu.VMEM((NBUF, CH, DH), jnp.float32),
            pltpu.VMEM_SHARED((N_PAD, DH), jnp.float32),
            pltpu.VMEM_SHARED((N_PAD, DH), jnp.float32),
            pltpu.VMEM_SHARED((N_PAD,), jnp.float32),
            pltpu.SemaphoreType.DMA((NBUF,)),
            pltpu.SemaphoreType.DMA((NBUF,)),
            pltpu.SemaphoreType.DMA,
            pltpu.SemaphoreType.DMA((2,)),
        ],
        compiler_params=pltpu.CompilerParams(use_tc_tiling_on_sc=False),
    )
    return f(src, dst, feat, zero2, zero1, one)


def _dense1_body(a_ref, cnt_ref, x_ref, wl_ref, wr_ref, b_ref, o_ref):
    cnt = jnp.maximum(cnt_ref[...], 1.0)
    mean = jnp.concatenate([a_ref[0], a_ref[1]], axis=1) / cnt
    x = jnp.concatenate([x_ref[0], x_ref[1]], axis=1)
    out = (jnp.dot(mean, wl_ref[...], preferred_element_type=jnp.float32)
           + b_ref[...]
           + jnp.dot(x, wr_ref[...], preferred_element_type=jnp.float32))
    out = jnp.maximum(out, 0.0)
    o_ref[0] = out[:, :DH]
    o_ref[1] = out[:, DH:]


def _dense2_body(a0_ref, a1_ref, cnt_ref, x0_ref, x1_ref, wl_ref, wr_ref,
                 b_ref, o_ref):
    cnt = jnp.maximum(cnt_ref[...], 1.0)
    mean = jnp.concatenate([a0_ref[0], a1_ref[0]], axis=1) / cnt
    x = jnp.concatenate([x0_ref[0], x1_ref[0]], axis=1)
    out = (jnp.dot(mean, wl_ref[...], preferred_element_type=jnp.float32)
           + b_ref[...]
           + jnp.dot(x, wr_ref[...], preferred_element_type=jnp.float32))
    out = jnp.where(jnp.isnan(out), jnp.float32(0.0), out)
    out = jnp.where(out == jnp.inf, jnp.float32(10000.0), out)
    out = jnp.where(out == -jnp.inf, jnp.float32(-10000.0), out)
    o_ref[...] = out


_BLK1 = 1280
_BLK2 = 1000


def _dense1(acc, cnt, xs, wl_t, wr_t, b):
    return pl.pallas_call(
        _dense1_body,
        grid=(N_PAD // _BLK1,),
        in_specs=[
            pl.BlockSpec((NC, _BLK1, DH), lambda i: (0, i, 0)),
            pl.BlockSpec((_BLK1, 1), lambda i: (i, 0)),
            pl.BlockSpec((NC, _BLK1, DH), lambda i: (0, i, 0)),
            pl.BlockSpec((D, D), lambda i: (0, 0)),
            pl.BlockSpec((D, D), lambda i: (0, 0)),
            pl.BlockSpec((1, D), lambda i: (0, 0)),
        ],
        out_specs=pl.BlockSpec((NC, _BLK1, DH), lambda i: (0, i, 0)),
        out_shape=jax.ShapeDtypeStruct((NC, N_PAD, DH), jnp.float32),
    )(acc, cnt, xs, wl_t, wr_t, b)


def _dense2(acc, cnt, xs, wl_t, wr_t, b):
    return pl.pallas_call(
        _dense2_body,
        grid=(N_NODES // _BLK2,),
        in_specs=[
            pl.BlockSpec((1, _BLK2, DH), lambda i: (0, i, 0)),
            pl.BlockSpec((1, _BLK2, DH), lambda i: (1, i, 0)),
            pl.BlockSpec((_BLK2, 1), lambda i: (i, 0)),
            pl.BlockSpec((1, _BLK2, DH), lambda i: (0, i, 0)),
            pl.BlockSpec((1, _BLK2, DH), lambda i: (1, i, 0)),
            pl.BlockSpec((D, D), lambda i: (0, 0)),
            pl.BlockSpec((D, D), lambda i: (0, 0)),
            pl.BlockSpec((1, D), lambda i: (0, 0)),
        ],
        out_specs=pl.BlockSpec((_BLK2, D), lambda i: (i, 0)),
        out_shape=jax.ShapeDtypeStruct((N_NODES, D), jnp.float32),
    )(acc, acc, cnt, xs, xs, wl_t, wr_t, b)


def _split_cols_pad(x):
    xp = jnp.zeros((NC, N_PAD, DH), jnp.float32)
    return xp.at[:, :x.shape[0]].set(jnp.stack([x[:, :DH], x[:, DH:]]))


def kernel(x, edge_index, W1_l, b1_l, W1_r, W2_l, b2_l, W2_r):
    src = edge_index[0].astype(jnp.int32)
    dst = edge_index[1].astype(jnp.int32)
    pad = E_PAD - N_EDGES
    src = jnp.concatenate([src, jnp.zeros((pad,), jnp.int32)])
    dst = jnp.concatenate([dst, jnp.full((pad,), DUMMY_DST, jnp.int32)])
    src = src.reshape(NS, NGRP, NBUF, CH)
    dst = dst.reshape(NS, NGRP, NBUF, CH)

    zero2 = jnp.zeros((N_PAD, DH), jnp.float32)
    zero1 = jnp.zeros((N_PAD,), jnp.float32)
    one = jnp.ones((CH,), jnp.float32)

    xs = _split_cols_pad(x)

    acc, cnt = _aggregate(src, dst, xs, zero2, zero1, one, with_counts=True)
    cnt2 = jnp.maximum(cnt[0] + cnt[1], 1.0)[:, None]

    hs = _dense1(acc, cnt2, xs, W1_l.T, W1_r.T, b1_l[None, :])

    acc2, _ = _aggregate(src, dst, hs, zero2, zero1, one, with_counts=False)
    out = _dense2(acc2, cnt2, hs, W2_l.T, W2_r.T, b2_l[None, :])
    return out

# --- scband reference (transcript-rebuilt; emitter-appended) ---
"""Pipeline reference for scband-graph-sage-2379411882475 (READ-ONLY COPY).

The authoritative reference and input builder live on the scoring server;
editing this copy changes nothing except your own understanding.
"""

import jax, jax.numpy as jnp
import numpy as np

N_NODES = 10000
N_EDGES = 320000
D_IN = 128
D_HID = 128
D_OUT = 128


def setup_inputs(seed: int = 0) -> dict:
    key = jax.random.key(seed)
    ks = jax.random.split(key, 8)
    x = jax.random.normal(ks[0], (N_NODES, D_IN), dtype=jnp.float32)
    edge_index = jax.random.randint(ks[1], (2, N_EDGES), 0, N_NODES, dtype=jnp.int64)
    s1 = 1.0 / np.sqrt(D_IN)
    s2 = 1.0 / np.sqrt(D_HID)
    # SAGEConv layer 1: lin_l (neighbor aggr, with bias), lin_r (root, no bias)
    W1_l = jax.random.uniform(ks[2], (D_HID, D_IN), jnp.float32, -s1, s1)
    b1_l = jax.random.uniform(ks[3], (D_HID,), jnp.float32, -s1, s1)
    W1_r = jax.random.uniform(ks[4], (D_HID, D_IN), jnp.float32, -s1, s1)
    # SAGEConv layer 2
    W2_l = jax.random.uniform(ks[5], (D_OUT, D_HID), jnp.float32, -s2, s2)
    b2_l = jax.random.uniform(ks[6], (D_OUT,), jnp.float32, -s2, s2)
    W2_r = jax.random.uniform(ks[7], (D_OUT, D_HID), jnp.float32, -s2, s2)
    return {"x": x, "edge_index": edge_index, "W1_l": W1_l, "b1_l": b1_l, "W1_r": W1_r, "W2_l": W2_l, "b2_l": b2_l, "W2_r": W2_r}


def _sage_conv(x, edge_index, W_l, b_l, W_r):
    src = edge_index[0]
    dst = edge_index[1]
    n = x.shape[0]
    msgs = jnp.take(x, src, axis=0)
    summed = jax.ops.segment_sum(msgs, dst, num_segments=n)
    counts = jax.ops.segment_sum(jnp.ones((edge_index.shape[1],), dtype=x.dtype), dst, num_segments=n)
    mean = summed / jnp.clip(counts, 1.0)[:, None]
    return mean @ W_l.T + b_l + x @ W_r.T


def reference(x, edge_index, W1_l, b1_l, W1_r, W2_l, b2_l, W2_r):
    h = _sage_conv(x, edge_index, W1_l, b1_l, W1_r)
    h = jax.nn.relu(h)
    # dropout: identity in eval mode
    out = _sage_conv(h, edge_index, W2_l, b2_l, W2_r)
    out = jnp.nan_to_num(out, nan=0.0, posinf=10000.0, neginf=-10000.0)
    return out

if __name__ == "__main__":
    import jax
    _d = setup_inputs()
    print(jax.jit(kernel)(*tuple(_d.values())))

</pallas_src>

<mosaic_0001>
#map = affine_map<(d0, d1) -> (0, 0, 0, 0)>
#map1 = affine_map<(d0, d1) -> (0, 0, 0)>
#map2 = affine_map<(d0, d1) -> (0, 0)>
#map3 = affine_map<(d0, d1) -> (0)>
module attributes {stable_mosaic.version = 14 : i64} {
  func.func @_agg_body(%arg0: i32, %arg1: i32, %arg2: memref<16x32x5x128xi32, #tpu.memory_space<hbm>>, %arg3: memref<16x32x5x128xi32, #tpu.memory_space<hbm>>, %arg4: memref<2x10240x64xf32, #tpu.memory_space<hbm>>, %arg5: memref<10240x64xf32, #tpu.memory_space<hbm>>, %arg6: memref<10240xf32, #tpu.memory_space<hbm>>, %arg7: memref<128xf32, #tpu.memory_space<hbm>>, %arg8: memref<2x10240x64xf32, #tpu.memory_space<hbm>>, %arg9: memref<2x10240xf32, #tpu.memory_space<hbm>>, %arg10: memref<10x128xi32, #tpu.memory_space<vmem>>, %arg11: memref<10x128xi32, #tpu.memory_space<vmem>>, %arg12: memref<128xf32, #tpu.memory_space<vmem>>, %arg13: memref<5x128x64xf32, #tpu.memory_space<vmem>>, %arg14: memref<10240x64xf32, #tpu.memory_space<vmem_shared>>, %arg15: memref<10240x64xf32, #tpu.memory_space<vmem_shared>>, %arg16: memref<10240xf32, #tpu.memory_space<vmem_shared>>, %arg17: memref<5x!tpu.dma_semaphore, #tpu.memory_space<semaphore_mem>>, %arg18: memref<5x!tpu.dma_semaphore, #tpu.memory_space<semaphore_mem>>, %arg19: memref<!tpu.dma_semaphore, #tpu.memory_space<semaphore_mem>>, %arg20: memref<2x!tpu.dma_semaphore, #tpu.memory_space<semaphore_mem>>) attributes {dimension_semantics = [#tpu.dimension_semantics<core_parallel>, #tpu.dimension_semantics<subcore_parallel>], iteration_bounds = array<i64: 2, 16>, scalar_prefetch = 0 : i64, scratch_operands = 11 : i64, tpu.core_type = #tpu.core_type<sc_vector_subcore>, window_params = [{transform_indices = #map}, {transform_indices = #map}, {transform_indices = #map1}, {transform_indices = #map2}, {transform_indices = #map3}, {transform_indices = #map3}, {transform_indices = #map1}, {transform_indices = #map2}]} {
    %mul3A = arith.constant 640 : i32
    %mul3A_0 = arith.muli %arg1, %mul3A : i32
    "tpu.region"() ({
      %run_scoped3A_118 = tpu.sem_alloc : memref<!tpu.dma_semaphore, #tpu.memory_space<semaphore_mem>>
      %dma_start3A_119 = arith.constant 0 : i32
      %dma_start3A_120 = tpu.memref_slice %arg14[%mul3A_0, %dma_start3A_119] : memref<10240x64xf32, #tpu.memory_space<vmem_shared>> -> memref<640x64xf32, #tpu.memory_space<vmem_shared>>
      %dma_start3A_121 = arith.constant 0 : i32
      %dma_start3A_122 = tpu.memref_slice %arg4[%arg0, %mul3A_0, %dma_start3A_121] : memref<2x10240x64xf32, #tpu.memory_space<hbm>> -> memref<1x640x64xf32, #tpu.memory_space<hbm>>
      %dma_start3A_123 = tpu.memref_squeeze %dma_start3A_122 : memref<1x640x64xf32, #tpu.memory_space<hbm>> -> memref<640x64xf32, #tpu.memory_space<hbm>>
      tpu.enqueue_dma source(%dma_start3A_123 : memref<640x64xf32, #tpu.memory_space<hbm>>) target(%dma_start3A_120 : memref<640x64xf32, #tpu.memory_space<vmem_shared>>) target_semaphore(%run_scoped3A_118 : memref<!tpu.dma_semaphore, #tpu.memory_space<semaphore_mem>>)
      %dma_wait3A = arith.constant 0 : i32
      %dma_wait3A_124 = tpu.memref_slice %arg14[%mul3A_0, %dma_wait3A] : memref<10240x64xf32, #tpu.memory_space<vmem_shared>> -> memref<640x64xf32, #tpu.memory_space<vmem_shared>>
      %dma_wait3A_125 = arith.constant 0 : i32
      %dma_wait3A_126 = tpu.memref_slice %arg4[%arg0, %mul3A_0, %dma_wait3A_125] : memref<2x10240x64xf32, #tpu.memory_space<hbm>> -> memref<1x640x64xf32, #tpu.memory_space<hbm>>
      %dma_wait3A_127 = tpu.memref_squeeze %dma_wait3A_126 : memref<1x640x64xf32, #tpu.memory_space<hbm>> -> memref<640x64xf32, #tpu.memory_space<hbm>>
      tpu.wait_dma2 semaphore(%run_scoped3A_118 : memref<!tpu.dma_semaphore, #tpu.memory_space<semaphore_mem>>) src(%dma_wait3A_127 : memref<640x64xf32, #tpu.memory_space<hbm>>) dst(%dma_wait3A_124 : memref<640x64xf32, #tpu.memory_space<vmem_shared>>)
      tpu.yield
    }) : () -> ()
    "tpu.region"() ({
      %run_scoped3A_118 = tpu.sem_alloc : memref<!tpu.dma_semaphore, #tpu.memory_space<semaphore_mem>>
      %dma_start3A_119 = arith.constant 0 : i32
      %dma_start3A_120 = tpu.memref_slice %arg15[%mul3A_0, %dma_start3A_119] : memref<10240x64xf32, #tpu.memory_space<vmem_shared>> -> memref<640x64xf32, #tpu.memory_space<vmem_shared>>
      %dma_start3A_121 = arith.constant 0 : i32
      %dma_start3A_122 = tpu.memref_slice %arg5[%mul3A_0, %dma_start3A_121] : memref<10240x64xf32, #tpu.memory_space<hbm>> -> memref<640x64xf32, #tpu.memory_space<hbm>>
      tpu.enqueue_dma source(%dma_start3A_122 : memref<640x64xf32, #tpu.memory_space<hbm>>) target(%dma_start3A_120 : memref<640x64xf32, #tpu.memory_space<vmem_shared>>) target_semaphore(%run_scoped3A_118 : memref<!tpu.dma_semaphore, #tpu.memory_space<semaphore_mem>>)
      %dma_wait3A = arith.constant 0 : i32
      %dma_wait3A_123 = tpu.memref_slice %arg15[%mul3A_0, %dma_wait3A] : memref<10240x64xf32, #tpu.memory_space<vmem_shared>> -> memref<640x64xf32, #tpu.memory_space<vmem_shared>>
      %dma_wait3A_124 = arith.constant 0 : i32
      %dma_wait3A_125 = tpu.memref_slice %arg5[%mul3A_0, %dma_wait3A_124] : memref<10240x64xf32, #tpu.memory_space<hbm>> -> memref<640x64xf32, #tpu.memory_space<hbm>>
      tpu.wait_dma2 semaphore(%run_scoped3A_118 : memref<!tpu.dma_semaphore, #tpu.memory_space<semaphore_mem>>) src(%dma_wait3A_125 : memref<640x64xf32, #tpu.memory_space<hbm>>) dst(%dma_wait3A_123 : memref<640x64xf32, #tpu.memory_space<vmem_shared>>)
      tpu.yield
    }) : () -> ()
    "tpu.region"() ({
      %run_scoped3A_118 = tpu.sem_alloc : memref<!tpu.dma_semaphore, #tpu.memory_space<semaphore_mem>>
      %dma_start3A_119 = tpu.memref_slice %arg16[%mul3A_0] : memref<10240xf32, #tpu.memory_space<vmem_shared>> -> memref<640xf32, #tpu.memory_space<vmem_shared>>
      %dma_start3A_120 = tpu.memref_slice %arg6[%mul3A_0] : memref<10240xf32, #tpu.memory_space<hbm>> -> memref<640xf32, #tpu.memory_space<hbm>>
      tpu.enqueue_dma source(%dma_start3A_120 : memref<640xf32, #tpu.memory_space<hbm>>) target(%dma_start3A_119 : memref<640xf32, #tpu.memory_space<vmem_shared>>) target_semaphore(%run_scoped3A_118 : memref<!tpu.dma_semaphore, #tpu.memory_space<semaphore_mem>>)
      %dma_wait3A = tpu.memref_slice %arg16[%mul3A_0] : memref<10240xf32, #tpu.memory_space<vmem_shared>> -> memref<640xf32, #tpu.memory_space<vmem_shared>>
      %dma_wait3A_121 = tpu.memref_slice %arg6[%mul3A_0] : memref<10240xf32, #tpu.memory_space<hbm>> -> memref<640xf32, #tpu.memory_space<hbm>>
      tpu.wait_dma2 semaphore(%run_scoped3A_118 : memref<!tpu.dma_semaphore, #tpu.memory_space<semaphore_mem>>) src(%dma_wait3A_121 : memref<640xf32, #tpu.memory_space<hbm>>) dst(%dma_wait3A : memref<640xf32, #tpu.memory_space<vmem_shared>>)
      tpu.yield
    }) : () -> ()
    "tpu.region"() ({
      %run_scoped3A_118 = tpu.sem_alloc : memref<!tpu.dma_semaphore, #tpu.memory_space<semaphore_mem>>
      tpu.enqueue_dma source(%arg7 : memref<128xf32, #tpu.memory_space<hbm>>) target(%arg12 : memref<128xf32, #tpu.memory_space<vmem>>) target_semaphore(%run_scoped3A_118 : memref<!tpu.dma_semaphore, #tpu.memory_space<semaphore_mem>>)
      tpu.wait_dma2 semaphore(%run_scoped3A_118 : memref<!tpu.dma_semaphore, #tpu.memory_space<semaphore_mem>>) src(%arg7 : memref<128xf32, #tpu.memory_space<hbm>>) dst(%arg12 : memref<128xf32, #tpu.memory_space<vmem>>)
      tpu.yield
    }) : () -> ()
    %run_scoped3A = arith.constant 0 : i32
    "tpu.region"() ({
      %run_scoped3A_118 = tpu.sem_alloc : memref<!tpu.dma_semaphore, #tpu.memory_space<semaphore_mem>>
      %dma_start3A_119 = arith.constant 0 : i32
      %dma_start3A_120 = arith.constant 0 : i32
      %dma_start3A_121 = tpu.memref_slice %arg10[%dma_start3A_119, %dma_start3A_120] : memref<10x128xi32, #tpu.memory_space<vmem>> -> memref<5x128xi32, #tpu.memory_space<vmem>>
      %dma_start3A_122 = arith.constant 0 : i32
      %dma_start3A_123 = arith.constant 0 : i32
      %dma_start3A_124 = tpu.memref_slice %arg2[%arg1, %run_scoped3A, %dma_start3A_122, %dma_start3A_123] : memref<16x32x5x128xi32, #tpu.memory_space<hbm>> -> memref<1x1x5x128xi32, #tpu.memory_space<hbm>>
      %dma_start3A_125 = tpu.memref_squeeze %dma_start3A_124 : memref<1x1x5x128xi32, #tpu.memory_space<hbm>> -> memref<5x128xi32, #tpu.memory_space<hbm>>
      %dma_start3A_126 = arith.constant 0 : i32
      %dma_start3A_127 = arith.constant 0 : i32
      %dma_start3A_128 = tpu.memref_slice %arg10[%dma_start3A_126, %dma_start3A_127] : memref<10x128xi32, #tpu.memory_space<vmem>> -> memref<5x128xi32, #tpu.memory_space<vmem>>
      %dma_start3A_129 = arith.constant 0 : i32
      %dma_start3A_130 = arith.constant 0 : i32
      %dma_start3A_131 = tpu.memref_slice %arg2[%arg1, %run_scoped3A, %dma_start3A_129, %dma_start3A_130] : memref<16x32x5x128xi32, #tpu.memory_space<hbm>> -> memref<1x1x5x128xi32, #tpu.memory_space<hbm>>
      %dma_start3A_132 = tpu.memref_squeeze %dma_start3A_131 : memref<1x1x5x128xi32, #tpu.memory_space<hbm>> -> memref<5x128xi32, #tpu.memory_space<hbm>>
      tpu.enqueue_dma source(%dma_start3A_132 : memref<5x128xi32, #tpu.memory_space<hbm>>) target(%dma_start3A_128 : memref<5x128xi32, #tpu.memory_space<vmem>>) target_semaphore(%run_scoped3A_118 : memref<!tpu.dma_semaphore, #tpu.memory_space<semaphore_mem>>)
      %dma_wait3A = arith.constant 0 : i32
      %dma_wait3A_133 = arith.constant 0 : i32
      %dma_wait3A_134 = tpu.memref_slice %arg10[%dma_wait3A, %dma_wait3A_133] : memref<10x128xi32, #tpu.memory_space<vmem>> -> memref<5x128xi32, #tpu.memory_space<vmem>>
      %dma_wait3A_135 = arith.constant 0 : i32
      %dma_wait3A_136 = arith.constant 0 : i32
      %dma_wait3A_137 = tpu.memref_slice %arg2[%arg1, %run_scoped3A, %dma_wait3A_135, %dma_wait3A_136] : memref<16x32x5x128xi32, #tpu.memory_space<hbm>> -> memref<1x1x5x128xi32, #tpu.memory_space<hbm>>
      %dma_wait3A_138 = tpu.memref_squeeze %dma_wait3A_137 : memref<1x1x5x128xi32, #tpu.memory_space<hbm>> -> memref<5x128xi32, #tpu.memory_space<hbm>>
      %dma_wait3A_139 = arith.constant 0 : i32
      %dma_wait3A_140 = arith.constant 0 : i32
      %dma_wait3A_141 = tpu.memref_slice %arg10[%dma_wait3A_139, %dma_wait3A_140] : memref<10x128xi32, #tpu.memory_space<vmem>> -> memref<5x128xi32, #tpu.memory_space<vmem>>
      %dma_wait3A_142 = arith.constant 0 : i32
      %dma_wait3A_143 = arith.constant 0 : i32
      %dma_wait3A_144 = tpu.memref_slice %arg2[%arg1, %run_scoped3A, %dma_wait3A_142, %dma_wait3A_143] : memref<16x32x5x128xi32, #tpu.memory_space<hbm>> -> memref<1x1x5x128xi32, #tpu.memory_space<hbm>>
      %dma_wait3A_145 = tpu.memref_squeeze %dma_wait3A_144 : memref<1x1x5x128xi32, #tpu.memory_space<hbm>> -> memref<5x128xi32, #tpu.memory_space<hbm>>
      tpu.wait_dma2 semaphore(%run_scoped3A_118 : memref<!tpu.dma_semaphore, #tpu.memory_space<semaphore_mem>>) src(%dma_wait3A_145 : memref<5x128xi32, #tpu.memory_space<hbm>>) dst(%dma_wait3A_141 : memref<5x128xi32, #tpu.memory_space<vmem>>)
      tpu.yield
    }) : () -> ()
    %run_scoped3A_1 = arith.constant 0 : i32
    "tpu.region"() ({
      %run_scoped3A_118 = tpu.sem_alloc : memref<!tpu.dma_semaphore, #tpu.memory_space<semaphore_mem>>
      %dma_start3A_119 = arith.constant 0 : i32
      %dma_start3A_120 = arith.constant 0 : i32
      %dma_start3A_121 = tpu.memref_slice %arg11[%dma_start3A_119, %dma_start3A_120] : memref<10x128xi32, #tpu.memory_space<vmem>> -> memref<5x128xi32, #tpu.memory_space<vmem>>
      %dma_start3A_122 = arith.constant 0 : i32
      %dma_start3A_123 = arith.constant 0 : i32
      %dma_start3A_124 = tpu.memref_slice %arg3[%arg1, %run_scoped3A_1, %dma_start3A_122, %dma_start3A_123] : memref<16x32x5x128xi32, #tpu.memory_space<hbm>> -> memref<1x1x5x128xi32, #tpu.memory_space<hbm>>
      %dma_start3A_125 = tpu.memref_squeeze %dma_start3A_124 : memref<1x1x5x128xi32, #tpu.memory_space<hbm>> -> memref<5x128xi32, #tpu.memory_space<hbm>>
      %dma_start3A_126 = arith.constant 0 : i32
      %dma_start3A_127 = arith.constant 0 : i32
      %dma_start3A_128 = tpu.memref_slice %arg11[%dma_start3A_126, %dma_start3A_127] : memref<10x128xi32, #tpu.memory_space<vmem>> -> memref<5x128xi32, #tpu.memory_space<vmem>>
      %dma_start3A_129 = arith.constant 0 : i32
      %dma_start3A_130 = arith.constant 0 : i32
      %dma_start3A_131 = tpu.memref_slice %arg3[%arg1, %run_scoped3A_1, %dma_start3A_129, %dma_start3A_130] : memref<16x32x5x128xi32, #tpu.memory_space<hbm>> -> memref<1x1x5x128xi32, #tpu.memory_space<hbm>>
      %dma_start3A_132 = tpu.memref_squeeze %dma_start3A_131 : memref<1x1x5x128xi32, #tpu.memory_space<hbm>> -> memref<5x128xi32, #tpu.memory_space<hbm>>
      tpu.enqueue_dma source(%dma_start3A_132 : memref<5x128xi32, #tpu.memory_space<hbm>>) target(%dma_start3A_128 : memref<5x128xi32, #tpu.memory_space<vmem>>) target_semaphore(%run_scoped3A_118 : memref<!tpu.dma_semaphore, #tpu.memory_space<semaphore_mem>>)
      %dma_wait3A = arith.constant 0 : i32
      %dma_wait3A_133 = arith.constant 0 : i32
      %dma_wait3A_134 = tpu.memref_slice %arg11[%dma_wait3A, %dma_wait3A_133] : memref<10x128xi32, #tpu.memory_space<vmem>> -> memref<5x128xi32, #tpu.memory_space<vmem>>
      %dma_wait3A_135 = arith.constant 0 : i32
      %dma_wait3A_136 = arith.constant 0 : i32
      %dma_wait3A_137 = tpu.memref_slice %arg3[%arg1, %run_scoped3A_1, %dma_wait3A_135, %dma_wait3A_136] : memref<16x32x5x128xi32, #tpu.memory_space<hbm>> -> memref<1x1x5x128xi32, #tpu.memory_space<hbm>>
      %dma_wait3A_138 = tpu.memref_squeeze %dma_wait3A_137 : memref<1x1x5x128xi32, #tpu.memory_space<hbm>> -> memref<5x128xi32, #tpu.memory_space<hbm>>
      %dma_wait3A_139 = arith.constant 0 : i32
      %dma_wait3A_140 = arith.constant 0 : i32
      %dma_wait3A_141 = tpu.memref_slice %arg11[%dma_wait3A_139, %dma_wait3A_140] : memref<10x128xi32, #tpu.memory_space<vmem>> -> memref<5x128xi32, #tpu.memory_space<vmem>>
      %dma_wait3A_142 = arith.constant 0 : i32
      %dma_wait3A_143 = arith.constant 0 : i32
      %dma_wait3A_144 = tpu.memref_slice %arg3[%arg1, %run_scoped3A_1, %dma_wait3A_142, %dma_wait3A_143] : memref<16x32x5x128xi32, #tpu.memory_space<hbm>> -> memref<1x1x5x128xi32, #tpu.memory_space<hbm>>
      %dma_wait3A_145 = tpu.memref_squeeze %dma_wait3A_144 : memref<1x1x5x128xi32, #tpu.memory_space<hbm>> -> memref<5x128xi32, #tpu.memory_space<hbm>>
      tpu.wait_dma2 semaphore(%run_scoped3A_118 : memref<!tpu.dma_semaphore, #tpu.memory_space<semaphore_mem>>) src(%dma_wait3A_145 : memref<5x128xi32, #tpu.memory_space<hbm>>) dst(%dma_wait3A_141 : memref<5x128xi32, #tpu.memory_space<vmem>>)
      tpu.yield
    }) : () -> ()
    %dma_start3A = arith.constant 1 : i32
    %dma_start3A_2 = arith.constant 1 : i32
    %dma_start3A_3 = arith.constant 5 : i32
    %dma_start3A_4 = arith.constant 0 : i32
    %dma_start3A_5 = tpu.memref_slice %arg10[%dma_start3A_3, %dma_start3A_4] : memref<10x128xi32, #tpu.memory_space<vmem>> -> memref<5x128xi32, #tpu.memory_space<vmem>>
    %dma_start3A_6 = arith.constant 0 : i32
    %dma_start3A_7 = arith.constant 0 : i32
    %dma_start3A_8 = tpu.memref_slice %arg2[%arg1, %dma_start3A, %dma_start3A_6, %dma_start3A_7] : memref<16x32x5x128xi32, #tpu.memory_space<hbm>> -> memref<1x1x5x128xi32, #tpu.memory_space<hbm>>
    %dma_start3A_9 = tpu.memref_squeeze %dma_start3A_8 : memref<1x1x5x128xi32, #tpu.memory_space<hbm>> -> memref<5x128xi32, #tpu.memory_space<hbm>>
    %dma_start3A_10 = tpu.memref_slice %arg20[%dma_start3A_2] : memref<2x!tpu.dma_semaphore, #tpu.memory_space<semaphore_mem>> -> memref<1x!tpu.dma_semaphore, #tpu.memory_space<semaphore_mem>>
    %dma_start3A_11 = tpu.memref_squeeze %dma_start3A_10 : memref<1x!tpu.dma_semaphore, #tpu.memory_space<semaphore_mem>> -> memref<!tpu.dma_semaphore, #tpu.memory_space<semaphore_mem>>
    %dma_start3A_12 = arith.constant 5 : i32
    %dma_start3A_13 = arith.constant 0 : i32
    %dma_start3A_14 = tpu.memref_slice %arg10[%dma_start3A_12, %dma_start3A_13] : memref<10x128xi32, #tpu.memory_space<vmem>> -> memref<5x128xi32, #tpu.memory_space<vmem>>
    %dma_start3A_15 = arith.constant 0 : i32
    %dma_start3A_16 = arith.constant 0 : i32
    %dma_start3A_17 = tpu.memref_slice %arg2[%arg1, %dma_start3A, %dma_start3A_15, %dma_start3A_16] : memref<16x32x5x128xi32, #tpu.memory_space<hbm>> -> memref<1x1x5x128xi32, #tpu.memory_space<hbm>>
    %dma_start3A_18 = tpu.memref_squeeze %dma_start3A_17 : memref<1x1x5x128xi32, #tpu.memory_space<hbm>> -> memref<5x128xi32, #tpu.memory_space<hbm>>
    tpu.enqueue_dma source(%dma_start3A_18 : memref<5x128xi32, #tpu.memory_space<hbm>>) target(%dma_start3A_14 : memref<5x128xi32, #tpu.memory_space<vmem>>) target_semaphore(%dma_start3A_11 : memref<!tpu.dma_semaphore, #tpu.memory_space<semaphore_mem>>)
    %dma_start3A_19 = arith.constant 1 : i32
    %dma_start3A_20 = arith.constant 1 : i32
    %dma_start3A_21 = arith.constant 5 : i32
    %dma_start3A_22 = arith.constant 0 : i32
    %dma_start3A_23 = tpu.memref_slice %arg11[%dma_start3A_21, %dma_start3A_22] : memref<10x128xi32, #tpu.memory_space<vmem>> -> memref<5x128xi32, #tpu.memory_space<vmem>>
    %dma_start3A_24 = arith.constant 0 : i32
    %dma_start3A_25 = arith.constant 0 : i32
    %dma_start3A_26 = tpu.memref_slice %arg3[%arg1, %dma_start3A_19, %dma_start3A_24, %dma_start3A_25] : memref<16x32x5x128xi32, #tpu.memory_space<hbm>> -> memref<1x1x5x128xi32, #tpu.memory_space<hbm>>
    %dma_start3A_27 = tpu.memref_squeeze %dma_start3A_26 : memref<1x1x5x128xi32, #tpu.memory_space<hbm>> -> memref<5x128xi32, #tpu.memory_space<hbm>>
    %dma_start3A_28 = tpu.memref_slice %arg20[%dma_start3A_20] : memref<2x!tpu.dma_semaphore, #tpu.memory_space<semaphore_mem>> -> memref<1x!tpu.dma_semaphore, #tpu.memory_space<semaphore_mem>>
    %dma_start3A_29 = tpu.memref_squeeze %dma_start3A_28 : memref<1x!tpu.dma_semaphore, #tpu.memory_space<semaphore_mem>> -> memref<!tpu.dma_semaphore, #tpu.memory_space<semaphore_mem>>
    %dma_start3A_30 = arith.constant 5 : i32
    %dma_start3A_31 = arith.constant 0 : i32
    %dma_start3A_32 = tpu.memref_slice %arg11[%dma_start3A_30, %dma_start3A_31] : memref<10x128xi32, #tpu.memory_space<vmem>> -> memref<5x128xi32, #tpu.memory_space<vmem>>
    %dma_start3A_33 = arith.constant 0 : i32
    %dma_start3A_34 = arith.constant 0 : i32
    %dma_start3A_35 = tpu.memref_slice %arg3[%arg1, %dma_start3A_19, %dma_start3A_33, %dma_start3A_34] : memref<16x32x5x128xi32, #tpu.memory_space<hbm>> -> memref<1x1x5x128xi32, #tpu.memory_space<hbm>>
    %dma_start3A_36 = tpu.memref_squeeze %dma_start3A_35 : memref<1x1x5x128xi32, #tpu.memory_space<hbm>> -> memref<5x128xi32, #tpu.memory_space<hbm>>
    tpu.enqueue_dma source(%dma_start3A_36 : memref<5x128xi32, #tpu.memory_space<hbm>>) target(%dma_start3A_32 : memref<5x128xi32, #tpu.memory_space<vmem>>) target_semaphore(%dma_start3A_29 : memref<!tpu.dma_semaphore, #tpu.memory_space<semaphore_mem>>)
    %barrier3A = arith.constant 0 : index
    tpu.barrier barrier_id(%barrier3A)
    %dma_start3A_37 = arith.constant 0 : i32
    %dma_start3A_38 = arith.constant 0 : i32
    %dma_start3A_39 = arith.constant 0 : i32
    %dma_start3A_40 = arith.constant 0 : i32
    %dma_start3A_41 = arith.constant 0 : i32
    %dma_start3A_42 = tpu.memref_slice %arg13[%dma_start3A_38, %dma_start3A_40, %dma_start3A_41] : memref<5x128x64xf32, #tpu.memory_space<vmem>> -> memref<1x128x64xf32, #tpu.memory_space<vmem>>
    %dma_start3A_43 = tpu.memref_squeeze %dma_start3A_42 : memref<1x128x64xf32, #tpu.memory_space<vmem>> -> memref<128x64xf32, #tpu.memory_space<vmem>>
    %dma_start3A_44 = arith.constant 0 : i32
    %dma_start3A_45 = tpu.memref_slice %arg10[%dma_start3A_37, %dma_start3A_44] : memref<10x128xi32, #tpu.memory_space<vmem>> -> memref<1x128xi32, #tpu.memory_space<vmem>>
    %dma_start3A_46 = tpu.memref_squeeze %dma_start3A_45 : memref<1x128xi32, #tpu.memory_space<vmem>> -> memref<128xi32, #tpu.memory_space<vmem>>
    %dma_start3A_47 = arith.constant 0 : i32
    %dma_start3A_48 = arith.constant 0 : i32
    %dma_start3A_49 = tpu.memref_slice %arg14[%dma_start3A_47, %dma_start3A_48] : memref<10240x64xf32, #tpu.memory_space<vmem_shared>> -> memref<10240x64xf32, #tpu.memory_space<vmem_shared>>
    %dma_start3A_50 = tpu.memref_slice %arg17[%dma_start3A_39] : memref<5x!tpu.dma_semaphore, #tpu.memory_space<semaphore_mem>> -> memref<1x!tpu.dma_semaphore, #tpu.memory_space<semaphore_mem>>
    %dma_start3A_51 = tpu.memref_squeeze %dma_start3A_50 : memref<1x!tpu.dma_semaphore, #tpu.memory_space<semaphore_mem>> -> memref<!tpu.dma_semaphore, #tpu.memory_space<semaphore_mem>>
    tpu.enqueue_indirect_dma source(%dma_start3A_49 : memref<10240x64xf32, #tpu.memory_space<vmem_shared>>) target(%dma_start3A_43 : memref<128x64xf32, #tpu.memory_space<vmem>>) offsets(%dma_start3A_46 : memref<128xi32, #tpu.memory_space<vmem>>) semaphore(%dma_start3A_51 : memref<!tpu.dma_semaphore, #tpu.memory_space<semaphore_mem>>)
    %dma_start3A_52 = arith.constant 1 : i32
    %dma_start3A_53 = arith.constant 1 : i32
    %dma_start3A_54 = arith.constant 1 : i32
    %dma_start3A_55 = arith.constant 0 : i32
    %dma_start3A_56 = arith.constant 0 : i32
    %dma_start3A_57 = tpu.memref_slice %arg13[%dma_start3A_53, %dma_start3A_55, %dma_start3A_56] : memref<5x128x64xf32, #tpu.memory_space<vmem>> -> memref<1x128x64xf32, #tpu.memory_space<vmem>>
    %dma_start3A_58 = tpu.memref_squeeze %dma_start3A_57 : memref<1x128x64xf32, #tpu.memory_space<vmem>> -> memref<128x64xf32, #tpu.memory_space<vmem>>
    %dma_start3A_59 = arith.constant 0 : i32
    %dma_start3A_60 = tpu.memref_slice %arg10[%dma_start3A_52, %dma_start3A_59] : memref<10x128xi32, #tpu.memory_space<vmem>> -> memref<1x128xi32, #tpu.memory_space<vmem>>
    %dma_start3A_61 = tpu.memref_squeeze %dma_start3A_60 : memref<1x128xi32, #tpu.memory_space<vmem>> -> memref<128xi32, #tpu.memory_space<vmem>>
    %dma_start3A_62 = arith.constant 0 : i32
    %dma_start3A_63 = arith.constant 0 : i32
    %dma_start3A_64 = tpu.memref_slice %arg14[%dma_start3A_62, %dma_start3A_63] : memref<10240x64xf32, #tpu.memory_space<vmem_shared>> -> memref<10240x64xf32, #tpu.memory_space<vmem_shared>>
    %dma_start3A_65 = tpu.memref_slice %arg17[%dma_start3A_54] : memref<5x!tpu.dma_semaphore, #tpu.memory_space<semaphore_mem>> -> memref<1x!tpu.dma_semaphore, #tpu.memory_space<semaphore_mem>>
    %dma_start3A_66 = tpu.memref_squeeze %dma_start3A_65 : memref<1x!tpu.dma_semaphore, #tpu.memory_space<semaphore_mem>> -> memref<!tpu.dma_semaphore, #tpu.memory_space<semaphore_mem>>
    tpu.enqueue_indirect_dma source(%dma_start3A_64 : memref<10240x64xf32, #tpu.memory_space<vmem_shared>>) target(%dma_start3A_58 : memref<128x64xf32, #tpu.memory_space<vmem>>) offsets(%dma_start3A_61 : memref<128xi32, #tpu.memory_space<vmem>>) semaphore(%dma_start3A_66 : memref<!tpu.dma_semaphore, #tpu.memory_space<semaphore_mem>>)
    %dma_start3A_67 = arith.constant 2 : i32
    %dma_start3A_68 = arith.constant 2 : i32
    %dma_start3A_69 = arith.constant 2 : i32
    %dma_start3A_70 = arith.constant 0 : i32
    %dma_start3A_71 = arith.constant 0 : i32
    %dma_start3A_72 = tpu.memref_slice %arg13[%dma_start3A_68, %dma_start3A_70, %dma_start3A_71] : memref<5x128x64xf32, #tpu.memory_space<vmem>> -> memref<1x128x64xf32, #tpu.memory_space<vmem>>
    %dma_start3A_73 = tpu.memref_squeeze %dma_start3A_72 : memref<1x128x64xf32, #tpu.memory_space<vmem>> -> memref<128x64xf32, #tpu.memory_space<vmem>>
    %dma_start3A_74 = arith.constant 0 : i32
    %dma_start3A_75 = tpu.memref_slice %arg10[%dma_start3A_67, %dma_start3A_74] : memref<10x128xi32, #tpu.memory_space<vmem>> -> memref<1x128xi32, #tpu.memory_space<vmem>>
    %dma_start3A_76 = tpu.memref_squeeze %dma_start3A_75 : memref<1x128xi32, #tpu.memory_space<vmem>> -> memref<128xi32, #tpu.memory_space<vmem>>
    %dma_start3A_77 = arith.constant 0 : i32
    %dma_start3A_78 = arith.constant 0 : i32
    %dma_start3A_79 = tpu.memref_slice %arg14[%dma_start3A_77, %dma_start3A_78] : memref<10240x64xf32, #tpu.memory_space<vmem_shared>> -> memref<10240x64xf32, #tpu.memory_space<vmem_shared>>
    %dma_start3A_80 = tpu.memref_slice %arg17[%dma_start3A_69] : memref<5x!tpu.dma_semaphore, #tpu.memory_space<semaphore_mem>> -> memref<1x!tpu.dma_semaphore, #tpu.memory_space<semaphore_mem>>
    %dma_start3A_81 = tpu.memref_squeeze %dma_start3A_80 : memref<1x!tpu.dma_semaphore, #tpu.memory_space<semaphore_mem>> -> memref<!tpu.dma_semaphore, #tpu.memory_space<semaphore_mem>>
    tpu.enqueue_indirect_dma source(%dma_start3A_79 : memref<10240x64xf32, #tpu.memory_space<vmem_shared>>) target(%dma_start3A_73 : memref<128x64xf32, #tpu.memory_space<vmem>>) offsets(%dma_start3A_76 : memref<128xi32, #tpu.memory_space<vmem>>) semaphore(%dma_start3A_81 : memref<!tpu.dma_semaphore, #tpu.memory_space<semaphore_mem>>)
    %dma_start3A_82 = arith.constant 3 : i32
    %dma_start3A_83 = arith.constant 3 : i32
    %dma_start3A_84 = arith.constant 3 : i32
    %dma_start3A_85 = arith.constant 0 : i32
    %dma_start3A_86 = arith.constant 0 : i32
    %dma_start3A_87 = tpu.memref_slice %arg13[%dma_start3A_83, %dma_start3A_85, %dma_start3A_86] : memref<5x128x64xf32, #tpu.memory_space<vmem>> -> memref<1x128x64xf32, #tpu.memory_space<vmem>>
    %dma_start3A_88 = tpu.memref_squeeze %dma_start3A_87 : memref<1x128x64xf32, #tpu.memory_space<vmem>> -> memref<128x64xf32, #tpu.memory_space<vmem>>
    %dma_start3A_89 = arith.constant 0 : i32
    %dma_start3A_90 = tpu.memref_slice %arg10[%dma_start3A_82, %dma_start3A_89] : memref<10x128xi32, #tpu.memory_space<vmem>> -> memref<1x128xi32, #tpu.memory_space<vmem>>
    %dma_start3A_91 = tpu.memref_squeeze %dma_start3A_90 : memref<1x128xi32, #tpu.memory_space<vmem>> -> memref<128xi32, #tpu.memory_space<vmem>>
    %dma_start3A_92 = arith.constant 0 : i32
    %dma_start3A_93 = arith.constant 0 : i32
    %dma_start3A_94 = tpu.memref_slice %arg14[%dma_start3A_92, %dma_start3A_93] : memref<10240x64xf32, #tpu.memory_space<vmem_shared>> -> memref<10240x64xf32, #tpu.memory_space<vmem_shared>>
    %dma_start3A_95 = tpu.memref_slice %arg17[%dma_start3A_84] : memref<5x!tpu.dma_semaphore, #tpu.memory_space<semaphore_mem>> -> memref<1x!tpu.dma_semaphore, #tpu.memory_space<semaphore_mem>>
    %dma_start3A_96 = tpu.memref_squeeze %dma_start3A_95 : memref<1x!tpu.dma_semaphore, #tpu.memory_space<semaphore_mem>> -> memref<!tpu.dma_semaphore, #tpu.memory_space<semaphore_mem>>
    tpu.enqueue_indirect_dma source(%dma_start3A_94 : memref<10240x64xf32, #tpu.memory_space<vmem_shared>>) target(%dma_start3A_88 : memref<128x64xf32, #tpu.memory_space<vmem>>) offsets(%dma_start3A_91 : memref<128xi32, #tpu.memory_space<vmem>>) semaphore(%dma_start3A_96 : memref<!tpu.dma_semaphore, #tpu.memory_space<semaphore_mem>>)
    %dma_start3A_97 = arith.constant 4 : i32
    %dma_start3A_98 = arith.constant 4 : i32
    %dma_start3A_99 = arith.constant 4 : i32
    %dma_start3A_100 = arith.constant 0 : i32
    %dma_start3A_101 = arith.constant 0 : i32
    %dma_start3A_102 = tpu.memref_slice %arg13[%dma_start3A_98, %dma_start3A_100, %dma_start3A_101] : memref<5x128x64xf32, #tpu.memory_space<vmem>> -> memref<1x128x64xf32, #tpu.memory_space<vmem>>
    %dma_start3A_103 = tpu.memref_squeeze %dma_start3A_102 : memref<1x128x64xf32, #tpu.memory_space<vmem>> -> memref<128x64xf32, #tpu.memory_space<vmem>>
    %dma_start3A_104 = arith.constant 0 : i32
    %dma_start3A_105 = tpu.memref_slice %arg10[%dma_start3A_97, %dma_start3A_104] : memref<10x128xi32, #tpu.memory_space<vmem>> -> memref<1x128xi32, #tpu.memory_space<vmem>>
    %dma_start3A_106 = tpu.memref_squeeze %dma_start3A_105 : memref<1x128xi32, #tpu.memory_space<vmem>> -> memref<128xi32, #tpu.memory_space<vmem>>
    %dma_start3A_107 = arith.constant 0 : i32
    %dma_start3A_108 = arith.constant 0 : i32
    %dma_start3A_109 = tpu.memref_slice %arg14[%dma_start3A_107, %dma_start3A_108] : memref<10240x64xf32, #tpu.memory_space<vmem_shared>> -> memref<10240x64xf32, #tpu.memory_space<vmem_shared>>
    %dma_start3A_110 = tpu.memref_slice %arg17[%dma_start3A_99] : memref<5x!tpu.dma_semaphore, #tpu.memory_space<semaphore_mem>> -> memref<1x!tpu.dma_semaphore, #tpu.memory_space<semaphore_mem>>
    %dma_start3A_111 = tpu.memref_squeeze %dma_start3A_110 : memref<1x!tpu.dma_semaphore, #tpu.memory_space<semaphore_mem>> -> memref<!tpu.dma_semaphore, #tpu.memory_space<semaphore_mem>>
    tpu.enqueue_indirect_dma source(%dma_start3A_109 : memref<10240x64xf32, #tpu.memory_space<vmem_shared>>) target(%dma_start3A_103 : memref<128x64xf32, #tpu.memory_space<vmem>>) offsets(%dma_start3A_106 : memref<128xi32, #tpu.memory_space<vmem>>) semaphore(%dma_start3A_111 : memref<!tpu.dma_semaphore, #tpu.memory_space<semaphore_mem>>)
    %scan3A = arith.constant 0 : i32
    %scan3A_112 = arith.constant 0 : i32
    %scan3A_113 = arith.constant 16 : i32
    %scan3A_114 = arith.addi %scan3A_112, %scan3A_113 : i32
    %scan3A_115 = arith.constant 1 : i32
    scf.for %scan3A_118 = %scan3A_112 to %scan3A_114 step %scan3A_115  : i32 {
      %mul3A_119 = arith.constant 2 : i32
      %mul3A_120 = arith.muli %mul3A_119, %scan3A_118 : i32
      %add3A = arith.constant 0 : i32
      %add3A_121 = arith.addi %mul3A_120, %add3A : i32
      %eq3A = arith.constant 0 : i32
      %eq3A_122 = arith.cmpi eq, %arg0, %eq3A : i32
      %lt3A = arith.constant 16 : i32
      %lt3A_123 = arith.cmpi slt, %add3A_121, %lt3A : i32
      %and3A = arith.andi %eq3A_122, %lt3A_123 : i1
      %eq3A_124 = arith.constant 1 : i32
      %eq3A_125 = arith.cmpi eq, %arg0, %eq3A_124 : i32
      %ge3A = arith.constant 16 : i32
      %ge3A_126 = arith.cmpi sge, %add3A_121, %ge3A : i32
      %and3A_127 = arith.andi %eq3A_125, %ge3A_126 : i1
      %or3A = arith.ori %and3A, %and3A_127 : i1
      %dma_wait3A = arith.constant 0 : i32
      %dma_wait3A_128 = arith.constant 0 : i32
      %dma_wait3A_129 = arith.constant 0 : i32
      %dma_wait3A_130 = arith.constant 0 : i32
      %dma_wait3A_131 = arith.constant 0 : i32
      %dma_wait3A_132 = tpu.memref_slice %arg13[%dma_wait3A_128, %dma_wait3A_130, %dma_wait3A_131] : memref<5x128x64xf32, #tpu.memory_space<vmem>> -> memref<1x128x64xf32, #tpu.memory_space<vmem>>
      %dma_wait3A_133 = tpu.memref_squeeze %dma_wait3A_132 : memref<1x128x64xf32, #tpu.memory_space<vmem>> -> memref<128x64xf32, #tpu.memory_space<vmem>>
      %dma_wait3A_134 = arith.constant 0 : i32
      %dma_wait3A_135 = tpu.memref_slice %arg10[%dma_wait3A, %dma_wait3A_134] : memref<10x128xi32, #tpu.memory_space<vmem>> -> memref<1x128xi32, #tpu.memory_space<vmem>>
      %dma_wait3A_136 = tpu.memref_squeeze %dma_wait3A_135 : memref<1x128xi32, #tpu.memory_space<vmem>> -> memref<128xi32, #tpu.memory_space<vmem>>
      %dma_wait3A_137 = arith.constant 0 : i32
      %dma_wait3A_138 = arith.constant 0 : i32
      %dma_wait3A_139 = tpu.memref_slice %arg14[%dma_wait3A_137, %dma_wait3A_138] : memref<10240x64xf32, #tpu.memory_space<vmem_shared>> -> memref<10240x64xf32, #tpu.memory_space<vmem_shared>>
      %dma_wait3A_140 = tpu.memref_slice %arg17[%dma_wait3A_129] : memref<5x!tpu.dma_semaphore, #tpu.memory_space<semaphore_mem>> -> memref<1x!tpu.dma_semaphore, #tpu.memory_space<semaphore_mem>>
      %dma_wait3A_141 = tpu.memref_squeeze %dma_wait3A_140 : memref<1x!tpu.dma_semaphore, #tpu.memory_space<semaphore_mem>> -> memref<!tpu.dma_semaphore, #tpu.memory_space<semaphore_mem>>
      tpu.wait_indirect_dma semaphore(%dma_wait3A_141 : memref<!tpu.dma_semaphore, #tpu.memory_space<semaphore_mem>>) src(%dma_wait3A_139 : memref<10240x64xf32, #tpu.memory_space<vmem_shared>>) dst(%dma_wait3A_133 : memref<128x64xf32, #tpu.memory_space<vmem>>)
      %dma_start3A_142 = arith.constant 0 : i32
      %dma_start3A_143 = arith.constant 0 : i32
      %dma_start3A_144 = arith.constant 0 : i32
      %dma_start3A_145 = arith.constant 0 : i32
      %dma_start3A_146 = arith.constant 0 : i32
      %dma_start3A_147 = tpu.memref_slice %arg13[%dma_start3A_142, %dma_start3A_145, %dma_start3A_146] : memref<5x128x64xf32, #tpu.memory_space<vmem>> -> memref<1x128x64xf32, #tpu.memory_space<vmem>>
      %dma_start3A_148 = tpu.memref_squeeze %dma_start3A_147 : memref<1x128x64xf32, #tpu.memory_space<vmem>> -> memref<128x64xf32, #tpu.memory_space<vmem>>
      %dma_start3A_149 = arith.constant 0 : i32
      %dma_start3A_150 = tpu.memref_slice %arg11[%dma_start3A_143, %dma_start3A_149] : memref<10x128xi32, #tpu.memory_space<vmem>> -> memref<1x128xi32, #tpu.memory_space<vmem>>
      %dma_start3A_151 = tpu.memref_squeeze %dma_start3A_150 : memref<1x128xi32, #tpu.memory_space<vmem>> -> memref<128xi32, #tpu.memory_space<vmem>>
      %dma_start3A_152 = arith.constant 0 : i32
      %dma_start3A_153 = arith.constant 0 : i32
      %dma_start3A_154 = tpu.memref_slice %arg15[%dma_start3A_152, %dma_start3A_153] : memref<10240x64xf32, #tpu.memory_space<vmem_shared>> -> memref<10240x64xf32, #tpu.memory_space<vmem_shared>>
      %dma_start3A_155 = tpu.memref_slice %arg18[%dma_start3A_144] : memref<5x!tpu.dma_semaphore, #tpu.memory_space<semaphore_mem>> -> memref<1x!tpu.dma_semaphore, #tpu.memory_space<semaphore_mem>>
      %dma_start3A_156 = tpu.memref_squeeze %dma_start3A_155 : memref<1x!tpu.dma_semaphore, #tpu.memory_space<semaphore_mem>> -> memref<!tpu.dma_semaphore, #tpu.memory_space<semaphore_mem>>
      tpu.enqueue_indirect_dma source(%dma_start3A_148 : memref<128x64xf32, #tpu.memory_space<vmem>>) target(%dma_start3A_154 : memref<10240x64xf32, #tpu.memory_space<vmem_shared>>) offsets(%dma_start3A_151 : memref<128xi32, #tpu.memory_space<vmem>>) semaphore(%dma_start3A_156 : memref<!tpu.dma_semaphore, #tpu.memory_space<semaphore_mem>>) {add = true}
      %convert_element_type3A = arith.extui %or3A : i1 to i32
      %cond3A = arith.constant 0 : i32
      %cond3A_157 = arith.cmpi ne, %convert_element_type3A, %cond3A : i32
      scf.if %cond3A_157 {
        %dma_start3A_654 = arith.constant 0 : i32
        %dma_start3A_655 = arith.constant 0 : i32
        %dma_start3A_656 = tpu.memref_slice %arg11[%dma_start3A_654, %dma_start3A_655] : memref<10x128xi32, #tpu.memory_space<vmem>> -> memref<1x128xi32, #tpu.memory_space<vmem>>
        %dma_start3A_657 = tpu.memref_squeeze %dma_start3A_656 : memref<1x128xi32, #tpu.memory_space<vmem>> -> memref<128xi32, #tpu.memory_space<vmem>>
        %dma_start3A_658 = arith.constant 0 : i32
        %dma_start3A_659 = tpu.memref_slice %arg16[%dma_start3A_658] : memref<10240xf32, #tpu.memory_space<vmem_shared>> -> memref<10240xf32, #tpu.memory_space<vmem_shared>>
        tpu.enqueue_indirect_dma source(%arg12 : memref<128xf32, #tpu.memory_space<vmem>>) target(%dma_start3A_659 : memref<10240xf32, #tpu.memory_space<vmem_shared>>) offsets(%dma_start3A_657 : memref<128xi32, #tpu.memory_space<vmem>>) semaphore(%arg19 : memref<!tpu.dma_semaphore, #tpu.memory_space<semaphore_mem>>) {add = true}
      } else {
      }
      %dma_wait3A_158 = arith.constant 0 : i32
      %dma_wait3A_159 = arith.constant 1 : i32
      %dma_wait3A_160 = arith.constant 1 : i32
      %dma_wait3A_161 = arith.constant 0 : i32
      %dma_wait3A_162 = arith.constant 0 : i32
      %dma_wait3A_163 = tpu.memref_slice %arg13[%dma_wait3A_159, %dma_wait3A_161, %dma_wait3A_162] : memref<5x128x64xf32, #tpu.memory_space<vmem>> -> memref<1x128x64xf32, #tpu.memory_space<vmem>>
      %dma_wait3A_164 = tpu.memref_squeeze %dma_wait3A_163 : memref<1x128x64xf32, #tpu.memory_space<vmem>> -> memref<128x64xf32, #tpu.memory_space<vmem>>
      %dma_wait3A_165 = arith.constant 0 : i32
      %dma_wait3A_166 = tpu.memref_slice %arg10[%dma_wait3A_158, %dma_wait3A_165] : memref<10x128xi32, #tpu.memory_space<vmem>> -> memref<1x128xi32, #tpu.memory_space<vmem>>
      %dma_wait3A_167 = tpu.memref_squeeze %dma_wait3A_166 : memref<1x128xi32, #tpu.memory_space<vmem>> -> memref<128xi32, #tpu.memory_space<vmem>>
      %dma_wait3A_168 = arith.constant 0 : i32
      %dma_wait3A_169 = arith.constant 0 : i32
      %dma_wait3A_170 = tpu.memref_slice %arg14[%dma_wait3A_168, %dma_wait3A_169] : memref<10240x64xf32, #tpu.memory_space<vmem_shared>> -> memref<10240x64xf32, #tpu.memory_space<vmem_shared>>
      %dma_wait3A_171 = tpu.memref_slice %arg17[%dma_wait3A_160] : memref<5x!tpu.dma_semaphore, #tpu.memory_space<semaphore_mem>> -> memref<1x!tpu.dma_semaphore, #tpu.memory_space<semaphore_mem>>
      %dma_wait3A_172 = tpu.memref_squeeze %dma_wait3A_171 : memref<1x!tpu.dma_semaphore, #tpu.memory_space<semaphore_mem>> -> memref<!tpu.dma_semaphore, #tpu.memory_space<semaphore_mem>>
      tpu.wait_indirect_dma semaphore(%dma_wait3A_172 : memref<!tpu.dma_semaphore, #tpu.memory_space<semaphore_mem>>) src(%dma_wait3A_170 : memref<10240x64xf32, #tpu.memory_space<vmem_shared>>) dst(%dma_wait3A_164 : memref<128x64xf32, #tpu.memory_space<vmem>>)
      %dma_start3A_173 = arith.constant 1 : i32
      %dma_start3A_174 = arith.constant 1 : i32
      %dma_start3A_175 = arith.constant 1 : i32
      %dma_start3A_176 = arith.constant 0 : i32
      %dma_start3A_177 = arith.constant 0 : i32
      %dma_start3A_178 = tpu.memref_slice %arg13[%dma_start3A_173, %dma_start3A_176, %dma_start3A_177] : memref<5x128x64xf32, #tpu.memory_space<vmem>> -> memref<1x128x64xf32, #tpu.memory_space<vmem>>
      %dma_start3A_179 = tpu.memref_squeeze %dma_start3A_178 : memref<1x128x64xf32, #tpu.memory_space<vmem>> -> memref<128x64xf32, #tpu.memory_space<vmem>>
      %dma_start3A_180 = arith.constant 0 : i32
      %dma_start3A_181 = tpu.memref_slice %arg11[%dma_start3A_174, %dma_start3A_180] : memref<10x128xi32, #tpu.memory_space<vmem>> -> memref<1x128xi32, #tpu.memory_space<vmem>>
      %dma_start3A_182 = tpu.memref_squeeze %dma_start3A_181 : memref<1x128xi32, #tpu.memory_space<vmem>> -> memref<128xi32, #tpu.memory_space<vmem>>
      %dma_start3A_183 = arith.constant 0 : i32
      %dma_start3A_184 = arith.constant 0 : i32
      %dma_start3A_185 = tpu.memref_slice %arg15[%dma_start3A_183, %dma_start3A_184] : memref<10240x64xf32, #tpu.memory_space<vmem_shared>> -> memref<10240x64xf32, #tpu.memory_space<vmem_shared>>
      %dma_start3A_186 = tpu.memref_slice %arg18[%dma_start3A_175] : memref<5x!tpu.dma_semaphore, #tpu.memory_space<semaphore_mem>> -> memref<1x!tpu.dma_semaphore, #tpu.memory_space<semaphore_mem>>
      %dma_start3A_187 = tpu.memref_squeeze %dma_start3A_186 : memref<1x!tpu.dma_semaphore, #tpu.memory_space<semaphore_mem>> -> memref<!tpu.dma_semaphore, #tpu.memory_space<semaphore_mem>>
      tpu.enqueue_indirect_dma source(%dma_start3A_179 : memref<128x64xf32, #tpu.memory_space<vmem>>) target(%dma_start3A_185 : memref<10240x64xf32, #tpu.memory_space<vmem_shared>>) offsets(%dma_start3A_182 : memref<128xi32, #tpu.memory_space<vmem>>) semaphore(%dma_start3A_187 : memref<!tpu.dma_semaphore, #tpu.memory_space<semaphore_mem>>) {add = true}
      %convert_element_type3A_188 = arith.extui %or3A : i1 to i32
      %cond3A_189 = arith.constant 0 : i32
      %cond3A_190 = arith.cmpi ne, %convert_element_type3A_188, %cond3A_189 : i32
      scf.if %cond3A_190 {
        %dma_start3A_654 = arith.constant 1 : i32
        %dma_start3A_655 = arith.constant 0 : i32
        %dma_start3A_656 = tpu.memref_slice %arg11[%dma_start3A_654, %dma_start3A_655] : memref<10x128xi32, #tpu.memory_space<vmem>> -> memref<1x128xi32, #tpu.memory_space<vmem>>
        %dma_start3A_657 = tpu.memref_squeeze %dma_start3A_656 : memref<1x128xi32, #tpu.memory_space<vmem>> -> memref<128xi32, #tpu.memory_space<vmem>>
        %dma_start3A_658 = arith.constant 0 : i32
        %dma_start3A_659 = tpu.memref_slice %arg16[%dma_start3A_658] : memref<10240xf32, #tpu.memory_space<vmem_shared>> -> memref<10240xf32, #tpu.memory_space<vmem_shared>>
        tpu.enqueue_indirect_dma source(%arg12 : memref<128xf32, #tpu.memory_space<vmem>>) target(%dma_start3A_659 : memref<10240xf32, #tpu.memory_space<vmem_shared>>) offsets(%dma_start3A_657 : memref<128xi32, #tpu.memory_space<vmem>>) semaphore(%arg19 : memref<!tpu.dma_semaphore, #tpu.memory_space<semaphore_mem>>) {add = true}
      } else {
      }
      %dma_wait3A_191 = arith.constant 0 : i32
      %dma_wait3A_192 = arith.constant 2 : i32
      %dma_wait3A_193 = arith.constant 2 : i32
      %dma_wait3A_194 = arith.constant 0 : i32
      %dma_wait3A_195 = arith.constant 0 : i32
      %dma_wait3A_196 = tpu.memref_slice %arg13[%dma_wait3A_192, %dma_wait3A_194, %dma_wait3A_195] : memref<5x128x64xf32, #tpu.memory_space<vmem>> -> memref<1x128x64xf32, #tpu.memory_space<vmem>>
      %dma_wait3A_197 = tpu.memref_squeeze %dma_wait3A_196 : memref<1x128x64xf32, #tpu.memory_space<vmem>> -> memref<128x64xf32, #tpu.memory_space<vmem>>
      %dma_wait3A_198 = arith.constant 0 : i32
      %dma_wait3A_199 = tpu.memref_slice %arg10[%dma_wait3A_191, %dma_wait3A_198] : memref<10x128xi32, #tpu.memory_space<vmem>> -> memref<1x128xi32, #tpu.memory_space<vmem>>
      %dma_wait3A_200 = tpu.memref_squeeze %dma_wait3A_199 : memref<1x128xi32, #tpu.memory_space<vmem>> -> memref<128xi32, #tpu.memory_space<vmem>>
      %dma_wait3A_201 = arith.constant 0 : i32
      %dma_wait3A_202 = arith.constant 0 : i32
      %dma_wait3A_203 = tpu.memref_slice %arg14[%dma_wait3A_201, %dma_wait3A_202] : memref<10240x64xf32, #tpu.memory_space<vmem_shared>> -> memref<10240x64xf32, #tpu.memory_space<vmem_shared>>
      %dma_wait3A_204 = tpu.memref_slice %arg17[%dma_wait3A_193] : memref<5x!tpu.dma_semaphore, #tpu.memory_space<semaphore_mem>> -> memref<1x!tpu.dma_semaphore, #tpu.memory_space<semaphore_mem>>
      %dma_wait3A_205 = tpu.memref_squeeze %dma_wait3A_204 : memref<1x!tpu.dma_semaphore, #tpu.memory_space<semaphore_mem>> -> memref<!tpu.dma_semaphore, #tpu.memory_space<semaphore_mem>>
      tpu.wait_indirect_dma semaphore(%dma_wait3A_205 : memref<!tpu.dma_semaphore, #tpu.memory_space<semaphore_mem>>) src(%dma_wait3A_203 : memref<10240x64xf32, #tpu.memory_space<vmem_shared>>) dst(%dma_wait3A_197 : memref<128x64xf32, #tpu.memory_space<vmem>>)
      %dma_start3A_206 = arith.constant 2 : i32
      %dma_start3A_207 = arith.constant 2 : i32
      %dma_start3A_208 = arith.constant 2 : i32
      %dma_start3A_209 = arith.constant 0 : i32
      %dma_start3A_210 = arith.constant 0 : i32
      %dma_start3A_211 = tpu.memref_slice %arg13[%dma_start3A_206, %dma_start3A_209, %dma_start3A_210] : memref<5x128x64xf32, #tpu.memory_space<vmem>> -> memref<1x128x64xf32, #tpu.memory_space<vmem>>
      %dma_start3A_212 = tpu.memref_squeeze %dma_start3A_211 : memref<1x128x64xf32, #tpu.memory_space<vmem>> -> memref<128x64xf32, #tpu.memory_space<vmem>>
      %dma_start3A_213 = arith.constant 0 : i32
      %dma_start3A_214 = tpu.memref_slice %arg11[%dma_start3A_207, %dma_start3A_213] : memref<10x128xi32, #tpu.memory_space<vmem>> -> memref<1x128xi32, #tpu.memory_space<vmem>>
      %dma_start3A_215 = tpu.memref_squeeze %dma_start3A_214 : memref<1x128xi32, #tpu.memory_space<vmem>> -> memref<128xi32, #tpu.memory_space<vmem>>
      %dma_start3A_216 = arith.constant 0 : i32
      %dma_start3A_217 = arith.constant 0 : i32
      %dma_start3A_218 = tpu.memref_slice %arg15[%dma_start3A_216, %dma_start3A_217] : memref<10240x64xf32, #tpu.memory_space<vmem_shared>> -> memref<10240x64xf32, #tpu.memory_space<vmem_shared>>
      %dma_start3A_219 = tpu.memref_slice %arg18[%dma_start3A_208] : memref<5x!tpu.dma_semaphore, #tpu.memory_space<semaphore_mem>> -> memref<1x!tpu.dma_semaphore, #tpu.memory_space<semaphore_mem>>
      %dma_start3A_220 = tpu.memref_squeeze %dma_start3A_219 : memref<1x!tpu.dma_semaphore, #tpu.memory_space<semaphore_mem>> -> memref<!tpu.dma_semaphore, #tpu.memory_space<semaphore_mem>>
      tpu.enqueue_indirect_dma source(%dma_start3A_212 : memref<128x64xf32, #tpu.memory_space<vmem>>) target(%dma_start3A_218 : memref<10240x64xf32, #tpu.memory_space<vmem_shared>>) offsets(%dma_start3A_215 : memref<128xi32, #tpu.memory_space<vmem>>) semaphore(%dma_start3A_220 : memref<!tpu.dma_semaphore, #tpu.memory_space<semaphore_mem>>) {add = true}
      %convert_element_type3A_221 = arith.extui %or3A : i1 to i32
      %cond3A_222 = arith.constant 0 : i32
      %cond3A_223 = arith.cmpi ne, %convert_element_type3A_221, %cond3A_222 : i32
      scf.if %cond3A_223 {
        %dma_start3A_654 = arith.constant 2 : i32
        %dma_start3A_655 = arith.constant 0 : i32
        %dma_start3A_656 = tpu.memref_slice %arg11[%dma_start3A_654, %dma_start3A_655] : memref<10x128xi32, #tpu.memory_space<vmem>> -> memref<1x128xi32, #tpu.memory_space<vmem>>
        %dma_start3A_657 = tpu.memref_squeeze %dma_start3A_656 : memref<1x128xi32, #tpu.memory_space<vmem>> -> memref<128xi32, #tpu.memory_space<vmem>>
        %dma_start3A_658 = arith.constant 0 : i32
        %dma_start3A_659 = tpu.memref_slice %arg16[%dma_start3A_658] : memref<10240xf32, #tpu.memory_space<vmem_shared>> -> memref<10240xf32, #tpu.memory_space<vmem_shared>>
        tpu.enqueue_indirect_dma source(%arg12 : memref<128xf32, #tpu.memory_space<vmem>>) target(%dma_start3A_659 : memref<10240xf32, #tpu.memory_space<vmem_shared>>) offsets(%dma_start3A_657 : memref<128xi32, #tpu.memory_space<vmem>>) semaphore(%arg19 : memref<!tpu.dma_semaphore, #tpu.memory_space<semaphore_mem>>) {add = true}
      } else {
      }
      %dma_wait3A_224 = arith.constant 0 : i32
      %dma_wait3A_225 = arith.constant 3 : i32
      %dma_wait3A_226 = arith.constant 3 : i32
      %dma_wait3A_227 = arith.constant 0 : i32
      %dma_wait3A_228 = arith.constant 0 : i32
      %dma_wait3A_229 = tpu.memref_slice %arg13[%dma_wait3A_225, %dma_wait3A_227, %dma_wait3A_228] : memref<5x128x64xf32, #tpu.memory_space<vmem>> -> memref<1x128x64xf32, #tpu.memory_space<vmem>>
      %dma_wait3A_230 = tpu.memref_squeeze %dma_wait3A_229 : memref<1x128x64xf32, #tpu.memory_space<vmem>> -> memref<128x64xf32, #tpu.memory_space<vmem>>
      %dma_wait3A_231 = arith.constant 0 : i32
      %dma_wait3A_232 = tpu.memref_slice %arg10[%dma_wait3A_224, %dma_wait3A_231] : memref<10x128xi32, #tpu.memory_space<vmem>> -> memref<1x128xi32, #tpu.memory_space<vmem>>
      %dma_wait3A_233 = tpu.memref_squeeze %dma_wait3A_232 : memref<1x128xi32, #tpu.memory_space<vmem>> -> memref<128xi32, #tpu.memory_space<vmem>>
      %dma_wait3A_234 = arith.constant 0 : i32
      %dma_wait3A_235 = arith.constant 0 : i32
      %dma_wait3A_236 = tpu.memref_slice %arg14[%dma_wait3A_234, %dma_wait3A_235] : memref<10240x64xf32, #tpu.memory_space<vmem_shared>> -> memref<10240x64xf32, #tpu.memory_space<vmem_shared>>
      %dma_wait3A_237 = tpu.memref_slice %arg17[%dma_wait3A_226] : memref<5x!tpu.dma_semaphore, #tpu.memory_space<semaphore_mem>> -> memref<1x!tpu.dma_semaphore, #tpu.memory_space<semaphore_mem>>
      %dma_wait3A_238 = tpu.memref_squeeze %dma_wait3A_237 : memref<1x!tpu.dma_semaphore, #tpu.memory_space<semaphore_mem>> -> memref<!tpu.dma_semaphore, #tpu.memory_space<semaphore_mem>>
      tpu.wait_indirect_dma semaphore(%dma_wait3A_238 : memref<!tpu.dma_semaphore, #tpu.memory_space<semaphore_mem>>) src(%dma_wait3A_236 : memref<10240x64xf32, #tpu.memory_space<vmem_shared>>) dst(%dma_wait3A_230 : memref<128x64xf32, #tpu.memory_space<vmem>>)
      %dma_start3A_239 = arith.constant 3 : i32
      %dma_start3A_240 = arith.constant 3 : i32
      %dma_start3A_241 = arith.constant 3 : i32
      %dma_start3A_242 = arith.constant 0 : i32
      %dma_start3A_243 = arith.constant 0 : i32
      %dma_start3A_244 = tpu.memref_slice %arg13[%dma_start3A_239, %dma_start3A_242, %dma_start3A_243] : memref<5x128x64xf32, #tpu.memory_space<vmem>> -> memref<1x128x64xf32, #tpu.memory_space<vmem>>
      %dma_start3A_245 = tpu.memref_squeeze %dma_start3A_244 : memref<1x128x64xf32, #tpu.memory_space<vmem>> -> memref<128x64xf32, #tpu.memory_space<vmem>>
      %dma_start3A_246 = arith.constant 0 : i32
      %dma_start3A_247 = tpu.memref_slice %arg11[%dma_start3A_240, %dma_start3A_246] : memref<10x128xi32, #tpu.memory_space<vmem>> -> memref<1x128xi32, #tpu.memory_space<vmem>>
      %dma_start3A_248 = tpu.memref_squeeze %dma_start3A_247 : memref<1x128xi32, #tpu.memory_space<vmem>> -> memref<128xi32, #tpu.memory_space<vmem>>
      %dma_start3A_249 = arith.constant 0 : i32
      %dma_start3A_250 = arith.constant 0 : i32
      %dma_start3A_251 = tpu.memref_slice %arg15[%dma_start3A_249, %dma_start3A_250] : memref<10240x64xf32, #tpu.memory_space<vmem_shared>> -> memref<10240x64xf32, #tpu.memory_space<vmem_shared>>
      %dma_start3A_252 = tpu.memref_slice %arg18[%dma_start3A_241] : memref<5x!tpu.dma_semaphore, #tpu.memory_space<semaphore_mem>> -> memref<1x!tpu.dma_semaphore, #tpu.memory_space<semaphore_mem>>
      %dma_start3A_253 = tpu.memref_squeeze %dma_start3A_252 : memref<1x!tpu.dma_semaphore, #tpu.memory_space<semaphore_mem>> -> memref<!tpu.dma_semaphore, #tpu.memory_space<semaphore_mem>>
      tpu.enqueue_indirect_dma source(%dma_start3A_245 : memref<128x64xf32, #tpu.memory_space<vmem>>) target(%dma_start3A_251 : memref<10240x64xf32, #tpu.memory_space<vmem_shared>>) offsets(%dma_start3A_248 : memref<128xi32, #tpu.memory_space<vmem>>) semaphore(%dma_start3A_253 : memref<!tpu.dma_semaphore, #tpu.memory_space<semaphore_mem>>) {add = true}
      %convert_element_type3A_254 = arith.extui %or3A : i1 to i32
      %cond3A_255 = arith.constant 0 : i32
      %cond3A_256 = arith.cmpi ne, %convert_element_type3A_254, %cond3A_255 : i32
      scf.if %cond3A_256 {
        %dma_start3A_654 = arith.constant 3 : i32
        %dma_start3A_655 = arith.constant 0 : i32
        %dma_start3A_656 = tpu.memref_slice %arg11[%dma_start3A_654, %dma_start3A_655] : memref<10x128xi32, #tpu.memory_space<vmem>> -> memref<1x128xi32, #tpu.memory_space<vmem>>
        %dma_start3A_657 = tpu.memref_squeeze %dma_start3A_656 : memref<1x128xi32, #tpu.memory_space<vmem>> -> memref<128xi32, #tpu.memory_space<vmem>>
        %dma_start3A_658 = arith.constant 0 : i32
        %dma_start3A_659 = tpu.memref_slice %arg16[%dma_start3A_658] : memref<10240xf32, #tpu.memory_space<vmem_shared>> -> memref<10240xf32, #tpu.memory_space<vmem_shared>>
        tpu.enqueue_indirect_dma source(%arg12 : memref<128xf32, #tpu.memory_space<vmem>>) target(%dma_start3A_659 : memref<10240xf32, #tpu.memory_space<vmem_shared>>) offsets(%dma_start3A_657 : memref<128xi32, #tpu.memory_space<vmem>>) semaphore(%arg19 : memref<!tpu.dma_semaphore, #tpu.memory_space<semaphore_mem>>) {add = true}
      } else {
      }
      %dma_wait3A_257 = arith.constant 0 : i32
      %dma_wait3A_258 = arith.constant 4 : i32
      %dma_wait3A_259 = arith.constant 4 : i32
      %dma_wait3A_260 = arith.constant 0 : i32
      %dma_wait3A_261 = arith.constant 0 : i32
      %dma_wait3A_262 = tpu.memref_slice %arg13[%dma_wait3A_258, %dma_wait3A_260, %dma_wait3A_261] : memref<5x128x64xf32, #tpu.memory_space<vmem>> -> memref<1x128x64xf32, #tpu.memory_space<vmem>>
      %dma_wait3A_263 = tpu.memref_squeeze %dma_wait3A_262 : memref<1x128x64xf32, #tpu.memory_space<vmem>> -> memref<128x64xf32, #tpu.memory_space<vmem>>
      %dma_wait3A_264 = arith.constant 0 : i32
      %dma_wait3A_265 = tpu.memref_slice %arg10[%dma_wait3A_257, %dma_wait3A_264] : memref<10x128xi32, #tpu.memory_space<vmem>> -> memref<1x128xi32, #tpu.memory_space<vmem>>
      %dma_wait3A_266 = tpu.memref_squeeze %dma_wait3A_265 : memref<1x128xi32, #tpu.memory_space<vmem>> -> memref<128xi32, #tpu.memory_space<vmem>>
      %dma_wait3A_267 = arith.constant 0 : i32
      %dma_wait3A_268 = arith.constant 0 : i32
      %dma_wait3A_269 = tpu.memref_slice %arg14[%dma_wait3A_267, %dma_wait3A_268] : memref<10240x64xf32, #tpu.memory_space<vmem_shared>> -> memref<10240x64xf32, #tpu.memory_space<vmem_shared>>
      %dma_wait3A_270 = tpu.memref_slice %arg17[%dma_wait3A_259] : memref<5x!tpu.dma_semaphore, #tpu.memory_space<semaphore_mem>> -> memref<1x!tpu.dma_semaphore, #tpu.memory_space<semaphore_mem>>
      %dma_wait3A_271 = tpu.memref_squeeze %dma_wait3A_270 : memref<1x!tpu.dma_semaphore, #tpu.memory_space<semaphore_mem>> -> memref<!tpu.dma_semaphore, #tpu.memory_space<semaphore_mem>>
      tpu.wait_indirect_dma semaphore(%dma_wait3A_271 : memref<!tpu.dma_semaphore, #tpu.memory_space<semaphore_mem>>) src(%dma_wait3A_269 : memref<10240x64xf32, #tpu.memory_space<vmem_shared>>) dst(%dma_wait3A_263 : memref<128x64xf32, #tpu.memory_space<vmem>>)
      %dma_start3A_272 = arith.constant 4 : i32
      %dma_start3A_273 = arith.constant 4 : i32
      %dma_start3A_274 = arith.constant 4 : i32
      %dma_start3A_275 = arith.constant 0 : i32
      %dma_start3A_276 = arith.constant 0 : i32
      %dma_start3A_277 = tpu.memref_slice %arg13[%dma_start3A_272, %dma_start3A_275, %dma_start3A_276] : memref<5x128x64xf32, #tpu.memory_space<vmem>> -> memref<1x128x64xf32, #tpu.memory_space<vmem>>
      %dma_start3A_278 = tpu.memref_squeeze %dma_start3A_277 : memref<1x128x64xf32, #tpu.memory_space<vmem>> -> memref<128x64xf32, #tpu.memory_space<vmem>>
      %dma_start3A_279 = arith.constant 0 : i32
      %dma_start3A_280 = tpu.memref_slice %arg11[%dma_start3A_273, %dma_start3A_279] : memref<10x128xi32, #tpu.memory_space<vmem>> -> memref<1x128xi32, #tpu.memory_space<vmem>>
      %dma_start3A_281 = tpu.memref_squeeze %dma_start3A_280 : memref<1x128xi32, #tpu.memory_space<vmem>> -> memref<128xi32, #tpu.memory_space<vmem>>
      %dma_start3A_282 = arith.constant 0 : i32
      %dma_start3A_283 = arith.constant 0 : i32
      %dma_start3A_284 = tpu.memref_slice %arg15[%dma_start3A_282, %dma_start3A_283] : memref<10240x64xf32, #tpu.memory_space<vmem_shared>> -> memref<10240x64xf32, #tpu.memory_space<vmem_shared>>
      %dma_start3A_285 = tpu.memref_slice %arg18[%dma_start3A_274] : memref<5x!tpu.dma_semaphore, #tpu.memory_space<semaphore_mem>> -> memref<1x!tpu.dma_semaphore, #tpu.memory_space<semaphore_mem>>
      %dma_start3A_286 = tpu.memref_squeeze %dma_start3A_285 : memref<1x!tpu.dma_semaphore, #tpu.memory_space<semaphore_mem>> -> memref<!tpu.dma_semaphore, #tpu.memory_space<semaphore_mem>>
      tpu.enqueue_indirect_dma source(%dma_start3A_278 : memref<128x64xf32, #tpu.memory_space<vmem>>) target(%dma_start3A_284 : memref<10240x64xf32, #tpu.memory_space<vmem_shared>>) offsets(%dma_start3A_281 : memref<128xi32, #tpu.memory_space<vmem>>) semaphore(%dma_start3A_286 : memref<!tpu.dma_semaphore, #tpu.memory_space<semaphore_mem>>) {add = true}
      %convert_element_type3A_287 = arith.extui %or3A : i1 to i32
      %cond3A_288 = arith.constant 0 : i32
      %cond3A_289 = arith.cmpi ne, %convert_element_type3A_287, %cond3A_288 : i32
      scf.if %cond3A_289 {
        %dma_start3A_654 = arith.constant 4 : i32
        %dma_start3A_655 = arith.constant 0 : i32
        %dma_start3A_656 = tpu.memref_slice %arg11[%dma_start3A_654, %dma_start3A_655] : memref<10x128xi32, #tpu.memory_space<vmem>> -> memref<1x128xi32, #tpu.memory_space<vmem>>
        %dma_start3A_657 = tpu.memref_squeeze %dma_start3A_656 : memref<1x128xi32, #tpu.memory_space<vmem>> -> memref<128xi32, #tpu.memory_space<vmem>>
        %dma_start3A_658 = arith.constant 0 : i32
        %dma_start3A_659 = tpu.memref_slice %arg16[%dma_start3A_658] : memref<10240xf32, #tpu.memory_space<vmem_shared>> -> memref<10240xf32, #tpu.memory_space<vmem_shared>>
        tpu.enqueue_indirect_dma source(%arg12 : memref<128xf32, #tpu.memory_space<vmem>>) target(%dma_start3A_659 : memref<10240xf32, #tpu.memory_space<vmem_shared>>) offsets(%dma_start3A_657 : memref<128xi32, #tpu.memory_space<vmem>>) semaphore(%arg19 : memref<!tpu.dma_semaphore, #tpu.memory_space<semaphore_mem>>) {add = true}
      } else {
      }
      %dma_wait3A_290 = arith.constant 0 : i32
      %dma_wait3A_291 = arith.constant 0 : i32
      %dma_wait3A_292 = arith.constant 0 : i32
      %dma_wait3A_293 = arith.constant 0 : i32
      %dma_wait3A_294 = arith.constant 0 : i32
      %dma_wait3A_295 = tpu.memref_slice %arg13[%dma_wait3A_290, %dma_wait3A_293, %dma_wait3A_294] : memref<5x128x64xf32, #tpu.memory_space<vmem>> -> memref<1x128x64xf32, #tpu.memory_space<vmem>>
      %dma_wait3A_296 = tpu.memref_squeeze %dma_wait3A_295 : memref<1x128x64xf32, #tpu.memory_space<vmem>> -> memref<128x64xf32, #tpu.memory_space<vmem>>
      %dma_wait3A_297 = arith.constant 0 : i32
      %dma_wait3A_298 = tpu.memref_slice %arg11[%dma_wait3A_291, %dma_wait3A_297] : memref<10x128xi32, #tpu.memory_space<vmem>> -> memref<1x128xi32, #tpu.memory_space<vmem>>
      %dma_wait3A_299 = tpu.memref_squeeze %dma_wait3A_298 : memref<1x128xi32, #tpu.memory_space<vmem>> -> memref<128xi32, #tpu.memory_space<vmem>>
      %dma_wait3A_300 = arith.constant 0 : i32
      %dma_wait3A_301 = arith.constant 0 : i32
      %dma_wait3A_302 = tpu.memref_slice %arg15[%dma_wait3A_300, %dma_wait3A_301] : memref<10240x64xf32, #tpu.memory_space<vmem_shared>> -> memref<10240x64xf32, #tpu.memory_space<vmem_shared>>
      %dma_wait3A_303 = tpu.memref_slice %arg18[%dma_wait3A_292] : memref<5x!tpu.dma_semaphore, #tpu.memory_space<semaphore_mem>> -> memref<1x!tpu.dma_semaphore, #tpu.memory_space<semaphore_mem>>
      %dma_wait3A_304 = tpu.memref_squeeze %dma_wait3A_303 : memref<1x!tpu.dma_semaphore, #tpu.memory_space<semaphore_mem>> -> memref<!tpu.dma_semaphore, #tpu.memory_space<semaphore_mem>>
      tpu.wait_indirect_dma semaphore(%dma_wait3A_304 : memref<!tpu.dma_semaphore, #tpu.memory_space<semaphore_mem>>) src(%dma_wait3A_296 : memref<128x64xf32, #tpu.memory_space<vmem>>) dst(%dma_wait3A_302 : memref<10240x64xf32, #tpu.memory_space<vmem_shared>>)
      %dma_wait3A_305 = arith.constant 1 : i32
      %dma_wait3A_306 = arith.constant 1 : i32
      %dma_wait3A_307 = arith.constant 1 : i32
      %dma_wait3A_308 = arith.constant 0 : i32
      %dma_wait3A_309 = arith.constant 0 : i32
      %dma_wait3A_310 = tpu.memref_slice %arg13[%dma_wait3A_305, %dma_wait3A_308, %dma_wait3A_309] : memref<5x128x64xf32, #tpu.memory_space<vmem>> -> memref<1x128x64xf32, #tpu.memory_space<vmem>>
      %dma_wait3A_311 = tpu.memref_squeeze %dma_wait3A_310 : memref<1x128x64xf32, #tpu.memory_space<vmem>> -> memref<128x64xf32, #tpu.memory_space<vmem>>
      %dma_wait3A_312 = arith.constant 0 : i32
      %dma_wait3A_313 = tpu.memref_slice %arg11[%dma_wait3A_306, %dma_wait3A_312] : memref<10x128xi32, #tpu.memory_space<vmem>> -> memref<1x128xi32, #tpu.memory_space<vmem>>
      %dma_wait3A_314 = tpu.memref_squeeze %dma_wait3A_313 : memref<1x128xi32, #tpu.memory_space<vmem>> -> memref<128xi32, #tpu.memory_space<vmem>>
      %dma_wait3A_315 = arith.constant 0 : i32
      %dma_wait3A_316 = arith.constant 0 : i32
      %dma_wait3A_317 = tpu.memref_slice %arg15[%dma_wait3A_315, %dma_wait3A_316] : memref<10240x64xf32, #tpu.memory_space<vmem_shared>> -> memref<10240x64xf32, #tpu.memory_space<vmem_shared>>
      %dma_wait3A_318 = tpu.memref_slice %arg18[%dma_wait3A_307] : memref<5x!tpu.dma_semaphore, #tpu.memory_space<semaphore_mem>> -> memref<1x!tpu.dma_semaphore, #tpu.memory_space<semaphore_mem>>
      %dma_wait3A_319 = tpu.memref_squeeze %dma_wait3A_318 : memref<1x!tpu.dma_semaphore, #tpu.memory_space<semaphore_mem>> -> memref<!tpu.dma_semaphore, #tpu.memory_space<semaphore_mem>>
      tpu.wait_indirect_dma semaphore(%dma_wait3A_319 : memref<!tpu.dma_semaphore, #tpu.memory_space<semaphore_mem>>) src(%dma_wait3A_311 : memref<128x64xf32, #tpu.memory_space<vmem>>) dst(%dma_wait3A_317 : memref<10240x64xf32, #tpu.memory_space<vmem_shared>>)
      %dma_wait3A_320 = arith.constant 2 : i32
      %dma_wait3A_321 = arith.constant 2 : i32
      %dma_wait3A_322 = arith.constant 2 : i32
      %dma_wait3A_323 = arith.constant 0 : i32
      %dma_wait3A_324 = arith.constant 0 : i32
      %dma_wait3A_325 = tpu.memref_slice %arg13[%dma_wait3A_320, %dma_wait3A_323, %dma_wait3A_324] : memref<5x128x64xf32, #tpu.memory_space<vmem>> -> memref<1x128x64xf32, #tpu.memory_space<vmem>>
      %dma_wait3A_326 = tpu.memref_squeeze %dma_wait3A_325 : memref<1x128x64xf32, #tpu.memory_space<vmem>> -> memref<128x64xf32, #tpu.memory_space<vmem>>
      %dma_wait3A_327 = arith.constant 0 : i32
      %dma_wait3A_328 = tpu.memref_slice %arg11[%dma_wait3A_321, %dma_wait3A_327] : memref<10x128xi32, #tpu.memory_space<vmem>> -> memref<1x128xi32, #tpu.memory_space<vmem>>
      %dma_wait3A_329 = tpu.memref_squeeze %dma_wait3A_328 : memref<1x128xi32, #tpu.memory_space<vmem>> -> memref<128xi32, #tpu.memory_space<vmem>>
      %dma_wait3A_330 = arith.constant 0 : i32
      %dma_wait3A_331 = arith.constant 0 : i32
      %dma_wait3A_332 = tpu.memref_slice %arg15[%dma_wait3A_330, %dma_wait3A_331] : memref<10240x64xf32, #tpu.memory_space<vmem_shared>> -> memref<10240x64xf32, #tpu.memory_space<vmem_shared>>
      %dma_wait3A_333 = tpu.memref_slice %arg18[%dma_wait3A_322] : memref<5x!tpu.dma_semaphore, #tpu.memory_space<semaphore_mem>> -> memref<1x!tpu.dma_semaphore, #tpu.memory_space<semaphore_mem>>
      %dma_wait3A_334 = tpu.memref_squeeze %dma_wait3A_333 : memref<1x!tpu.dma_semaphore, #tpu.memory_space<semaphore_mem>> -> memref<!tpu.dma_semaphore, #tpu.memory_space<semaphore_mem>>
      tpu.wait_indirect_dma semaphore(%dma_wait3A_334 : memref<!tpu.dma_semaphore, #tpu.memory_space<semaphore_mem>>) src(%dma_wait3A_326 : memref<128x64xf32, #tpu.memory_space<vmem>>) dst(%dma_wait3A_332 : memref<10240x64xf32, #tpu.memory_space<vmem_shared>>)
      %dma_wait3A_335 = arith.constant 3 : i32
      %dma_wait3A_336 = arith.constant 3 : i32
      %dma_wait3A_337 = arith.constant 3 : i32
      %dma_wait3A_338 = arith.constant 0 : i32
      %dma_wait3A_339 = arith.constant 0 : i32
      %dma_wait3A_340 = tpu.memref_slice %arg13[%dma_wait3A_335, %dma_wait3A_338, %dma_wait3A_339] : memref<5x128x64xf32, #tpu.memory_space<vmem>> -> memref<1x128x64xf32, #tpu.memory_space<vmem>>
      %dma_wait3A_341 = tpu.memref_squeeze %dma_wait3A_340 : memref<1x128x64xf32, #tpu.memory_space<vmem>> -> memref<128x64xf32, #tpu.memory_space<vmem>>
      %dma_wait3A_342 = arith.constant 0 : i32
      %dma_wait3A_343 = tpu.memref_slice %arg11[%dma_wait3A_336, %dma_wait3A_342] : memref<10x128xi32, #tpu.memory_space<vmem>> -> memref<1x128xi32, #tpu.memory_space<vmem>>
      %dma_wait3A_344 = tpu.memref_squeeze %dma_wait3A_343 : memref<1x128xi32, #tpu.memory_space<vmem>> -> memref<128xi32, #tpu.memory_space<vmem>>
      %dma_wait3A_345 = arith.constant 0 : i32
      %dma_wait3A_346 = arith.constant 0 : i32
      %dma_wait3A_347 = tpu.memref_slice %arg15[%dma_wait3A_345, %dma_wait3A_346] : memref<10240x64xf32, #tpu.memory_space<vmem_shared>> -> memref<10240x64xf32, #tpu.memory_space<vmem_shared>>
      %dma_wait3A_348 = tpu.memref_slice %arg18[%dma_wait3A_337] : memref<5x!tpu.dma_semaphore, #tpu.memory_space<semaphore_mem>> -> memref<1x!tpu.dma_semaphore, #tpu.memory_space<semaphore_mem>>
      %dma_wait3A_349 = tpu.memref_squeeze %dma_wait3A_348 : memref<1x!tpu.dma_semaphore, #tpu.memory_space<semaphore_mem>> -> memref<!tpu.dma_semaphore, #tpu.memory_space<semaphore_mem>>
      tpu.wait_indirect_dma semaphore(%dma_wait3A_349 : memref<!tpu.dma_semaphore, #tpu.memory_space<semaphore_mem>>) src(%dma_wait3A_341 : memref<128x64xf32, #tpu.memory_space<vmem>>) dst(%dma_wait3A_347 : memref<10240x64xf32, #tpu.memory_space<vmem_shared>>)
      %dma_wait3A_350 = arith.constant 4 : i32
      %dma_wait3A_351 = arith.constant 4 : i32
      %dma_wait3A_352 = arith.constant 4 : i32
      %dma_wait3A_353 = arith.constant 0 : i32
      %dma_wait3A_354 = arith.constant 0 : i32
      %dma_wait3A_355 = tpu.memref_slice %arg13[%dma_wait3A_350, %dma_wait3A_353, %dma_wait3A_354] : memref<5x128x64xf32, #tpu.memory_space<vmem>> -> memref<1x128x64xf32, #tpu.memory_space<vmem>>
      %dma_wait3A_356 = tpu.memref_squeeze %dma_wait3A_355 : memref<1x128x64xf32, #tpu.memory_space<vmem>> -> memref<128x64xf32, #tpu.memory_space<vmem>>
      %dma_wait3A_357 = arith.constant 0 : i32
      %dma_wait3A_358 = tpu.memref_slice %arg11[%dma_wait3A_351, %dma_wait3A_357] : memref<10x128xi32, #tpu.memory_space<vmem>> -> memref<1x128xi32, #tpu.memory_space<vmem>>
      %dma_wait3A_359 = tpu.memref_squeeze %dma_wait3A_358 : memref<1x128xi32, #tpu.memory_space<vmem>> -> memref<128xi32, #tpu.memory_space<vmem>>
      %dma_wait3A_360 = arith.constant 0 : i32
      %dma_wait3A_361 = arith.constant 0 : i32
      %dma_wait3A_362 = tpu.memref_slice %arg15[%dma_wait3A_360, %dma_wait3A_361] : memref<10240x64xf32, #tpu.memory_space<vmem_shared>> -> memref<10240x64xf32, #tpu.memory_space<vmem_shared>>
      %dma_wait3A_363 = tpu.memref_slice %arg18[%dma_wait3A_352] : memref<5x!tpu.dma_semaphore, #tpu.memory_space<semaphore_mem>> -> memref<1x!tpu.dma_semaphore, #tpu.memory_space<semaphore_mem>>
      %dma_wait3A_364 = tpu.memref_squeeze %dma_wait3A_363 : memref<1x!tpu.dma_semaphore, #tpu.memory_space<semaphore_mem>> -> memref<!tpu.dma_semaphore, #tpu.memory_space<semaphore_mem>>
      tpu.wait_indirect_dma semaphore(%dma_wait3A_364 : memref<!tpu.dma_semaphore, #tpu.memory_space<semaphore_mem>>) src(%dma_wait3A_356 : memref<128x64xf32, #tpu.memory_space<vmem>>) dst(%dma_wait3A_362 : memref<10240x64xf32, #tpu.memory_space<vmem_shared>>)
      %convert_element_type3A_365 = arith.extui %or3A : i1 to i32
      %cond3A_366 = arith.constant 0 : i32
      %cond3A_367 = arith.cmpi ne, %convert_element_type3A_365, %cond3A_366 : i32
      scf.if %cond3A_367 {
        %dma_wait3A_654 = arith.constant 0 : i32
        %dma_wait3A_655 = arith.constant 0 : i32
        %dma_wait3A_656 = arith.constant 0 : i32
        %dma_wait3A_657 = tpu.memref_slice %arg10[%dma_wait3A_655, %dma_wait3A_656] : memref<10x128xi32, #tpu.memory_space<vmem>> -> memref<5x128xi32, #tpu.memory_space<vmem>>
        %dma_wait3A_658 = arith.constant 0 : i32
        %dma_wait3A_659 = arith.constant 0 : i32
        %dma_wait3A_660 = tpu.memref_slice %arg2[%arg1, %dma_wait3A_654, %dma_wait3A_658, %dma_wait3A_659] : memref<16x32x5x128xi32, #tpu.memory_space<hbm>> -> memref<1x1x5x128xi32, #tpu.memory_space<hbm>>
        %dma_wait3A_661 = tpu.memref_squeeze %dma_wait3A_660 : memref<1x1x5x128xi32, #tpu.memory_space<hbm>> -> memref<5x128xi32, #tpu.memory_space<hbm>>
        %dma_wait3A_662 = arith.constant 0 : i32
        %dma_wait3A_663 = arith.constant 0 : i32
        %dma_wait3A_664 = tpu.memref_slice %arg10[%dma_wait3A_662, %dma_wait3A_663] : memref<10x128xi32, #tpu.memory_space<vmem>> -> memref<5x128xi32, #tpu.memory_space<vmem>>
        %dma_wait3A_665 = arith.constant 0 : i32
        %dma_wait3A_666 = arith.constant 0 : i32
        %dma_wait3A_667 = tpu.memref_slice %arg2[%arg1, %dma_wait3A_654, %dma_wait3A_665, %dma_wait3A_666] : memref<16x32x5x128xi32, #tpu.memory_space<hbm>> -> memref<1x1x5x128xi32, #tpu.memory_space<hbm>>
        %dma_wait3A_668 = tpu.memref_squeeze %dma_wait3A_667 : memref<1x1x5x128xi32, #tpu.memory_space<hbm>> -> memref<5x128xi32, #tpu.memory_space<hbm>>
        tpu.wait_dma2 semaphore(%arg19 : memref<!tpu.dma_semaphore, #tpu.memory_space<semaphore_mem>>) src(%dma_wait3A_668 : memref<5x128xi32, #tpu.memory_space<hbm>>) dst(%dma_wait3A_664 : memref<5x128xi32, #tpu.memory_space<vmem>>)
      } else {
      }
      %add3A_368 = arith.constant 1 : i32
      %add3A_369 = arith.addi %add3A_121, %add3A_368 : i32
      %lt3A_370 = arith.constant 32 : i32
      %lt3A_371 = arith.cmpi slt, %add3A_369, %lt3A_370 : i32
      %convert_element_type3A_372 = arith.extui %lt3A_371 : i1 to i32
      %cond3A_373 = arith.constant 0 : i32
      %cond3A_374 = arith.cmpi ne, %convert_element_type3A_372, %cond3A_373 : i32
      scf.if %cond3A_374 {
        %dma_wait3A_654 = arith.constant 0 : i32
        %dma_wait3A_655 = arith.constant 1 : i32
        %dma_wait3A_656 = arith.constant 5 : i32
        %dma_wait3A_657 = arith.constant 0 : i32
        %dma_wait3A_658 = tpu.memref_slice %arg10[%dma_wait3A_656, %dma_wait3A_657] : memref<10x128xi32, #tpu.memory_space<vmem>> -> memref<5x128xi32, #tpu.memory_space<vmem>>
        %dma_wait3A_659 = arith.constant 0 : i32
        %dma_wait3A_660 = arith.constant 0 : i32
        %dma_wait3A_661 = tpu.memref_slice %arg2[%arg1, %dma_wait3A_654, %dma_wait3A_659, %dma_wait3A_660] : memref<16x32x5x128xi32, #tpu.memory_space<hbm>> -> memref<1x1x5x128xi32, #tpu.memory_space<hbm>>
        %dma_wait3A_662 = tpu.memref_squeeze %dma_wait3A_661 : memref<1x1x5x128xi32, #tpu.memory_space<hbm>> -> memref<5x128xi32, #tpu.memory_space<hbm>>
        %dma_wait3A_663 = tpu.memref_slice %arg20[%dma_wait3A_655] : memref<2x!tpu.dma_semaphore, #tpu.memory_space<semaphore_mem>> -> memref<1x!tpu.dma_semaphore, #tpu.memory_space<semaphore_mem>>
        %dma_wait3A_664 = tpu.memref_squeeze %dma_wait3A_663 : memref<1x!tpu.dma_semaphore, #tpu.memory_space<semaphore_mem>> -> memref<!tpu.dma_semaphore, #tpu.memory_space<semaphore_mem>>
        %dma_wait3A_665 = arith.constant 5 : i32
        %dma_wait3A_666 = arith.constant 0 : i32
        %dma_wait3A_667 = tpu.memref_slice %arg10[%dma_wait3A_665, %dma_wait3A_666] : memref<10x128xi32, #tpu.memory_space<vmem>> -> memref<5x128xi32, #tpu.memory_space<vmem>>
        %dma_wait3A_668 = arith.constant 0 : i32
        %dma_wait3A_669 = arith.constant 0 : i32
        %dma_wait3A_670 = tpu.memref_slice %arg2[%arg1, %dma_wait3A_654, %dma_wait3A_668, %dma_wait3A_669] : memref<16x32x5x128xi32, #tpu.memory_space<hbm>> -> memref<1x1x5x128xi32, #tpu.memory_space<hbm>>
        %dma_wait3A_671 = tpu.memref_squeeze %dma_wait3A_670 : memref<1x1x5x128xi32, #tpu.memory_space<hbm>> -> memref<5x128xi32, #tpu.memory_space<hbm>>
        tpu.wait_dma2 semaphore(%dma_wait3A_664 : memref<!tpu.dma_semaphore, #tpu.memory_space<semaphore_mem>>) src(%dma_wait3A_671 : memref<5x128xi32, #tpu.memory_space<hbm>>) dst(%dma_wait3A_667 : memref<5x128xi32, #tpu.memory_space<vmem>>)
        %dma_wait3A_672 = arith.constant 0 : i32
        %dma_wait3A_673 = arith.constant 1 : i32
        %dma_wait3A_674 = arith.constant 5 : i32
        %dma_wait3A_675 = arith.constant 0 : i32
        %dma_wait3A_676 = tpu.memref_slice %arg11[%dma_wait3A_674, %dma_wait3A_675] : memref<10x128xi32, #tpu.memory_space<vmem>> -> memref<5x128xi32, #tpu.memory_space<vmem>>
        %dma_wait3A_677 = arith.constant 0 : i32
        %dma_wait3A_678 = arith.constant 0 : i32
        %dma_wait3A_679 = tpu.memref_slice %arg3[%arg1, %dma_wait3A_672, %dma_wait3A_677, %dma_wait3A_678] : memref<16x32x5x128xi32, #tpu.memory_space<hbm>> -> memref<1x1x5x128xi32, #tpu.memory_space<hbm>>
        %dma_wait3A_680 = tpu.memref_squeeze %dma_wait3A_679 : memref<1x1x5x128xi32, #tpu.memory_space<hbm>> -> memref<5x128xi32, #tpu.memory_space<hbm>>
        %dma_wait3A_681 = tpu.memref_slice %arg20[%dma_wait3A_673] : memref<2x!tpu.dma_semaphore, #tpu.memory_space<semaphore_mem>> -> memref<1x!tpu.dma_semaphore, #tpu.memory_space<semaphore_mem>>
        %dma_wait3A_682 = tpu.memref_squeeze %dma_wait3A_681 : memref<1x!tpu.dma_semaphore, #tpu.memory_space<semaphore_mem>> -> memref<!tpu.dma_semaphore, #tpu.memory_space<semaphore_mem>>
        %dma_wait3A_683 = arith.constant 5 : i32
        %dma_wait3A_684 = arith.constant 0 : i32
        %dma_wait3A_685 = tpu.memref_slice %arg11[%dma_wait3A_683, %dma_wait3A_684] : memref<10x128xi32, #tpu.memory_space<vmem>> -> memref<5x128xi32, #tpu.memory_space<vmem>>
        %dma_wait3A_686 = arith.constant 0 : i32
        %dma_wait3A_687 = arith.constant 0 : i32
        %dma_wait3A_688 = tpu.memref_slice %arg3[%arg1, %dma_wait3A_672, %dma_wait3A_686, %dma_wait3A_687] : memref<16x32x5x128xi32, #tpu.memory_space<hbm>> -> memref<1x1x5x128xi32, #tpu.memory_space<hbm>>
        %dma_wait3A_689 = tpu.memref_squeeze %dma_wait3A_688 : memref<1x1x5x128xi32, #tpu.memory_space<hbm>> -> memref<5x128xi32, #tpu.memory_space<hbm>>
        tpu.wait_dma2 semaphore(%dma_wait3A_682 : memref<!tpu.dma_semaphore, #tpu.memory_space<semaphore_mem>>) src(%dma_wait3A_689 : memref<5x128xi32, #tpu.memory_space<hbm>>) dst(%dma_wait3A_685 : memref<5x128xi32, #tpu.memory_space<vmem>>)
        %dma_start3A_690 = arith.constant 5 : i32
        %dma_start3A_691 = arith.constant 0 : i32
        %dma_start3A_692 = arith.constant 0 : i32
        %dma_start3A_693 = arith.constant 0 : i32
        %dma_start3A_694 = arith.constant 0 : i32
        %dma_start3A_695 = tpu.memref_slice %arg13[%dma_start3A_691, %dma_start3A_693, %dma_start3A_694] : memref<5x128x64xf32, #tpu.memory_space<vmem>> -> memref<1x128x64xf32, #tpu.memory_space<vmem>>
        %dma_start3A_696 = tpu.memref_squeeze %dma_start3A_695 : memref<1x128x64xf32, #tpu.memory_space<vmem>> -> memref<128x64xf32, #tpu.memory_space<vmem>>
        %dma_start3A_697 = arith.constant 0 : i32
        %dma_start3A_698 = tpu.memref_slice %arg10[%dma_start3A_690, %dma_start3A_697] : memref<10x128xi32, #tpu.memory_space<vmem>> -> memref<1x128xi32, #tpu.memory_space<vmem>>
        %dma_start3A_699 = tpu.memref_squeeze %dma_start3A_698 : memref<1x128xi32, #tpu.memory_space<vmem>> -> memref<128xi32, #tpu.memory_space<vmem>>
        %dma_start3A_700 = arith.constant 0 : i32
        %dma_start3A_701 = arith.constant 0 : i32
        %dma_start3A_702 = tpu.memref_slice %arg14[%dma_start3A_700, %dma_start3A_701] : memref<10240x64xf32, #tpu.memory_space<vmem_shared>> -> memref<10240x64xf32, #tpu.memory_space<vmem_shared>>
        %dma_start3A_703 = tpu.memref_slice %arg17[%dma_start3A_692] : memref<5x!tpu.dma_semaphore, #tpu.memory_space<semaphore_mem>> -> memref<1x!tpu.dma_semaphore, #tpu.memory_space<semaphore_mem>>
        %dma_start3A_704 = tpu.memref_squeeze %dma_start3A_703 : memref<1x!tpu.dma_semaphore, #tpu.memory_space<semaphore_mem>> -> memref<!tpu.dma_semaphore, #tpu.memory_space<semaphore_mem>>
        tpu.enqueue_indirect_dma source(%dma_start3A_702 : memref<10240x64xf32, #tpu.memory_space<vmem_shared>>) target(%dma_start3A_696 : memref<128x64xf32, #tpu.memory_space<vmem>>) offsets(%dma_start3A_699 : memref<128xi32, #tpu.memory_space<vmem>>) semaphore(%dma_start3A_704 : memref<!tpu.dma_semaphore, #tpu.memory_space<semaphore_mem>>)
        %dma_start3A_705 = arith.constant 6 : i32
        %dma_start3A_706 = arith.constant 1 : i32
        %dma_start3A_707 = arith.constant 1 : i32
        %dma_start3A_708 = arith.constant 0 : i32
        %dma_start3A_709 = arith.constant 0 : i32
        %dma_start3A_710 = tpu.memref_slice %arg13[%dma_start3A_706, %dma_start3A_708, %dma_start3A_709] : memref<5x128x64xf32, #tpu.memory_space<vmem>> -> memref<1x128x64xf32, #tpu.memory_space<vmem>>
        %dma_start3A_711 = tpu.memref_squeeze %dma_start3A_710 : memref<1x128x64xf32, #tpu.memory_space<vmem>> -> memref<128x64xf32, #tpu.memory_space<vmem>>
        %dma_start3A_712 = arith.constant 0 : i32
        %dma_start3A_713 = tpu.memref_slice %arg10[%dma_start3A_705, %dma_start3A_712] : memref<10x128xi32, #tpu.memory_space<vmem>> -> memref<1x128xi32, #tpu.memory_space<vmem>>
        %dma_start3A_714 = tpu.memref_squeeze %dma_start3A_713 : memref<1x128xi32, #tpu.memory_space<vmem>> -> memref<128xi32, #tpu.memory_space<vmem>>
        %dma_start3A_715 = arith.constant 0 : i32
        %dma_start3A_716 = arith.constant 0 : i32
        %dma_start3A_717 = tpu.memref_slice %arg14[%dma_start3A_715, %dma_start3A_716] : memref<10240x64xf32, #tpu.memory_space<vmem_shared>> -> memref<10240x64xf32, #tpu.memory_space<vmem_shared>>
        %dma_start3A_718 = tpu.memref_slice %arg17[%dma_start3A_707] : memref<5x!tpu.dma_semaphore, #tpu.memory_space<semaphore_mem>> -> memref<1x!tpu.dma_semaphore, #tpu.memory_space<semaphore_mem>>
        %dma_start3A_719 = tpu.memref_squeeze %dma_start3A_718 : memref<1x!tpu.dma_semaphore, #tpu.memory_space<semaphore_mem>> -> memref<!tpu.dma_semaphore, #tpu.memory_space<semaphore_mem>>
        tpu.enqueue_indirect_dma source(%dma_start3A_717 : memref<10240x64xf32, #tpu.memory_space<vmem_shared>>) target(%dma_start3A_711 : memref<128x64xf32, #tpu.memory_space<vmem>>) offsets(%dma_start3A_714 : memref<128xi32, #tpu.memory_space<vmem>>) semaphore(%dma_start3A_719 : memref<!tpu.dma_semaphore, #tpu.memory_space<semaphore_mem>>)
        %dma_start3A_720 = arith.constant 7 : i32
        %dma_start3A_721 = arith.constant 2 : i32
        %dma_start3A_722 = arith.constant 2 : i32
        %dma_start3A_723 = arith.constant 0 : i32
        %dma_start3A_724 = arith.constant 0 : i32
        %dma_start3A_725 = tpu.memref_slice %arg13[%dma_start3A_721, %dma_start3A_723, %dma_start3A_724] : memref<5x128x64xf32, #tpu.memory_space<vmem>> -> memref<1x128x64xf32, #tpu.memory_space<vmem>>
        %dma_start3A_726 = tpu.memref_squeeze %dma_start3A_725 : memref<1x128x64xf32, #tpu.memory_space<vmem>> -> memref<128x64xf32, #tpu.memory_space<vmem>>
        %dma_start3A_727 = arith.constant 0 : i32
        %dma_start3A_728 = tpu.memref_slice %arg10[%dma_start3A_720, %dma_start3A_727] : memref<10x128xi32, #tpu.memory_space<vmem>> -> memref<1x128xi32, #tpu.memory_space<vmem>>
        %dma_start3A_729 = tpu.memref_squeeze %dma_start3A_728 : memref<1x128xi32, #tpu.memory_space<vmem>> -> memref<128xi32, #tpu.memory_space<vmem>>
        %dma_start3A_730 = arith.constant 0 : i32
        %dma_start3A_731 = arith.constant 0 : i32
        %dma_start3A_732 = tpu.memref_slice %arg14[%dma_start3A_730, %dma_start3A_731] : memref<10240x64xf32, #tpu.memory_space<vmem_shared>> -> memref<10240x64xf32, #tpu.memory_space<vmem_shared>>
        %dma_start3A_733 = tpu.memref_slice %arg17[%dma_start3A_722] : memref<5x!tpu.dma_semaphore, #tpu.memory_space<semaphore_mem>> -> memref<1x!tpu.dma_semaphore, #tpu.memory_space<semaphore_mem>>
        %dma_start3A_734 = tpu.memref_squeeze %dma_start3A_733 : memref<1x!tpu.dma_semaphore, #tpu.memory_space<semaphore_mem>> -> memref<!tpu.dma_semaphore, #tpu.memory_space<semaphore_mem>>
        tpu.enqueue_indirect_dma source(%dma_start3A_732 : memref<10240x64xf32, #tpu.memory_space<vmem_shared>>) target(%dma_start3A_726 : memref<128x64xf32, #tpu.memory_space<vmem>>) offsets(%dma_start3A_729 : memref<128xi32, #tpu.memory_space<vmem>>) semaphore(%dma_start3A_734 : memref<!tpu.dma_semaphore, #tpu.memory_space<semaphore_mem>>)
        %dma_start3A_735 = arith.constant 8 : i32
        %dma_start3A_736 = arith.constant 3 : i32
        %dma_start3A_737 = arith.constant 3 : i32
        %dma_start3A_738 = arith.constant 0 : i32
        %dma_start3A_739 = arith.constant 0 : i32
        %dma_start3A_740 = tpu.memref_slice %arg13[%dma_start3A_736, %dma_start3A_738, %dma_start3A_739] : memref<5x128x64xf32, #tpu.memory_space<vmem>> -> memref<1x128x64xf32, #tpu.memory_space<vmem>>
        %dma_start3A_741 = tpu.memref_squeeze %dma_start3A_740 : memref<1x128x64xf32, #tpu.memory_space<vmem>> -> memref<128x64xf32, #tpu.memory_space<vmem>>
        %dma_start3A_742 = arith.constant 0 : i32
        %dma_start3A_743 = tpu.memref_slice %arg10[%dma_start3A_735, %dma_start3A_742] : memref<10x128xi32, #tpu.memory_space<vmem>> -> memref<1x128xi32, #tpu.memory_space<vmem>>
        %dma_start3A_744 = tpu.memref_squeeze %dma_start3A_743 : memref<1x128xi32, #tpu.memory_space<vmem>> -> memref<128xi32, #tpu.memory_space<vmem>>
        %dma_start3A_745 = arith.constant 0 : i32
        %dma_start3A_746 = arith.constant 0 : i32
        %dma_start3A_747 = tpu.memref_slice %arg14[%dma_start3A_745, %dma_start3A_746] : memref<10240x64xf32, #tpu.memory_space<vmem_shared>> -> memref<10240x64xf32, #tpu.memory_space<vmem_shared>>
        %dma_start3A_748 = tpu.memref_slice %arg17[%dma_start3A_737] : memref<5x!tpu.dma_semaphore, #tpu.memory_space<semaphore_mem>> -> memref<1x!tpu.dma_semaphore, #tpu.memory_space<semaphore_mem>>
        %dma_start3A_749 = tpu.memref_squeeze %dma_start3A_748 : memref<1x!tpu.dma_semaphore, #tpu.memory_space<semaphore_mem>> -> memref<!tpu.dma_semaphore, #tpu.memory_space<semaphore_mem>>
        tpu.enqueue_indirect_dma source(%dma_start3A_747 : memref<10240x64xf32, #tpu.memory_space<vmem_shared>>) target(%dma_start3A_741 : memref<128x64xf32, #tpu.memory_space<vmem>>) offsets(%dma_start3A_744 : memref<128xi32, #tpu.memory_space<vmem>>) semaphore(%dma_start3A_749 : memref<!tpu.dma_semaphore, #tpu.memory_space<semaphore_mem>>)
        %dma_start3A_750 = arith.constant 9 : i32
        %dma_start3A_751 = arith.constant 4 : i32
        %dma_start3A_752 = arith.constant 4 : i32
        %dma_start3A_753 = arith.constant 0 : i32
        %dma_start3A_754 = arith.constant 0 : i32
        %dma_start3A_755 = tpu.memref_slice %arg13[%dma_start3A_751, %dma_start3A_753, %dma_start3A_754] : memref<5x128x64xf32, #tpu.memory_space<vmem>> -> memref<1x128x64xf32, #tpu.memory_space<vmem>>
        %dma_start3A_756 = tpu.memref_squeeze %dma_start3A_755 : memref<1x128x64xf32, #tpu.memory_space<vmem>> -> memref<128x64xf32, #tpu.memory_space<vmem>>
        %dma_start3A_757 = arith.constant 0 : i32
        %dma_start3A_758 = tpu.memref_slice %arg10[%dma_start3A_750, %dma_start3A_757] : memref<10x128xi32, #tpu.memory_space<vmem>> -> memref<1x128xi32, #tpu.memory_space<vmem>>
        %dma_start3A_759 = tpu.memref_squeeze %dma_start3A_758 : memref<1x128xi32, #tpu.memory_space<vmem>> -> memref<128xi32, #tpu.memory_space<vmem>>
        %dma_start3A_760 = arith.constant 0 : i32
        %dma_start3A_761 = arith.constant 0 : i32
        %dma_start3A_762 = tpu.memref_slice %arg14[%dma_start3A_760, %dma_start3A_761] : memref<10240x64xf32, #tpu.memory_space<vmem_shared>> -> memref<10240x64xf32, #tpu.memory_space<vmem_shared>>
        %dma_start3A_763 = tpu.memref_slice %arg17[%dma_start3A_752] : memref<5x!tpu.dma_semaphore, #tpu.memory_space<semaphore_mem>> -> memref<1x!tpu.dma_semaphore, #tpu.memory_space<semaphore_mem>>
        %dma_start3A_764 = tpu.memref_squeeze %dma_start3A_763 : memref<1x!tpu.dma_semaphore, #tpu.memory_space<semaphore_mem>> -> memref<!tpu.dma_semaphore, #tpu.memory_space<semaphore_mem>>
        tpu.enqueue_indirect_dma source(%dma_start3A_762 : memref<10240x64xf32, #tpu.memory_space<vmem_shared>>) target(%dma_start3A_756 : memref<128x64xf32, #tpu.memory_space<vmem>>) offsets(%dma_start3A_759 : memref<128xi32, #tpu.memory_space<vmem>>) semaphore(%dma_start3A_764 : memref<!tpu.dma_semaphore, #tpu.memory_space<semaphore_mem>>)
      } else {
      }
      %add3A_375 = arith.constant 2 : i32
      %add3A_376 = arith.addi %add3A_121, %add3A_375 : i32
      %lt3A_377 = arith.constant 32 : i32
      %lt3A_378 = arith.cmpi slt, %add3A_376, %lt3A_377 : i32
      %convert_element_type3A_379 = arith.extui %lt3A_378 : i1 to i32
      %cond3A_380 = arith.constant 0 : i32
      %cond3A_381 = arith.cmpi ne, %convert_element_type3A_379, %cond3A_380 : i32
      scf.if %cond3A_381 {
        %add3A_654 = arith.constant 2 : i32
        %add3A_655 = arith.addi %add3A_121, %add3A_654 : i32
        %dma_start3A_656 = arith.constant 0 : i32
        %dma_start3A_657 = arith.constant 0 : i32
        %dma_start3A_658 = arith.constant 0 : i32
        %dma_start3A_659 = tpu.memref_slice %arg10[%dma_start3A_657, %dma_start3A_658] : memref<10x128xi32, #tpu.memory_space<vmem>> -> memref<5x128xi32, #tpu.memory_space<vmem>>
        %dma_start3A_660 = arith.constant 0 : i32
        %dma_start3A_661 = arith.constant 0 : i32
        %dma_start3A_662 = tpu.memref_slice %arg2[%arg1, %add3A_655, %dma_start3A_660, %dma_start3A_661] : memref<16x32x5x128xi32, #tpu.memory_space<hbm>> -> memref<1x1x5x128xi32, #tpu.memory_space<hbm>>
        %dma_start3A_663 = tpu.memref_squeeze %dma_start3A_662 : memref<1x1x5x128xi32, #tpu.memory_space<hbm>> -> memref<5x128xi32, #tpu.memory_space<hbm>>
        %dma_start3A_664 = tpu.memref_slice %arg20[%dma_start3A_656] : memref<2x!tpu.dma_semaphore, #tpu.memory_space<semaphore_mem>> -> memref<1x!tpu.dma_semaphore, #tpu.memory_space<semaphore_mem>>
        %dma_start3A_665 = tpu.memref_squeeze %dma_start3A_664 : memref<1x!tpu.dma_semaphore, #tpu.memory_space<semaphore_mem>> -> memref<!tpu.dma_semaphore, #tpu.memory_space<semaphore_mem>>
        %dma_start3A_666 = arith.constant 0 : i32
        %dma_start3A_667 = arith.constant 0 : i32
        %dma_start3A_668 = tpu.memref_slice %arg10[%dma_start3A_666, %dma_start3A_667] : memref<10x128xi32, #tpu.memory_space<vmem>> -> memref<5x128xi32, #tpu.memory_space<vmem>>
        %dma_start3A_669 = arith.constant 0 : i32
        %dma_start3A_670 = arith.constant 0 : i32
        %dma_start3A_671 = tpu.memref_slice %arg2[%arg1, %add3A_655, %dma_start3A_669, %dma_start3A_670] : memref<16x32x5x128xi32, #tpu.memory_space<hbm>> -> memref<1x1x5x128xi32, #tpu.memory_space<hbm>>
        %dma_start3A_672 = tpu.memref_squeeze %dma_start3A_671 : memref<1x1x5x128xi32, #tpu.memory_space<hbm>> -> memref<5x128xi32, #tpu.memory_space<hbm>>
        tpu.enqueue_dma source(%dma_start3A_672 : memref<5x128xi32, #tpu.memory_space<hbm>>) target(%dma_start3A_668 : memref<5x128xi32, #tpu.memory_space<vmem>>) target_semaphore(%dma_start3A_665 : memref<!tpu.dma_semaphore, #tpu.memory_space<semaphore_mem>>)
        %add3A_673 = arith.constant 2 : i32
        %add3A_674 = arith.addi %add3A_121, %add3A_673 : i32
        %dma_start3A_675 = arith.constant 0 : i32
        %dma_start3A_676 = arith.constant 0 : i32
        %dma_start3A_677 = arith.constant 0 : i32
        %dma_start3A_678 = tpu.memref_slice %arg11[%dma_start3A_676, %dma_start3A_677] : memref<10x128xi32, #tpu.memory_space<vmem>> -> memref<5x128xi32, #tpu.memory_space<vmem>>
        %dma_start3A_679 = arith.constant 0 : i32
        %dma_start3A_680 = arith.constant 0 : i32
        %dma_start3A_681 = tpu.memref_slice %arg3[%arg1, %add3A_674, %dma_start3A_679, %dma_start3A_680] : memref<16x32x5x128xi32, #tpu.memory_space<hbm>> -> memref<1x1x5x128xi32, #tpu.memory_space<hbm>>
        %dma_start3A_682 = tpu.memref_squeeze %dma_start3A_681 : memref<1x1x5x128xi32, #tpu.memory_space<hbm>> -> memref<5x128xi32, #tpu.memory_space<hbm>>
        %dma_start3A_683 = tpu.memref_slice %arg20[%dma_start3A_675] : memref<2x!tpu.dma_semaphore, #tpu.memory_space<semaphore_mem>> -> memref<1x!tpu.dma_semaphore, #tpu.memory_space<semaphore_mem>>
        %dma_start3A_684 = tpu.memref_squeeze %dma_start3A_683 : memref<1x!tpu.dma_semaphore, #tpu.memory_space<semaphore_mem>> -> memref<!tpu.dma_semaphore, #tpu.memory_space<semaphore_mem>>
        %dma_start3A_685 = arith.constant 0 : i32
        %dma_start3A_686 = arith.constant 0 : i32
        %dma_start3A_687 = tpu.memref_slice %arg11[%dma_start3A_685, %dma_start3A_686] : memref<10x128xi32, #tpu.memory_space<vmem>> -> memref<5x128xi32, #tpu.memory_space<vmem>>
        %dma_start3A_688 = arith.constant 0 : i32
        %dma_start3A_689 = arith.constant 0 : i32
        %dma_start3A_690 = tpu.memref_slice %arg3[%arg1, %add3A_674, %dma_start3A_688, %dma_start3A_689] : memref<16x32x5x128xi32, #tpu.memory_space<hbm>> -> memref<1x1x5x128xi32, #tpu.memory_space<hbm>>
        %dma_start3A_691 = tpu.memref_squeeze %dma_start3A_690 : memref<1x1x5x128xi32, #tpu.memory_space<hbm>> -> memref<5x128xi32, #tpu.memory_space<hbm>>
        tpu.enqueue_dma source(%dma_start3A_691 : memref<5x128xi32, #tpu.memory_space<hbm>>) target(%dma_start3A_687 : memref<5x128xi32, #tpu.memory_space<vmem>>) target_semaphore(%dma_start3A_684 : memref<!tpu.dma_semaphore, #tpu.memory_space<semaphore_mem>>)
      } else {
      }
      %mul3A_382 = arith.constant 2 : i32
      %mul3A_383 = arith.muli %mul3A_382, %scan3A_118 : i32
      %add3A_384 = arith.constant 1 : i32
      %add3A_385 = arith.addi %mul3A_383, %add3A_384 : i32
      %eq3A_386 = arith.constant 0 : i32
      %eq3A_387 = arith.cmpi eq, %arg0, %eq3A_386 : i32
      %lt3A_388 = arith.constant 16 : i32
      %lt3A_389 = arith.cmpi slt, %add3A_385, %lt3A_388 : i32
      %and3A_390 = arith.andi %eq3A_387, %lt3A_389 : i1
      %eq3A_391 = arith.constant 1 : i32
      %eq3A_392 = arith.cmpi eq, %arg0, %eq3A_391 : i32
      %ge3A_393 = arith.constant 16 : i32
      %ge3A_394 = arith.cmpi sge, %add3A_385, %ge3A_393 : i32
      %and3A_395 = arith.andi %eq3A_392, %ge3A_394 : i1
      %or3A_396 = arith.ori %and3A_390, %and3A_395 : i1
      %dma_wait3A_397 = arith.constant 0 : i32
      %dma_wait3A_398 = arith.constant 0 : i32
      %dma_wait3A_399 = arith.constant 0 : i32
      %dma_wait3A_400 = arith.constant 0 : i32
      %dma_wait3A_401 = arith.constant 0 : i32
      %dma_wait3A_402 = tpu.memref_slice %arg13[%dma_wait3A_398, %dma_wait3A_400, %dma_wait3A_401] : memref<5x128x64xf32, #tpu.memory_space<vmem>> -> memref<1x128x64xf32, #tpu.memory_space<vmem>>
      %dma_wait3A_403 = tpu.memref_squeeze %dma_wait3A_402 : memref<1x128x64xf32, #tpu.memory_space<vmem>> -> memref<128x64xf32, #tpu.memory_space<vmem>>
      %dma_wait3A_404 = arith.constant 0 : i32
      %dma_wait3A_405 = tpu.memref_slice %arg10[%dma_wait3A_397, %dma_wait3A_404] : memref<10x128xi32, #tpu.memory_space<vmem>> -> memref<1x128xi32, #tpu.memory_space<vmem>>
      %dma_wait3A_406 = tpu.memref_squeeze %dma_wait3A_405 : memref<1x128xi32, #tpu.memory_space<vmem>> -> memref<128xi32, #tpu.memory_space<vmem>>
      %dma_wait3A_407 = arith.constant 0 : i32
      %dma_wait3A_408 = arith.constant 0 : i32
      %dma_wait3A_409 = tpu.memref_slice %arg14[%dma_wait3A_407, %dma_wait3A_408] : memref<10240x64xf32, #tpu.memory_space<vmem_shared>> -> memref<10240x64xf32, #tpu.memory_space<vmem_shared>>
      %dma_wait3A_410 = tpu.memref_slice %arg17[%dma_wait3A_399] : memref<5x!tpu.dma_semaphore, #tpu.memory_space<semaphore_mem>> -> memref<1x!tpu.dma_semaphore, #tpu.memory_space<semaphore_mem>>
      %dma_wait3A_411 = tpu.memref_squeeze %dma_wait3A_410 : memref<1x!tpu.dma_semaphore, #tpu.memory_space<semaphore_mem>> -> memref<!tpu.dma_semaphore, #tpu.memory_space<semaphore_mem>>
      tpu.wait_indirect_dma semaphore(%dma_wait3A_411 : memref<!tpu.dma_semaphore, #tpu.memory_space<semaphore_mem>>) src(%dma_wait3A_409 : memref<10240x64xf32, #tpu.memory_space<vmem_shared>>) dst(%dma_wait3A_403 : memref<128x64xf32, #tpu.memory_space<vmem>>)
      %dma_start3A_412 = arith.constant 0 : i32
      %dma_start3A_413 = arith.constant 5 : i32
      %dma_start3A_414 = arith.constant 0 : i32
      %dma_start3A_415 = arith.constant 0 : i32
      %dma_start3A_416 = arith.constant 0 : i32
      %dma_start3A_417 = tpu.memref_slice %arg13[%dma_start3A_412, %dma_start3A_415, %dma_start3A_416] : memref<5x128x64xf32, #tpu.memory_space<vmem>> -> memref<1x128x64xf32, #tpu.memory_space<vmem>>
      %dma_start3A_418 = tpu.memref_squeeze %dma_start3A_417 : memref<1x128x64xf32, #tpu.memory_space<vmem>> -> memref<128x64xf32, #tpu.memory_space<vmem>>
      %dma_start3A_419 = arith.constant 0 : i32
      %dma_start3A_420 = tpu.memref_slice %arg11[%dma_start3A_413, %dma_start3A_419] : memref<10x128xi32, #tpu.memory_space<vmem>> -> memref<1x128xi32, #tpu.memory_space<vmem>>
      %dma_start3A_421 = tpu.memref_squeeze %dma_start3A_420 : memref<1x128xi32, #tpu.memory_space<vmem>> -> memref<128xi32, #tpu.memory_space<vmem>>
      %dma_start3A_422 = arith.constant 0 : i32
      %dma_start3A_423 = arith.constant 0 : i32
      %dma_start3A_424 = tpu.memref_slice %arg15[%dma_start3A_422, %dma_start3A_423] : memref<10240x64xf32, #tpu.memory_space<vmem_shared>> -> memref<10240x64xf32, #tpu.memory_space<vmem_shared>>
      %dma_start3A_425 = tpu.memref_slice %arg18[%dma_start3A_414] : memref<5x!tpu.dma_semaphore, #tpu.memory_space<semaphore_mem>> -> memref<1x!tpu.dma_semaphore, #tpu.memory_space<semaphore_mem>>
      %dma_start3A_426 = tpu.memref_squeeze %dma_start3A_425 : memref<1x!tpu.dma_semaphore, #tpu.memory_space<semaphore_mem>> -> memref<!tpu.dma_semaphore, #tpu.memory_space<semaphore_mem>>
      tpu.enqueue_indirect_dma source(%dma_start3A_418 : memref<128x64xf32, #tpu.memory_space<vmem>>) target(%dma_start3A_424 : memref<10240x64xf32, #tpu.memory_space<vmem_shared>>) offsets(%dma_start3A_421 : memref<128xi32, #tpu.memory_space<vmem>>) semaphore(%dma_start3A_426 : memref<!tpu.dma_semaphore, #tpu.memory_space<semaphore_mem>>) {add = true}
      %convert_element_type3A_427 = arith.extui %or3A_396 : i1 to i32
      %cond3A_428 = arith.constant 0 : i32
      %cond3A_429 = arith.cmpi ne, %convert_element_type3A_427, %cond3A_428 : i32
      scf.if %cond3A_429 {
        %dma_start3A_654 = arith.constant 5 : i32
        %dma_start3A_655 = arith.constant 0 : i32
        %dma_start3A_656 = tpu.memref_slice %arg11[%dma_start3A_654, %dma_start3A_655] : memref<10x128xi32, #tpu.memory_space<vmem>> -> memref<1x128xi32, #tpu.memory_space<vmem>>
        %dma_start3A_657 = tpu.memref_squeeze %dma_start3A_656 : memref<1x128xi32, #tpu.memory_space<vmem>> -> memref<128xi32, #tpu.memory_space<vmem>>
        %dma_start3A_658 = arith.constant 0 : i32
        %dma_start3A_659 = tpu.memref_slice %arg16[%dma_start3A_658] : memref<10240xf32, #tpu.memory_space<vmem_shared>> -> memref<10240xf32, #tpu.memory_space<vmem_shared>>
        tpu.enqueue_indirect_dma source(%arg12 : memref<128xf32, #tpu.memory_space<vmem>>) target(%dma_start3A_659 : memref<10240xf32, #tpu.memory_space<vmem_shared>>) offsets(%dma_start3A_657 : memref<128xi32, #tpu.memory_space<vmem>>) semaphore(%arg19 : memref<!tpu.dma_semaphore, #tpu.memory_space<semaphore_mem>>) {add = true}
      } else {
      }
      %dma_wait3A_430 = arith.constant 0 : i32
      %dma_wait3A_431 = arith.constant 1 : i32
      %dma_wait3A_432 = arith.constant 1 : i32
      %dma_wait3A_433 = arith.constant 0 : i32
      %dma_wait3A_434 = arith.constant 0 : i32
      %dma_wait3A_435 = tpu.memref_slice %arg13[%dma_wait3A_431, %dma_wait3A_433, %dma_wait3A_434] : memref<5x128x64xf32, #tpu.memory_space<vmem>> -> memref<1x128x64xf32, #tpu.memory_space<vmem>>
      %dma_wait3A_436 = tpu.memref_squeeze %dma_wait3A_435 : memref<1x128x64xf32, #tpu.memory_space<vmem>> -> memref<128x64xf32, #tpu.memory_space<vmem>>
      %dma_wait3A_437 = arith.constant 0 : i32
      %dma_wait3A_438 = tpu.memref_slice %arg10[%dma_wait3A_430, %dma_wait3A_437] : memref<10x128xi32, #tpu.memory_space<vmem>> -> memref<1x128xi32, #tpu.memory_space<vmem>>
      %dma_wait3A_439 = tpu.memref_squeeze %dma_wait3A_438 : memref<1x128xi32, #tpu.memory_space<vmem>> -> memref<128xi32, #tpu.memory_space<vmem>>
      %dma_wait3A_440 = arith.constant 0 : i32
      %dma_wait3A_441 = arith.constant 0 : i32
      %dma_wait3A_442 = tpu.memref_slice %arg14[%dma_wait3A_440, %dma_wait3A_441] : memref<10240x64xf32, #tpu.memory_space<vmem_shared>> -> memref<10240x64xf32, #tpu.memory_space<vmem_shared>>
      %dma_wait3A_443 = tpu.memref_slice %arg17[%dma_wait3A_432] : memref<5x!tpu.dma_semaphore, #tpu.memory_space<semaphore_mem>> -> memref<1x!tpu.dma_semaphore, #tpu.memory_space<semaphore_mem>>
      %dma_wait3A_444 = tpu.memref_squeeze %dma_wait3A_443 : memref<1x!tpu.dma_semaphore, #tpu.memory_space<semaphore_mem>> -> memref<!tpu.dma_semaphore, #tpu.memory_space<semaphore_mem>>
      tpu.wait_indirect_dma semaphore(%dma_wait3A_444 : memref<!tpu.dma_semaphore, #tpu.memory_space<semaphore_mem>>) src(%dma_wait3A_442 : memref<10240x64xf32, #tpu.memory_space<vmem_shared>>) dst(%dma_wait3A_436 : memref<128x64xf32, #tpu.memory_space<vmem>>)
      %dma_start3A_445 = arith.constant 1 : i32
      %dma_start3A_446 = arith.constant 6 : i32
      %dma_start3A_447 = arith.constant 1 : i32
      %dma_start3A_448 = arith.constant 0 : i32
      %dma_start3A_449 = arith.constant 0 : i32
      %dma_start3A_450 = tpu.memref_slice %arg13[%dma_start3A_445, %dma_start3A_448, %dma_start3A_449] : memref<5x128x64xf32, #tpu.memory_space<vmem>> -> memref<1x128x64xf32, #tpu.memory_space<vmem>>
      %dma_start3A_451 = tpu.memref_squeeze %dma_start3A_450 : memref<1x128x64xf32, #tpu.memory_space<vmem>> -> memref<128x64xf32, #tpu.memory_space<vmem>>
      %dma_start3A_452 = arith.constant 0 : i32
      %dma_start3A_453 = tpu.memref_slice %arg11[%dma_start3A_446, %dma_start3A_452] : memref<10x128xi32, #tpu.memory_space<vmem>> -> memref<1x128xi32, #tpu.memory_space<vmem>>
      %dma_start3A_454 = tpu.memref_squeeze %dma_start3A_453 : memref<1x128xi32, #tpu.memory_space<vmem>> -> memref<128xi32, #tpu.memory_space<vmem>>
      %dma_start3A_455 = arith.constant 0 : i32
      %dma_start3A_456 = arith.constant 0 : i32
      %dma_start3A_457 = tpu.memref_slice %arg15[%dma_start3A_455, %dma_start3A_456] : memref<10240x64xf32, #tpu.memory_space<vmem_shared>> -> memref<10240x64xf32, #tpu.memory_space<vmem_shared>>
      %dma_start3A_458 = tpu.memref_slice %arg18[%dma_start3A_447] : memref<5x!tpu.dma_semaphore, #tpu.memory_space<semaphore_mem>> -> memref<1x!tpu.dma_semaphore, #tpu.memory_space<semaphore_mem>>
      %dma_start3A_459 = tpu.memref_squeeze %dma_start3A_458 : memref<1x!tpu.dma_semaphore, #tpu.memory_space<semaphore_mem>> -> memref<!tpu.dma_semaphore, #tpu.memory_space<semaphore_mem>>
      tpu.enqueue_indirect_dma source(%dma_start3A_451 : memref<128x64xf32, #tpu.memory_space<vmem>>) target(%dma_start3A_457 : memref<10240x64xf32, #tpu.memory_space<vmem_shared>>) offsets(%dma_start3A_454 : memref<128xi32, #tpu.memory_space<vmem>>) semaphore(%dma_start3A_459 : memref<!tpu.dma_semaphore, #tpu.memory_space<semaphore_mem>>) {add = true}
      %convert_element_type3A_460 = arith.extui %or3A_396 : i1 to i32
      %cond3A_461 = arith.constant 0 : i32
      %cond3A_462 = arith.cmpi ne, %convert_element_type3A_460, %cond3A_461 : i32
      scf.if %cond3A_462 {
        %dma_start3A_654 = arith.constant 6 : i32
        %dma_start3A_655 = arith.constant 0 : i32
        %dma_start3A_656 = tpu.memref_slice %arg11[%dma_start3A_654, %dma_start3A_655] : memref<10x128xi32, #tpu.memory_space<vmem>> -> memref<1x128xi32, #tpu.memory_space<vmem>>
        %dma_start3A_657 = tpu.memref_squeeze %dma_start3A_656 : memref<1x128xi32, #tpu.memory_space<vmem>> -> memref<128xi32, #tpu.memory_space<vmem>>
        %dma_start3A_658 = arith.constant 0 : i32
        %dma_start3A_659 = tpu.memref_slice %arg16[%dma_start3A_658] : memref<10240xf32, #tpu.memory_space<vmem_shared>> -> memref<10240xf32, #tpu.memory_space<vmem_shared>>
        tpu.enqueue_indirect_dma source(%arg12 : memref<128xf32, #tpu.memory_space<vmem>>) target(%dma_start3A_659 : memref<10240xf32, #tpu.memory_space<vmem_shared>>) offsets(%dma_start3A_657 : memref<128xi32, #tpu.memory_space<vmem>>) semaphore(%arg19 : memref<!tpu.dma_semaphore, #tpu.memory_space<semaphore_mem>>) {add = true}
      } else {
      }
      %dma_wait3A_463 = arith.constant 0 : i32
      %dma_wait3A_464 = arith.constant 2 : i32
      %dma_wait3A_465 = arith.constant 2 : i32
      %dma_wait3A_466 = arith.constant 0 : i32
      %dma_wait3A_467 = arith.constant 0 : i32
      %dma_wait3A_468 = tpu.memref_slice %arg13[%dma_wait3A_464, %dma_wait3A_466, %dma_wait3A_467] : memref<5x128x64xf32, #tpu.memory_space<vmem>> -> memref<1x128x64xf32, #tpu.memory_space<vmem>>
      %dma_wait3A_469 = tpu.memref_squeeze %dma_wait3A_468 : memref<1x128x64xf32, #tpu.memory_space<vmem>> -> memref<128x64xf32, #tpu.memory_space<vmem>>
      %dma_wait3A_470 = arith.constant 0 : i32
      %dma_wait3A_471 = tpu.memref_slice %arg10[%dma_wait3A_463, %dma_wait3A_470] : memref<10x128xi32, #tpu.memory_space<vmem>> -> memref<1x128xi32, #tpu.memory_space<vmem>>
      %dma_wait3A_472 = tpu.memref_squeeze %dma_wait3A_471 : memref<1x128xi32, #tpu.memory_space<vmem>> -> memref<128xi32, #tpu.memory_space<vmem>>
      %dma_wait3A_473 = arith.constant 0 : i32
      %dma_wait3A_474 = arith.constant 0 : i32
      %dma_wait3A_475 = tpu.memref_slice %arg14[%dma_wait3A_473, %dma_wait3A_474] : memref<10240x64xf32, #tpu.memory_space<vmem_shared>> -> memref<10240x64xf32, #tpu.memory_space<vmem_shared>>
      %dma_wait3A_476 = tpu.memref_slice %arg17[%dma_wait3A_465] : memref<5x!tpu.dma_semaphore, #tpu.memory_space<semaphore_mem>> -> memref<1x!tpu.dma_semaphore, #tpu.memory_space<semaphore_mem>>
      %dma_wait3A_477 = tpu.memref_squeeze %dma_wait3A_476 : memref<1x!tpu.dma_semaphore, #tpu.memory_space<semaphore_mem>> -> memref<!tpu.dma_semaphore, #tpu.memory_space<semaphore_mem>>
      tpu.wait_indirect_dma semaphore(%dma_wait3A_477 : memref<!tpu.dma_semaphore, #tpu.memory_space<semaphore_mem>>) src(%dma_wait3A_475 : memref<10240x64xf32, #tpu.memory_space<vmem_shared>>) dst(%dma_wait3A_469 : memref<128x64xf32, #tpu.memory_space<vmem>>)
      %dma_start3A_478 = arith.constant 2 : i32
      %dma_start3A_479 = arith.constant 7 : i32
      %dma_start3A_480 = arith.constant 2 : i32
      %dma_start3A_481 = arith.constant 0 : i32
      %dma_start3A_482 = arith.constant 0 : i32
      %dma_start3A_483 = tpu.memref_slice %arg13[%dma_start3A_478, %dma_start3A_481, %dma_start3A_482] : memref<5x128x64xf32, #tpu.memory_space<vmem>> -> memref<1x128x64xf32, #tpu.memory_space<vmem>>
      %dma_start3A_484 = tpu.memref_squeeze %dma_start3A_483 : memref<1x128x64xf32, #tpu.memory_space<vmem>> -> memref<128x64xf32, #tpu.memory_space<vmem>>
      %dma_start3A_485 = arith.constant 0 : i32
      %dma_start3A_486 = tpu.memref_slice %arg11[%dma_start3A_479, %dma_start3A_485] : memref<10x128xi32, #tpu.memory_space<vmem>> -> memref<1x128xi32, #tpu.memory_space<vmem>>
      %dma_start3A_487 = tpu.memref_squeeze %dma_start3A_486 : memref<1x128xi32, #tpu.memory_space<vmem>> -> memref<128xi32, #tpu.memory_space<vmem>>
      %dma_start3A_488 = arith.constant 0 : i32
      %dma_start3A_489 = arith.constant 0 : i32
      %dma_start3A_490 = tpu.memref_slice %arg15[%dma_start3A_488, %dma_start3A_489] : memref<10240x64xf32, #tpu.memory_space<vmem_shared>> -> memref<10240x64xf32, #tpu.memory_space<vmem_shared>>
      %dma_start3A_491 = tpu.memref_slice %arg18[%dma_start3A_480] : memref<5x!tpu.dma_semaphore, #tpu.memory_space<semaphore_mem>> -> memref<1x!tpu.dma_semaphore, #tpu.memory_space<semaphore_mem>>
      %dma_start3A_492 = tpu.memref_squeeze %dma_start3A_491 : memref<1x!tpu.dma_semaphore, #tpu.memory_space<semaphore_mem>> -> memref<!tpu.dma_semaphore, #tpu.memory_space<semaphore_mem>>
      tpu.enqueue_indirect_dma source(%dma_start3A_484 : memref<128x64xf32, #tpu.memory_space<vmem>>) target(%dma_start3A_490 : memref<10240x64xf32, #tpu.memory_space<vmem_shared>>) offsets(%dma_start3A_487 : memref<128xi32, #tpu.memory_space<vmem>>) semaphore(%dma_start3A_492 : memref<!tpu.dma_semaphore, #tpu.memory_space<semaphore_mem>>) {add = true}
      %convert_element_type3A_493 = arith.extui %or3A_396 : i1 to i32
      %cond3A_494 = arith.constant 0 : i32
      %cond3A_495 = arith.cmpi ne, %convert_element_type3A_493, %cond3A_494 : i32
      scf.if %cond3A_495 {
        %dma_start3A_654 = arith.constant 7 : i32
        %dma_start3A_655 = arith.constant 0 : i32
        %dma_start3A_656 = tpu.memref_slice %arg11[%dma_start3A_654, %dma_start3A_655] : memref<10x128xi32, #tpu.memory_space<vmem>> -> memref<1x128xi32, #tpu.memory_space<vmem>>
        %dma_start3A_657 = tpu.memref_squeeze %dma_start3A_656 : memref<1x128xi32, #tpu.memory_space<vmem>> -> memref<128xi32, #tpu.memory_space<vmem>>
        %dma_start3A_658 = arith.constant 0 : i32
        %dma_start3A_659 = tpu.memref_slice %arg16[%dma_start3A_658] : memref<10240xf32, #tpu.memory_space<vmem_shared>> -> memref<10240xf32, #tpu.memory_space<vmem_shared>>
        tpu.enqueue_indirect_dma source(%arg12 : memref<128xf32, #tpu.memory_space<vmem>>) target(%dma_start3A_659 : memref<10240xf32, #tpu.memory_space<vmem_shared>>) offsets(%dma_start3A_657 : memref<128xi32, #tpu.memory_space<vmem>>) semaphore(%arg19 : memref<!tpu.dma_semaphore, #tpu.memory_space<semaphore_mem>>) {add = true}
      } else {
      }
      %dma_wait3A_496 = arith.constant 0 : i32
      %dma_wait3A_497 = arith.constant 3 : i32
      %dma_wait3A_498 = arith.constant 3 : i32
      %dma_wait3A_499 = arith.constant 0 : i32
      %dma_wait3A_500 = arith.constant 0 : i32
      %dma_wait3A_501 = tpu.memref_slice %arg13[%dma_wait3A_497, %dma_wait3A_499, %dma_wait3A_500] : memref<5x128x64xf32, #tpu.memory_space<vmem>> -> memref<1x128x64xf32, #tpu.memory_space<vmem>>
      %dma_wait3A_502 = tpu.memref_squeeze %dma_wait3A_501 : memref<1x128x64xf32, #tpu.memory_space<vmem>> -> memref<128x64xf32, #tpu.memory_space<vmem>>
      %dma_wait3A_503 = arith.constant 0 : i32
      %dma_wait3A_504 = tpu.memref_slice %arg10[%dma_wait3A_496, %dma_wait3A_503] : memref<10x128xi32, #tpu.memory_space<vmem>> -> memref<1x128xi32, #tpu.memory_space<vmem>>
      %dma_wait3A_505 = tpu.memref_squeeze %dma_wait3A_504 : memref<1x128xi32, #tpu.memory_space<vmem>> -> memref<128xi32, #tpu.memory_space<vmem>>
      %dma_wait3A_506 = arith.constant 0 : i32
      %dma_wait3A_507 = arith.constant 0 : i32
      %dma_wait3A_508 = tpu.memref_slice %arg14[%dma_wait3A_506, %dma_wait3A_507] : memref<10240x64xf32, #tpu.memory_space<vmem_shared>> -> memref<10240x64xf32, #tpu.memory_space<vmem_shared>>
      %dma_wait3A_509 = tpu.memref_slice %arg17[%dma_wait3A_498] : memref<5x!tpu.dma_semaphore, #tpu.memory_space<semaphore_mem>> -> memref<1x!tpu.dma_semaphore, #tpu.memory_space<semaphore_mem>>
      %dma_wait3A_510 = tpu.memref_squeeze %dma_wait3A_509 : memref<1x!tpu.dma_semaphore, #tpu.memory_space<semaphore_mem>> -> memref<!tpu.dma_semaphore, #tpu.memory_space<semaphore_mem>>
      tpu.wait_indirect_dma semaphore(%dma_wait3A_510 : memref<!tpu.dma_semaphore, #tpu.memory_space<semaphore_mem>>) src(%dma_wait3A_508 : memref<10240x64xf32, #tpu.memory_space<vmem_shared>>) dst(%dma_wait3A_502 : memref<128x64xf32, #tpu.memory_space<vmem>>)
      %dma_start3A_511 = arith.constant 3 : i32
      %dma_start3A_512 = arith.constant 8 : i32
      %dma_start3A_513 = arith.constant 3 : i32
      %dma_start3A_514 = arith.constant 0 : i32
      %dma_start3A_515 = arith.constant 0 : i32
      %dma_start3A_516 = tpu.memref_slice %arg13[%dma_start3A_511, %dma_start3A_514, %dma_start3A_515] : memref<5x128x64xf32, #tpu.memory_space<vmem>> -> memref<1x128x64xf32, #tpu.memory_space<vmem>>
      %dma_start3A_517 = tpu.memref_squeeze %dma_start3A_516 : memref<1x128x64xf32, #tpu.memory_space<vmem>> -> memref<128x64xf32, #tpu.memory_space<vmem>>
      %dma_start3A_518 = arith.constant 0 : i32
      %dma_start3A_519 = tpu.memref_slice %arg11[%dma_start3A_512, %dma_start3A_518] : memref<10x128xi32, #tpu.memory_space<vmem>> -> memref<1x128xi32, #tpu.memory_space<vmem>>
      %dma_start3A_520 = tpu.memref_squeeze %dma_start3A_519 : memref<1x128xi32, #tpu.memory_space<vmem>> -> memref<128xi32, #tpu.memory_space<vmem>>
      %dma_start3A_521 = arith.constant 0 : i32
      %dma_start3A_522 = arith.constant 0 : i32
      %dma_start3A_523 = tpu.memref_slice %arg15[%dma_start3A_521, %dma_start3A_522] : memref<10240x64xf32, #tpu.memory_space<vmem_shared>> -> memref<10240x64xf32, #tpu.memory_space<vmem_shared>>
      %dma_start3A_524 = tpu.memref_slice %arg18[%dma_start3A_513] : memref<5x!tpu.dma_semaphore, #tpu.memory_space<semaphore_mem>> -> memref<1x!tpu.dma_semaphore, #tpu.memory_space<semaphore_mem>>
      %dma_start3A_525 = tpu.memref_squeeze %dma_start3A_524 : memref<1x!tpu.dma_semaphore, #tpu.memory_space<semaphore_mem>> -> memref<!tpu.dma_semaphore, #tpu.memory_space<semaphore_mem>>
      tpu.enqueue_indirect_dma source(%dma_start3A_517 : memref<128x64xf32, #tpu.memory_space<vmem>>) target(%dma_start3A_523 : memref<10240x64xf32, #tpu.memory_space<vmem_shared>>) offsets(%dma_start3A_520 : memref<128xi32, #tpu.memory_space<vmem>>) semaphore(%dma_start3A_525 : memref<!tpu.dma_semaphore, #tpu.memory_space<semaphore_mem>>) {add = true}
      %convert_element_type3A_526 = arith.extui %or3A_396 : i1 to i32
      %cond3A_527 = arith.constant 0 : i32
      %cond3A_528 = arith.cmpi ne, %convert_element_type3A_526, %cond3A_527 : i32
      scf.if %cond3A_528 {
        %dma_start3A_654 = arith.constant 8 : i32
        %dma_start3A_655 = arith.constant 0 : i32
        %dma_start3A_656 = tpu.memref_slice %arg11[%dma_start3A_654, %dma_start3A_655] : memref<10x128xi32, #tpu.memory_space<vmem>> -> memref<1x128xi32, #tpu.memory_space<vmem>>
        %dma_start3A_657 = tpu.memref_squeeze %dma_start3A_656 : memref<1x128xi32, #tpu.memory_space<vmem>> -> memref<128xi32, #tpu.memory_space<vmem>>
        %dma_start3A_658 = arith.constant 0 : i32
        %dma_start3A_659 = tpu.memref_slice %arg16[%dma_start3A_658] : memref<10240xf32, #tpu.memory_space<vmem_shared>> -> memref<10240xf32, #tpu.memory_space<vmem_shared>>
        tpu.enqueue_indirect_dma source(%arg12 : memref<128xf32, #tpu.memory_space<vmem>>) target(%dma_start3A_659 : memref<10240xf32, #tpu.memory_space<vmem_shared>>) offsets(%dma_start3A_657 : memref<128xi32, #tpu.memory_space<vmem>>) semaphore(%arg19 : memref<!tpu.dma_semaphore, #tpu.memory_space<semaphore_mem>>) {add = true}
      } else {
      }
      %dma_wait3A_529 = arith.constant 0 : i32
      %dma_wait3A_530 = arith.constant 4 : i32
      %dma_wait3A_531 = arith.constant 4 : i32
      %dma_wait3A_532 = arith.constant 0 : i32
      %dma_wait3A_533 = arith.constant 0 : i32
      %dma_wait3A_534 = tpu.memref_slice %arg13[%dma_wait3A_530, %dma_wait3A_532, %dma_wait3A_533] : memref<5x128x64xf32, #tpu.memory_space<vmem>> -> memref<1x128x64xf32, #tpu.memory_space<vmem>>
      %dma_wait3A_535 = tpu.memref_squeeze %dma_wait3A_534 : memref<1x128x64xf32, #tpu.memory_space<vmem>> -> memref<128x64xf32, #tpu.memory_space<vmem>>
      %dma_wait3A_536 = arith.constant 0 : i32
      %dma_wait3A_537 = tpu.memref_slice %arg10[%dma_wait3A_529, %dma_wait3A_536] : memref<10x128xi32, #tpu.memory_space<vmem>> -> memref<1x128xi32, #tpu.memory_space<vmem>>
      %dma_wait3A_538 = tpu.memref_squeeze %dma_wait3A_537 : memref<1x128xi32, #tpu.memory_space<vmem>> -> memref<128xi32, #tpu.memory_space<vmem>>
      %dma_wait3A_539 = arith.constant 0 : i32
      %dma_wait3A_540 = arith.constant 0 : i32
      %dma_wait3A_541 = tpu.memref_slice %arg14[%dma_wait3A_539, %dma_wait3A_540] : memref<10240x64xf32, #tpu.memory_space<vmem_shared>> -> memref<10240x64xf32, #tpu.memory_space<vmem_shared>>
      %dma_wait3A_542 = tpu.memref_slice %arg17[%dma_wait3A_531] : memref<5x!tpu.dma_semaphore, #tpu.memory_space<semaphore_mem>> -> memref<1x!tpu.dma_semaphore, #tpu.memory_space<semaphore_mem>>
      %dma_wait3A_543 = tpu.memref_squeeze %dma_wait3A_542 : memref<1x!tpu.dma_semaphore, #tpu.memory_space<semaphore_mem>> -> memref<!tpu.dma_semaphore, #tpu.memory_space<semaphore_mem>>
      tpu.wait_indirect_dma semaphore(%dma_wait3A_543 : memref<!tpu.dma_semaphore, #tpu.memory_space<semaphore_mem>>) src(%dma_wait3A_541 : memref<10240x64xf32, #tpu.memory_space<vmem_shared>>) dst(%dma_wait3A_535 : memref<128x64xf32, #tpu.memory_space<vmem>>)
      %dma_start3A_544 = arith.constant 4 : i32
      %dma_start3A_545 = arith.constant 9 : i32
      %dma_start3A_546 = arith.constant 4 : i32
      %dma_start3A_547 = arith.constant 0 : i32
      %dma_start3A_548 = arith.constant 0 : i32
      %dma_start3A_549 = tpu.memref_slice %arg13[%dma_start3A_544, %dma_start3A_547, %dma_start3A_548] : memref<5x128x64xf32, #tpu.memory_space<vmem>> -> memref<1x128x64xf32, #tpu.memory_space<vmem>>
      %dma_start3A_550 = tpu.memref_squeeze %dma_start3A_549 : memref<1x128x64xf32, #tpu.memory_space<vmem>> -> memref<128x64xf32, #tpu.memory_space<vmem>>
      %dma_start3A_551 = arith.constant 0 : i32
      %dma_start3A_552 = tpu.memref_slice %arg11[%dma_start3A_545, %dma_start3A_551] : memref<10x128xi32, #tpu.memory_space<vmem>> -> memref<1x128xi32, #tpu.memory_space<vmem>>
      %dma_start3A_553 = tpu.memref_squeeze %dma_start3A_552 : memref<1x128xi32, #tpu.memory_space<vmem>> -> memref<128xi32, #tpu.memory_space<vmem>>
      %dma_start3A_554 = arith.constant 0 : i32
      %dma_start3A_555 = arith.constant 0 : i32
      %dma_start3A_556 = tpu.memref_slice %arg15[%dma_start3A_554, %dma_start3A_555] : memref<10240x64xf32, #tpu.memory_space<vmem_shared>> -> memref<10240x64xf32, #tpu.memory_space<vmem_shared>>
      %dma_start3A_557 = tpu.memref_slice %arg18[%dma_start3A_546] : memref<5x!tpu.dma_semaphore, #tpu.memory_space<semaphore_mem>> -> memref<1x!tpu.dma_semaphore, #tpu.memory_space<semaphore_mem>>
      %dma_start3A_558 = tpu.memref_squeeze %dma_start3A_557 : memref<1x!tpu.dma_semaphore, #tpu.memory_space<semaphore_mem>> -> memref<!tpu.dma_semaphore, #tpu.memory_space<semaphore_mem>>
      tpu.enqueue_indirect_dma source(%dma_start3A_550 : memref<128x64xf32, #tpu.memory_space<vmem>>) target(%dma_start3A_556 : memref<10240x64xf32, #tpu.memory_space<vmem_shared>>) offsets(%dma_start3A_553 : memref<128xi32, #tpu.memory_space<vmem>>) semaphore(%dma_start3A_558 : memref<!tpu.dma_semaphore, #tpu.memory_space<semaphore_mem>>) {add = true}
      %convert_element_type3A_559 = arith.extui %or3A_396 : i1 to i32
      %cond3A_560 = arith.constant 0 : i32
      %cond3A_561 = arith.cmpi ne, %convert_element_type3A_559, %cond3A_560 : i32
      scf.if %cond3A_561 {
        %dma_start3A_654 = arith.constant 9 : i32
        %dma_start3A_655 = arith.constant 0 : i32
        %dma_start3A_656 = tpu.memref_slice %arg11[%dma_start3A_654, %dma_start3A_655] : memref<10x128xi32, #tpu.memory_space<vmem>> -> memref<1x128xi32, #tpu.memory_space<vmem>>
        %dma_start3A_657 = tpu.memref_squeeze %dma_start3A_656 : memref<1x128xi32, #tpu.memory_space<vmem>> -> memref<128xi32, #tpu.memory_space<vmem>>
        %dma_start3A_658 = arith.constant 0 : i32
        %dma_start3A_659 = tpu.memref_slice %arg16[%dma_start3A_658] : memref<10240xf32, #tpu.memory_space<vmem_shared>> -> memref<10240xf32, #tpu.memory_space<vmem_shared>>
        tpu.enqueue_indirect_dma source(%arg12 : memref<128xf32, #tpu.memory_space<vmem>>) target(%dma_start3A_659 : memref<10240xf32, #tpu.memory_space<vmem_shared>>) offsets(%dma_start3A_657 : memref<128xi32, #tpu.memory_space<vmem>>) semaphore(%arg19 : memref<!tpu.dma_semaphore, #tpu.memory_space<semaphore_mem>>) {add = true}
      } else {
      }
      %dma_wait3A_562 = arith.constant 0 : i32
      %dma_wait3A_563 = arith.constant 5 : i32
      %dma_wait3A_564 = arith.constant 0 : i32
      %dma_wait3A_565 = arith.constant 0 : i32
      %dma_wait3A_566 = arith.constant 0 : i32
      %dma_wait3A_567 = tpu.memref_slice %arg13[%dma_wait3A_562, %dma_wait3A_565, %dma_wait3A_566] : memref<5x128x64xf32, #tpu.memory_space<vmem>> -> memref<1x128x64xf32, #tpu.memory_space<vmem>>
      %dma_wait3A_568 = tpu.memref_squeeze %dma_wait3A_567 : memref<1x128x64xf32, #tpu.memory_space<vmem>> -> memref<128x64xf32, #tpu.memory_space<vmem>>
      %dma_wait3A_569 = arith.constant 0 : i32
      %dma_wait3A_570 = tpu.memref_slice %arg11[%dma_wait3A_563, %dma_wait3A_569] : memref<10x128xi32, #tpu.memory_space<vmem>> -> memref<1x128xi32, #tpu.memory_space<vmem>>
      %dma_wait3A_571 = tpu.memref_squeeze %dma_wait3A_570 : memref<1x128xi32, #tpu.memory_space<vmem>> -> memref<128xi32, #tpu.memory_space<vmem>>
      %dma_wait3A_572 = arith.constant 0 : i32
      %dma_wait3A_573 = arith.constant 0 : i32
      %dma_wait3A_574 = tpu.memref_slice %arg15[%dma_wait3A_572, %dma_wait3A_573] : memref<10240x64xf32, #tpu.memory_space<vmem_shared>> -> memref<10240x64xf32, #tpu.memory_space<vmem_shared>>
      %dma_wait3A_575 = tpu.memref_slice %arg18[%dma_wait3A_564] : memref<5x!tpu.dma_semaphore, #tpu.memory_space<semaphore_mem>> -> memref<1x!tpu.dma_semaphore, #tpu.memory_space<semaphore_mem>>
      %dma_wait3A_576 = tpu.memref_squeeze %dma_wait3A_575 : memref<1x!tpu.dma_semaphore, #tpu.memory_space<semaphore_mem>> -> memref<!tpu.dma_semaphore, #tpu.memory_space<semaphore_mem>>
      tpu.wait_indirect_dma semaphore(%dma_wait3A_576 : memref<!tpu.dma_semaphore, #tpu.memory_space<semaphore_mem>>) src(%dma_wait3A_568 : memref<128x64xf32, #tpu.memory_space<vmem>>) dst(%dma_wait3A_574 : memref<10240x64xf32, #tpu.memory_space<vmem_shared>>)
      %dma_wait3A_577 = arith.constant 1 : i32
      %dma_wait3A_578 = arith.constant 6 : i32
      %dma_wait3A_579 = arith.constant 1 : i32
      %dma_wait3A_580 = arith.constant 0 : i32
      %dma_wait3A_581 = arith.constant 0 : i32
      %dma_wait3A_582 = tpu.memref_slice %arg13[%dma_wait3A_577, %dma_wait3A_580, %dma_wait3A_581] : memref<5x128x64xf32, #tpu.memory_space<vmem>> -> memref<1x128x64xf32, #tpu.memory_space<vmem>>
      %dma_wait3A_583 = tpu.memref_squeeze %dma_wait3A_582 : memref<1x128x64xf32, #tpu.memory_space<vmem>> -> memref<128x64xf32, #tpu.memory_space<vmem>>
      %dma_wait3A_584 = arith.constant 0 : i32
      %dma_wait3A_585 = tpu.memref_slice %arg11[%dma_wait3A_578, %dma_wait3A_584] : memref<10x128xi32, #tpu.memory_space<vmem>> -> memref<1x128xi32, #tpu.memory_space<vmem>>
      %dma_wait3A_586 = tpu.memref_squeeze %dma_wait3A_585 : memref<1x128xi32, #tpu.memory_space<vmem>> -> memref<128xi32, #tpu.memory_space<vmem>>
      %dma_wait3A_587 = arith.constant 0 : i32
      %dma_wait3A_588 = arith.constant 0 : i32
      %dma_wait3A_589 = tpu.memref_slice %arg15[%dma_wait3A_587, %dma_wait3A_588] : memref<10240x64xf32, #tpu.memory_space<vmem_shared>> -> memref<10240x64xf32, #tpu.memory_space<vmem_shared>>
      %dma_wait3A_590 = tpu.memref_slice %arg18[%dma_wait3A_579] : memref<5x!tpu.dma_semaphore, #tpu.memory_space<semaphore_mem>> -> memref<1x!tpu.dma_semaphore, #tpu.memory_space<semaphore_mem>>
      %dma_wait3A_591 = tpu.memref_squeeze %dma_wait3A_590 : memref<1x!tpu.dma_semaphore, #tpu.memory_space<semaphore_mem>> -> memref<!tpu.dma_semaphore, #tpu.memory_space<semaphore_mem>>
      tpu.wait_indirect_dma semaphore(%dma_wait3A_591 : memref<!tpu.dma_semaphore, #tpu.memory_space<semaphore_mem>>) src(%dma_wait3A_583 : memref<128x64xf32, #tpu.memory_space<vmem>>) dst(%dma_wait3A_589 : memref<10240x64xf32, #tpu.memory_space<vmem_shared>>)
      %dma_wait3A_592 = arith.constant 2 : i32
      %dma_wait3A_593 = arith.constant 7 : i32
      %dma_wait3A_594 = arith.constant 2 : i32
      %dma_wait3A_595 = arith.constant 0 : i32
      %dma_wait3A_596 = arith.constant 0 : i32
      %dma_wait3A_597 = tpu.memref_slice %arg13[%dma_wait3A_592, %dma_wait3A_595, %dma_wait3A_596] : memref<5x128x64xf32, #tpu.memory_space<vmem>> -> memref<1x128x64xf32, #tpu.memory_space<vmem>>
      %dma_wait3A_598 = tpu.memref_squeeze %dma_wait3A_597 : memref<1x128x64xf32, #tpu.memory_space<vmem>> -> memref<128x64xf32, #tpu.memory_space<vmem>>
      %dma_wait3A_599 = arith.constant 0 : i32
      %dma_wait3A_600 = tpu.memref_slice %arg11[%dma_wait3A_593, %dma_wait3A_599] : memref<10x128xi32, #tpu.memory_space<vmem>> -> memref<1x128xi32, #tpu.memory_space<vmem>>
      %dma_wait3A_601 = tpu.memref_squeeze %dma_wait3A_600 : memref<1x128xi32, #tpu.memory_space<vmem>> -> memref<128xi32, #tpu.memory_space<vmem>>
      %dma_wait3A_602 = arith.constant 0 : i32
      %dma_wait3A_603 = arith.constant 0 : i32
      %dma_wait3A_604 = tpu.memref_slice %arg15[%dma_wait3A_602, %dma_wait3A_603] : memref<10240x64xf32, #tpu.memory_space<vmem_shared>> -> memref<10240x64xf32, #tpu.memory_space<vmem_shared>>
      %dma_wait3A_605 = tpu.memref_slice %arg18[%dma_wait3A_594] : memref<5x!tpu.dma_semaphore, #tpu.memory_space<semaphore_mem>> -> memref<1x!tpu.dma_semaphore, #tpu.memory_space<semaphore_mem>>
      %dma_wait3A_606 = tpu.memref_squeeze %dma_wait3A_605 : memref<1x!tpu.dma_semaphore, #tpu.memory_space<semaphore_mem>> -> memref<!tpu.dma_semaphore, #tpu.memory_space<semaphore_mem>>
      tpu.wait_indirect_dma semaphore(%dma_wait3A_606 : memref<!tpu.dma_semaphore, #tpu.memory_space<semaphore_mem>>) src(%dma_wait3A_598 : memref<128x64xf32, #tpu.memory_space<vmem>>) dst(%dma_wait3A_604 : memref<10240x64xf32, #tpu.memory_space<vmem_shared>>)
      %dma_wait3A_607 = arith.constant 3 : i32
      %dma_wait3A_608 = arith.constant 8 : i32
      %dma_wait3A_609 = arith.constant 3 : i32
      %dma_wait3A_610 = arith.constant 0 : i32
      %dma_wait3A_611 = arith.constant 0 : i32
      %dma_wait3A_612 = tpu.memref_slice %arg13[%dma_wait3A_607, %dma_wait3A_610, %dma_wait3A_611] : memref<5x128x64xf32, #tpu.memory_space<vmem>> -> memref<1x128x64xf32, #tpu.memory_space<vmem>>
      %dma_wait3A_613 = tpu.memref_squeeze %dma_wait3A_612 : memref<1x128x64xf32, #tpu.memory_space<vmem>> -> memref<128x64xf32, #tpu.memory_space<vmem>>
      %dma_wait3A_614 = arith.constant 0 : i32
      %dma_wait3A_615 = tpu.memref_slice %arg11[%dma_wait3A_608, %dma_wait3A_614] : memref<10x128xi32, #tpu.memory_space<vmem>> -> memref<1x128xi32, #tpu.memory_space<vmem>>
      %dma_wait3A_616 = tpu.memref_squeeze %dma_wait3A_615 : memref<1x128xi32, #tpu.memory_space<vmem>> -> memref<128xi32, #tpu.memory_space<vmem>>
      %dma_wait3A_617 = arith.constant 0 : i32
      %dma_wait3A_618 = arith.constant 0 : i32
      %dma_wait3A_619 = tpu.memref_slice %arg15[%dma_wait3A_617, %dma_wait3A_618] : memref<10240x64xf32, #tpu.memory_space<vmem_shared>> -> memref<10240x64xf32, #tpu.memory_space<vmem_shared>>
      %dma_wait3A_620 = tpu.memref_slice %arg18[%dma_wait3A_609] : memref<5x!tpu.dma_semaphore, #tpu.memory_space<semaphore_mem>> -> memref<1x!tpu.dma_semaphore, #tpu.memory_space<semaphore_mem>>
      %dma_wait3A_621 = tpu.memref_squeeze %dma_wait3A_620 : memref<1x!tpu.dma_semaphore, #tpu.memory_space<semaphore_mem>> -> memref<!tpu.dma_semaphore, #tpu.memory_space<semaphore_mem>>
      tpu.wait_indirect_dma semaphore(%dma_wait3A_621 : memref<!tpu.dma_semaphore, #tpu.memory_space<semaphore_mem>>) src(%dma_wait3A_613 : memref<128x64xf32, #tpu.memory_space<vmem>>) dst(%dma_wait3A_619 : memref<10240x64xf32, #tpu.memory_space<vmem_shared>>)
      %dma_wait3A_622 = arith.constant 4 : i32
      %dma_wait3A_623 = arith.constant 9 : i32
      %dma_wait3A_624 = arith.constant 4 : i32
      %dma_wait3A_625 = arith.constant 0 : i32
      %dma_wait3A_626 = arith.constant 0 : i32
      %dma_wait3A_627 = tpu.memref_slice %arg13[%dma_wait3A_622, %dma_wait3A_625, %dma_wait3A_626] : memref<5x128x64xf32, #tpu.memory_space<vmem>> -> memref<1x128x64xf32, #tpu.memory_space<vmem>>
      %dma_wait3A_628 = tpu.memref_squeeze %dma_wait3A_627 : memref<1x128x64xf32, #tpu.memory_space<vmem>> -> memref<128x64xf32, #tpu.memory_space<vmem>>
      %dma_wait3A_629 = arith.constant 0 : i32
      %dma_wait3A_630 = tpu.memref_slice %arg11[%dma_wait3A_623, %dma_wait3A_629] : memref<10x128xi32, #tpu.memory_space<vmem>> -> memref<1x128xi32, #tpu.memory_space<vmem>>
      %dma_wait3A_631 = tpu.memref_squeeze %dma_wait3A_630 : memref<1x128xi32, #tpu.memory_space<vmem>> -> memref<128xi32, #tpu.memory_space<vmem>>
      %dma_wait3A_632 = arith.constant 0 : i32
      %dma_wait3A_633 = arith.constant 0 : i32
      %dma_wait3A_634 = tpu.memref_slice %arg15[%dma_wait3A_632, %dma_wait3A_633] : memref<10240x64xf32, #tpu.memory_space<vmem_shared>> -> memref<10240x64xf32, #tpu.memory_space<vmem_shared>>
      %dma_wait3A_635 = tpu.memref_slice %arg18[%dma_wait3A_624] : memref<5x!tpu.dma_semaphore, #tpu.memory_space<semaphore_mem>> -> memref<1x!tpu.dma_semaphore, #tpu.memory_space<semaphore_mem>>
      %dma_wait3A_636 = tpu.memref_squeeze %dma_wait3A_635 : memref<1x!tpu.dma_semaphore, #tpu.memory_space<semaphore_mem>> -> memref<!tpu.dma_semaphore, #tpu.memory_space<semaphore_mem>>
      tpu.wait_indirect_dma semaphore(%dma_wait3A_636 : memref<!tpu.dma_semaphore, #tpu.memory_space<semaphore_mem>>) src(%dma_wait3A_628 : memref<128x64xf32, #tpu.memory_space<vmem>>) dst(%dma_wait3A_634 : memref<10240x64xf32, #tpu.memory_space<vmem_shared>>)
      %convert_element_type3A_637 = arith.extui %or3A_396 : i1 to i32
      %cond3A_638 = arith.constant 0 : i32
      %cond3A_639 = arith.cmpi ne, %convert_element_type3A_637, %cond3A_638 : i32
      scf.if %cond3A_639 {
        %dma_wait3A_654 = arith.constant 0 : i32
        %dma_wait3A_655 = arith.constant 0 : i32
        %dma_wait3A_656 = arith.constant 0 : i32
        %dma_wait3A_657 = tpu.memref_slice %arg10[%dma_wait3A_655, %dma_wait3A_656] : memref<10x128xi32, #tpu.memory_space<vmem>> -> memref<5x128xi32, #tpu.memory_space<vmem>>
        %dma_wait3A_658 = arith.constant 0 : i32
        %dma_wait3A_659 = arith.constant 0 : i32
        %dma_wait3A_660 = tpu.memref_slice %arg2[%arg1, %dma_wait3A_654, %dma_wait3A_658, %dma_wait3A_659] : memref<16x32x5x128xi32, #tpu.memory_space<hbm>> -> memref<1x1x5x128xi32, #tpu.memory_space<hbm>>
        %dma_wait3A_661 = tpu.memref_squeeze %dma_wait3A_660 : memref<1x1x5x128xi32, #tpu.memory_space<hbm>> -> memref<5x128xi32, #tpu.memory_space<hbm>>
        %dma_wait3A_662 = arith.constant 0 : i32
        %dma_wait3A_663 = arith.constant 0 : i32
        %dma_wait3A_664 = tpu.memref_slice %arg10[%dma_wait3A_662, %dma_wait3A_663] : memref<10x128xi32, #tpu.memory_space<vmem>> -> memref<5x128xi32, #tpu.memory_space<vmem>>
        %dma_wait3A_665 = arith.constant 0 : i32
        %dma_wait3A_666 = arith.constant 0 : i32
        %dma_wait3A_667 = tpu.memref_slice %arg2[%arg1, %dma_wait3A_654, %dma_wait3A_665, %dma_wait3A_666] : memref<16x32x5x128xi32, #tpu.memory_space<hbm>> -> memref<1x1x5x128xi32, #tpu.memory_space<hbm>>
        %dma_wait3A_668 = tpu.memref_squeeze %dma_wait3A_667 : memref<1x1x5x128xi32, #tpu.memory_space<hbm>> -> memref<5x128xi32, #tpu.memory_space<hbm>>
        tpu.wait_dma2 semaphore(%arg19 : memref<!tpu.dma_semaphore, #tpu.memory_space<semaphore_mem>>) src(%dma_wait3A_668 : memref<5x128xi32, #tpu.memory_space<hbm>>) dst(%dma_wait3A_664 : memref<5x128xi32, #tpu.memory_space<vmem>>)
      } else {
      }
      %add3A_640 = arith.constant 1 : i32
      %add3A_641 = arith.addi %add3A_385, %add3A_640 : i32
      %lt3A_642 = arith.constant 32 : i32
      %lt3A_643 = arith.cmpi slt, %add3A_641, %lt3A_642 : i32
      %convert_element_type3A_644 = arith.extui %lt3A_643 : i1 to i32
      %cond3A_645 = arith.constant 0 : i32
      %cond3A_646 = arith.cmpi ne, %convert_element_type3A_644, %cond3A_645 : i32
      scf.if %cond3A_646 {
        %dma_wait3A_654 = arith.constant 0 : i32
        %dma_wait3A_655 = arith.constant 0 : i32
        %dma_wait3A_656 = arith.constant 0 : i32
        %dma_wait3A_657 = arith.constant 0 : i32
        %dma_wait3A_658 = tpu.memref_slice %arg10[%dma_wait3A_656, %dma_wait3A_657] : memref<10x128xi32, #tpu.memory_space<vmem>> -> memref<5x128xi32, #tpu.memory_space<vmem>>
        %dma_wait3A_659 = arith.constant 0 : i32
        %dma_wait3A_660 = arith.constant 0 : i32
        %dma_wait3A_661 = tpu.memref_slice %arg2[%arg1, %dma_wait3A_654, %dma_wait3A_659, %dma_wait3A_660] : memref<16x32x5x128xi32, #tpu.memory_space<hbm>> -> memref<1x1x5x128xi32, #tpu.memory_space<hbm>>
        %dma_wait3A_662 = tpu.memref_squeeze %dma_wait3A_661 : memref<1x1x5x128xi32, #tpu.memory_space<hbm>> -> memref<5x128xi32, #tpu.memory_space<hbm>>
        %dma_wait3A_663 = tpu.memref_slice %arg20[%dma_wait3A_655] : memref<2x!tpu.dma_semaphore, #tpu.memory_space<semaphore_mem>> -> memref<1x!tpu.dma_semaphore, #tpu.memory_space<semaphore_mem>>
        %dma_wait3A_664 = tpu.memref_squeeze %dma_wait3A_663 : memref<1x!tpu.dma_semaphore, #tpu.memory_space<semaphore_mem>> -> memref<!tpu.dma_semaphore, #tpu.memory_space<semaphore_mem>>
        %dma_wait3A_665 = arith.constant 0 : i32
        %dma_wait3A_666 = arith.constant 0 : i32
        %dma_wait3A_667 = tpu.memref_slice %arg10[%dma_wait3A_665, %dma_wait3A_666] : memref<10x128xi32, #tpu.memory_space<vmem>> -> memref<5x128xi32, #tpu.memory_space<vmem>>
        %dma_wait3A_668 = arith.constant 0 : i32
        %dma_wait3A_669 = arith.constant 0 : i32
        %dma_wait3A_670 = tpu.memref_slice %arg2[%arg1, %dma_wait3A_654, %dma_wait3A_668, %dma_wait3A_669] : memref<16x32x5x128xi32, #tpu.memory_space<hbm>> -> memref<1x1x5x128xi32, #tpu.memory_space<hbm>>
        %dma_wait3A_671 = tpu.memref_squeeze %dma_wait3A_670 : memref<1x1x5x128xi32, #tpu.memory_space<hbm>> -> memref<5x128xi32, #tpu.memory_space<hbm>>
        tpu.wait_dma2 semaphore(%dma_wait3A_664 : memref<!tpu.dma_semaphore, #tpu.memory_space<semaphore_mem>>) src(%dma_wait3A_671 : memref<5x128xi32, #tpu.memory_space<hbm>>) dst(%dma_wait3A_667 : memref<5x128xi32, #tpu.memory_space<vmem>>)
        %dma_wait3A_672 = arith.constant 0 : i32
        %dma_wait3A_673 = arith.constant 0 : i32
        %dma_wait3A_674 = arith.constant 0 : i32
        %dma_wait3A_675 = arith.constant 0 : i32
        %dma_wait3A_676 = tpu.memref_slice %arg11[%dma_wait3A_674, %dma_wait3A_675] : memref<10x128xi32, #tpu.memory_space<vmem>> -> memref<5x128xi32, #tpu.memory_space<vmem>>
        %dma_wait3A_677 = arith.constant 0 : i32
        %dma_wait3A_678 = arith.constant 0 : i32
        %dma_wait3A_679 = tpu.memref_slice %arg3[%arg1, %dma_wait3A_672, %dma_wait3A_677, %dma_wait3A_678] : memref<16x32x5x128xi32, #tpu.memory_space<hbm>> -> memref<1x1x5x128xi32, #tpu.memory_space<hbm>>
        %dma_wait3A_680 = tpu.memref_squeeze %dma_wait3A_679 : memref<1x1x5x128xi32, #tpu.memory_space<hbm>> -> memref<5x128xi32, #tpu.memory_space<hbm>>
        %dma_wait3A_681 = tpu.memref_slice %arg20[%dma_wait3A_673] : memref<2x!tpu.dma_semaphore, #tpu.memory_space<semaphore_mem>> -> memref<1x!tpu.dma_semaphore, #tpu.memory_space<semaphore_mem>>
        %dma_wait3A_682 = tpu.memref_squeeze %dma_wait3A_681 : memref<1x!tpu.dma_semaphore, #tpu.memory_space<semaphore_mem>> -> memref<!tpu.dma_semaphore, #tpu.memory_space<semaphore_mem>>
        %dma_wait3A_683 = arith.constant 0 : i32
        %dma_wait3A_684 = arith.constant 0 : i32
        %dma_wait3A_685 = tpu.memref_slice %arg11[%dma_wait3A_683, %dma_wait3A_684] : memref<10x128xi32, #tpu.memory_space<vmem>> -> memref<5x128xi32, #tpu.memory_space<vmem>>
        %dma_wait3A_686 = arith.constant 0 : i32
        %dma_wait3A_687 = arith.constant 0 : i32
        %dma_wait3A_688 = tpu.memref_slice %arg3[%arg1, %dma_wait3A_672, %dma_wait3A_686, %dma_wait3A_687] : memref<16x32x5x128xi32, #tpu.memory_space<hbm>> -> memref<1x1x5x128xi32, #tpu.memory_space<hbm>>
        %dma_wait3A_689 = tpu.memref_squeeze %dma_wait3A_688 : memref<1x1x5x128xi32, #tpu.memory_space<hbm>> -> memref<5x128xi32, #tpu.memory_space<hbm>>
        tpu.wait_dma2 semaphore(%dma_wait3A_682 : memref<!tpu.dma_semaphore, #tpu.memory_space<semaphore_mem>>) src(%dma_wait3A_689 : memref<5x128xi32, #tpu.memory_space<hbm>>) dst(%dma_wait3A_685 : memref<5x128xi32, #tpu.memory_space<vmem>>)
        %dma_start3A_690 = arith.constant 0 : i32
        %dma_start3A_691 = arith.constant 0 : i32
        %dma_start3A_692 = arith.constant 0 : i32
        %dma_start3A_693 = arith.constant 0 : i32
        %dma_start3A_694 = arith.constant 0 : i32
        %dma_start3A_695 = tpu.memref_slice %arg13[%dma_start3A_691, %dma_start3A_693, %dma_start3A_694] : memref<5x128x64xf32, #tpu.memory_space<vmem>> -> memref<1x128x64xf32, #tpu.memory_space<vmem>>
        %dma_start3A_696 = tpu.memref_squeeze %dma_start3A_695 : memref<1x128x64xf32, #tpu.memory_space<vmem>> -> memref<128x64xf32, #tpu.memory_space<vmem>>
        %dma_start3A_697 = arith.constant 0 : i32
        %dma_start3A_698 = tpu.memref_slice %arg10[%dma_start3A_690, %dma_start3A_697] : memref<10x128xi32, #tpu.memory_space<vmem>> -> memref<1x128xi32, #tpu.memory_space<vmem>>
        %dma_start3A_699 = tpu.memref_squeeze %dma_start3A_698 : memref<1x128xi32, #tpu.memory_space<vmem>> -> memref<128xi32, #tpu.memory_space<vmem>>
        %dma_start3A_700 = arith.constant 0 : i32
        %dma_start3A_701 = arith.constant 0 : i32
        %dma_start3A_702 = tpu.memref_slice %arg14[%dma_start3A_700, %dma_start3A_701] : memref<10240x64xf32, #tpu.memory_space<vmem_shared>> -> memref<10240x64xf32, #tpu.memory_space<vmem_shared>>
        %dma_start3A_703 = tpu.memref_slice %arg17[%dma_start3A_692] : memref<5x!tpu.dma_semaphore, #tpu.memory_space<semaphore_mem>> -> memref<1x!tpu.dma_semaphore, #tpu.memory_space<semaphore_mem>>
        %dma_start3A_704 = tpu.memref_squeeze %dma_start3A_703 : memref<1x!tpu.dma_semaphore, #tpu.memory_space<semaphore_mem>> -> memref<!tpu.dma_semaphore, #tpu.memory_space<semaphore_mem>>
        tpu.enqueue_indirect_dma source(%dma_start3A_702 : memref<10240x64xf32, #tpu.memory_space<vmem_shared>>) target(%dma_start3A_696 : memref<128x64xf32, #tpu.memory_space<vmem>>) offsets(%dma_start3A_699 : memref<128xi32, #tpu.memory_space<vmem>>) semaphore(%dma_start3A_704 : memref<!tpu.dma_semaphore, #tpu.memory_space<semaphore_mem>>)
        %dma_start3A_705 = arith.constant 1 : i32
        %dma_start3A_706 = arith.constant 1 : i32
        %dma_start3A_707 = arith.constant 1 : i32
        %dma_start3A_708 = arith.constant 0 : i32
        %dma_start3A_709 = arith.constant 0 : i32
        %dma_start3A_710 = tpu.memref_slice %arg13[%dma_start3A_706, %dma_start3A_708, %dma_start3A_709] : memref<5x128x64xf32, #tpu.memory_space<vmem>> -> memref<1x128x64xf32, #tpu.memory_space<vmem>>
        %dma_start3A_711 = tpu.memref_squeeze %dma_start3A_710 : memref<1x128x64xf32, #tpu.memory_space<vmem>> -> memref<128x64xf32, #tpu.memory_space<vmem>>
        %dma_start3A_712 = arith.constant 0 : i32
        %dma_start3A_713 = tpu.memref_slice %arg10[%dma_start3A_705, %dma_start3A_712] : memref<10x128xi32, #tpu.memory_space<vmem>> -> memref<1x128xi32, #tpu.memory_space<vmem>>
        %dma_start3A_714 = tpu.memref_squeeze %dma_start3A_713 : memref<1x128xi32, #tpu.memory_space<vmem>> -> memref<128xi32, #tpu.memory_space<vmem>>
        %dma_start3A_715 = arith.constant 0 : i32
        %dma_start3A_716 = arith.constant 0 : i32
        %dma_start3A_717 = tpu.memref_slice %arg14[%dma_start3A_715, %dma_start3A_716] : memref<10240x64xf32, #tpu.memory_space<vmem_shared>> -> memref<10240x64xf32, #tpu.memory_space<vmem_shared>>
        %dma_start3A_718 = tpu.memref_slice %arg17[%dma_start3A_707] : memref<5x!tpu.dma_semaphore, #tpu.memory_space<semaphore_mem>> -> memref<1x!tpu.dma_semaphore, #tpu.memory_space<semaphore_mem>>
        %dma_start3A_719 = tpu.memref_squeeze %dma_start3A_718 : memref<1x!tpu.dma_semaphore, #tpu.memory_space<semaphore_mem>> -> memref<!tpu.dma_semaphore, #tpu.memory_space<semaphore_mem>>
        tpu.enqueue_indirect_dma source(%dma_start3A_717 : memref<10240x64xf32, #tpu.memory_space<vmem_shared>>) target(%dma_start3A_711 : memref<128x64xf32, #tpu.memory_space<vmem>>) offsets(%dma_start3A_714 : memref<128xi32, #tpu.memory_space<vmem>>) semaphore(%dma_start3A_719 : memref<!tpu.dma_semaphore, #tpu.memory_space<semaphore_mem>>)
        %dma_start3A_720 = arith.constant 2 : i32
        %dma_start3A_721 = arith.constant 2 : i32
        %dma_start3A_722 = arith.constant 2 : i32
        %dma_start3A_723 = arith.constant 0 : i32
        %dma_start3A_724 = arith.constant 0 : i32
        %dma_start3A_725 = tpu.memref_slice %arg13[%dma_start3A_721, %dma_start3A_723, %dma_start3A_724] : memref<5x128x64xf32, #tpu.memory_space<vmem>> -> memref<1x128x64xf32, #tpu.memory_space<vmem>>
        %dma_start3A_726 = tpu.memref_squeeze %dma_start3A_725 : memref<1x128x64xf32, #tpu.memory_space<vmem>> -> memref<128x64xf32, #tpu.memory_space<vmem>>
        %dma_start3A_727 = arith.constant 0 : i32
        %dma_start3A_728 = tpu.memref_slice %arg10[%dma_start3A_720, %dma_start3A_727] : memref<10x128xi32, #tpu.memory_space<vmem>> -> memref<1x128xi32, #tpu.memory_space<vmem>>
        %dma_start3A_729 = tpu.memref_squeeze %dma_start3A_728 : memref<1x128xi32, #tpu.memory_space<vmem>> -> memref<128xi32, #tpu.memory_space<vmem>>
        %dma_start3A_730 = arith.constant 0 : i32
        %dma_start3A_731 = arith.constant 0 : i32
        %dma_start3A_732 = tpu.memref_slice %arg14[%dma_start3A_730, %dma_start3A_731] : memref<10240x64xf32, #tpu.memory_space<vmem_shared>> -> memref<10240x64xf32, #tpu.memory_space<vmem_shared>>
        %dma_start3A_733 = tpu.memref_slice %arg17[%dma_start3A_722] : memref<5x!tpu.dma_semaphore, #tpu.memory_space<semaphore_mem>> -> memref<1x!tpu.dma_semaphore, #tpu.memory_space<semaphore_mem>>
        %dma_start3A_734 = tpu.memref_squeeze %dma_start3A_733 : memref<1x!tpu.dma_semaphore, #tpu.memory_space<semaphore_mem>> -> memref<!tpu.dma_semaphore, #tpu.memory_space<semaphore_mem>>
        tpu.enqueue_indirect_dma source(%dma_start3A_732 : memref<10240x64xf32, #tpu.memory_space<vmem_shared>>) target(%dma_start3A_726 : memref<128x64xf32, #tpu.memory_space<vmem>>) offsets(%dma_start3A_729 : memref<128xi32, #tpu.memory_space<vmem>>) semaphore(%dma_start3A_734 : memref<!tpu.dma_semaphore, #tpu.memory_space<semaphore_mem>>)
        %dma_start3A_735 = arith.constant 3 : i32
        %dma_start3A_736 = arith.constant 3 : i32
        %dma_start3A_737 = arith.constant 3 : i32
        %dma_start3A_738 = arith.constant 0 : i32
        %dma_start3A_739 = arith.constant 0 : i32
        %dma_start3A_740 = tpu.memref_slice %arg13[%dma_start3A_736, %dma_start3A_738, %dma_start3A_739] : memref<5x128x64xf32, #tpu.memory_space<vmem>> -> memref<1x128x64xf32, #tpu.memory_space<vmem>>
        %dma_start3A_741 = tpu.memref_squeeze %dma_start3A_740 : memref<1x128x64xf32, #tpu.memory_space<vmem>> -> memref<128x64xf32, #tpu.memory_space<vmem>>
        %dma_start3A_742 = arith.constant 0 : i32
        %dma_start3A_743 = tpu.memref_slice %arg10[%dma_start3A_735, %dma_start3A_742] : memref<10x128xi32, #tpu.memory_space<vmem>> -> memref<1x128xi32, #tpu.memory_space<vmem>>
        %dma_start3A_744 = tpu.memref_squeeze %dma_start3A_743 : memref<1x128xi32, #tpu.memory_space<vmem>> -> memref<128xi32, #tpu.memory_space<vmem>>
        %dma_start3A_745 = arith.constant 0 : i32
        %dma_start3A_746 = arith.constant 0 : i32
        %dma_start3A_747 = tpu.memref_slice %arg14[%dma_start3A_745, %dma_start3A_746] : memref<10240x64xf32, #tpu.memory_space<vmem_shared>> -> memref<10240x64xf32, #tpu.memory_space<vmem_shared>>
        %dma_start3A_748 = tpu.memref_slice %arg17[%dma_start3A_737] : memref<5x!tpu.dma_semaphore, #tpu.memory_space<semaphore_mem>> -> memref<1x!tpu.dma_semaphore, #tpu.memory_space<semaphore_mem>>
        %dma_start3A_749 = tpu.memref_squeeze %dma_start3A_748 : memref<1x!tpu.dma_semaphore, #tpu.memory_space<semaphore_mem>> -> memref<!tpu.dma_semaphore, #tpu.memory_space<semaphore_mem>>
        tpu.enqueue_indirect_dma source(%dma_start3A_747 : memref<10240x64xf32, #tpu.memory_space<vmem_shared>>) target(%dma_start3A_741 : memref<128x64xf32, #tpu.memory_space<vmem>>) offsets(%dma_start3A_744 : memref<128xi32, #tpu.memory_space<vmem>>) semaphore(%dma_start3A_749 : memref<!tpu.dma_semaphore, #tpu.memory_space<semaphore_mem>>)
        %dma_start3A_750 = arith.constant 4 : i32
        %dma_start3A_751 = arith.constant 4 : i32
        %dma_start3A_752 = arith.constant 4 : i32
        %dma_start3A_753 = arith.constant 0 : i32
        %dma_start3A_754 = arith.constant 0 : i32
        %dma_start3A_755 = tpu.memref_slice %arg13[%dma_start3A_751, %dma_start3A_753, %dma_start3A_754] : memref<5x128x64xf32, #tpu.memory_space<vmem>> -> memref<1x128x64xf32, #tpu.memory_space<vmem>>
        %dma_start3A_756 = tpu.memref_squeeze %dma_start3A_755 : memref<1x128x64xf32, #tpu.memory_space<vmem>> -> memref<128x64xf32, #tpu.memory_space<vmem>>
        %dma_start3A_757 = arith.constant 0 : i32
        %dma_start3A_758 = tpu.memref_slice %arg10[%dma_start3A_750, %dma_start3A_757] : memref<10x128xi32, #tpu.memory_space<vmem>> -> memref<1x128xi32, #tpu.memory_space<vmem>>
        %dma_start3A_759 = tpu.memref_squeeze %dma_start3A_758 : memref<1x128xi32, #tpu.memory_space<vmem>> -> memref<128xi32, #tpu.memory_space<vmem>>
        %dma_start3A_760 = arith.constant 0 : i32
        %dma_start3A_761 = arith.constant 0 : i32
        %dma_start3A_762 = tpu.memref_slice %arg14[%dma_start3A_760, %dma_start3A_761] : memref<10240x64xf32, #tpu.memory_space<vmem_shared>> -> memref<10240x64xf32, #tpu.memory_space<vmem_shared>>
        %dma_start3A_763 = tpu.memref_slice %arg17[%dma_start3A_752] : memref<5x!tpu.dma_semaphore, #tpu.memory_space<semaphore_mem>> -> memref<1x!tpu.dma_semaphore, #tpu.memory_space<semaphore_mem>>
        %dma_start3A_764 = tpu.memref_squeeze %dma_start3A_763 : memref<1x!tpu.dma_semaphore, #tpu.memory_space<semaphore_mem>> -> memref<!tpu.dma_semaphore, #tpu.memory_space<semaphore_mem>>
        tpu.enqueue_indirect_dma source(%dma_start3A_762 : memref<10240x64xf32, #tpu.memory_space<vmem_shared>>) target(%dma_start3A_756 : memref<128x64xf32, #tpu.memory_space<vmem>>) offsets(%dma_start3A_759 : memref<128xi32, #tpu.memory_space<vmem>>) semaphore(%dma_start3A_764 : memref<!tpu.dma_semaphore, #tpu.memory_space<semaphore_mem>>)
      } else {
      }
      %add3A_647 = arith.constant 2 : i32
      %add3A_648 = arith.addi %add3A_385, %add3A_647 : i32
      %lt3A_649 = arith.constant 32 : i32
      %lt3A_650 = arith.cmpi slt, %add3A_648, %lt3A_649 : i32
      %convert_element_type3A_651 = arith.extui %lt3A_650 : i1 to i32
      %cond3A_652 = arith.constant 0 : i32
      %cond3A_653 = arith.cmpi ne, %convert_element_type3A_651, %cond3A_652 : i32
      scf.if %cond3A_653 {
        %add3A_654 = arith.constant 2 : i32
        %add3A_655 = arith.addi %add3A_385, %add3A_654 : i32
        %dma_start3A_656 = arith.constant 1 : i32
        %dma_start3A_657 = arith.constant 5 : i32
        %dma_start3A_658 = arith.constant 0 : i32
        %dma_start3A_659 = tpu.memref_slice %arg10[%dma_start3A_657, %dma_start3A_658] : memref<10x128xi32, #tpu.memory_space<vmem>> -> memref<5x128xi32, #tpu.memory_space<vmem>>
        %dma_start3A_660 = arith.constant 0 : i32
        %dma_start3A_661 = arith.constant 0 : i32
        %dma_start3A_662 = tpu.memref_slice %arg2[%arg1, %add3A_655, %dma_start3A_660, %dma_start3A_661] : memref<16x32x5x128xi32, #tpu.memory_space<hbm>> -> memref<1x1x5x128xi32, #tpu.memory_space<hbm>>
        %dma_start3A_663 = tpu.memref_squeeze %dma_start3A_662 : memref<1x1x5x128xi32, #tpu.memory_space<hbm>> -> memref<5x128xi32, #tpu.memory_space<hbm>>
        %dma_start3A_664 = tpu.memref_slice %arg20[%dma_start3A_656] : memref<2x!tpu.dma_semaphore, #tpu.memory_space<semaphore_mem>> -> memref<1x!tpu.dma_semaphore, #tpu.memory_space<semaphore_mem>>
        %dma_start3A_665 = tpu.memref_squeeze %dma_start3A_664 : memref<1x!tpu.dma_semaphore, #tpu.memory_space<semaphore_mem>> -> memref<!tpu.dma_semaphore, #tpu.memory_space<semaphore_mem>>
        %dma_start3A_666 = arith.constant 5 : i32
        %dma_start3A_667 = arith.constant 0 : i32
        %dma_start3A_668 = tpu.memref_slice %arg10[%dma_start3A_666, %dma_start3A_667] : memref<10x128xi32, #tpu.memory_space<vmem>> -> memref<5x128xi32, #tpu.memory_space<vmem>>
        %dma_start3A_669 = arith.constant 0 : i32
        %dma_start3A_670 = arith.constant 0 : i32
        %dma_start3A_671 = tpu.memref_slice %arg2[%arg1, %add3A_655, %dma_start3A_669, %dma_start3A_670] : memref<16x32x5x128xi32, #tpu.memory_space<hbm>> -> memref<1x1x5x128xi32, #tpu.memory_space<hbm>>
        %dma_start3A_672 = tpu.memref_squeeze %dma_start3A_671 : memref<1x1x5x128xi32, #tpu.memory_space<hbm>> -> memref<5x128xi32, #tpu.memory_space<hbm>>
        tpu.enqueue_dma source(%dma_start3A_672 : memref<5x128xi32, #tpu.memory_space<hbm>>) target(%dma_start3A_668 : memref<5x128xi32, #tpu.memory_space<vmem>>) target_semaphore(%dma_start3A_665 : memref<!tpu.dma_semaphore, #tpu.memory_space<semaphore_mem>>)
        %add3A_673 = arith.constant 2 : i32
        %add3A_674 = arith.addi %add3A_385, %add3A_673 : i32
        %dma_start3A_675 = arith.constant 1 : i32
        %dma_start3A_676 = arith.constant 5 : i32
        %dma_start3A_677 = arith.constant 0 : i32
        %dma_start3A_678 = tpu.memref_slice %arg11[%dma_start3A_676, %dma_start3A_677] : memref<10x128xi32, #tpu.memory_space<vmem>> -> memref<5x128xi32, #tpu.memory_space<vmem>>
        %dma_start3A_679 = arith.constant 0 : i32
        %dma_start3A_680 = arith.constant 0 : i32
        %dma_start3A_681 = tpu.memref_slice %arg3[%arg1, %add3A_674, %dma_start3A_679, %dma_start3A_680] : memref<16x32x5x128xi32, #tpu.memory_space<hbm>> -> memref<1x1x5x128xi32, #tpu.memory_space<hbm>>
        %dma_start3A_682 = tpu.memref_squeeze %dma_start3A_681 : memref<1x1x5x128xi32, #tpu.memory_space<hbm>> -> memref<5x128xi32, #tpu.memory_space<hbm>>
        %dma_start3A_683 = tpu.memref_slice %arg20[%dma_start3A_675] : memref<2x!tpu.dma_semaphore, #tpu.memory_space<semaphore_mem>> -> memref<1x!tpu.dma_semaphore, #tpu.memory_space<semaphore_mem>>
        %dma_start3A_684 = tpu.memref_squeeze %dma_start3A_683 : memref<1x!tpu.dma_semaphore, #tpu.memory_space<semaphore_mem>> -> memref<!tpu.dma_semaphore, #tpu.memory_space<semaphore_mem>>
        %dma_start3A_685 = arith.constant 5 : i32
        %dma_start3A_686 = arith.constant 0 : i32
        %dma_start3A_687 = tpu.memref_slice %arg11[%dma_start3A_685, %dma_start3A_686] : memref<10x128xi32, #tpu.memory_space<vmem>> -> memref<5x128xi32, #tpu.memory_space<vmem>>
        %dma_start3A_688 = arith.constant 0 : i32
        %dma_start3A_689 = arith.constant 0 : i32
        %dma_start3A_690 = tpu.memref_slice %arg3[%arg1, %add3A_674, %dma_start3A_688, %dma_start3A_689] : memref<16x32x5x128xi32, #tpu.memory_space<hbm>> -> memref<1x1x5x128xi32, #tpu.memory_space<hbm>>
        %dma_start3A_691 = tpu.memref_squeeze %dma_start3A_690 : memref<1x1x5x128xi32, #tpu.memory_space<hbm>> -> memref<5x128xi32, #tpu.memory_space<hbm>>
        tpu.enqueue_dma source(%dma_start3A_691 : memref<5x128xi32, #tpu.memory_space<hbm>>) target(%dma_start3A_687 : memref<5x128xi32, #tpu.memory_space<vmem>>) target_semaphore(%dma_start3A_684 : memref<!tpu.dma_semaphore, #tpu.memory_space<semaphore_mem>>)
      } else {
      }
    }
    %scan3A_116 = arith.constant 16 : i32
    %barrier3A_117 = arith.constant 0 : index
    tpu.barrier barrier_id(%barrier3A_117)
    "tpu.region"() ({
      %run_scoped3A_118 = tpu.sem_alloc : memref<!tpu.dma_semaphore, #tpu.memory_space<semaphore_mem>>
      %dma_start3A_119 = arith.constant 0 : i32
      %dma_start3A_120 = tpu.memref_slice %arg8[%arg0, %mul3A_0, %dma_start3A_119] : memref<2x10240x64xf32, #tpu.memory_space<hbm>> -> memref<1x640x64xf32, #tpu.memory_space<hbm>>
      %dma_start3A_121 = tpu.memref_squeeze %dma_start3A_120 : memref<1x640x64xf32, #tpu.memory_space<hbm>> -> memref<640x64xf32, #tpu.memory_space<hbm>>
      %dma_start3A_122 = arith.constant 0 : i32
      %dma_start3A_123 = tpu.memref_slice %arg15[%mul3A_0, %dma_start3A_122] : memref<10240x64xf32, #tpu.memory_space<vmem_shared>> -> memref<640x64xf32, #tpu.memory_space<vmem_shared>>
      tpu.enqueue_dma source(%dma_start3A_123 : memref<640x64xf32, #tpu.memory_space<vmem_shared>>) target(%dma_start3A_121 : memref<640x64xf32, #tpu.memory_space<hbm>>) target_semaphore(%run_scoped3A_118 : memref<!tpu.dma_semaphore, #tpu.memory_space<semaphore_mem>>)
      %dma_wait3A = arith.constant 0 : i32
      %dma_wait3A_124 = tpu.memref_slice %arg8[%arg0, %mul3A_0, %dma_wait3A] : memref<2x10240x64xf32, #tpu.memory_space<hbm>> -> memref<1x640x64xf32, #tpu.memory_space<hbm>>
      %dma_wait3A_125 = tpu.memref_squeeze %dma_wait3A_124 : memref<1x640x64xf32, #tpu.memory_space<hbm>> -> memref<640x64xf32, #tpu.memory_space<hbm>>
      %dma_wait3A_126 = arith.constant 0 : i32
      %dma_wait3A_127 = tpu.memref_slice %arg15[%mul3A_0, %dma_wait3A_126] : memref<10240x64xf32, #tpu.memory_space<vmem_shared>> -> memref<640x64xf32, #tpu.memory_space<vmem_shared>>
      tpu.wait_dma2 semaphore(%run_scoped3A_118 : memref<!tpu.dma_semaphore, #tpu.memory_space<semaphore_mem>>) src(%dma_wait3A_127 : memref<640x64xf32, #tpu.memory_space<vmem_shared>>) dst(%dma_wait3A_125 : memref<640x64xf32, #tpu.memory_space<hbm>>)
      tpu.yield
    }) : () -> ()
    "tpu.region"() ({
      %run_scoped3A_118 = tpu.sem_alloc : memref<!tpu.dma_semaphore, #tpu.memory_space<semaphore_mem>>
      %dma_start3A_119 = tpu.memref_slice %arg9[%arg0, %mul3A_0] : memref<2x10240xf32, #tpu.memory_space<hbm>> -> memref<1x640xf32, #tpu.memory_space<hbm>>
      %dma_start3A_120 = tpu.memref_squeeze %dma_start3A_119 : memref<1x640xf32, #tpu.memory_space<hbm>> -> memref<640xf32, #tpu.memory_space<hbm>>
      %dma_start3A_121 = tpu.memref_slice %arg16[%mul3A_0] : memref<10240xf32, #tpu.memory_space<vmem_shared>> -> memref<640xf32, #tpu.memory_space<vmem_shared>>
      tpu.enqueue_dma source(%dma_start3A_121 : memref<640xf32, #tpu.memory_space<vmem_shared>>) target(%dma_start3A_120 : memref<640xf32, #tpu.memory_space<hbm>>) target_semaphore(%run_scoped3A_118 : memref<!tpu.dma_semaphore, #tpu.memory_space<semaphore_mem>>)
      %dma_wait3A = tpu.memref_slice %arg9[%arg0, %mul3A_0] : memref<2x10240xf32, #tpu.memory_space<hbm>> -> memref<1x640xf32, #tpu.memory_space<hbm>>
      %dma_wait3A_122 = tpu.memref_squeeze %dma_wait3A : memref<1x640xf32, #tpu.memory_space<hbm>> -> memref<640xf32, #tpu.memory_space<hbm>>
      %dma_wait3A_123 = tpu.memref_slice %arg16[%mul3A_0] : memref<10240xf32, #tpu.memory_space<vmem_shared>> -> memref<640xf32, #tpu.memory_space<vmem_shared>>
      tpu.wait_dma2 semaphore(%run_scoped3A_118 : memref<!tpu.dma_semaphore, #tpu.memory_space<semaphore_mem>>) src(%dma_wait3A_123 : memref<640xf32, #tpu.memory_space<vmem_shared>>) dst(%dma_wait3A_122 : memref<640xf32, #tpu.memory_space<hbm>>)
      tpu.yield
    }) : () -> ()
    return
  }
}

#map = affine_map<(d0, d1) -> (0, 0, 0, 0)>
#map1 = affine_map<(d0, d1) -> (0, 0, 0)>
#map2 = affine_map<(d0, d1) -> (0, 0)>
#map3 = affine_map<(d0, d1) -> (0)>
module attributes {stable_mosaic.version = 14 : i64} {
  func.func @_agg_body(%arg0: i32, %arg1: i32, %arg2: memref<16x32x5x128xi32, #tpu.memory_space<hbm>>, %arg3: memref<16x32x5x128xi32, #tpu.memory_space<hbm>>, %arg4: memref<2x10240x64xf32, #tpu.memory_space<hbm>>, %arg5: memref<10240x64xf32, #tpu.memory_space<hbm>>, %arg6: memref<10240xf32, #tpu.memory_space<hbm>>, %arg7: memref<128xf32, #tpu.memory_space<hbm>>, %arg8: memref<2x10240x64xf32, #tpu.memory_space<hbm>>, %arg9: memref<2x10240xf32, #tpu.memory_space<hbm>>, %arg10: memref<10x128xi32, #tpu.memory_space<vmem>>, %arg11: memref<10x128xi32, #tpu.memory_space<vmem>>, %arg12: memref<128xf32, #tpu.memory_space<vmem>>, %arg13: memref<5x128x64xf32, #tpu.memory_space<vmem>>, %arg14: memref<10240x64xf32, #tpu.memory_space<vmem_shared>>, %arg15: memref<10240x64xf32, #tpu.memory_space<vmem_shared>>, %arg16: memref<10240xf32, #tpu.memory_space<vmem_shared>>, %arg17: memref<5x!tpu.dma_semaphore, #tpu.memory_space<semaphore_mem>>, %arg18: memref<5x!tpu.dma_semaphore, #tpu.memory_space<semaphore_mem>>, %arg19: memref<!tpu.dma_semaphore, #tpu.memory_space<semaphore_mem>>, %arg20: memref<2x!tpu.dma_semaphore, #tpu.memory_space<semaphore_mem>>) attributes {dimension_semantics = [#tpu.dimension_semantics<core_parallel>, #tpu.dimension_semantics<subcore_parallel>], iteration_bounds = array<i64: 2, 16>, scalar_prefetch = 0 : i64, scratch_operands = 11 : i64, tpu.core_type = #tpu.core_type<sc_vector_subcore>, window_params = [{transform_indices = #map}, {transform_indices = #map}, {transform_indices = #map1}, {transform_indices = #map2}, {transform_indices = #map3}, {transform_indices = #map3}, {transform_indices = #map1}, {transform_indices = #map2}]} {
    %mul3A = arith.constant 640 : i32
    %mul3A_0 = arith.muli %arg1, %mul3A : i32
    "tpu.region"() ({
      %run_scoped3A_118 = tpu.sem_alloc : memref<!tpu.dma_semaphore, #tpu.memory_space<semaphore_mem>>
      %dma_start3A_119 = arith.constant 0 : i32
      %dma_start3A_120 = tpu.memref_slice %arg14[%mul3A_0, %dma_start3A_119] : memref<10240x64xf32, #tpu.memory_space<vmem_shared>> -> memref<640x64xf32, #tpu.memory_space<vmem_shared>>
      %dma_start3A_121 = arith.constant 0 : i32
      %dma_start3A_122 = tpu.memref_slice %arg4[%arg0, %mul3A_0, %dma_start3A_121] : memref<2x10240x64xf32, #tpu.memory_space<hbm>> -> memref<1x640x64xf32, #tpu.memory_space<hbm>>
      %dma_start3A_123 = tpu.memref_squeeze %dma_start3A_122 : memref<1x640x64xf32, #tpu.memory_space<hbm>> -> memref<640x64xf32, #tpu.memory_space<hbm>>
      tpu.enqueue_dma source(%dma_start3A_123 : memref<640x64xf32, #tpu.memory_space<hbm>>) target(%dma_start3A_120 : memref<640x64xf32, #tpu.memory_space<vmem_shared>>) target_semaphore(%run_scoped3A_118 : memref<!tpu.dma_semaphore, #tpu.memory_space<semaphore_mem>>)
      %dma_wait3A = arith.constant 0 : i32
      %dma_wait3A_124 = tpu.memref_slice %arg14[%mul3A_0, %dma_wait3A] : memref<10240x64xf32, #tpu.memory_space<vmem_shared>> -> memref<640x64xf32, #tpu.memory_space<vmem_shared>>
      %dma_wait3A_125 = arith.constant 0 : i32
      %dma_wait3A_126 = tpu.memref_slice %arg4[%arg0, %mul3A_0, %dma_wait3A_125] : memref<2x10240x64xf32, #tpu.memory_space<hbm>> -> memref<1x640x64xf32, #tpu.memory_space<hbm>>
      %dma_wait3A_127 = tpu.memref_squeeze %dma_wait3A_126 : memref<1x640x64xf32, #tpu.memory_space<hbm>> -> memref<640x64xf32, #tpu.memory_space<hbm>>
      tpu.wait_dma2 semaphore(%run_scoped3A_118 : memref<!tpu.dma_semaphore, #tpu.memory_space<semaphore_mem>>) src(%dma_wait3A_127 : memref<640x64xf32, #tpu.memory_space<hbm>>) dst(%dma_wait3A_124 : memref<640x64xf32, #tpu.memory_space<vmem_shared>>)
      tpu.yield
    }) : () -> ()
    "tpu.region"() ({
      %run_scoped3A_118 = tpu.sem_alloc : memref<!tpu.dma_semaphore, #tpu.memory_space<semaphore_mem>>
      %dma_start3A_119 = arith.constant 0 : i32
      %dma_start3A_120 = tpu.memref_slice %arg15[%mul3A_0, %dma_start3A_119] : memref<10240x64xf32, #tpu.memory_space<vmem_shared>> -> memref<640x64xf32, #tpu.memory_space<vmem_shared>>
      %dma_start3A_121 = arith.constant 0 : i32
      %dma_start3A_122 = tpu.memref_slice %arg5[%mul3A_0, %dma_start3A_121] : memref<10240x64xf32, #tpu.memory_space<hbm>> -> memref<640x64xf32, #tpu.memory_space<hbm>>
      tpu.enqueue_dma source(%dma_start3A_122 : memref<640x64xf32, #tpu.memory_space<hbm>>) target(%dma_start3A_120 : memref<640x64xf32, #tpu.memory_space<vmem_shared>>) target_semaphore(%run_scoped3A_118 : memref<!tpu.dma_semaphore, #tpu.memory_space<semaphore_mem>>)
      %dma_wait3A = arith.constant 0 : i32
      %dma_wait3A_123 = tpu.memref_slice %arg15[%mul3A_0, %dma_wait3A] : memref<10240x64xf32, #tpu.memory_space<vmem_shared>> -> memref<640x64xf32, #tpu.memory_space<vmem_shared>>
      %dma_wait3A_124 = arith.constant 0 : i32
      %dma_wait3A_125 = tpu.memref_slice %arg5[%mul3A_0, %dma_wait3A_124] : memref<10240x64xf32, #tpu.memory_space<hbm>> -> memref<640x64xf32, #tpu.memory_space<hbm>>
      tpu.wait_dma2 semaphore(%run_scoped3A_118 : memref<!tpu.dma_semaphore, #tpu.memory_space<semaphore_mem>>) src(%dma_wait3A_125 : memref<640x64xf32, #tpu.memory_space<hbm>>) dst(%dma_wait3A_123 : memref<640x64xf32, #tpu.memory_space<vmem_shared>>)
      tpu.yield
    }) : () -> ()
    %run_scoped3A = arith.constant 0 : i32
    "tpu.region"() ({
      %run_scoped3A_118 = tpu.sem_alloc : memref<!tpu.dma_semaphore, #tpu.memory_space<semaphore_mem>>
      %dma_start3A_119 = arith.constant 0 : i32
      %dma_start3A_120 = arith.constant 0 : i32
      %dma_start3A_121 = tpu.memref_slice %arg10[%dma_start3A_119, %dma_start3A_120] : memref<10x128xi32, #tpu.memory_space<vmem>> -> memref<5x128xi32, #tpu.memory_space<vmem>>
      %dma_start3A_122 = arith.constant 0 : i32
      %dma_start3A_123 = arith.constant 0 : i32
      %dma_start3A_124 = tpu.memref_slice %arg2[%arg1, %run_scoped3A, %dma_start3A_122, %dma_start3A_123] : memref<16x32x5x128xi32, #tpu.memory_space<hbm>> -> memref<1x1x5x128xi32, #tpu.memory_space<hbm>>
      %dma_start3A_125 = tpu.memref_squeeze %dma_start3A_124 : memref<1x1x5x128xi32, #tpu.memory_space<hbm>> -> memref<5x128xi32, #tpu.memory_space<hbm>>
      %dma_start3A_126 = arith.constant 0 : i32
      %dma_start3A_127 = arith.constant 0 : i32
      %dma_start3A_128 = tpu.memref_slice %arg10[%dma_start3A_126, %dma_start3A_127] : memref<10x128xi32, #tpu.memory_space<vmem>> -> memref<5x128xi32, #tpu.memory_space<vmem>>
      %dma_start3A_129 = arith.constant 0 : i32
      %dma_start3A_130 = arith.constant 0 : i32
      %dma_start3A_131 = tpu.memref_slice %arg2[%arg1, %run_scoped3A, %dma_start3A_129, %dma_start3A_130] : memref<16x32x5x128xi32, #tpu.memory_space<hbm>> -> memref<1x1x5x128xi32, #tpu.memory_space<hbm>>
      %dma_start3A_132 = tpu.memref_squeeze %dma_start3A_131 : memref<1x1x5x128xi32, #tpu.memory_space<hbm>> -> memref<5x128xi32, #tpu.memory_space<hbm>>
      tpu.enqueue_dma source(%dma_start3A_132 : memref<5x128xi32, #tpu.memory_space<hbm>>) target(%dma_start3A_128 : memref<5x128xi32, #tpu.memory_space<vmem>>) target_semaphore(%run_scoped3A_118 : memref<!tpu.dma_semaphore, #tpu.memory_space<semaphore_mem>>)
      %dma_wait3A = arith.constant 0 : i32
      %dma_wait3A_133 = arith.constant 0 : i32
      %dma_wait3A_134 = tpu.memref_slice %arg10[%dma_wait3A, %dma_wait3A_133] : memref<10x128xi32, #tpu.memory_space<vmem>> -> memref<5x128xi32, #tpu.memory_space<vmem>>
      %dma_wait3A_135 = arith.constant 0 : i32
      %dma_wait3A_136 = arith.constant 0 : i32
      %dma_wait3A_137 = tpu.memref_slice %arg2[%arg1, %run_scoped3A, %dma_wait3A_135, %dma_wait3A_136] : memref<16x32x5x128xi32, #tpu.memory_space<hbm>> -> memref<1x1x5x128xi32, #tpu.memory_space<hbm>>
      %dma_wait3A_138 = tpu.memref_squeeze %dma_wait3A_137 : memref<1x1x5x128xi32, #tpu.memory_space<hbm>> -> memref<5x128xi32, #tpu.memory_space<hbm>>
      %dma_wait3A_139 = arith.constant 0 : i32
      %dma_wait3A_140 = arith.constant 0 : i32
      %dma_wait3A_141 = tpu.memref_slice %arg10[%dma_wait3A_139, %dma_wait3A_140] : memref<10x128xi32, #tpu.memory_space<vmem>> -> memref<5x128xi32, #tpu.memory_space<vmem>>
      %dma_wait3A_142 = arith.constant 0 : i32
      %dma_wait3A_143 = arith.constant 0 : i32
      %dma_wait3A_144 = tpu.memref_slice %arg2[%arg1, %run_scoped3A, %dma_wait3A_142, %dma_wait3A_143] : memref<16x32x5x128xi32, #tpu.memory_space<hbm>> -> memref<1x1x5x128xi32, #tpu.memory_space<hbm>>
      %dma_wait3A_145 = tpu.memref_squeeze %dma_wait3A_144 : memref<1x1x5x128xi32, #tpu.memory_space<hbm>> -> memref<5x128xi32, #tpu.memory_space<hbm>>
      tpu.wait_dma2 semaphore(%run_scoped3A_118 : memref<!tpu.dma_semaphore, #tpu.memory_space<semaphore_mem>>) src(%dma_wait3A_145 : memref<5x128xi32, #tpu.memory_space<hbm>>) dst(%dma_wait3A_141 : memref<5x128xi32, #tpu.memory_space<vmem>>)
      tpu.yield
    }) : () -> ()
    %run_scoped3A_1 = arith.constant 0 : i32
    "tpu.region"() ({
      %run_scoped3A_118 = tpu.sem_alloc : memref<!tpu.dma_semaphore, #tpu.memory_space<semaphore_mem>>
      %dma_start3A_119 = arith.constant 0 : i32
      %dma_start3A_120 = arith.constant 0 : i32
      %dma_start3A_121 = tpu.memref_slice %arg11[%dma_start3A_119, %dma_start3A_120] : memref<10x128xi32, #tpu.memory_space<vmem>> -> memref<5x128xi32, #tpu.memory_space<vmem>>
      %dma_start3A_122 = arith.constant 0 : i32
      %dma_start3A_123 = arith.constant 0 : i32
      %dma_start3A_124 = tpu.memref_slice %arg3[%arg1, %run_scoped3A_1, %dma_start3A_122, %dma_start3A_123] : memref<16x32x5x128xi32, #tpu.memory_space<hbm>> -> memref<1x1x5x128xi32, #tpu.memory_space<hbm>>
      %dma_start3A_125 = tpu.memref_squeeze %dma_start3A_124 : memref<1x1x5x128xi32, #tpu.memory_space<hbm>> -> memref<5x128xi32, #tpu.memory_space<hbm>>
      %dma_start3A_126 = arith.constant 0 : i32
      %dma_start3A_127 = arith.constant 0 : i32
      %dma_start3A_128 = tpu.memref_slice %arg11[%dma_start3A_126, %dma_start3A_127] : memref<10x128xi32, #tpu.memory_space<vmem>> -> memref<5x128xi32, #tpu.memory_space<vmem>>
      %dma_start3A_129 = arith.constant 0 : i32
      %dma_start3A_130 = arith.constant 0 : i32
      %dma_start3A_131 = tpu.memref_slice %arg3[%arg1, %run_scoped3A_1, %dma_start3A_129, %dma_start3A_130] : memref<16x32x5x128xi32, #tpu.memory_space<hbm>> -> memref<1x1x5x128xi32, #tpu.memory_space<hbm>>
      %dma_start3A_132 = tpu.memref_squeeze %dma_start3A_131 : memref<1x1x5x128xi32, #tpu.memory_space<hbm>> -> memref<5x128xi32, #tpu.memory_space<hbm>>
      tpu.enqueue_dma source(%dma_start3A_132 : memref<5x128xi32, #tpu.memory_space<hbm>>) target(%dma_start3A_128 : memref<5x128xi32, #tpu.memory_space<vmem>>) target_semaphore(%run_scoped3A_118 : memref<!tpu.dma_semaphore, #tpu.memory_space<semaphore_mem>>)
      %dma_wait3A = arith.constant 0 : i32
      %dma_wait3A_133 = arith.constant 0 : i32
      %dma_wait3A_134 = tpu.memref_slice %arg11[%dma_wait3A, %dma_wait3A_133] : memref<10x128xi32, #tpu.memory_space<vmem>> -> memref<5x128xi32, #tpu.memory_space<vmem>>
      %dma_wait3A_135 = arith.constant 0 : i32
      %dma_wait3A_136 = arith.constant 0 : i32
      %dma_wait3A_137 = tpu.memref_slice %arg3[%arg1, %run_scoped3A_1, %dma_wait3A_135, %dma_wait3A_136] : memref<16x32x5x128xi32, #tpu.memory_space<hbm>> -> memref<1x1x5x128xi32, #tpu.memory_space<hbm>>
      %dma_wait3A_138 = tpu.memref_squeeze %dma_wait3A_137 : memref<1x1x5x128xi32, #tpu.memory_space<hbm>> -> memref<5x128xi32, #tpu.memory_space<hbm>>
      %dma_wait3A_139 = arith.constant 0 : i32
      %dma_wait3A_140 = arith.constant 0 : i32
      %dma_wait3A_141 = tpu.memref_slice %arg11[%dma_wait3A_139, %dma_wait3A_140] : memref<10x128xi32, #tpu.memory_space<vmem>> -> memref<5x128xi32, #tpu.memory_space<vmem>>
      %dma_wait3A_142 = arith.constant 0 : i32
      %dma_wait3A_143 = arith.constant 0 : i32
      %dma_wait3A_144 = tpu.memref_slice %arg3[%arg1, %run_scoped3A_1, %dma_wait3A_142, %dma_wait3A_143] : memref<16x32x5x128xi32, #tpu.memory_space<hbm>> -> memref<1x1x5x128xi32, #tpu.memory_space<hbm>>
      %dma_wait3A_145 = tpu.memref_squeeze %dma_wait3A_144 : memref<1x1x5x128xi32, #tpu.memory_space<hbm>> -> memref<5x128xi32, #tpu.memory_space<hbm>>
      tpu.wait_dma2 semaphore(%run_scoped3A_118 : memref<!tpu.dma_semaphore, #tpu.memory_space<semaphore_mem>>) src(%dma_wait3A_145 : memref<5x128xi32, #tpu.memory_space<hbm>>) dst(%dma_wait3A_141 : memref<5x128xi32, #tpu.memory_space<vmem>>)
      tpu.yield
    }) : () -> ()
    %dma_start3A = arith.constant 1 : i32
    %dma_start3A_2 = arith.constant 1 : i32
    %dma_start3A_3 = arith.constant 5 : i32
    %dma_start3A_4 = arith.constant 0 : i32
    %dma_start3A_5 = tpu.memref_slice %arg10[%dma_start3A_3, %dma_start3A_4] : memref<10x128xi32, #tpu.memory_space<vmem>> -> memref<5x128xi32, #tpu.memory_space<vmem>>
    %dma_start3A_6 = arith.constant 0 : i32
    %dma_start3A_7 = arith.constant 0 : i32
    %dma_start3A_8 = tpu.memref_slice %arg2[%arg1, %dma_start3A, %dma_start3A_6, %dma_start3A_7] : memref<16x32x5x128xi32, #tpu.memory_space<hbm>> -> memref<1x1x5x128xi32, #tpu.memory_space<hbm>>
    %dma_start3A_9 = tpu.memref_squeeze %dma_start3A_8 : memref<1x1x5x128xi32, #tpu.memory_space<hbm>> -> memref<5x128xi32, #tpu.memory_space<hbm>>
    %dma_start3A_10 = tpu.memref_slice %arg20[%dma_start3A_2] : memref<2x!tpu.dma_semaphore, #tpu.memory_space<semaphore_mem>> -> memref<1x!tpu.dma_semaphore, #tpu.memory_space<semaphore_mem>>
    %dma_start3A_11 = tpu.memref_squeeze %dma_start3A_10 : memref<1x!tpu.dma_semaphore, #tpu.memory_space<semaphore_mem>> -> memref<!tpu.dma_semaphore, #tpu.memory_space<semaphore_mem>>
    %dma_start3A_12 = arith.constant 5 : i32
    %dma_start3A_13 = arith.constant 0 : i32
    %dma_start3A_14 = tpu.memref_slice %arg10[%dma_start3A_12, %dma_start3A_13] : memref<10x128xi32, #tpu.memory_space<vmem>> -> memref<5x128xi32, #tpu.memory_space<vmem>>
    %dma_start3A_15 = arith.constant 0 : i32
    %dma_start3A_16 = arith.constant 0 : i32
    %dma_start3A_17 = tpu.memref_slice %arg2[%arg1, %dma_start3A, %dma_start3A_15, %dma_start3A_16] : memref<16x32x5x128xi32, #tpu.memory_space<hbm>> -> memref<1x1x5x128xi32, #tpu.memory_space<hbm>>
    %dma_start3A_18 = tpu.memref_squeeze %dma_start3A_17 : memref<1x1x5x128xi32, #tpu.memory_space<hbm>> -> memref<5x128xi32, #tpu.memory_space<hbm>>
    tpu.enqueue_dma source(%dma_start3A_18 : memref<5x128xi32, #tpu.memory_space<hbm>>) target(%dma_start3A_14 : memref<5x128xi32, #tpu.memory_space<vmem>>) target_semaphore(%dma_start3A_11 : memref<!tpu.dma_semaphore, #tpu.memory_space<semaphore_mem>>)
    %dma_start3A_19 = arith.constant 1 : i32
    %dma_start3A_20 = arith.constant 1 : i32
    %dma_start3A_21 = arith.constant 5 : i32
    %dma_start3A_22 = arith.constant 0 : i32
    %dma_start3A_23 = tpu.memref_slice %arg11[%dma_start3A_21, %dma_start3A_22] : memref<10x128xi32, #tpu.memory_space<vmem>> -> memref<5x128xi32, #tpu.memory_space<vmem>>
    %dma_start3A_24 = arith.constant 0 : i32
    %dma_start3A_25 = arith.constant 0 : i32
    %dma_start3A_26 = tpu.memref_slice %arg3[%arg1, %dma_start3A_19, %dma_start3A_24, %dma_start3A_25] : memref<16x32x5x128xi32, #tpu.memory_space<hbm>> -> memref<1x1x5x128xi32, #tpu.memory_space<hbm>>
    %dma_start3A_27 = tpu.memref_squeeze %dma_start3A_26 : memref<1x1x5x128xi32, #tpu.memory_space<hbm>> -> memref<5x128xi32, #tpu.memory_space<hbm>>
    %dma_start3A_28 = tpu.memref_slice %arg20[%dma_start3A_20] : memref<2x!tpu.dma_semaphore, #tpu.memory_space<semaphore_mem>> -> memref<1x!tpu.dma_semaphore, #tpu.memory_space<semaphore_mem>>
    %dma_start3A_29 = tpu.memref_squeeze %dma_start3A_28 : memref<1x!tpu.dma_semaphore, #tpu.memory_space<semaphore_mem>> -> memref<!tpu.dma_semaphore, #tpu.memory_space<semaphore_mem>>
    %dma_start3A_30 = arith.constant 5 : i32
    %dma_start3A_31 = arith.constant 0 : i32
    %dma_start3A_32 = tpu.memref_slice %arg11[%dma_start3A_30, %dma_start3A_31] : memref<10x128xi32, #tpu.memory_space<vmem>> -> memref<5x128xi32, #tpu.memory_space<vmem>>
    %dma_start3A_33 = arith.constant 0 : i32
    %dma_start3A_34 = arith.constant 0 : i32
    %dma_start3A_35 = tpu.memref_slice %arg3[%arg1, %dma_start3A_19, %dma_start3A_33, %dma_start3A_34] : memref<16x32x5x128xi32, #tpu.memory_space<hbm>> -> memref<1x1x5x128xi32, #tpu.memory_space<hbm>>
    %dma_start3A_36 = tpu.memref_squeeze %dma_start3A_35 : memref<1x1x5x128xi32, #tpu.memory_space<hbm>> -> memref<5x128xi32, #tpu.memory_space<hbm>>
    tpu.enqueue_dma source(%dma_start3A_36 : memref<5x128xi32, #tpu.memory_space<hbm>>) target(%dma_start3A_32 : memref<5x128xi32, #tpu.memory_space<vmem>>) target_semaphore(%dma_start3A_29 : memref<!tpu.dma_semaphore, #tpu.memory_space<semaphore_mem>>)
    %barrier3A = arith.constant 0 : index
    tpu.barrier barrier_id(%barrier3A)
    %dma_start3A_37 = arith.constant 0 : i32
    %dma_start3A_38 = arith.constant 0 : i32
    %dma_start3A_39 = arith.constant 0 : i32
    %dma_start3A_40 = arith.constant 0 : i32
    %dma_start3A_41 = arith.constant 0 : i32
    %dma_start3A_42 = tpu.memref_slice %arg13[%dma_start3A_38, %dma_start3A_40, %dma_start3A_41] : memref<5x128x64xf32, #tpu.memory_space<vmem>> -> memref<1x128x64xf32, #tpu.memory_space<vmem>>
    %dma_start3A_43 = tpu.memref_squeeze %dma_start3A_42 : memref<1x128x64xf32, #tpu.memory_space<vmem>> -> memref<128x64xf32, #tpu.memory_space<vmem>>
    %dma_start3A_44 = arith.constant 0 : i32
    %dma_start3A_45 = tpu.memref_slice %arg10[%dma_start3A_37, %dma_start3A_44] : memref<10x128xi32, #tpu.memory_space<vmem>> -> memref<1x128xi32, #tpu.memory_space<vmem>>
    %dma_start3A_46 = tpu.memref_squeeze %dma_start3A_45 : memref<1x128xi32, #tpu.memory_space<vmem>> -> memref<128xi32, #tpu.memory_space<vmem>>
    %dma_start3A_47 = arith.constant 0 : i32
    %dma_start3A_48 = arith.constant 0 : i32
    %dma_start3A_49 = tpu.memref_slice %arg14[%dma_start3A_47, %dma_start3A_48] : memref<10240x64xf32, #tpu.memory_space<vmem_shared>> -> memref<10240x64xf32, #tpu.memory_space<vmem_shared>>
    %dma_start3A_50 = tpu.memref_slice %arg17[%dma_start3A_39] : memref<5x!tpu.dma_semaphore, #tpu.memory_space<semaphore_mem>> -> memref<1x!tpu.dma_semaphore, #tpu.memory_space<semaphore_mem>>
    %dma_start3A_51 = tpu.memref_squeeze %dma_start3A_50 : memref<1x!tpu.dma_semaphore, #tpu.memory_space<semaphore_mem>> -> memref<!tpu.dma_semaphore, #tpu.memory_space<semaphore_mem>>
    tpu.enqueue_indirect_dma source(%dma_start3A_49 : memref<10240x64xf32, #tpu.memory_space<vmem_shared>>) target(%dma_start3A_43 : memref<128x64xf32, #tpu.memory_space<vmem>>) offsets(%dma_start3A_46 : memref<128xi32, #tpu.memory_space<vmem>>) semaphore(%dma_start3A_51 : memref<!tpu.dma_semaphore, #tpu.memory_space<semaphore_mem>>)
    %dma_start3A_52 = arith.constant 1 : i32
    %dma_start3A_53 = arith.constant 1 : i32
    %dma_start3A_54 = arith.constant 1 : i32
    %dma_start3A_55 = arith.constant 0 : i32
    %dma_start3A_56 = arith.constant 0 : i32
    %dma_start3A_57 = tpu.memref_slice %arg13[%dma_start3A_53, %dma_start3A_55, %dma_start3A_56] : memref<5x128x64xf32, #tpu.memory_space<vmem>> -> memref<1x128x64xf32, #tpu.memory_space<vmem>>
    %dma_start3A_58 = tpu.memref_squeeze %dma_start3A_57 : memref<1x128x64xf32, #tpu.memory_space<vmem>> -> memref<128x64xf32, #tpu.memory_space<vmem>>
    %dma_start3A_59 = arith.constant 0 : i32
    %dma_start3A_60 = tpu.memref_slice %arg10[%dma_start3A_52, %dma_start3A_59] : memref<10x128xi32, #tpu.memory_space<vmem>> -> memref<1x128xi32, #tpu.memory_space<vmem>>
    %dma_start3A_61 = tpu.memref_squeeze %dma_start3A_60 : memref<1x128xi32, #tpu.memory_space<vmem>> -> memref<128xi32, #tpu.memory_space<vmem>>
    %dma_start3A_62 = arith.constant 0 : i32
    %dma_start3A_63 = arith.constant 0 : i32
    %dma_start3A_64 = tpu.memref_slice %arg14[%dma_start3A_62, %dma_start3A_63] : memref<10240x64xf32, #tpu.memory_space<vmem_shared>> -> memref<10240x64xf32, #tpu.memory_space<vmem_shared>>
    %dma_start3A_65 = tpu.memref_slice %arg17[%dma_start3A_54] : memref<5x!tpu.dma_semaphore, #tpu.memory_space<semaphore_mem>> -> memref<1x!tpu.dma_semaphore, #tpu.memory_space<semaphore_mem>>
    %dma_start3A_66 = tpu.memref_squeeze %dma_start3A_65 : memref<1x!tpu.dma_semaphore, #tpu.memory_space<semaphore_mem>> -> memref<!tpu.dma_semaphore, #tpu.memory_space<semaphore_mem>>
    tpu.enqueue_indirect_dma source(%dma_start3A_64 : memref<10240x64xf32, #tpu.memory_space<vmem_shared>>) target(%dma_start3A_58 : memref<128x64xf32, #tpu.memory_space<vmem>>) offsets(%dma_start3A_61 : memref<128xi32, #tpu.memory_space<vmem>>) semaphore(%dma_start3A_66 : memref<!tpu.dma_semaphore, #tpu.memory_space<semaphore_mem>>)
    %dma_start3A_67 = arith.constant 2 : i32
    %dma_start3A_68 = arith.constant 2 : i32
    %dma_start3A_69 = arith.constant 2 : i32
    %dma_start3A_70 = arith.constant 0 : i32
    %dma_start3A_71 = arith.constant 0 : i32
    %dma_start3A_72 = tpu.memref_slice %arg13[%dma_start3A_68, %dma_start3A_70, %dma_start3A_71] : memref<5x128x64xf32, #tpu.memory_space<vmem>> -> memref<1x128x64xf32, #tpu.memory_space<vmem>>
    %dma_start3A_73 = tpu.memref_squeeze %dma_start3A_72 : memref<1x128x64xf32, #tpu.memory_space<vmem>> -> memref<128x64xf32, #tpu.memory_space<vmem>>
    %dma_start3A_74 = arith.constant 0 : i32
    %dma_start3A_75 = tpu.memref_slice %arg10[%dma_start3A_67, %dma_start3A_74] : memref<10x128xi32, #tpu.memory_space<vmem>> -> memref<1x128xi32, #tpu.memory_space<vmem>>
    %dma_start3A_76 = tpu.memref_squeeze %dma_start3A_75 : memref<1x128xi32, #tpu.memory_space<vmem>> -> memref<128xi32, #tpu.memory_space<vmem>>
    %dma_start3A_77 = arith.constant 0 : i32
    %dma_start3A_78 = arith.constant 0 : i32
    %dma_start3A_79 = tpu.memref_slice %arg14[%dma_start3A_77, %dma_start3A_78] : memref<10240x64xf32, #tpu.memory_space<vmem_shared>> -> memref<10240x64xf32, #tpu.memory_space<vmem_shared>>
    %dma_start3A_80 = tpu.memref_slice %arg17[%dma_start3A_69] : memref<5x!tpu.dma_semaphore, #tpu.memory_space<semaphore_mem>> -> memref<1x!tpu.dma_semaphore, #tpu.memory_space<semaphore_mem>>
    %dma_start3A_81 = tpu.memref_squeeze %dma_start3A_80 : memref<1x!tpu.dma_semaphore, #tpu.memory_space<semaphore_mem>> -> memref<!tpu.dma_semaphore, #tpu.memory_space<semaphore_mem>>
    tpu.enqueue_indirect_dma source(%dma_start3A_79 : memref<10240x64xf32, #tpu.memory_space<vmem_shared>>) target(%dma_start3A_73 : memref<128x64xf32, #tpu.memory_space<vmem>>) offsets(%dma_start3A_76 : memref<128xi32, #tpu.memory_space<vmem>>) semaphore(%dma_start3A_81 : memref<!tpu.dma_semaphore, #tpu.memory_space<semaphore_mem>>)
    %dma_start3A_82 = arith.constant 3 : i32
    %dma_start3A_83 = arith.constant 3 : i32
    %dma_start3A_84 = arith.constant 3 : i32
    %dma_start3A_85 = arith.constant 0 : i32
    %dma_start3A_86 = arith.constant 0 : i32
    %dma_start3A_87 = tpu.memref_slice %arg13[%dma_start3A_83, %dma_start3A_85, %dma_start3A_86] : memref<5x128x64xf32, #tpu.memory_space<vmem>> -> memref<1x128x64xf32, #tpu.memory_space<vmem>>
    %dma_start3A_88 = tpu.memref_squeeze %dma_start3A_87 : memref<1x128x64xf32, #tpu.memory_space<vmem>> -> memref<128x64xf32, #tpu.memory_space<vmem>>
    %dma_start3A_89 = arith.constant 0 : i32
    %dma_start3A_90 = tpu.memref_slice %arg10[%dma_start3A_82, %dma_start3A_89] : memref<10x128xi32, #tpu.memory_space<vmem>> -> memref<1x128xi32, #tpu.memory_space<vmem>>
    %dma_start3A_91 = tpu.memref_squeeze %dma_start3A_90 : memref<1x128xi32, #tpu.memory_space<vmem>> -> memref<128xi32, #tpu.memory_space<vmem>>
    %dma_start3A_92 = arith.constant 0 : i32
    %dma_start3A_93 = arith.constant 0 : i32
    %dma_start3A_94 = tpu.memref_slice %arg14[%dma_start3A_92, %dma_start3A_93] : memref<10240x64xf32, #tpu.memory_space<vmem_shared>> -> memref<10240x64xf32, #tpu.memory_space<vmem_shared>>
    %dma_start3A_95 = tpu.memref_slice %arg17[%dma_start3A_84] : memref<5x!tpu.dma_semaphore, #tpu.memory_space<semaphore_mem>> -> memref<1x!tpu.dma_semaphore, #tpu.memory_space<semaphore_mem>>
    %dma_start3A_96 = tpu.memref_squeeze %dma_start3A_95 : memref<1x!tpu.dma_semaphore, #tpu.memory_space<semaphore_mem>> -> memref<!tpu.dma_semaphore, #tpu.memory_space<semaphore_mem>>
    tpu.enqueue_indirect_dma source(%dma_start3A_94 : memref<10240x64xf32, #tpu.memory_space<vmem_shared>>) target(%dma_start3A_88 : memref<128x64xf32, #tpu.memory_space<vmem>>) offsets(%dma_start3A_91 : memref<128xi32, #tpu.memory_space<vmem>>) semaphore(%dma_start3A_96 : memref<!tpu.dma_semaphore, #tpu.memory_space<semaphore_mem>>)
    %dma_start3A_97 = arith.constant 4 : i32
    %dma_start3A_98 = arith.constant 4 : i32
    %dma_start3A_99 = arith.constant 4 : i32
    %dma_start3A_100 = arith.constant 0 : i32
    %dma_start3A_101 = arith.constant 0 : i32
    %dma_start3A_102 = tpu.memref_slice %arg13[%dma_start3A_98, %dma_start3A_100, %dma_start3A_101] : memref<5x128x64xf32, #tpu.memory_space<vmem>> -> memref<1x128x64xf32, #tpu.memory_space<vmem>>
    %dma_start3A_103 = tpu.memref_squeeze %dma_start3A_102 : memref<1x128x64xf32, #tpu.memory_space<vmem>> -> memref<128x64xf32, #tpu.memory_space<vmem>>
    %dma_start3A_104 = arith.constant 0 : i32
    %dma_start3A_105 = tpu.memref_slice %arg10[%dma_start3A_97, %dma_start3A_104] : memref<10x128xi32, #tpu.memory_space<vmem>> -> memref<1x128xi32, #tpu.memory_space<vmem>>
    %dma_start3A_106 = tpu.memref_squeeze %dma_start3A_105 : memref<1x128xi32, #tpu.memory_space<vmem>> -> memref<128xi32, #tpu.memory_space<vmem>>
    %dma_start3A_107 = arith.constant 0 : i32
    %dma_start3A_108 = arith.constant 0 : i32
    %dma_start3A_109 = tpu.memref_slice %arg14[%dma_start3A_107, %dma_start3A_108] : memref<10240x64xf32, #tpu.memory_space<vmem_shared>> -> memref<10240x64xf32, #tpu.memory_space<vmem_shared>>
    %dma_start3A_110 = tpu.memref_slice %arg17[%dma_start3A_99] : memref<5x!tpu.dma_semaphore, #tpu.memory_space<semaphore_mem>> -> memref<1x!tpu.dma_semaphore, #tpu.memory_space<semaphore_mem>>
    %dma_start3A_111 = tpu.memref_squeeze %dma_start3A_110 : memref<1x!tpu.dma_semaphore, #tpu.memory_space<semaphore_mem>> -> memref<!tpu.dma_semaphore, #tpu.memory_space<semaphore_mem>>
    tpu.enqueue_indirect_dma source(%dma_start3A_109 : memref<10240x64xf32, #tpu.memory_space<vmem_shared>>) target(%dma_start3A_103 : memref<128x64xf32, #tpu.memory_space<vmem>>) offsets(%dma_start3A_106 : memref<128xi32, #tpu.memory_space<vmem>>) semaphore(%dma_start3A_111 : memref<!tpu.dma_semaphore, #tpu.memory_space<semaphore_mem>>)
    %scan3A = arith.constant 0 : i32
    %scan3A_112 = arith.constant 0 : i32
    %scan3A_113 = arith.constant 16 : i32
    %scan3A_114 = arith.addi %scan3A_112, %scan3A_113 : i32
    %scan3A_115 = arith.constant 1 : i32
    scf.for %scan3A_118 = %scan3A_112 to %scan3A_114 step %scan3A_115  : i32 {
      %mul3A_119 = arith.constant 2 : i32
      %mul3A_120 = arith.muli %mul3A_119, %scan3A_118 : i32
      %add3A = arith.constant 0 : i32
      %add3A_121 = arith.addi %mul3A_120, %add3A : i32
      %eq3A = arith.constant 0 : i32
      %eq3A_122 = arith.cmpi eq, %arg0, %eq3A : i32
      %lt3A = arith.constant 16 : i32
      %lt3A_123 = arith.cmpi slt, %add3A_121, %lt3A : i32
      %and3A = arith.andi %eq3A_122, %lt3A_123 : i1
      %eq3A_124 = arith.constant 1 : i32
      %eq3A_125 = arith.cmpi eq, %arg0, %eq3A_124 : i32
      %ge3A = arith.constant 16 : i32
      %ge3A_126 = arith.cmpi sge, %add3A_121, %ge3A : i32
      %and3A_127 = arith.andi %eq3A_125, %ge3A_126 : i1
      %or3A = arith.ori %and3A, %and3A_127 : i1
      %dma_wait3A = arith.constant 0 : i32
      %dma_wait3A_128 = arith.constant 0 : i32
      %dma_wait3A_129 = arith.constant 0 : i32
      %dma_wait3A_130 = arith.constant 0 : i32
      %dma_wait3A_131 = arith.constant 0 : i32
      %dma_wait3A_132 = tpu.memref_slice %arg13[%dma_wait3A_128, %dma_wait3A_130, %dma_wait3A_131] : memref<5x128x64xf32, #tpu.memory_space<vmem>> -> memref<1x128x64xf32, #tpu.memory_space<vmem>>
      %dma_wait3A_133 = tpu.memref_squeeze %dma_wait3A_132 : memref<1x128x64xf32, #tpu.memory_space<vmem>> -> memref<128x64xf32, #tpu.memory_space<vmem>>
      %dma_wait3A_134 = arith.constant 0 : i32
      %dma_wait3A_135 = tpu.memref_slice %arg10[%dma_wait3A, %dma_wait3A_134] : memref<10x128xi32, #tpu.memory_space<vmem>> -> memref<1x128xi32, #tpu.memory_space<vmem>>
      %dma_wait3A_136 = tpu.memref_squeeze %dma_wait3A_135 : memref<1x128xi32, #tpu.memory_space<vmem>> -> memref<128xi32, #tpu.memory_space<vmem>>
      %dma_wait3A_137 = arith.constant 0 : i32
      %dma_wait3A_138 = arith.constant 0 : i32
      %dma_wait3A_139 = tpu.memref_slice %arg14[%dma_wait3A_137, %dma_wait3A_138] : memref<10240x64xf32, #tpu.memory_space<vmem_shared>> -> memref<10240x64xf32, #tpu.memory_space<vmem_shared>>
      %dma_wait3A_140 = tpu.memref_slice %arg17[%dma_wait3A_129] : memref<5x!tpu.dma_semaphore, #tpu.memory_space<semaphore_mem>> -> memref<1x!tpu.dma_semaphore, #tpu.memory_space<semaphore_mem>>
      %dma_wait3A_141 = tpu.memref_squeeze %dma_wait3A_140 : memref<1x!tpu.dma_semaphore, #tpu.memory_space<semaphore_mem>> -> memref<!tpu.dma_semaphore, #tpu.memory_space<semaphore_mem>>
      tpu.wait_indirect_dma semaphore(%dma_wait3A_141 : memref<!tpu.dma_semaphore, #tpu.memory_space<semaphore_mem>>) src(%dma_wait3A_139 : memref<10240x64xf32, #tpu.memory_space<vmem_shared>>) dst(%dma_wait3A_133 : memref<128x64xf32, #tpu.memory_space<vmem>>)
      %dma_start3A_142 = arith.constant 0 : i32
      %dma_start3A_143 = arith.constant 0 : i32
      %dma_start3A_144 = arith.constant 0 : i32
      %dma_start3A_145 = arith.constant 0 : i32
      %dma_start3A_146 = arith.constant 0 : i32
      %dma_start3A_147 = tpu.memref_slice %arg13[%dma_start3A_142, %dma_start3A_145, %dma_start3A_146] : memref<5x128x64xf32, #tpu.memory_space<vmem>> -> memref<1x128x64xf32, #tpu.memory_space<vmem>>
      %dma_start3A_148 = tpu.memref_squeeze %dma_start3A_147 : memref<1x128x64xf32, #tpu.memory_space<vmem>> -> memref<128x64xf32, #tpu.memory_space<vmem>>
      %dma_start3A_149 = arith.constant 0 : i32
      %dma_start3A_150 = tpu.memref_slice %arg11[%dma_start3A_143, %dma_start3A_149] : memref<10x128xi32, #tpu.memory_space<vmem>> -> memref<1x128xi32, #tpu.memory_space<vmem>>
      %dma_start3A_151 = tpu.memref_squeeze %dma_start3A_150 : memref<1x128xi32, #tpu.memory_space<vmem>> -> memref<128xi32, #tpu.memory_space<vmem>>
      %dma_start3A_152 = arith.constant 0 : i32
      %dma_start3A_153 = arith.constant 0 : i32
      %dma_start3A_154 = tpu.memref_slice %arg15[%dma_start3A_152, %dma_start3A_153] : memref<10240x64xf32, #tpu.memory_space<vmem_shared>> -> memref<10240x64xf32, #tpu.memory_space<vmem_shared>>
      %dma_start3A_155 = tpu.memref_slice %arg18[%dma_start3A_144] : memref<5x!tpu.dma_semaphore, #tpu.memory_space<semaphore_mem>> -> memref<1x!tpu.dma_semaphore, #tpu.memory_space<semaphore_mem>>
      %dma_start3A_156 = tpu.memref_squeeze %dma_start3A_155 : memref<1x!tpu.dma_semaphore, #tpu.memory_space<semaphore_mem>> -> memref<!tpu.dma_semaphore, #tpu.memory_space<semaphore_mem>>
      tpu.enqueue_indirect_dma source(%dma_start3A_148 : memref<128x64xf32, #tpu.memory_space<vmem>>) target(%dma_start3A_154 : memref<10240x64xf32, #tpu.memory_space<vmem_shared>>) offsets(%dma_start3A_151 : memref<128xi32, #tpu.memory_space<vmem>>) semaphore(%dma_start3A_156 : memref<!tpu.dma_semaphore, #tpu.memory_space<semaphore_mem>>) {add = true}
      %dma_wait3A_157 = arith.constant 0 : i32
      %dma_wait3A_158 = arith.constant 1 : i32
      %dma_wait3A_159 = arith.constant 1 : i32
      %dma_wait3A_160 = arith.constant 0 : i32
      %dma_wait3A_161 = arith.constant 0 : i32
      %dma_wait3A_162 = tpu.memref_slice %arg13[%dma_wait3A_158, %dma_wait3A_160, %dma_wait3A_161] : memref<5x128x64xf32, #tpu.memory_space<vmem>> -> memref<1x128x64xf32, #tpu.memory_space<vmem>>
      %dma_wait3A_163 = tpu.memref_squeeze %dma_wait3A_162 : memref<1x128x64xf32, #tpu.memory_space<vmem>> -> memref<128x64xf32, #tpu.memory_space<vmem>>
      %dma_wait3A_164 = arith.constant 0 : i32
      %dma_wait3A_165 = tpu.memref_slice %arg10[%dma_wait3A_157, %dma_wait3A_164] : memref<10x128xi32, #tpu.memory_space<vmem>> -> memref<1x128xi32, #tpu.memory_space<vmem>>
      %dma_wait3A_166 = tpu.memref_squeeze %dma_wait3A_165 : memref<1x128xi32, #tpu.memory_space<vmem>> -> memref<128xi32, #tpu.memory_space<vmem>>
      %dma_wait3A_167 = arith.constant 0 : i32
      %dma_wait3A_168 = arith.constant 0 : i32
      %dma_wait3A_169 = tpu.memref_slice %arg14[%dma_wait3A_167, %dma_wait3A_168] : memref<10240x64xf32, #tpu.memory_space<vmem_shared>> -> memref<10240x64xf32, #tpu.memory_space<vmem_shared>>
      %dma_wait3A_170 = tpu.memref_slice %arg17[%dma_wait3A_159] : memref<5x!tpu.dma_semaphore, #tpu.memory_space<semaphore_mem>> -> memref<1x!tpu.dma_semaphore, #tpu.memory_space<semaphore_mem>>
      %dma_wait3A_171 = tpu.memref_squeeze %dma_wait3A_170 : memref<1x!tpu.dma_semaphore, #tpu.memory_space<semaphore_mem>> -> memref<!tpu.dma_semaphore, #tpu.memory_space<semaphore_mem>>
      tpu.wait_indirect_dma semaphore(%dma_wait3A_171 : memref<!tpu.dma_semaphore, #tpu.memory_space<semaphore_mem>>) src(%dma_wait3A_169 : memref<10240x64xf32, #tpu.memory_space<vmem_shared>>) dst(%dma_wait3A_163 : memref<128x64xf32, #tpu.memory_space<vmem>>)
      %dma_start3A_172 = arith.constant 1 : i32
      %dma_start3A_173 = arith.constant 1 : i32
      %dma_start3A_174 = arith.constant 1 : i32
      %dma_start3A_175 = arith.constant 0 : i32
      %dma_start3A_176 = arith.constant 0 : i32
      %dma_start3A_177 = tpu.memref_slice %arg13[%dma_start3A_172, %dma_start3A_175, %dma_start3A_176] : memref<5x128x64xf32, #tpu.memory_space<vmem>> -> memref<1x128x64xf32, #tpu.memory_space<vmem>>
      %dma_start3A_178 = tpu.memref_squeeze %dma_start3A_177 : memref<1x128x64xf32, #tpu.memory_space<vmem>> -> memref<128x64xf32, #tpu.memory_space<vmem>>
      %dma_start3A_179 = arith.constant 0 : i32
      %dma_start3A_180 = tpu.memref_slice %arg11[%dma_start3A_173, %dma_start3A_179] : memref<10x128xi32, #tpu.memory_space<vmem>> -> memref<1x128xi32, #tpu.memory_space<vmem>>
      %dma_start3A_181 = tpu.memref_squeeze %dma_start3A_180 : memref<1x128xi32, #tpu.memory_space<vmem>> -> memref<128xi32, #tpu.memory_space<vmem>>
      %dma_start3A_182 = arith.constant 0 : i32
      %dma_start3A_183 = arith.constant 0 : i32
      %dma_start3A_184 = tpu.memref_slice %arg15[%dma_start3A_182, %dma_start3A_183] : memref<10240x64xf32, #tpu.memory_space<vmem_shared>> -> memref<10240x64xf32, #tpu.memory_space<vmem_shared>>
      %dma_start3A_185 = tpu.memref_slice %arg18[%dma_start3A_174] : memref<5x!tpu.dma_semaphore, #tpu.memory_space<semaphore_mem>> -> memref<1x!tpu.dma_semaphore, #tpu.memory_space<semaphore_mem>>
      %dma_start3A_186 = tpu.memref_squeeze %dma_start3A_185 : memref<1x!tpu.dma_semaphore, #tpu.memory_space<semaphore_mem>> -> memref<!tpu.dma_semaphore, #tpu.memory_space<semaphore_mem>>
      tpu.enqueue_indirect_dma source(%dma_start3A_178 : memref<128x64xf32, #tpu.memory_space<vmem>>) target(%dma_start3A_184 : memref<10240x64xf32, #tpu.memory_space<vmem_shared>>) offsets(%dma_start3A_181 : memref<128xi32, #tpu.memory_space<vmem>>) semaphore(%dma_start3A_186 : memref<!tpu.dma_semaphore, #tpu.memory_space<semaphore_mem>>) {add = true}
      %dma_wait3A_187 = arith.constant 0 : i32
      %dma_wait3A_188 = arith.constant 2 : i32
      %dma_wait3A_189 = arith.constant 2 : i32
      %dma_wait3A_190 = arith.constant 0 : i32
      %dma_wait3A_191 = arith.constant 0 : i32
      %dma_wait3A_192 = tpu.memref_slice %arg13[%dma_wait3A_188, %dma_wait3A_190, %dma_wait3A_191] : memref<5x128x64xf32, #tpu.memory_space<vmem>> -> memref<1x128x64xf32, #tpu.memory_space<vmem>>
      %dma_wait3A_193 = tpu.memref_squeeze %dma_wait3A_192 : memref<1x128x64xf32, #tpu.memory_space<vmem>> -> memref<128x64xf32, #tpu.memory_space<vmem>>
      %dma_wait3A_194 = arith.constant 0 : i32
      %dma_wait3A_195 = tpu.memref_slice %arg10[%dma_wait3A_187, %dma_wait3A_194] : memref<10x128xi32, #tpu.memory_space<vmem>> -> memref<1x128xi32, #tpu.memory_space<vmem>>
      %dma_wait3A_196 = tpu.memref_squeeze %dma_wait3A_195 : memref<1x128xi32, #tpu.memory_space<vmem>> -> memref<128xi32, #tpu.memory_space<vmem>>
      %dma_wait3A_197 = arith.constant 0 : i32
      %dma_wait3A_198 = arith.constant 0 : i32
      %dma_wait3A_199 = tpu.memref_slice %arg14[%dma_wait3A_197, %dma_wait3A_198] : memref<10240x64xf32, #tpu.memory_space<vmem_shared>> -> memref<10240x64xf32, #tpu.memory_space<vmem_shared>>
      %dma_wait3A_200 = tpu.memref_slice %arg17[%dma_wait3A_189] : memref<5x!tpu.dma_semaphore, #tpu.memory_space<semaphore_mem>> -> memref<1x!tpu.dma_semaphore, #tpu.memory_space<semaphore_mem>>
      %dma_wait3A_201 = tpu.memref_squeeze %dma_wait3A_200 : memref<1x!tpu.dma_semaphore, #tpu.memory_space<semaphore_mem>> -> memref<!tpu.dma_semaphore, #tpu.memory_space<semaphore_mem>>
      tpu.wait_indirect_dma semaphore(%dma_wait3A_201 : memref<!tpu.dma_semaphore, #tpu.memory_space<semaphore_mem>>) src(%dma_wait3A_199 : memref<10240x64xf32, #tpu.memory_space<vmem_shared>>) dst(%dma_wait3A_193 : memref<128x64xf32, #tpu.memory_space<vmem>>)
      %dma_start3A_202 = arith.constant 2 : i32
      %dma_start3A_203 = arith.constant 2 : i32
      %dma_start3A_204 = arith.constant 2 : i32
      %dma_start3A_205 = arith.constant 0 : i32
      %dma_start3A_206 = arith.constant 0 : i32
      %dma_start3A_207 = tpu.memref_slice %arg13[%dma_start3A_202, %dma_start3A_205, %dma_start3A_206] : memref<5x128x64xf32, #tpu.memory_space<vmem>> -> memref<1x128x64xf32, #tpu.memory_space<vmem>>
      %dma_start3A_208 = tpu.memref_squeeze %dma_start3A_207 : memref<1x128x64xf32, #tpu.memory_space<vmem>> -> memref<128x64xf32, #tpu.memory_space<vmem>>
      %dma_start3A_209 = arith.constant 0 : i32
      %dma_start3A_210 = tpu.memref_slice %arg11[%dma_start3A_203, %dma_start3A_209] : memref<10x128xi32, #tpu.memory_space<vmem>> -> memref<1x128xi32, #tpu.memory_space<vmem>>
      %dma_start3A_211 = tpu.memref_squeeze %dma_start3A_210 : memref<1x128xi32, #tpu.memory_space<vmem>> -> memref<128xi32, #tpu.memory_space<vmem>>
      %dma_start3A_212 = arith.constant 0 : i32
      %dma_start3A_213 = arith.constant 0 : i32
      %dma_start3A_214 = tpu.memref_slice %arg15[%dma_start3A_212, %dma_start3A_213] : memref<10240x64xf32, #tpu.memory_space<vmem_shared>> -> memref<10240x64xf32, #tpu.memory_space<vmem_shared>>
      %dma_start3A_215 = tpu.memref_slice %arg18[%dma_start3A_204] : memref<5x!tpu.dma_semaphore, #tpu.memory_space<semaphore_mem>> -> memref<1x!tpu.dma_semaphore, #tpu.memory_space<semaphore_mem>>
      %dma_start3A_216 = tpu.memref_squeeze %dma_start3A_215 : memref<1x!tpu.dma_semaphore, #tpu.memory_space<semaphore_mem>> -> memref<!tpu.dma_semaphore, #tpu.memory_space<semaphore_mem>>
      tpu.enqueue_indirect_dma source(%dma_start3A_208 : memref<128x64xf32, #tpu.memory_space<vmem>>) target(%dma_start3A_214 : memref<10240x64xf32, #tpu.memory_space<vmem_shared>>) offsets(%dma_start3A_211 : memref<128xi32, #tpu.memory_space<vmem>>) semaphore(%dma_start3A_216 : memref<!tpu.dma_semaphore, #tpu.memory_space<semaphore_mem>>) {add = true}
      %dma_wait3A_217 = arith.constant 0 : i32
      %dma_wait3A_218 = arith.constant 3 : i32
      %dma_wait3A_219 = arith.constant 3 : i32
      %dma_wait3A_220 = arith.constant 0 : i32
      %dma_wait3A_221 = arith.constant 0 : i32
      %dma_wait3A_222 = tpu.memref_slice %arg13[%dma_wait3A_218, %dma_wait3A_220, %dma_wait3A_221] : memref<5x128x64xf32, #tpu.memory_space<vmem>> -> memref<1x128x64xf32, #tpu.memory_space<vmem>>
      %dma_wait3A_223 = tpu.memref_squeeze %dma_wait3A_222 : memref<1x128x64xf32, #tpu.memory_space<vmem>> -> memref<128x64xf32, #tpu.memory_space<vmem>>
      %dma_wait3A_224 = arith.constant 0 : i32
      %dma_wait3A_225 = tpu.memref_slice %arg10[%dma_wait3A_217, %dma_wait3A_224] : memref<10x128xi32, #tpu.memory_space<vmem>> -> memref<1x128xi32, #tpu.memory_space<vmem>>
      %dma_wait3A_226 = tpu.memref_squeeze %dma_wait3A_225 : memref<1x128xi32, #tpu.memory_space<vmem>> -> memref<128xi32, #tpu.memory_space<vmem>>
      %dma_wait3A_227 = arith.constant 0 : i32
      %dma_wait3A_228 = arith.constant 0 : i32
      %dma_wait3A_229 = tpu.memref_slice %arg14[%dma_wait3A_227, %dma_wait3A_228] : memref<10240x64xf32, #tpu.memory_space<vmem_shared>> -> memref<10240x64xf32, #tpu.memory_space<vmem_shared>>
      %dma_wait3A_230 = tpu.memref_slice %arg17[%dma_wait3A_219] : memref<5x!tpu.dma_semaphore, #tpu.memory_space<semaphore_mem>> -> memref<1x!tpu.dma_semaphore, #tpu.memory_space<semaphore_mem>>
      %dma_wait3A_231 = tpu.memref_squeeze %dma_wait3A_230 : memref<1x!tpu.dma_semaphore, #tpu.memory_space<semaphore_mem>> -> memref<!tpu.dma_semaphore, #tpu.memory_space<semaphore_mem>>
      tpu.wait_indirect_dma semaphore(%dma_wait3A_231 : memref<!tpu.dma_semaphore, #tpu.memory_space<semaphore_mem>>) src(%dma_wait3A_229 : memref<10240x64xf32, #tpu.memory_space<vmem_shared>>) dst(%dma_wait3A_223 : memref<128x64xf32, #tpu.memory_space<vmem>>)
      %dma_start3A_232 = arith.constant 3 : i32
      %dma_start3A_233 = arith.constant 3 : i32
      %dma_start3A_234 = arith.constant 3 : i32
      %dma_start3A_235 = arith.constant 0 : i32
      %dma_start3A_236 = arith.constant 0 : i32
      %dma_start3A_237 = tpu.memref_slice %arg13[%dma_start3A_232, %dma_start3A_235, %dma_start3A_236] : memref<5x128x64xf32, #tpu.memory_space<vmem>> -> memref<1x128x64xf32, #tpu.memory_space<vmem>>
      %dma_start3A_238 = tpu.memref_squeeze %dma_start3A_237 : memref<1x128x64xf32, #tpu.memory_space<vmem>> -> memref<128x64xf32, #tpu.memory_space<vmem>>
      %dma_start3A_239 = arith.constant 0 : i32
      %dma_start3A_240 = tpu.memref_slice %arg11[%dma_start3A_233, %dma_start3A_239] : memref<10x128xi32, #tpu.memory_space<vmem>> -> memref<1x128xi32, #tpu.memory_space<vmem>>
      %dma_start3A_241 = tpu.memref_squeeze %dma_start3A_240 : memref<1x128xi32, #tpu.memory_space<vmem>> -> memref<128xi32, #tpu.memory_space<vmem>>
      %dma_start3A_242 = arith.constant 0 : i32
      %dma_start3A_243 = arith.constant 0 : i32
      %dma_start3A_244 = tpu.memref_slice %arg15[%dma_start3A_242, %dma_start3A_243] : memref<10240x64xf32, #tpu.memory_space<vmem_shared>> -> memref<10240x64xf32, #tpu.memory_space<vmem_shared>>
      %dma_start3A_245 = tpu.memref_slice %arg18[%dma_start3A_234] : memref<5x!tpu.dma_semaphore, #tpu.memory_space<semaphore_mem>> -> memref<1x!tpu.dma_semaphore, #tpu.memory_space<semaphore_mem>>
      %dma_start3A_246 = tpu.memref_squeeze %dma_start3A_245 : memref<1x!tpu.dma_semaphore, #tpu.memory_space<semaphore_mem>> -> memref<!tpu.dma_semaphore, #tpu.memory_space<semaphore_mem>>
      tpu.enqueue_indirect_dma source(%dma_start3A_238 : memref<128x64xf32, #tpu.memory_space<vmem>>) target(%dma_start3A_244 : memref<10240x64xf32, #tpu.memory_space<vmem_shared>>) offsets(%dma_start3A_241 : memref<128xi32, #tpu.memory_space<vmem>>) semaphore(%dma_start3A_246 : memref<!tpu.dma_semaphore, #tpu.memory_space<semaphore_mem>>) {add = true}
      %dma_wait3A_247 = arith.constant 0 : i32
      %dma_wait3A_248 = arith.constant 4 : i32
      %dma_wait3A_249 = arith.constant 4 : i32
      %dma_wait3A_250 = arith.constant 0 : i32
      %dma_wait3A_251 = arith.constant 0 : i32
      %dma_wait3A_252 = tpu.memref_slice %arg13[%dma_wait3A_248, %dma_wait3A_250, %dma_wait3A_251] : memref<5x128x64xf32, #tpu.memory_space<vmem>> -> memref<1x128x64xf32, #tpu.memory_space<vmem>>
      %dma_wait3A_253 = tpu.memref_squeeze %dma_wait3A_252 : memref<1x128x64xf32, #tpu.memory_space<vmem>> -> memref<128x64xf32, #tpu.memory_space<vmem>>
      %dma_wait3A_254 = arith.constant 0 : i32
      %dma_wait3A_255 = tpu.memref_slice %arg10[%dma_wait3A_247, %dma_wait3A_254] : memref<10x128xi32, #tpu.memory_space<vmem>> -> memref<1x128xi32, #tpu.memory_space<vmem>>
      %dma_wait3A_256 = tpu.memref_squeeze %dma_wait3A_255 : memref<1x128xi32, #tpu.memory_space<vmem>> -> memref<128xi32, #tpu.memory_space<vmem>>
      %dma_wait3A_257 = arith.constant 0 : i32
      %dma_wait3A_258 = arith.constant 0 : i32
      %dma_wait3A_259 = tpu.memref_slice %arg14[%dma_wait3A_257, %dma_wait3A_258] : memref<10240x64xf32, #tpu.memory_space<vmem_shared>> -> memref<10240x64xf32, #tpu.memory_space<vmem_shared>>
      %dma_wait3A_260 = tpu.memref_slice %arg17[%dma_wait3A_249] : memref<5x!tpu.dma_semaphore, #tpu.memory_space<semaphore_mem>> -> memref<1x!tpu.dma_semaphore, #tpu.memory_space<semaphore_mem>>
      %dma_wait3A_261 = tpu.memref_squeeze %dma_wait3A_260 : memref<1x!tpu.dma_semaphore, #tpu.memory_space<semaphore_mem>> -> memref<!tpu.dma_semaphore, #tpu.memory_space<semaphore_mem>>
      tpu.wait_indirect_dma semaphore(%dma_wait3A_261 : memref<!tpu.dma_semaphore, #tpu.memory_space<semaphore_mem>>) src(%dma_wait3A_259 : memref<10240x64xf32, #tpu.memory_space<vmem_shared>>) dst(%dma_wait3A_253 : memref<128x64xf32, #tpu.memory_space<vmem>>)
      %dma_start3A_262 = arith.constant 4 : i32
      %dma_start3A_263 = arith.constant 4 : i32
      %dma_start3A_264 = arith.constant 4 : i32
      %dma_start3A_265 = arith.constant 0 : i32
      %dma_start3A_266 = arith.constant 0 : i32
      %dma_start3A_267 = tpu.memref_slice %arg13[%dma_start3A_262, %dma_start3A_265, %dma_start3A_266] : memref<5x128x64xf32, #tpu.memory_space<vmem>> -> memref<1x128x64xf32, #tpu.memory_space<vmem>>
      %dma_start3A_268 = tpu.memref_squeeze %dma_start3A_267 : memref<1x128x64xf32, #tpu.memory_space<vmem>> -> memref<128x64xf32, #tpu.memory_space<vmem>>
      %dma_start3A_269 = arith.constant 0 : i32
      %dma_start3A_270 = tpu.memref_slice %arg11[%dma_start3A_263, %dma_start3A_269] : memref<10x128xi32, #tpu.memory_space<vmem>> -> memref<1x128xi32, #tpu.memory_space<vmem>>
      %dma_start3A_271 = tpu.memref_squeeze %dma_start3A_270 : memref<1x128xi32, #tpu.memory_space<vmem>> -> memref<128xi32, #tpu.memory_space<vmem>>
      %dma_start3A_272 = arith.constant 0 : i32
      %dma_start3A_273 = arith.constant 0 : i32
      %dma_start3A_274 = tpu.memref_slice %arg15[%dma_start3A_272, %dma_start3A_273] : memref<10240x64xf32, #tpu.memory_space<vmem_shared>> -> memref<10240x64xf32, #tpu.memory_space<vmem_shared>>
      %dma_start3A_275 = tpu.memref_slice %arg18[%dma_start3A_264] : memref<5x!tpu.dma_semaphore, #tpu.memory_space<semaphore_mem>> -> memref<1x!tpu.dma_semaphore, #tpu.memory_space<semaphore_mem>>
      %dma_start3A_276 = tpu.memref_squeeze %dma_start3A_275 : memref<1x!tpu.dma_semaphore, #tpu.memory_space<semaphore_mem>> -> memref<!tpu.dma_semaphore, #tpu.memory_space<semaphore_mem>>
      tpu.enqueue_indirect_dma source(%dma_start3A_268 : memref<128x64xf32, #tpu.memory_space<vmem>>) target(%dma_start3A_274 : memref<10240x64xf32, #tpu.memory_space<vmem_shared>>) offsets(%dma_start3A_271 : memref<128xi32, #tpu.memory_space<vmem>>) semaphore(%dma_start3A_276 : memref<!tpu.dma_semaphore, #tpu.memory_space<semaphore_mem>>) {add = true}
      %dma_wait3A_277 = arith.constant 0 : i32
      %dma_wait3A_278 = arith.constant 0 : i32
      %dma_wait3A_279 = arith.constant 0 : i32
      %dma_wait3A_280 = arith.constant 0 : i32
      %dma_wait3A_281 = arith.constant 0 : i32
      %dma_wait3A_282 = tpu.memref_slice %arg13[%dma_wait3A_277, %dma_wait3A_280, %dma_wait3A_281] : memref<5x128x64xf32, #tpu.memory_space<vmem>> -> memref<1x128x64xf32, #tpu.memory_space<vmem>>
      %dma_wait3A_283 = tpu.memref_squeeze %dma_wait3A_282 : memref<1x128x64xf32, #tpu.memory_space<vmem>> -> memref<128x64xf32, #tpu.memory_space<vmem>>
      %dma_wait3A_284 = arith.constant 0 : i32
      %dma_wait3A_285 = tpu.memref_slice %arg11[%dma_wait3A_278, %dma_wait3A_284] : memref<10x128xi32, #tpu.memory_space<vmem>> -> memref<1x128xi32, #tpu.memory_space<vmem>>
      %dma_wait3A_286 = tpu.memref_squeeze %dma_wait3A_285 : memref<1x128xi32, #tpu.memory_space<vmem>> -> memref<128xi32, #tpu.memory_space<vmem>>
      %dma_wait3A_287 = arith.constant 0 : i32
      %dma_wait3A_288 = arith.constant 0 : i32
      %dma_wait3A_289 = tpu.memref_slice %arg15[%dma_wait3A_287, %dma_wait3A_288] : memref<10240x64xf32, #tpu.memory_space<vmem_shared>> -> memref<10240x64xf32, #tpu.memory_space<vmem_shared>>
      %dma_wait3A_290 = tpu.memref_slice %arg18[%dma_wait3A_279] : memref<5x!tpu.dma_semaphore, #tpu.memory_space<semaphore_mem>> -> memref<1x!tpu.dma_semaphore, #tpu.memory_space<semaphore_mem>>
      %dma_wait3A_291 = tpu.memref_squeeze %dma_wait3A_290 : memref<1x!tpu.dma_semaphore, #tpu.memory_space<semaphore_mem>> -> memref<!tpu.dma_semaphore, #tpu.memory_space<semaphore_mem>>
      tpu.wait_indirect_dma semaphore(%dma_wait3A_291 : memref<!tpu.dma_semaphore, #tpu.memory_space<semaphore_mem>>) src(%dma_wait3A_283 : memref<128x64xf32, #tpu.memory_space<vmem>>) dst(%dma_wait3A_289 : memref<10240x64xf32, #tpu.memory_space<vmem_shared>>)
      %dma_wait3A_292 = arith.constant 1 : i32
      %dma_wait3A_293 = arith.constant 1 : i32
      %dma_wait3A_294 = arith.constant 1 : i32
      %dma_wait3A_295 = arith.constant 0 : i32
      %dma_wait3A_296 = arith.constant 0 : i32
      %dma_wait3A_297 = tpu.memref_slice %arg13[%dma_wait3A_292, %dma_wait3A_295, %dma_wait3A_296] : memref<5x128x64xf32, #tpu.memory_space<vmem>> -> memref<1x128x64xf32, #tpu.memory_space<vmem>>
      %dma_wait3A_298 = tpu.memref_squeeze %dma_wait3A_297 : memref<1x128x64xf32, #tpu.memory_space<vmem>> -> memref<128x64xf32, #tpu.memory_space<vmem>>
      %dma_wait3A_299 = arith.constant 0 : i32
      %dma_wait3A_300 = tpu.memref_slice %arg11[%dma_wait3A_293, %dma_wait3A_299] : memref<10x128xi32, #tpu.memory_space<vmem>> -> memref<1x128xi32, #tpu.memory_space<vmem>>
      %dma_wait3A_301 = tpu.memref_squeeze %dma_wait3A_300 : memref<1x128xi32, #tpu.memory_space<vmem>> -> memref<128xi32, #tpu.memory_space<vmem>>
      %dma_wait3A_302 = arith.constant 0 : i32
      %dma_wait3A_303 = arith.constant 0 : i32
      %dma_wait3A_304 = tpu.memref_slice %arg15[%dma_wait3A_302, %dma_wait3A_303] : memref<10240x64xf32, #tpu.memory_space<vmem_shared>> -> memref<10240x64xf32, #tpu.memory_space<vmem_shared>>
      %dma_wait3A_305 = tpu.memref_slice %arg18[%dma_wait3A_294] : memref<5x!tpu.dma_semaphore, #tpu.memory_space<semaphore_mem>> -> memref<1x!tpu.dma_semaphore, #tpu.memory_space<semaphore_mem>>
      %dma_wait3A_306 = tpu.memref_squeeze %dma_wait3A_305 : memref<1x!tpu.dma_semaphore, #tpu.memory_space<semaphore_mem>> -> memref<!tpu.dma_semaphore, #tpu.memory_space<semaphore_mem>>
      tpu.wait_indirect_dma semaphore(%dma_wait3A_306 : memref<!tpu.dma_semaphore, #tpu.memory_space<semaphore_mem>>) src(%dma_wait3A_298 : memref<128x64xf32, #tpu.memory_space<vmem>>) dst(%dma_wait3A_304 : memref<10240x64xf32, #tpu.memory_space<vmem_shared>>)
      %dma_wait3A_307 = arith.constant 2 : i32
      %dma_wait3A_308 = arith.constant 2 : i32
      %dma_wait3A_309 = arith.constant 2 : i32
      %dma_wait3A_310 = arith.constant 0 : i32
      %dma_wait3A_311 = arith.constant 0 : i32
      %dma_wait3A_312 = tpu.memref_slice %arg13[%dma_wait3A_307, %dma_wait3A_310, %dma_wait3A_311] : memref<5x128x64xf32, #tpu.memory_space<vmem>> -> memref<1x128x64xf32, #tpu.memory_space<vmem>>
      %dma_wait3A_313 = tpu.memref_squeeze %dma_wait3A_312 : memref<1x128x64xf32, #tpu.memory_space<vmem>> -> memref<128x64xf32, #tpu.memory_space<vmem>>
      %dma_wait3A_314 = arith.constant 0 : i32
      %dma_wait3A_315 = tpu.memref_slice %arg11[%dma_wait3A_308, %dma_wait3A_314] : memref<10x128xi32, #tpu.memory_space<vmem>> -> memref<1x128xi32, #tpu.memory_space<vmem>>
      %dma_wait3A_316 = tpu.memref_squeeze %dma_wait3A_315 : memref<1x128xi32, #tpu.memory_space<vmem>> -> memref<128xi32, #tpu.memory_space<vmem>>
      %dma_wait3A_317 = arith.constant 0 : i32
      %dma_wait3A_318 = arith.constant 0 : i32
      %dma_wait3A_319 = tpu.memref_slice %arg15[%dma_wait3A_317, %dma_wait3A_318] : memref<10240x64xf32, #tpu.memory_space<vmem_shared>> -> memref<10240x64xf32, #tpu.memory_space<vmem_shared>>
      %dma_wait3A_320 = tpu.memref_slice %arg18[%dma_wait3A_309] : memref<5x!tpu.dma_semaphore, #tpu.memory_space<semaphore_mem>> -> memref<1x!tpu.dma_semaphore, #tpu.memory_space<semaphore_mem>>
      %dma_wait3A_321 = tpu.memref_squeeze %dma_wait3A_320 : memref<1x!tpu.dma_semaphore, #tpu.memory_space<semaphore_mem>> -> memref<!tpu.dma_semaphore, #tpu.memory_space<semaphore_mem>>
      tpu.wait_indirect_dma semaphore(%dma_wait3A_321 : memref<!tpu.dma_semaphore, #tpu.memory_space<semaphore_mem>>) src(%dma_wait3A_313 : memref<128x64xf32, #tpu.memory_space<vmem>>) dst(%dma_wait3A_319 : memref<10240x64xf32, #tpu.memory_space<vmem_shared>>)
      %dma_wait3A_322 = arith.constant 3 : i32
      %dma_wait3A_323 = arith.constant 3 : i32
      %dma_wait3A_324 = arith.constant 3 : i32
      %dma_wait3A_325 = arith.constant 0 : i32
      %dma_wait3A_326 = arith.constant 0 : i32
      %dma_wait3A_327 = tpu.memref_slice %arg13[%dma_wait3A_322, %dma_wait3A_325, %dma_wait3A_326] : memref<5x128x64xf32, #tpu.memory_space<vmem>> -> memref<1x128x64xf32, #tpu.memory_space<vmem>>
      %dma_wait3A_328 = tpu.memref_squeeze %dma_wait3A_327 : memref<1x128x64xf32, #tpu.memory_space<vmem>> -> memref<128x64xf32, #tpu.memory_space<vmem>>
      %dma_wait3A_329 = arith.constant 0 : i32
      %dma_wait3A_330 = tpu.memref_slice %arg11[%dma_wait3A_323, %dma_wait3A_329] : memref<10x128xi32, #tpu.memory_space<vmem>> -> memref<1x128xi32, #tpu.memory_space<vmem>>
      %dma_wait3A_331 = tpu.memref_squeeze %dma_wait3A_330 : memref<1x128xi32, #tpu.memory_space<vmem>> -> memref<128xi32, #tpu.memory_space<vmem>>
      %dma_wait3A_332 = arith.constant 0 : i32
      %dma_wait3A_333 = arith.constant 0 : i32
      %dma_wait3A_334 = tpu.memref_slice %arg15[%dma_wait3A_332, %dma_wait3A_333] : memref<10240x64xf32, #tpu.memory_space<vmem_shared>> -> memref<10240x64xf32, #tpu.memory_space<vmem_shared>>
      %dma_wait3A_335 = tpu.memref_slice %arg18[%dma_wait3A_324] : memref<5x!tpu.dma_semaphore, #tpu.memory_space<semaphore_mem>> -> memref<1x!tpu.dma_semaphore, #tpu.memory_space<semaphore_mem>>
      %dma_wait3A_336 = tpu.memref_squeeze %dma_wait3A_335 : memref<1x!tpu.dma_semaphore, #tpu.memory_space<semaphore_mem>> -> memref<!tpu.dma_semaphore, #tpu.memory_space<semaphore_mem>>
      tpu.wait_indirect_dma semaphore(%dma_wait3A_336 : memref<!tpu.dma_semaphore, #tpu.memory_space<semaphore_mem>>) src(%dma_wait3A_328 : memref<128x64xf32, #tpu.memory_space<vmem>>) dst(%dma_wait3A_334 : memref<10240x64xf32, #tpu.memory_space<vmem_shared>>)
      %dma_wait3A_337 = arith.constant 4 : i32
      %dma_wait3A_338 = arith.constant 4 : i32
      %dma_wait3A_339 = arith.constant 4 : i32
      %dma_wait3A_340 = arith.constant 0 : i32
      %dma_wait3A_341 = arith.constant 0 : i32
      %dma_wait3A_342 = tpu.memref_slice %arg13[%dma_wait3A_337, %dma_wait3A_340, %dma_wait3A_341] : memref<5x128x64xf32, #tpu.memory_space<vmem>> -> memref<1x128x64xf32, #tpu.memory_space<vmem>>
      %dma_wait3A_343 = tpu.memref_squeeze %dma_wait3A_342 : memref<1x128x64xf32, #tpu.memory_space<vmem>> -> memref<128x64xf32, #tpu.memory_space<vmem>>
      %dma_wait3A_344 = arith.constant 0 : i32
      %dma_wait3A_345 = tpu.memref_slice %arg11[%dma_wait3A_338, %dma_wait3A_344] : memref<10x128xi32, #tpu.memory_space<vmem>> -> memref<1x128xi32, #tpu.memory_space<vmem>>
      %dma_wait3A_346 = tpu.memref_squeeze %dma_wait3A_345 : memref<1x128xi32, #tpu.memory_space<vmem>> -> memref<128xi32, #tpu.memory_space<vmem>>
      %dma_wait3A_347 = arith.constant 0 : i32
      %dma_wait3A_348 = arith.constant 0 : i32
      %dma_wait3A_349 = tpu.memref_slice %arg15[%dma_wait3A_347, %dma_wait3A_348] : memref<10240x64xf32, #tpu.memory_space<vmem_shared>> -> memref<10240x64xf32, #tpu.memory_space<vmem_shared>>
      %dma_wait3A_350 = tpu.memref_slice %arg18[%dma_wait3A_339] : memref<5x!tpu.dma_semaphore, #tpu.memory_space<semaphore_mem>> -> memref<1x!tpu.dma_semaphore, #tpu.memory_space<semaphore_mem>>
      %dma_wait3A_351 = tpu.memref_squeeze %dma_wait3A_350 : memref<1x!tpu.dma_semaphore, #tpu.memory_space<semaphore_mem>> -> memref<!tpu.dma_semaphore, #tpu.memory_space<semaphore_mem>>
      tpu.wait_indirect_dma semaphore(%dma_wait3A_351 : memref<!tpu.dma_semaphore, #tpu.memory_space<semaphore_mem>>) src(%dma_wait3A_343 : memref<128x64xf32, #tpu.memory_space<vmem>>) dst(%dma_wait3A_349 : memref<10240x64xf32, #tpu.memory_space<vmem_shared>>)
      %add3A_352 = arith.constant 1 : i32
      %add3A_353 = arith.addi %add3A_121, %add3A_352 : i32
      %lt3A_354 = arith.constant 32 : i32
      %lt3A_355 = arith.cmpi slt, %add3A_353, %lt3A_354 : i32
      %convert_element_type3A = arith.extui %lt3A_355 : i1 to i32
      %cond3A = arith.constant 0 : i32
      %cond3A_356 = arith.cmpi ne, %convert_element_type3A, %cond3A : i32
      scf.if %cond3A_356 {
        %dma_wait3A_618 = arith.constant 0 : i32
        %dma_wait3A_619 = arith.constant 1 : i32
        %dma_wait3A_620 = arith.constant 5 : i32
        %dma_wait3A_621 = arith.constant 0 : i32
        %dma_wait3A_622 = tpu.memref_slice %arg10[%dma_wait3A_620, %dma_wait3A_621] : memref<10x128xi32, #tpu.memory_space<vmem>> -> memref<5x128xi32, #tpu.memory_space<vmem>>
        %dma_wait3A_623 = arith.constant 0 : i32
        %dma_wait3A_624 = arith.constant 0 : i32
        %dma_wait3A_625 = tpu.memref_slice %arg2[%arg1, %dma_wait3A_618, %dma_wait3A_623, %dma_wait3A_624] : memref<16x32x5x128xi32, #tpu.memory_space<hbm>> -> memref<1x1x5x128xi32, #tpu.memory_space<hbm>>
        %dma_wait3A_626 = tpu.memref_squeeze %dma_wait3A_625 : memref<1x1x5x128xi32, #tpu.memory_space<hbm>> -> memref<5x128xi32, #tpu.memory_space<hbm>>
        %dma_wait3A_627 = tpu.memref_slice %arg20[%dma_wait3A_619] : memref<2x!tpu.dma_semaphore, #tpu.memory_space<semaphore_mem>> -> memref<1x!tpu.dma_semaphore, #tpu.memory_space<semaphore_mem>>
        %dma_wait3A_628 = tpu.memref_squeeze %dma_wait3A_627 : memref<1x!tpu.dma_semaphore, #tpu.memory_space<semaphore_mem>> -> memref<!tpu.dma_semaphore, #tpu.memory_space<semaphore_mem>>
        %dma_wait3A_629 = arith.constant 5 : i32
        %dma_wait3A_630 = arith.constant 0 : i32
        %dma_wait3A_631 = tpu.memref_slice %arg10[%dma_wait3A_629, %dma_wait3A_630] : memref<10x128xi32, #tpu.memory_space<vmem>> -> memref<5x128xi32, #tpu.memory_space<vmem>>
        %dma_wait3A_632 = arith.constant 0 : i32
        %dma_wait3A_633 = arith.constant 0 : i32
        %dma_wait3A_634 = tpu.memref_slice %arg2[%arg1, %dma_wait3A_618, %dma_wait3A_632, %dma_wait3A_633] : memref<16x32x5x128xi32, #tpu.memory_space<hbm>> -> memref<1x1x5x128xi32, #tpu.memory_space<hbm>>
        %dma_wait3A_635 = tpu.memref_squeeze %dma_wait3A_634 : memref<1x1x5x128xi32, #tpu.memory_space<hbm>> -> memref<5x128xi32, #tpu.memory_space<hbm>>
        tpu.wait_dma2 semaphore(%dma_wait3A_628 : memref<!tpu.dma_semaphore, #tpu.memory_space<semaphore_mem>>) src(%dma_wait3A_635 : memref<5x128xi32, #tpu.memory_space<hbm>>) dst(%dma_wait3A_631 : memref<5x128xi32, #tpu.memory_space<vmem>>)
        %dma_wait3A_636 = arith.constant 0 : i32
        %dma_wait3A_637 = arith.constant 1 : i32
        %dma_wait3A_638 = arith.constant 5 : i32
        %dma_wait3A_639 = arith.constant 0 : i32
        %dma_wait3A_640 = tpu.memref_slice %arg11[%dma_wait3A_638, %dma_wait3A_639] : memref<10x128xi32, #tpu.memory_space<vmem>> -> memref<5x128xi32, #tpu.memory_space<vmem>>
        %dma_wait3A_641 = arith.constant 0 : i32
        %dma_wait3A_642 = arith.constant 0 : i32
        %dma_wait3A_643 = tpu.memref_slice %arg3[%arg1, %dma_wait3A_636, %dma_wait3A_641, %dma_wait3A_642] : memref<16x32x5x128xi32, #tpu.memory_space<hbm>> -> memref<1x1x5x128xi32, #tpu.memory_space<hbm>>
        %dma_wait3A_644 = tpu.memref_squeeze %dma_wait3A_643 : memref<1x1x5x128xi32, #tpu.memory_space<hbm>> -> memref<5x128xi32, #tpu.memory_space<hbm>>
        %dma_wait3A_645 = tpu.memref_slice %arg20[%dma_wait3A_637] : memref<2x!tpu.dma_semaphore, #tpu.memory_space<semaphore_mem>> -> memref<1x!tpu.dma_semaphore, #tpu.memory_space<semaphore_mem>>
        %dma_wait3A_646 = tpu.memref_squeeze %dma_wait3A_645 : memref<1x!tpu.dma_semaphore, #tpu.memory_space<semaphore_mem>> -> memref<!tpu.dma_semaphore, #tpu.memory_space<semaphore_mem>>
        %dma_wait3A_647 = arith.constant 5 : i32
        %dma_wait3A_648 = arith.constant 0 : i32
        %dma_wait3A_649 = tpu.memref_slice %arg11[%dma_wait3A_647, %dma_wait3A_648] : memref<10x128xi32, #tpu.memory_space<vmem>> -> memref<5x128xi32, #tpu.memory_space<vmem>>
        %dma_wait3A_650 = arith.constant 0 : i32
        %dma_wait3A_651 = arith.constant 0 : i32
        %dma_wait3A_652 = tpu.memref_slice %arg3[%arg1, %dma_wait3A_636, %dma_wait3A_650, %dma_wait3A_651] : memref<16x32x5x128xi32, #tpu.memory_space<hbm>> -> memref<1x1x5x128xi32, #tpu.memory_space<hbm>>
        %dma_wait3A_653 = tpu.memref_squeeze %dma_wait3A_652 : memref<1x1x5x128xi32, #tpu.memory_space<hbm>> -> memref<5x128xi32, #tpu.memory_space<hbm>>
        tpu.wait_dma2 semaphore(%dma_wait3A_646 : memref<!tpu.dma_semaphore, #tpu.memory_space<semaphore_mem>>) src(%dma_wait3A_653 : memref<5x128xi32, #tpu.memory_space<hbm>>) dst(%dma_wait3A_649 : memref<5x128xi32, #tpu.memory_space<vmem>>)
        %dma_start3A_654 = arith.constant 5 : i32
        %dma_start3A_655 = arith.constant 0 : i32
        %dma_start3A_656 = arith.constant 0 : i32
        %dma_start3A_657 = arith.constant 0 : i32
        %dma_start3A_658 = arith.constant 0 : i32
        %dma_start3A_659 = tpu.memref_slice %arg13[%dma_start3A_655, %dma_start3A_657, %dma_start3A_658] : memref<5x128x64xf32, #tpu.memory_space<vmem>> -> memref<1x128x64xf32, #tpu.memory_space<vmem>>
        %dma_start3A_660 = tpu.memref_squeeze %dma_start3A_659 : memref<1x128x64xf32, #tpu.memory_space<vmem>> -> memref<128x64xf32, #tpu.memory_space<vmem>>
        %dma_start3A_661 = arith.constant 0 : i32
        %dma_start3A_662 = tpu.memref_slice %arg10[%dma_start3A_654, %dma_start3A_661] : memref<10x128xi32, #tpu.memory_space<vmem>> -> memref<1x128xi32, #tpu.memory_space<vmem>>
        %dma_start3A_663 = tpu.memref_squeeze %dma_start3A_662 : memref<1x128xi32, #tpu.memory_space<vmem>> -> memref<128xi32, #tpu.memory_space<vmem>>
        %dma_start3A_664 = arith.constant 0 : i32
        %dma_start3A_665 = arith.constant 0 : i32
        %dma_start3A_666 = tpu.memref_slice %arg14[%dma_start3A_664, %dma_start3A_665] : memref<10240x64xf32, #tpu.memory_space<vmem_shared>> -> memref<10240x64xf32, #tpu.memory_space<vmem_shared>>
        %dma_start3A_667 = tpu.memref_slice %arg17[%dma_start3A_656] : memref<5x!tpu.dma_semaphore, #tpu.memory_space<semaphore_mem>> -> memref<1x!tpu.dma_semaphore, #tpu.memory_space<semaphore_mem>>
        %dma_start3A_668 = tpu.memref_squeeze %dma_start3A_667 : memref<1x!tpu.dma_semaphore, #tpu.memory_space<semaphore_mem>> -> memref<!tpu.dma_semaphore, #tpu.memory_space<semaphore_mem>>
        tpu.enqueue_indirect_dma source(%dma_start3A_666 : memref<10240x64xf32, #tpu.memory_space<vmem_shared>>) target(%dma_start3A_660 : memref<128x64xf32, #tpu.memory_space<vmem>>) offsets(%dma_start3A_663 : memref<128xi32, #tpu.memory_space<vmem>>) semaphore(%dma_start3A_668 : memref<!tpu.dma_semaphore, #tpu.memory_space<semaphore_mem>>)
        %dma_start3A_669 = arith.constant 6 : i32
        %dma_start3A_670 = arith.constant 1 : i32
        %dma_start3A_671 = arith.constant 1 : i32
        %dma_start3A_672 = arith.constant 0 : i32
        %dma_start3A_673 = arith.constant 0 : i32
        %dma_start3A_674 = tpu.memref_slice %arg13[%dma_start3A_670, %dma_start3A_672, %dma_start3A_673] : memref<5x128x64xf32, #tpu.memory_space<vmem>> -> memref<1x128x64xf32, #tpu.memory_space<vmem>>
        %dma_start3A_675 = tpu.memref_squeeze %dma_start3A_674 : memref<1x128x64xf32, #tpu.memory_space<vmem>> -> memref<128x64xf32, #tpu.memory_space<vmem>>
        %dma_start3A_676 = arith.constant 0 : i32
        %dma_start3A_677 = tpu.memref_slice %arg10[%dma_start3A_669, %dma_start3A_676] : memref<10x128xi32, #tpu.memory_space<vmem>> -> memref<1x128xi32, #tpu.memory_space<vmem>>
        %dma_start3A_678 = tpu.memref_squeeze %dma_start3A_677 : memref<1x128xi32, #tpu.memory_space<vmem>> -> memref<128xi32, #tpu.memory_space<vmem>>
        %dma_start3A_679 = arith.constant 0 : i32
        %dma_start3A_680 = arith.constant 0 : i32
        %dma_start3A_681 = tpu.memref_slice %arg14[%dma_start3A_679, %dma_start3A_680] : memref<10240x64xf32, #tpu.memory_space<vmem_shared>> -> memref<10240x64xf32, #tpu.memory_space<vmem_shared>>
        %dma_start3A_682 = tpu.memref_slice %arg17[%dma_start3A_671] : memref<5x!tpu.dma_semaphore, #tpu.memory_space<semaphore_mem>> -> memref<1x!tpu.dma_semaphore, #tpu.memory_space<semaphore_mem>>
        %dma_start3A_683 = tpu.memref_squeeze %dma_start3A_682 : memref<1x!tpu.dma_semaphore, #tpu.memory_space<semaphore_mem>> -> memref<!tpu.dma_semaphore, #tpu.memory_space<semaphore_mem>>
        tpu.enqueue_indirect_dma source(%dma_start3A_681 : memref<10240x64xf32, #tpu.memory_space<vmem_shared>>) target(%dma_start3A_675 : memref<128x64xf32, #tpu.memory_space<vmem>>) offsets(%dma_start3A_678 : memref<128xi32, #tpu.memory_space<vmem>>) semaphore(%dma_start3A_683 : memref<!tpu.dma_semaphore, #tpu.memory_space<semaphore_mem>>)
        %dma_start3A_684 = arith.constant 7 : i32
        %dma_start3A_685 = arith.constant 2 : i32
        %dma_start3A_686 = arith.constant 2 : i32
        %dma_start3A_687 = arith.constant 0 : i32
        %dma_start3A_688 = arith.constant 0 : i32
        %dma_start3A_689 = tpu.memref_slice %arg13[%dma_start3A_685, %dma_start3A_687, %dma_start3A_688] : memref<5x128x64xf32, #tpu.memory_space<vmem>> -> memref<1x128x64xf32, #tpu.memory_space<vmem>>
        %dma_start3A_690 = tpu.memref_squeeze %dma_start3A_689 : memref<1x128x64xf32, #tpu.memory_space<vmem>> -> memref<128x64xf32, #tpu.memory_space<vmem>>
        %dma_start3A_691 = arith.constant 0 : i32
        %dma_start3A_692 = tpu.memref_slice %arg10[%dma_start3A_684, %dma_start3A_691] : memref<10x128xi32, #tpu.memory_space<vmem>> -> memref<1x128xi32, #tpu.memory_space<vmem>>
        %dma_start3A_693 = tpu.memref_squeeze %dma_start3A_692 : memref<1x128xi32, #tpu.memory_space<vmem>> -> memref<128xi32, #tpu.memory_space<vmem>>
        %dma_start3A_694 = arith.constant 0 : i32
        %dma_start3A_695 = arith.constant 0 : i32
        %dma_start3A_696 = tpu.memref_slice %arg14[%dma_start3A_694, %dma_start3A_695] : memref<10240x64xf32, #tpu.memory_space<vmem_shared>> -> memref<10240x64xf32, #tpu.memory_space<vmem_shared>>
        %dma_start3A_697 = tpu.memref_slice %arg17[%dma_start3A_686] : memref<5x!tpu.dma_semaphore, #tpu.memory_space<semaphore_mem>> -> memref<1x!tpu.dma_semaphore, #tpu.memory_space<semaphore_mem>>
        %dma_start3A_698 = tpu.memref_squeeze %dma_start3A_697 : memref<1x!tpu.dma_semaphore, #tpu.memory_space<semaphore_mem>> -> memref<!tpu.dma_semaphore, #tpu.memory_space<semaphore_mem>>
        tpu.enqueue_indirect_dma source(%dma_start3A_696 : memref<10240x64xf32, #tpu.memory_space<vmem_shared>>) target(%dma_start3A_690 : memref<128x64xf32, #tpu.memory_space<vmem>>) offsets(%dma_start3A_693 : memref<128xi32, #tpu.memory_space<vmem>>) semaphore(%dma_start3A_698 : memref<!tpu.dma_semaphore, #tpu.memory_space<semaphore_mem>>)
        %dma_start3A_699 = arith.constant 8 : i32
        %dma_start3A_700 = arith.constant 3 : i32
        %dma_start3A_701 = arith.constant 3 : i32
        %dma_start3A_702 = arith.constant 0 : i32
        %dma_start3A_703 = arith.constant 0 : i32
        %dma_start3A_704 = tpu.memref_slice %arg13[%dma_start3A_700, %dma_start3A_702, %dma_start3A_703] : memref<5x128x64xf32, #tpu.memory_space<vmem>> -> memref<1x128x64xf32, #tpu.memory_space<vmem>>
        %dma_start3A_705 = tpu.memref_squeeze %dma_start3A_704 : memref<1x128x64xf32, #tpu.memory_space<vmem>> -> memref<128x64xf32, #tpu.memory_space<vmem>>
        %dma_start3A_706 = arith.constant 0 : i32
        %dma_start3A_707 = tpu.memref_slice %arg10[%dma_start3A_699, %dma_start3A_706] : memref<10x128xi32, #tpu.memory_space<vmem>> -> memref<1x128xi32, #tpu.memory_space<vmem>>
        %dma_start3A_708 = tpu.memref_squeeze %dma_start3A_707 : memref<1x128xi32, #tpu.memory_space<vmem>> -> memref<128xi32, #tpu.memory_space<vmem>>
        %dma_start3A_709 = arith.constant 0 : i32
        %dma_start3A_710 = arith.constant 0 : i32
        %dma_start3A_711 = tpu.memref_slice %arg14[%dma_start3A_709, %dma_start3A_710] : memref<10240x64xf32, #tpu.memory_space<vmem_shared>> -> memref<10240x64xf32, #tpu.memory_space<vmem_shared>>
        %dma_start3A_712 = tpu.memref_slice %arg17[%dma_start3A_701] : memref<5x!tpu.dma_semaphore, #tpu.memory_space<semaphore_mem>> -> memref<1x!tpu.dma_semaphore, #tpu.memory_space<semaphore_mem>>
        %dma_start3A_713 = tpu.memref_squeeze %dma_start3A_712 : memref<1x!tpu.dma_semaphore, #tpu.memory_space<semaphore_mem>> -> memref<!tpu.dma_semaphore, #tpu.memory_space<semaphore_mem>>
        tpu.enqueue_indirect_dma source(%dma_start3A_711 : memref<10240x64xf32, #tpu.memory_space<vmem_shared>>) target(%dma_start3A_705 : memref<128x64xf32, #tpu.memory_space<vmem>>) offsets(%dma_start3A_708 : memref<128xi32, #tpu.memory_space<vmem>>) semaphore(%dma_start3A_713 : memref<!tpu.dma_semaphore, #tpu.memory_space<semaphore_mem>>)
        %dma_start3A_714 = arith.constant 9 : i32
        %dma_start3A_715 = arith.constant 4 : i32
        %dma_start3A_716 = arith.constant 4 : i32
        %dma_start3A_717 = arith.constant 0 : i32
        %dma_start3A_718 = arith.constant 0 : i32
        %dma_start3A_719 = tpu.memref_slice %arg13[%dma_start3A_715, %dma_start3A_717, %dma_start3A_718] : memref<5x128x64xf32, #tpu.memory_space<vmem>> -> memref<1x128x64xf32, #tpu.memory_space<vmem>>
        %dma_start3A_720 = tpu.memref_squeeze %dma_start3A_719 : memref<1x128x64xf32, #tpu.memory_space<vmem>> -> memref<128x64xf32, #tpu.memory_space<vmem>>
        %dma_start3A_721 = arith.constant 0 : i32
        %dma_start3A_722 = tpu.memref_slice %arg10[%dma_start3A_714, %dma_start3A_721] : memref<10x128xi32, #tpu.memory_space<vmem>> -> memref<1x128xi32, #tpu.memory_space<vmem>>
        %dma_start3A_723 = tpu.memref_squeeze %dma_start3A_722 : memref<1x128xi32, #tpu.memory_space<vmem>> -> memref<128xi32, #tpu.memory_space<vmem>>
        %dma_start3A_724 = arith.constant 0 : i32
        %dma_start3A_725 = arith.constant 0 : i32
        %dma_start3A_726 = tpu.memref_slice %arg14[%dma_start3A_724, %dma_start3A_725] : memref<10240x64xf32, #tpu.memory_space<vmem_shared>> -> memref<10240x64xf32, #tpu.memory_space<vmem_shared>>
        %dma_start3A_727 = tpu.memref_slice %arg17[%dma_start3A_716] : memref<5x!tpu.dma_semaphore, #tpu.memory_space<semaphore_mem>> -> memref<1x!tpu.dma_semaphore, #tpu.memory_space<semaphore_mem>>
        %dma_start3A_728 = tpu.memref_squeeze %dma_start3A_727 : memref<1x!tpu.dma_semaphore, #tpu.memory_space<semaphore_mem>> -> memref<!tpu.dma_semaphore, #tpu.memory_space<semaphore_mem>>
        tpu.enqueue_indirect_dma source(%dma_start3A_726 : memref<10240x64xf32, #tpu.memory_space<vmem_shared>>) target(%dma_start3A_720 : memref<128x64xf32, #tpu.memory_space<vmem>>) offsets(%dma_start3A_723 : memref<128xi32, #tpu.memory_space<vmem>>) semaphore(%dma_start3A_728 : memref<!tpu.dma_semaphore, #tpu.memory_space<semaphore_mem>>)
      } else {
      }
      %add3A_357 = arith.constant 2 : i32
      %add3A_358 = arith.addi %add3A_121, %add3A_357 : i32
      %lt3A_359 = arith.constant 32 : i32
      %lt3A_360 = arith.cmpi slt, %add3A_358, %lt3A_359 : i32
      %convert_element_type3A_361 = arith.extui %lt3A_360 : i1 to i32
      %cond3A_362 = arith.constant 0 : i32
      %cond3A_363 = arith.cmpi ne, %convert_element_type3A_361, %cond3A_362 : i32
      scf.if %cond3A_363 {
        %add3A_618 = arith.constant 2 : i32
        %add3A_619 = arith.addi %add3A_121, %add3A_618 : i32
        %dma_start3A_620 = arith.constant 0 : i32
        %dma_start3A_621 = arith.constant 0 : i32
        %dma_start3A_622 = arith.constant 0 : i32
        %dma_start3A_623 = tpu.memref_slice %arg10[%dma_start3A_621, %dma_start3A_622] : memref<10x128xi32, #tpu.memory_space<vmem>> -> memref<5x128xi32, #tpu.memory_space<vmem>>
        %dma_start3A_624 = arith.constant 0 : i32
        %dma_start3A_625 = arith.constant 0 : i32
        %dma_start3A_626 = tpu.memref_slice %arg2[%arg1, %add3A_619, %dma_start3A_624, %dma_start3A_625] : memref<16x32x5x128xi32, #tpu.memory_space<hbm>> -> memref<1x1x5x128xi32, #tpu.memory_space<hbm>>
        %dma_start3A_627 = tpu.memref_squeeze %dma_start3A_626 : memref<1x1x5x128xi32, #tpu.memory_space<hbm>> -> memref<5x128xi32, #tpu.memory_space<hbm>>
        %dma_start3A_628 = tpu.memref_slice %arg20[%dma_start3A_620] : memref<2x!tpu.dma_semaphore, #tpu.memory_space<semaphore_mem>> -> memref<1x!tpu.dma_semaphore, #tpu.memory_space<semaphore_mem>>
        %dma_start3A_629 = tpu.memref_squeeze %dma_start3A_628 : memref<1x!tpu.dma_semaphore, #tpu.memory_space<semaphore_mem>> -> memref<!tpu.dma_semaphore, #tpu.memory_space<semaphore_mem>>
        %dma_start3A_630 = arith.constant 0 : i32
        %dma_start3A_631 = arith.constant 0 : i32
        %dma_start3A_632 = tpu.memref_slice %arg10[%dma_start3A_630, %dma_start3A_631] : memref<10x128xi32, #tpu.memory_space<vmem>> -> memref<5x128xi32, #tpu.memory_space<vmem>>
        %dma_start3A_633 = arith.constant 0 : i32
        %dma_start3A_634 = arith.constant 0 : i32
        %dma_start3A_635 = tpu.memref_slice %arg2[%arg1, %add3A_619, %dma_start3A_633, %dma_start3A_634] : memref<16x32x5x128xi32, #tpu.memory_space<hbm>> -> memref<1x1x5x128xi32, #tpu.memory_space<hbm>>
        %dma_start3A_636 = tpu.memref_squeeze %dma_start3A_635 : memref<1x1x5x128xi32, #tpu.memory_space<hbm>> -> memref<5x128xi32, #tpu.memory_space<hbm>>
        tpu.enqueue_dma source(%dma_start3A_636 : memref<5x128xi32, #tpu.memory_space<hbm>>) target(%dma_start3A_632 : memref<5x128xi32, #tpu.memory_space<vmem>>) target_semaphore(%dma_start3A_629 : memref<!tpu.dma_semaphore, #tpu.memory_space<semaphore_mem>>)
        %add3A_637 = arith.constant 2 : i32
        %add3A_638 = arith.addi %add3A_121, %add3A_637 : i32
        %dma_start3A_639 = arith.constant 0 : i32
        %dma_start3A_640 = arith.constant 0 : i32
        %dma_start3A_641 = arith.constant 0 : i32
        %dma_start3A_642 = tpu.memref_slice %arg11[%dma_start3A_640, %dma_start3A_641] : memref<10x128xi32, #tpu.memory_space<vmem>> -> memref<5x128xi32, #tpu.memory_space<vmem>>
        %dma_start3A_643 = arith.constant 0 : i32
        %dma_start3A_644 = arith.constant 0 : i32
        %dma_start3A_645 = tpu.memref_slice %arg3[%arg1, %add3A_638, %dma_start3A_643, %dma_start3A_644] : memref<16x32x5x128xi32, #tpu.memory_space<hbm>> -> memref<1x1x5x128xi32, #tpu.memory_space<hbm>>
        %dma_start3A_646 = tpu.memref_squeeze %dma_start3A_645 : memref<1x1x5x128xi32, #tpu.memory_space<hbm>> -> memref<5x128xi32, #tpu.memory_space<hbm>>
        %dma_start3A_647 = tpu.memref_slice %arg20[%dma_start3A_639] : memref<2x!tpu.dma_semaphore, #tpu.memory_space<semaphore_mem>> -> memref<1x!tpu.dma_semaphore, #tpu.memory_space<semaphore_mem>>
        %dma_start3A_648 = tpu.memref_squeeze %dma_start3A_647 : memref<1x!tpu.dma_semaphore, #tpu.memory_space<semaphore_mem>> -> memref<!tpu.dma_semaphore, #tpu.memory_space<semaphore_mem>>
        %dma_start3A_649 = arith.constant 0 : i32
        %dma_start3A_650 = arith.constant 0 : i32
        %dma_start3A_651 = tpu.memref_slice %arg11[%dma_start3A_649, %dma_start3A_650] : memref<10x128xi32, #tpu.memory_space<vmem>> -> memref<5x128xi32, #tpu.memory_space<vmem>>
        %dma_start3A_652 = arith.constant 0 : i32
        %dma_start3A_653 = arith.constant 0 : i32
        %dma_start3A_654 = tpu.memref_slice %arg3[%arg1, %add3A_638, %dma_start3A_652, %dma_start3A_653] : memref<16x32x5x128xi32, #tpu.memory_space<hbm>> -> memref<1x1x5x128xi32, #tpu.memory_space<hbm>>
        %dma_start3A_655 = tpu.memref_squeeze %dma_start3A_654 : memref<1x1x5x128xi32, #tpu.memory_space<hbm>> -> memref<5x128xi32, #tpu.memory_space<hbm>>
        tpu.enqueue_dma source(%dma_start3A_655 : memref<5x128xi32, #tpu.memory_space<hbm>>) target(%dma_start3A_651 : memref<5x128xi32, #tpu.memory_space<vmem>>) target_semaphore(%dma_start3A_648 : memref<!tpu.dma_semaphore, #tpu.memory_space<semaphore_mem>>)
      } else {
      }
      %mul3A_364 = arith.constant 2 : i32
      %mul3A_365 = arith.muli %mul3A_364, %scan3A_118 : i32
      %add3A_366 = arith.constant 1 : i32
      %add3A_367 = arith.addi %mul3A_365, %add3A_366 : i32
      %eq3A_368 = arith.constant 0 : i32
      %eq3A_369 = arith.cmpi eq, %arg0, %eq3A_368 : i32
      %lt3A_370 = arith.constant 16 : i32
      %lt3A_371 = arith.cmpi slt, %add3A_367, %lt3A_370 : i32
      %and3A_372 = arith.andi %eq3A_369, %lt3A_371 : i1
      %eq3A_373 = arith.constant 1 : i32
      %eq3A_374 = arith.cmpi eq, %arg0, %eq3A_373 : i32
      %ge3A_375 = arith.constant 16 : i32
      %ge3A_376 = arith.cmpi sge, %add3A_367, %ge3A_375 : i32
      %and3A_377 = arith.andi %eq3A_374, %ge3A_376 : i1
      %or3A_378 = arith.ori %and3A_372, %and3A_377 : i1
      %dma_wait3A_379 = arith.constant 0 : i32
      %dma_wait3A_380 = arith.constant 0 : i32
      %dma_wait3A_381 = arith.constant 0 : i32
      %dma_wait3A_382 = arith.constant 0 : i32
      %dma_wait3A_383 = arith.constant 0 : i32
      %dma_wait3A_384 = tpu.memref_slice %arg13[%dma_wait3A_380, %dma_wait3A_382, %dma_wait3A_383] : memref<5x128x64xf32, #tpu.memory_space<vmem>> -> memref<1x128x64xf32, #tpu.memory_space<vmem>>
      %dma_wait3A_385 = tpu.memref_squeeze %dma_wait3A_384 : memref<1x128x64xf32, #tpu.memory_space<vmem>> -> memref<128x64xf32, #tpu.memory_space<vmem>>
      %dma_wait3A_386 = arith.constant 0 : i32
      %dma_wait3A_387 = tpu.memref_slice %arg10[%dma_wait3A_379, %dma_wait3A_386] : memref<10x128xi32, #tpu.memory_space<vmem>> -> memref<1x128xi32, #tpu.memory_space<vmem>>
      %dma_wait3A_388 = tpu.memref_squeeze %dma_wait3A_387 : memref<1x128xi32, #tpu.memory_space<vmem>> -> memref<128xi32, #tpu.memory_space<vmem>>
      %dma_wait3A_389 = arith.constant 0 : i32
      %dma_wait3A_390 = arith.constant 0 : i32
      %dma_wait3A_391 = tpu.memref_slice %arg14[%dma_wait3A_389, %dma_wait3A_390] : memref<10240x64xf32, #tpu.memory_space<vmem_shared>> -> memref<10240x64xf32, #tpu.memory_space<vmem_shared>>
      %dma_wait3A_392 = tpu.memref_slice %arg17[%dma_wait3A_381] : memref<5x!tpu.dma_semaphore, #tpu.memory_space<semaphore_mem>> -> memref<1x!tpu.dma_semaphore, #tpu.memory_space<semaphore_mem>>
      %dma_wait3A_393 = tpu.memref_squeeze %dma_wait3A_392 : memref<1x!tpu.dma_semaphore, #tpu.memory_space<semaphore_mem>> -> memref<!tpu.dma_semaphore, #tpu.memory_space<semaphore_mem>>
      tpu.wait_indirect_dma semaphore(%dma_wait3A_393 : memref<!tpu.dma_semaphore, #tpu.memory_space<semaphore_mem>>) src(%dma_wait3A_391 : memref<10240x64xf32, #tpu.memory_space<vmem_shared>>) dst(%dma_wait3A_385 : memref<128x64xf32, #tpu.memory_space<vmem>>)
      %dma_start3A_394 = arith.constant 0 : i32
      %dma_start3A_395 = arith.constant 5 : i32
      %dma_start3A_396 = arith.constant 0 : i32
      %dma_start3A_397 = arith.constant 0 : i32
      %dma_start3A_398 = arith.constant 0 : i32
      %dma_start3A_399 = tpu.memref_slice %arg13[%dma_start3A_394, %dma_start3A_397, %dma_start3A_398] : memref<5x128x64xf32, #tpu.memory_space<vmem>> -> memref<1x128x64xf32, #tpu.memory_space<vmem>>
      %dma_start3A_400 = tpu.memref_squeeze %dma_start3A_399 : memref<1x128x64xf32, #tpu.memory_space<vmem>> -> memref<128x64xf32, #tpu.memory_space<vmem>>
      %dma_start3A_401 = arith.constant 0 : i32
      %dma_start3A_402 = tpu.memref_slice %arg11[%dma_start3A_395, %dma_start3A_401] : memref<10x128xi32, #tpu.memory_space<vmem>> -> memref<1x128xi32, #tpu.memory_space<vmem>>
      %dma_start3A_403 = tpu.memref_squeeze %dma_start3A_402 : memref<1x128xi32, #tpu.memory_space<vmem>> -> memref<128xi32, #tpu.memory_space<vmem>>
      %dma_start3A_404 = arith.constant 0 : i32
      %dma_start3A_405 = arith.constant 0 : i32
      %dma_start3A_406 = tpu.memref_slice %arg15[%dma_start3A_404, %dma_start3A_405] : memref<10240x64xf32, #tpu.memory_space<vmem_shared>> -> memref<10240x64xf32, #tpu.memory_space<vmem_shared>>
      %dma_start3A_407 = tpu.memref_slice %arg18[%dma_start3A_396] : memref<5x!tpu.dma_semaphore, #tpu.memory_space<semaphore_mem>> -> memref<1x!tpu.dma_semaphore, #tpu.memory_space<semaphore_mem>>
      %dma_start3A_408 = tpu.memref_squeeze %dma_start3A_407 : memref<1x!tpu.dma_semaphore, #tpu.memory_space<semaphore_mem>> -> memref<!tpu.dma_semaphore, #tpu.memory_space<semaphore_mem>>
      tpu.enqueue_indirect_dma source(%dma_start3A_400 : memref<128x64xf32, #tpu.memory_space<vmem>>) target(%dma_start3A_406 : memref<10240x64xf32, #tpu.memory_space<vmem_shared>>) offsets(%dma_start3A_403 : memref<128xi32, #tpu.memory_space<vmem>>) semaphore(%dma_start3A_408 : memref<!tpu.dma_semaphore, #tpu.memory_space<semaphore_mem>>) {add = true}
      %dma_wait3A_409 = arith.constant 0 : i32
      %dma_wait3A_410 = arith.constant 1 : i32
      %dma_wait3A_411 = arith.constant 1 : i32
      %dma_wait3A_412 = arith.constant 0 : i32
      %dma_wait3A_413 = arith.constant 0 : i32
      %dma_wait3A_414 = tpu.memref_slice %arg13[%dma_wait3A_410, %dma_wait3A_412, %dma_wait3A_413] : memref<5x128x64xf32, #tpu.memory_space<vmem>> -> memref<1x128x64xf32, #tpu.memory_space<vmem>>
      %dma_wait3A_415 = tpu.memref_squeeze %dma_wait3A_414 : memref<1x128x64xf32, #tpu.memory_space<vmem>> -> memref<128x64xf32, #tpu.memory_space<vmem>>
      %dma_wait3A_416 = arith.constant 0 : i32
      %dma_wait3A_417 = tpu.memref_slice %arg10[%dma_wait3A_409, %dma_wait3A_416] : memref<10x128xi32, #tpu.memory_space<vmem>> -> memref<1x128xi32, #tpu.memory_space<vmem>>
      %dma_wait3A_418 = tpu.memref_squeeze %dma_wait3A_417 : memref<1x128xi32, #tpu.memory_space<vmem>> -> memref<128xi32, #tpu.memory_space<vmem>>
      %dma_wait3A_419 = arith.constant 0 : i32
      %dma_wait3A_420 = arith.constant 0 : i32
      %dma_wait3A_421 = tpu.memref_slice %arg14[%dma_wait3A_419, %dma_wait3A_420] : memref<10240x64xf32, #tpu.memory_space<vmem_shared>> -> memref<10240x64xf32, #tpu.memory_space<vmem_shared>>
      %dma_wait3A_422 = tpu.memref_slice %arg17[%dma_wait3A_411] : memref<5x!tpu.dma_semaphore, #tpu.memory_space<semaphore_mem>> -> memref<1x!tpu.dma_semaphore, #tpu.memory_space<semaphore_mem>>
      %dma_wait3A_423 = tpu.memref_squeeze %dma_wait3A_422 : memref<1x!tpu.dma_semaphore, #tpu.memory_space<semaphore_mem>> -> memref<!tpu.dma_semaphore, #tpu.memory_space<semaphore_mem>>
      tpu.wait_indirect_dma semaphore(%dma_wait3A_423 : memref<!tpu.dma_semaphore, #tpu.memory_space<semaphore_mem>>) src(%dma_wait3A_421 : memref<10240x64xf32, #tpu.memory_space<vmem_shared>>) dst(%dma_wait3A_415 : memref<128x64xf32, #tpu.memory_space<vmem>>)
      %dma_start3A_424 = arith.constant 1 : i32
      %dma_start3A_425 = arith.constant 6 : i32
      %dma_start3A_426 = arith.constant 1 : i32
      %dma_start3A_427 = arith.constant 0 : i32
      %dma_start3A_428 = arith.constant 0 : i32
      %dma_start3A_429 = tpu.memref_slice %arg13[%dma_start3A_424, %dma_start3A_427, %dma_start3A_428] : memref<5x128x64xf32, #tpu.memory_space<vmem>> -> memref<1x128x64xf32, #tpu.memory_space<vmem>>
      %dma_start3A_430 = tpu.memref_squeeze %dma_start3A_429 : memref<1x128x64xf32, #tpu.memory_space<vmem>> -> memref<128x64xf32, #tpu.memory_space<vmem>>
      %dma_start3A_431 = arith.constant 0 : i32
      %dma_start3A_432 = tpu.memref_slice %arg11[%dma_start3A_425, %dma_start3A_431] : memref<10x128xi32, #tpu.memory_space<vmem>> -> memref<1x128xi32, #tpu.memory_space<vmem>>
      %dma_start3A_433 = tpu.memref_squeeze %dma_start3A_432 : memref<1x128xi32, #tpu.memory_space<vmem>> -> memref<128xi32, #tpu.memory_space<vmem>>
      %dma_start3A_434 = arith.constant 0 : i32
      %dma_start3A_435 = arith.constant 0 : i32
      %dma_start3A_436 = tpu.memref_slice %arg15[%dma_start3A_434, %dma_start3A_435] : memref<10240x64xf32, #tpu.memory_space<vmem_shared>> -> memref<10240x64xf32, #tpu.memory_space<vmem_shared>>
      %dma_start3A_437 = tpu.memref_slice %arg18[%dma_start3A_426] : memref<5x!tpu.dma_semaphore, #tpu.memory_space<semaphore_mem>> -> memref<1x!tpu.dma_semaphore, #tpu.memory_space<semaphore_mem>>
      %dma_start3A_438 = tpu.memref_squeeze %dma_start3A_437 : memref<1x!tpu.dma_semaphore, #tpu.memory_space<semaphore_mem>> -> memref<!tpu.dma_semaphore, #tpu.memory_space<semaphore_mem>>
      tpu.enqueue_indirect_dma source(%dma_start3A_430 : memref<128x64xf32, #tpu.memory_space<vmem>>) target(%dma_start3A_436 : memref<10240x64xf32, #tpu.memory_space<vmem_shared>>) offsets(%dma_start3A_433 : memref<128xi32, #tpu.memory_space<vmem>>) semaphore(%dma_start3A_438 : memref<!tpu.dma_semaphore, #tpu.memory_space<semaphore_mem>>) {add = true}
      %dma_wait3A_439 = arith.constant 0 : i32
      %dma_wait3A_440 = arith.constant 2 : i32
      %dma_wait3A_441 = arith.constant 2 : i32
      %dma_wait3A_442 = arith.constant 0 : i32
      %dma_wait3A_443 = arith.constant 0 : i32
      %dma_wait3A_444 = tpu.memref_slice %arg13[%dma_wait3A_440, %dma_wait3A_442, %dma_wait3A_443] : memref<5x128x64xf32, #tpu.memory_space<vmem>> -> memref<1x128x64xf32, #tpu.memory_space<vmem>>
      %dma_wait3A_445 = tpu.memref_squeeze %dma_wait3A_444 : memref<1x128x64xf32, #tpu.memory_space<vmem>> -> memref<128x64xf32, #tpu.memory_space<vmem>>
      %dma_wait3A_446 = arith.constant 0 : i32
      %dma_wait3A_447 = tpu.memref_slice %arg10[%dma_wait3A_439, %dma_wait3A_446] : memref<10x128xi32, #tpu.memory_space<vmem>> -> memref<1x128xi32, #tpu.memory_space<vmem>>
      %dma_wait3A_448 = tpu.memref_squeeze %dma_wait3A_447 : memref<1x128xi32, #tpu.memory_space<vmem>> -> memref<128xi32, #tpu.memory_space<vmem>>
      %dma_wait3A_449 = arith.constant 0 : i32
      %dma_wait3A_450 = arith.constant 0 : i32
      %dma_wait3A_451 = tpu.memref_slice %arg14[%dma_wait3A_449, %dma_wait3A_450] : memref<10240x64xf32, #tpu.memory_space<vmem_shared>> -> memref<10240x64xf32, #tpu.memory_space<vmem_shared>>
      %dma_wait3A_452 = tpu.memref_slice %arg17[%dma_wait3A_441] : memref<5x!tpu.dma_semaphore, #tpu.memory_space<semaphore_mem>> -> memref<1x!tpu.dma_semaphore, #tpu.memory_space<semaphore_mem>>
      %dma_wait3A_453 = tpu.memref_squeeze %dma_wait3A_452 : memref<1x!tpu.dma_semaphore, #tpu.memory_space<semaphore_mem>> -> memref<!tpu.dma_semaphore, #tpu.memory_space<semaphore_mem>>
      tpu.wait_indirect_dma semaphore(%dma_wait3A_453 : memref<!tpu.dma_semaphore, #tpu.memory_space<semaphore_mem>>) src(%dma_wait3A_451 : memref<10240x64xf32, #tpu.memory_space<vmem_shared>>) dst(%dma_wait3A_445 : memref<128x64xf32, #tpu.memory_space<vmem>>)
      %dma_start3A_454 = arith.constant 2 : i32
      %dma_start3A_455 = arith.constant 7 : i32
      %dma_start3A_456 = arith.constant 2 : i32
      %dma_start3A_457 = arith.constant 0 : i32
      %dma_start3A_458 = arith.constant 0 : i32
      %dma_start3A_459 = tpu.memref_slice %arg13[%dma_start3A_454, %dma_start3A_457, %dma_start3A_458] : memref<5x128x64xf32, #tpu.memory_space<vmem>> -> memref<1x128x64xf32, #tpu.memory_space<vmem>>
      %dma_start3A_460 = tpu.memref_squeeze %dma_start3A_459 : memref<1x128x64xf32, #tpu.memory_space<vmem>> -> memref<128x64xf32, #tpu.memory_space<vmem>>
      %dma_start3A_461 = arith.constant 0 : i32
      %dma_start3A_462 = tpu.memref_slice %arg11[%dma_start3A_455, %dma_start3A_461] : memref<10x128xi32, #tpu.memory_space<vmem>> -> memref<1x128xi32, #tpu.memory_space<vmem>>
      %dma_start3A_463 = tpu.memref_squeeze %dma_start3A_462 : memref<1x128xi32, #tpu.memory_space<vmem>> -> memref<128xi32, #tpu.memory_space<vmem>>
      %dma_start3A_464 = arith.constant 0 : i32
      %dma_start3A_465 = arith.constant 0 : i32
      %dma_start3A_466 = tpu.memref_slice %arg15[%dma_start3A_464, %dma_start3A_465] : memref<10240x64xf32, #tpu.memory_space<vmem_shared>> -> memref<10240x64xf32, #tpu.memory_space<vmem_shared>>
      %dma_start3A_467 = tpu.memref_slice %arg18[%dma_start3A_456] : memref<5x!tpu.dma_semaphore, #tpu.memory_space<semaphore_mem>> -> memref<1x!tpu.dma_semaphore, #tpu.memory_space<semaphore_mem>>
      %dma_start3A_468 = tpu.memref_squeeze %dma_start3A_467 : memref<1x!tpu.dma_semaphore, #tpu.memory_space<semaphore_mem>> -> memref<!tpu.dma_semaphore, #tpu.memory_space<semaphore_mem>>
      tpu.enqueue_indirect_dma source(%dma_start3A_460 : memref<128x64xf32, #tpu.memory_space<vmem>>) target(%dma_start3A_466 : memref<10240x64xf32, #tpu.memory_space<vmem_shared>>) offsets(%dma_start3A_463 : memref<128xi32, #tpu.memory_space<vmem>>) semaphore(%dma_start3A_468 : memref<!tpu.dma_semaphore, #tpu.memory_space<semaphore_mem>>) {add = true}
      %dma_wait3A_469 = arith.constant 0 : i32
      %dma_wait3A_470 = arith.constant 3 : i32
      %dma_wait3A_471 = arith.constant 3 : i32
      %dma_wait3A_472 = arith.constant 0 : i32
      %dma_wait3A_473 = arith.constant 0 : i32
      %dma_wait3A_474 = tpu.memref_slice %arg13[%dma_wait3A_470, %dma_wait3A_472, %dma_wait3A_473] : memref<5x128x64xf32, #tpu.memory_space<vmem>> -> memref<1x128x64xf32, #tpu.memory_space<vmem>>
      %dma_wait3A_475 = tpu.memref_squeeze %dma_wait3A_474 : memref<1x128x64xf32, #tpu.memory_space<vmem>> -> memref<128x64xf32, #tpu.memory_space<vmem>>
      %dma_wait3A_476 = arith.constant 0 : i32
      %dma_wait3A_477 = tpu.memref_slice %arg10[%dma_wait3A_469, %dma_wait3A_476] : memref<10x128xi32, #tpu.memory_space<vmem>> -> memref<1x128xi32, #tpu.memory_space<vmem>>
      %dma_wait3A_478 = tpu.memref_squeeze %dma_wait3A_477 : memref<1x128xi32, #tpu.memory_space<vmem>> -> memref<128xi32, #tpu.memory_space<vmem>>
      %dma_wait3A_479 = arith.constant 0 : i32
      %dma_wait3A_480 = arith.constant 0 : i32
      %dma_wait3A_481 = tpu.memref_slice %arg14[%dma_wait3A_479, %dma_wait3A_480] : memref<10240x64xf32, #tpu.memory_space<vmem_shared>> -> memref<10240x64xf32, #tpu.memory_space<vmem_shared>>
      %dma_wait3A_482 = tpu.memref_slice %arg17[%dma_wait3A_471] : memref<5x!tpu.dma_semaphore, #tpu.memory_space<semaphore_mem>> -> memref<1x!tpu.dma_semaphore, #tpu.memory_space<semaphore_mem>>
      %dma_wait3A_483 = tpu.memref_squeeze %dma_wait3A_482 : memref<1x!tpu.dma_semaphore, #tpu.memory_space<semaphore_mem>> -> memref<!tpu.dma_semaphore, #tpu.memory_space<semaphore_mem>>
      tpu.wait_indirect_dma semaphore(%dma_wait3A_483 : memref<!tpu.dma_semaphore, #tpu.memory_space<semaphore_mem>>) src(%dma_wait3A_481 : memref<10240x64xf32, #tpu.memory_space<vmem_shared>>) dst(%dma_wait3A_475 : memref<128x64xf32, #tpu.memory_space<vmem>>)
      %dma_start3A_484 = arith.constant 3 : i32
      %dma_start3A_485 = arith.constant 8 : i32
      %dma_start3A_486 = arith.constant 3 : i32
      %dma_start3A_487 = arith.constant 0 : i32
      %dma_start3A_488 = arith.constant 0 : i32
      %dma_start3A_489 = tpu.memref_slice %arg13[%dma_start3A_484, %dma_start3A_487, %dma_start3A_488] : memref<5x128x64xf32, #tpu.memory_space<vmem>> -> memref<1x128x64xf32, #tpu.memory_space<vmem>>
      %dma_start3A_490 = tpu.memref_squeeze %dma_start3A_489 : memref<1x128x64xf32, #tpu.memory_space<vmem>> -> memref<128x64xf32, #tpu.memory_space<vmem>>
      %dma_start3A_491 = arith.constant 0 : i32
      %dma_start3A_492 = tpu.memref_slice %arg11[%dma_start3A_485, %dma_start3A_491] : memref<10x128xi32, #tpu.memory_space<vmem>> -> memref<1x128xi32, #tpu.memory_space<vmem>>
      %dma_start3A_493 = tpu.memref_squeeze %dma_start3A_492 : memref<1x128xi32, #tpu.memory_space<vmem>> -> memref<128xi32, #tpu.memory_space<vmem>>
      %dma_start3A_494 = arith.constant 0 : i32
      %dma_start3A_495 = arith.constant 0 : i32
      %dma_start3A_496 = tpu.memref_slice %arg15[%dma_start3A_494, %dma_start3A_495] : memref<10240x64xf32, #tpu.memory_space<vmem_shared>> -> memref<10240x64xf32, #tpu.memory_space<vmem_shared>>
      %dma_start3A_497 = tpu.memref_slice %arg18[%dma_start3A_486] : memref<5x!tpu.dma_semaphore, #tpu.memory_space<semaphore_mem>> -> memref<1x!tpu.dma_semaphore, #tpu.memory_space<semaphore_mem>>
      %dma_start3A_498 = tpu.memref_squeeze %dma_start3A_497 : memref<1x!tpu.dma_semaphore, #tpu.memory_space<semaphore_mem>> -> memref<!tpu.dma_semaphore, #tpu.memory_space<semaphore_mem>>
      tpu.enqueue_indirect_dma source(%dma_start3A_490 : memref<128x64xf32, #tpu.memory_space<vmem>>) target(%dma_start3A_496 : memref<10240x64xf32, #tpu.memory_space<vmem_shared>>) offsets(%dma_start3A_493 : memref<128xi32, #tpu.memory_space<vmem>>) semaphore(%dma_start3A_498 : memref<!tpu.dma_semaphore, #tpu.memory_space<semaphore_mem>>) {add = true}
      %dma_wait3A_499 = arith.constant 0 : i32
      %dma_wait3A_500 = arith.constant 4 : i32
      %dma_wait3A_501 = arith.constant 4 : i32
      %dma_wait3A_502 = arith.constant 0 : i32
      %dma_wait3A_503 = arith.constant 0 : i32
      %dma_wait3A_504 = tpu.memref_slice %arg13[%dma_wait3A_500, %dma_wait3A_502, %dma_wait3A_503] : memref<5x128x64xf32, #tpu.memory_space<vmem>> -> memref<1x128x64xf32, #tpu.memory_space<vmem>>
      %dma_wait3A_505 = tpu.memref_squeeze %dma_wait3A_504 : memref<1x128x64xf32, #tpu.memory_space<vmem>> -> memref<128x64xf32, #tpu.memory_space<vmem>>
      %dma_wait3A_506 = arith.constant 0 : i32
      %dma_wait3A_507 = tpu.memref_slice %arg10[%dma_wait3A_499, %dma_wait3A_506] : memref<10x128xi32, #tpu.memory_space<vmem>> -> memref<1x128xi32, #tpu.memory_space<vmem>>
      %dma_wait3A_508 = tpu.memref_squeeze %dma_wait3A_507 : memref<1x128xi32, #tpu.memory_space<vmem>> -> memref<128xi32, #tpu.memory_space<vmem>>
      %dma_wait3A_509 = arith.constant 0 : i32
      %dma_wait3A_510 = arith.constant 0 : i32
      %dma_wait3A_511 = tpu.memref_slice %arg14[%dma_wait3A_509, %dma_wait3A_510] : memref<10240x64xf32, #tpu.memory_space<vmem_shared>> -> memref<10240x64xf32, #tpu.memory_space<vmem_shared>>
      %dma_wait3A_512 = tpu.memref_slice %arg17[%dma_wait3A_501] : memref<5x!tpu.dma_semaphore, #tpu.memory_space<semaphore_mem>> -> memref<1x!tpu.dma_semaphore, #tpu.memory_space<semaphore_mem>>
      %dma_wait3A_513 = tpu.memref_squeeze %dma_wait3A_512 : memref<1x!tpu.dma_semaphore, #tpu.memory_space<semaphore_mem>> -> memref<!tpu.dma_semaphore, #tpu.memory_space<semaphore_mem>>
      tpu.wait_indirect_dma semaphore(%dma_wait3A_513 : memref<!tpu.dma_semaphore, #tpu.memory_space<semaphore_mem>>) src(%dma_wait3A_511 : memref<10240x64xf32, #tpu.memory_space<vmem_shared>>) dst(%dma_wait3A_505 : memref<128x64xf32, #tpu.memory_space<vmem>>)
      %dma_start3A_514 = arith.constant 4 : i32
      %dma_start3A_515 = arith.constant 9 : i32
      %dma_start3A_516 = arith.constant 4 : i32
      %dma_start3A_517 = arith.constant 0 : i32
      %dma_start3A_518 = arith.constant 0 : i32
      %dma_start3A_519 = tpu.memref_slice %arg13[%dma_start3A_514, %dma_start3A_517, %dma_start3A_518] : memref<5x128x64xf32, #tpu.memory_space<vmem>> -> memref<1x128x64xf32, #tpu.memory_space<vmem>>
      %dma_start3A_520 = tpu.memref_squeeze %dma_start3A_519 : memref<1x128x64xf32, #tpu.memory_space<vmem>> -> memref<128x64xf32, #tpu.memory_space<vmem>>
      %dma_start3A_521 = arith.constant 0 : i32
      %dma_start3A_522 = tpu.memref_slice %arg11[%dma_start3A_515, %dma_start3A_521] : memref<10x128xi32, #tpu.memory_space<vmem>> -> memref<1x128xi32, #tpu.memory_space<vmem>>
      %dma_start3A_523 = tpu.memref_squeeze %dma_start3A_522 : memref<1x128xi32, #tpu.memory_space<vmem>> -> memref<128xi32, #tpu.memory_space<vmem>>
      %dma_start3A_524 = arith.constant 0 : i32
      %dma_start3A_525 = arith.constant 0 : i32
      %dma_start3A_526 = tpu.memref_slice %arg15[%dma_start3A_524, %dma_start3A_525] : memref<10240x64xf32, #tpu.memory_space<vmem_shared>> -> memref<10240x64xf32, #tpu.memory_space<vmem_shared>>
      %dma_start3A_527 = tpu.memref_slice %arg18[%dma_start3A_516] : memref<5x!tpu.dma_semaphore, #tpu.memory_space<semaphore_mem>> -> memref<1x!tpu.dma_semaphore, #tpu.memory_space<semaphore_mem>>
      %dma_start3A_528 = tpu.memref_squeeze %dma_start3A_527 : memref<1x!tpu.dma_semaphore, #tpu.memory_space<semaphore_mem>> -> memref<!tpu.dma_semaphore, #tpu.memory_space<semaphore_mem>>
      tpu.enqueue_indirect_dma source(%dma_start3A_520 : memref<128x64xf32, #tpu.memory_space<vmem>>) target(%dma_start3A_526 : memref<10240x64xf32, #tpu.memory_space<vmem_shared>>) offsets(%dma_start3A_523 : memref<128xi32, #tpu.memory_space<vmem>>) semaphore(%dma_start3A_528 : memref<!tpu.dma_semaphore, #tpu.memory_space<semaphore_mem>>) {add = true}
      %dma_wait3A_529 = arith.constant 0 : i32
      %dma_wait3A_530 = arith.constant 5 : i32
      %dma_wait3A_531 = arith.constant 0 : i32
      %dma_wait3A_532 = arith.constant 0 : i32
      %dma_wait3A_533 = arith.constant 0 : i32
      %dma_wait3A_534 = tpu.memref_slice %arg13[%dma_wait3A_529, %dma_wait3A_532, %dma_wait3A_533] : memref<5x128x64xf32, #tpu.memory_space<vmem>> -> memref<1x128x64xf32, #tpu.memory_space<vmem>>
      %dma_wait3A_535 = tpu.memref_squeeze %dma_wait3A_534 : memref<1x128x64xf32, #tpu.memory_space<vmem>> -> memref<128x64xf32, #tpu.memory_space<vmem>>
      %dma_wait3A_536 = arith.constant 0 : i32
      %dma_wait3A_537 = tpu.memref_slice %arg11[%dma_wait3A_530, %dma_wait3A_536] : memref<10x128xi32, #tpu.memory_space<vmem>> -> memref<1x128xi32, #tpu.memory_space<vmem>>
      %dma_wait3A_538 = tpu.memref_squeeze %dma_wait3A_537 : memref<1x128xi32, #tpu.memory_space<vmem>> -> memref<128xi32, #tpu.memory_space<vmem>>
      %dma_wait3A_539 = arith.constant 0 : i32
      %dma_wait3A_540 = arith.constant 0 : i32
      %dma_wait3A_541 = tpu.memref_slice %arg15[%dma_wait3A_539, %dma_wait3A_540] : memref<10240x64xf32, #tpu.memory_space<vmem_shared>> -> memref<10240x64xf32, #tpu.memory_space<vmem_shared>>
      %dma_wait3A_542 = tpu.memref_slice %arg18[%dma_wait3A_531] : memref<5x!tpu.dma_semaphore, #tpu.memory_space<semaphore_mem>> -> memref<1x!tpu.dma_semaphore, #tpu.memory_space<semaphore_mem>>
      %dma_wait3A_543 = tpu.memref_squeeze %dma_wait3A_542 : memref<1x!tpu.dma_semaphore, #tpu.memory_space<semaphore_mem>> -> memref<!tpu.dma_semaphore, #tpu.memory_space<semaphore_mem>>
      tpu.wait_indirect_dma semaphore(%dma_wait3A_543 : memref<!tpu.dma_semaphore, #tpu.memory_space<semaphore_mem>>) src(%dma_wait3A_535 : memref<128x64xf32, #tpu.memory_space<vmem>>) dst(%dma_wait3A_541 : memref<10240x64xf32, #tpu.memory_space<vmem_shared>>)
      %dma_wait3A_544 = arith.constant 1 : i32
      %dma_wait3A_545 = arith.constant 6 : i32
      %dma_wait3A_546 = arith.constant 1 : i32
      %dma_wait3A_547 = arith.constant 0 : i32
      %dma_wait3A_548 = arith.constant 0 : i32
      %dma_wait3A_549 = tpu.memref_slice %arg13[%dma_wait3A_544, %dma_wait3A_547, %dma_wait3A_548] : memref<5x128x64xf32, #tpu.memory_space<vmem>> -> memref<1x128x64xf32, #tpu.memory_space<vmem>>
      %dma_wait3A_550 = tpu.memref_squeeze %dma_wait3A_549 : memref<1x128x64xf32, #tpu.memory_space<vmem>> -> memref<128x64xf32, #tpu.memory_space<vmem>>
      %dma_wait3A_551 = arith.constant 0 : i32
      %dma_wait3A_552 = tpu.memref_slice %arg11[%dma_wait3A_545, %dma_wait3A_551] : memref<10x128xi32, #tpu.memory_space<vmem>> -> memref<1x128xi32, #tpu.memory_space<vmem>>
      %dma_wait3A_553 = tpu.memref_squeeze %dma_wait3A_552 : memref<1x128xi32, #tpu.memory_space<vmem>> -> memref<128xi32, #tpu.memory_space<vmem>>
      %dma_wait3A_554 = arith.constant 0 : i32
      %dma_wait3A_555 = arith.constant 0 : i32
      %dma_wait3A_556 = tpu.memref_slice %arg15[%dma_wait3A_554, %dma_wait3A_555] : memref<10240x64xf32, #tpu.memory_space<vmem_shared>> -> memref<10240x64xf32, #tpu.memory_space<vmem_shared>>
      %dma_wait3A_557 = tpu.memref_slice %arg18[%dma_wait3A_546] : memref<5x!tpu.dma_semaphore, #tpu.memory_space<semaphore_mem>> -> memref<1x!tpu.dma_semaphore, #tpu.memory_space<semaphore_mem>>
      %dma_wait3A_558 = tpu.memref_squeeze %dma_wait3A_557 : memref<1x!tpu.dma_semaphore, #tpu.memory_space<semaphore_mem>> -> memref<!tpu.dma_semaphore, #tpu.memory_space<semaphore_mem>>
      tpu.wait_indirect_dma semaphore(%dma_wait3A_558 : memref<!tpu.dma_semaphore, #tpu.memory_space<semaphore_mem>>) src(%dma_wait3A_550 : memref<128x64xf32, #tpu.memory_space<vmem>>) dst(%dma_wait3A_556 : memref<10240x64xf32, #tpu.memory_space<vmem_shared>>)
      %dma_wait3A_559 = arith.constant 2 : i32
      %dma_wait3A_560 = arith.constant 7 : i32
      %dma_wait3A_561 = arith.constant 2 : i32
      %dma_wait3A_562 = arith.constant 0 : i32
      %dma_wait3A_563 = arith.constant 0 : i32
      %dma_wait3A_564 = tpu.memref_slice %arg13[%dma_wait3A_559, %dma_wait3A_562, %dma_wait3A_563] : memref<5x128x64xf32, #tpu.memory_space<vmem>> -> memref<1x128x64xf32, #tpu.memory_space<vmem>>
      %dma_wait3A_565 = tpu.memref_squeeze %dma_wait3A_564 : memref<1x128x64xf32, #tpu.memory_space<vmem>> -> memref<128x64xf32, #tpu.memory_space<vmem>>
      %dma_wait3A_566 = arith.constant 0 : i32
      %dma_wait3A_567 = tpu.memref_slice %arg11[%dma_wait3A_560, %dma_wait3A_566] : memref<10x128xi32, #tpu.memory_space<vmem>> -> memref<1x128xi32, #tpu.memory_space<vmem>>
      %dma_wait3A_568 = tpu.memref_squeeze %dma_wait3A_567 : memref<1x128xi32, #tpu.memory_space<vmem>> -> memref<128xi32, #tpu.memory_space<vmem>>
      %dma_wait3A_569 = arith.constant 0 : i32
      %dma_wait3A_570 = arith.constant 0 : i32
      %dma_wait3A_571 = tpu.memref_slice %arg15[%dma_wait3A_569, %dma_wait3A_570] : memref<10240x64xf32, #tpu.memory_space<vmem_shared>> -> memref<10240x64xf32, #tpu.memory_space<vmem_shared>>
      %dma_wait3A_572 = tpu.memref_slice %arg18[%dma_wait3A_561] : memref<5x!tpu.dma_semaphore, #tpu.memory_space<semaphore_mem>> -> memref<1x!tpu.dma_semaphore, #tpu.memory_space<semaphore_mem>>
      %dma_wait3A_573 = tpu.memref_squeeze %dma_wait3A_572 : memref<1x!tpu.dma_semaphore, #tpu.memory_space<semaphore_mem>> -> memref<!tpu.dma_semaphore, #tpu.memory_space<semaphore_mem>>
      tpu.wait_indirect_dma semaphore(%dma_wait3A_573 : memref<!tpu.dma_semaphore, #tpu.memory_space<semaphore_mem>>) src(%dma_wait3A_565 : memref<128x64xf32, #tpu.memory_space<vmem>>) dst(%dma_wait3A_571 : memref<10240x64xf32, #tpu.memory_space<vmem_shared>>)
      %dma_wait3A_574 = arith.constant 3 : i32
      %dma_wait3A_575 = arith.constant 8 : i32
      %dma_wait3A_576 = arith.constant 3 : i32
      %dma_wait3A_577 = arith.constant 0 : i32
      %dma_wait3A_578 = arith.constant 0 : i32
      %dma_wait3A_579 = tpu.memref_slice %arg13[%dma_wait3A_574, %dma_wait3A_577, %dma_wait3A_578] : memref<5x128x64xf32, #tpu.memory_space<vmem>> -> memref<1x128x64xf32, #tpu.memory_space<vmem>>
      %dma_wait3A_580 = tpu.memref_squeeze %dma_wait3A_579 : memref<1x128x64xf32, #tpu.memory_space<vmem>> -> memref<128x64xf32, #tpu.memory_space<vmem>>
      %dma_wait3A_581 = arith.constant 0 : i32
      %dma_wait3A_582 = tpu.memref_slice %arg11[%dma_wait3A_575, %dma_wait3A_581] : memref<10x128xi32, #tpu.memory_space<vmem>> -> memref<1x128xi32, #tpu.memory_space<vmem>>
      %dma_wait3A_583 = tpu.memref_squeeze %dma_wait3A_582 : memref<1x128xi32, #tpu.memory_space<vmem>> -> memref<128xi32, #tpu.memory_space<vmem>>
      %dma_wait3A_584 = arith.constant 0 : i32
      %dma_wait3A_585 = arith.constant 0 : i32
      %dma_wait3A_586 = tpu.memref_slice %arg15[%dma_wait3A_584, %dma_wait3A_585] : memref<10240x64xf32, #tpu.memory_space<vmem_shared>> -> memref<10240x64xf32, #tpu.memory_space<vmem_shared>>
      %dma_wait3A_587 = tpu.memref_slice %arg18[%dma_wait3A_576] : memref<5x!tpu.dma_semaphore, #tpu.memory_space<semaphore_mem>> -> memref<1x!tpu.dma_semaphore, #tpu.memory_space<semaphore_mem>>
      %dma_wait3A_588 = tpu.memref_squeeze %dma_wait3A_587 : memref<1x!tpu.dma_semaphore, #tpu.memory_space<semaphore_mem>> -> memref<!tpu.dma_semaphore, #tpu.memory_space<semaphore_mem>>
      tpu.wait_indirect_dma semaphore(%dma_wait3A_588 : memref<!tpu.dma_semaphore, #tpu.memory_space<semaphore_mem>>) src(%dma_wait3A_580 : memref<128x64xf32, #tpu.memory_space<vmem>>) dst(%dma_wait3A_586 : memref<10240x64xf32, #tpu.memory_space<vmem_shared>>)
      %dma_wait3A_589 = arith.constant 4 : i32
      %dma_wait3A_590 = arith.constant 9 : i32
      %dma_wait3A_591 = arith.constant 4 : i32
      %dma_wait3A_592 = arith.constant 0 : i32
      %dma_wait3A_593 = arith.constant 0 : i32
      %dma_wait3A_594 = tpu.memref_slice %arg13[%dma_wait3A_589, %dma_wait3A_592, %dma_wait3A_593] : memref<5x128x64xf32, #tpu.memory_space<vmem>> -> memref<1x128x64xf32, #tpu.memory_space<vmem>>
      %dma_wait3A_595 = tpu.memref_squeeze %dma_wait3A_594 : memref<1x128x64xf32, #tpu.memory_space<vmem>> -> memref<128x64xf32, #tpu.memory_space<vmem>>
      %dma_wait3A_596 = arith.constant 0 : i32
      %dma_wait3A_597 = tpu.memref_slice %arg11[%dma_wait3A_590, %dma_wait3A_596] : memref<10x128xi32, #tpu.memory_space<vmem>> -> memref<1x128xi32, #tpu.memory_space<vmem>>
      %dma_wait3A_598 = tpu.memref_squeeze %dma_wait3A_597 : memref<1x128xi32, #tpu.memory_space<vmem>> -> memref<128xi32, #tpu.memory_space<vmem>>
      %dma_wait3A_599 = arith.constant 0 : i32
      %dma_wait3A_600 = arith.constant 0 : i32
      %dma_wait3A_601 = tpu.memref_slice %arg15[%dma_wait3A_599, %dma_wait3A_600] : memref<10240x64xf32, #tpu.memory_space<vmem_shared>> -> memref<10240x64xf32, #tpu.memory_space<vmem_shared>>
      %dma_wait3A_602 = tpu.memref_slice %arg18[%dma_wait3A_591] : memref<5x!tpu.dma_semaphore, #tpu.memory_space<semaphore_mem>> -> memref<1x!tpu.dma_semaphore, #tpu.memory_space<semaphore_mem>>
      %dma_wait3A_603 = tpu.memref_squeeze %dma_wait3A_602 : memref<1x!tpu.dma_semaphore, #tpu.memory_space<semaphore_mem>> -> memref<!tpu.dma_semaphore, #tpu.memory_space<semaphore_mem>>
      tpu.wait_indirect_dma semaphore(%dma_wait3A_603 : memref<!tpu.dma_semaphore, #tpu.memory_space<semaphore_mem>>) src(%dma_wait3A_595 : memref<128x64xf32, #tpu.memory_space<vmem>>) dst(%dma_wait3A_601 : memref<10240x64xf32, #tpu.memory_space<vmem_shared>>)
      %add3A_604 = arith.constant 1 : i32
      %add3A_605 = arith.addi %add3A_367, %add3A_604 : i32
      %lt3A_606 = arith.constant 32 : i32
      %lt3A_607 = arith.cmpi slt, %add3A_605, %lt3A_606 : i32
      %convert_element_type3A_608 = arith.extui %lt3A_607 : i1 to i32
      %cond3A_609 = arith.constant 0 : i32
      %cond3A_610 = arith.cmpi ne, %convert_element_type3A_608, %cond3A_609 : i32
      scf.if %cond3A_610 {
        %dma_wait3A_618 = arith.constant 0 : i32
        %dma_wait3A_619 = arith.constant 0 : i32
        %dma_wait3A_620 = arith.constant 0 : i32
        %dma_wait3A_621 = arith.constant 0 : i32
        %dma_wait3A_622 = tpu.memref_slice %arg10[%dma_wait3A_620, %dma_wait3A_621] : memref<10x128xi32, #tpu.memory_space<vmem>> -> memref<5x128xi32, #tpu.memory_space<vmem>>
        %dma_wait3A_623 = arith.constant 0 : i32
        %dma_wait3A_624 = arith.constant 0 : i32
        %dma_wait3A_625 = tpu.memref_slice %arg2[%arg1, %dma_wait3A_618, %dma_wait3A_623, %dma_wait3A_624] : memref<16x32x5x128xi32, #tpu.memory_space<hbm>> -> memref<1x1x5x128xi32, #tpu.memory_space<hbm>>
        %dma_wait3A_626 = tpu.memref_squeeze %dma_wait3A_625 : memref<1x1x5x128xi32, #tpu.memory_space<hbm>> -> memref<5x128xi32, #tpu.memory_space<hbm>>
        %dma_wait3A_627 = tpu.memref_slice %arg20[%dma_wait3A_619] : memref<2x!tpu.dma_semaphore, #tpu.memory_space<semaphore_mem>> -> memref<1x!tpu.dma_semaphore, #tpu.memory_space<semaphore_mem>>
        %dma_wait3A_628 = tpu.memref_squeeze %dma_wait3A_627 : memref<1x!tpu.dma_semaphore, #tpu.memory_space<semaphore_mem>> -> memref<!tpu.dma_semaphore, #tpu.memory_space<semaphore_mem>>
        %dma_wait3A_629 = arith.constant 0 : i32
        %dma_wait3A_630 = arith.constant 0 : i32
        %dma_wait3A_631 = tpu.memref_slice %arg10[%dma_wait3A_629, %dma_wait3A_630] : memref<10x128xi32, #tpu.memory_space<vmem>> -> memref<5x128xi32, #tpu.memory_space<vmem>>
        %dma_wait3A_632 = arith.constant 0 : i32
        %dma_wait3A_633 = arith.constant 0 : i32
        %dma_wait3A_634 = tpu.memref_slice %arg2[%arg1, %dma_wait3A_618, %dma_wait3A_632, %dma_wait3A_633] : memref<16x32x5x128xi32, #tpu.memory_space<hbm>> -> memref<1x1x5x128xi32, #tpu.memory_space<hbm>>
        %dma_wait3A_635 = tpu.memref_squeeze %dma_wait3A_634 : memref<1x1x5x128xi32, #tpu.memory_space<hbm>> -> memref<5x128xi32, #tpu.memory_space<hbm>>
        tpu.wait_dma2 semaphore(%dma_wait3A_628 : memref<!tpu.dma_semaphore, #tpu.memory_space<semaphore_mem>>) src(%dma_wait3A_635 : memref<5x128xi32, #tpu.memory_space<hbm>>) dst(%dma_wait3A_631 : memref<5x128xi32, #tpu.memory_space<vmem>>)
        %dma_wait3A_636 = arith.constant 0 : i32
        %dma_wait3A_637 = arith.constant 0 : i32
        %dma_wait3A_638 = arith.constant 0 : i32
        %dma_wait3A_639 = arith.constant 0 : i32
        %dma_wait3A_640 = tpu.memref_slice %arg11[%dma_wait3A_638, %dma_wait3A_639] : memref<10x128xi32, #tpu.memory_space<vmem>> -> memref<5x128xi32, #tpu.memory_space<vmem>>
        %dma_wait3A_641 = arith.constant 0 : i32
        %dma_wait3A_642 = arith.constant 0 : i32
        %dma_wait3A_643 = tpu.memref_slice %arg3[%arg1, %dma_wait3A_636, %dma_wait3A_641, %dma_wait3A_642] : memref<16x32x5x128xi32, #tpu.memory_space<hbm>> -> memref<1x1x5x128xi32, #tpu.memory_space<hbm>>
        %dma_wait3A_644 = tpu.memref_squeeze %dma_wait3A_643 : memref<1x1x5x128xi32, #tpu.memory_space<hbm>> -> memref<5x128xi32, #tpu.memory_space<hbm>>
        %dma_wait3A_645 = tpu.memref_slice %arg20[%dma_wait3A_637] : memref<2x!tpu.dma_semaphore, #tpu.memory_space<semaphore_mem>> -> memref<1x!tpu.dma_semaphore, #tpu.memory_space<semaphore_mem>>
        %dma_wait3A_646 = tpu.memref_squeeze %dma_wait3A_645 : memref<1x!tpu.dma_semaphore, #tpu.memory_space<semaphore_mem>> -> memref<!tpu.dma_semaphore, #tpu.memory_space<semaphore_mem>>
        %dma_wait3A_647 = arith.constant 0 : i32
        %dma_wait3A_648 = arith.constant 0 : i32
        %dma_wait3A_649 = tpu.memref_slice %arg11[%dma_wait3A_647, %dma_wait3A_648] : memref<10x128xi32, #tpu.memory_space<vmem>> -> memref<5x128xi32, #tpu.memory_space<vmem>>
        %dma_wait3A_650 = arith.constant 0 : i32
        %dma_wait3A_651 = arith.constant 0 : i32
        %dma_wait3A_652 = tpu.memref_slice %arg3[%arg1, %dma_wait3A_636, %dma_wait3A_650, %dma_wait3A_651] : memref<16x32x5x128xi32, #tpu.memory_space<hbm>> -> memref<1x1x5x128xi32, #tpu.memory_space<hbm>>
        %dma_wait3A_653 = tpu.memref_squeeze %dma_wait3A_652 : memref<1x1x5x128xi32, #tpu.memory_space<hbm>> -> memref<5x128xi32, #tpu.memory_space<hbm>>
        tpu.wait_dma2 semaphore(%dma_wait3A_646 : memref<!tpu.dma_semaphore, #tpu.memory_space<semaphore_mem>>) src(%dma_wait3A_653 : memref<5x128xi32, #tpu.memory_space<hbm>>) dst(%dma_wait3A_649 : memref<5x128xi32, #tpu.memory_space<vmem>>)
        %dma_start3A_654 = arith.constant 0 : i32
        %dma_start3A_655 = arith.constant 0 : i32
        %dma_start3A_656 = arith.constant 0 : i32
        %dma_start3A_657 = arith.constant 0 : i32
        %dma_start3A_658 = arith.constant 0 : i32
        %dma_start3A_659 = tpu.memref_slice %arg13[%dma_start3A_655, %dma_start3A_657, %dma_start3A_658] : memref<5x128x64xf32, #tpu.memory_space<vmem>> -> memref<1x128x64xf32, #tpu.memory_space<vmem>>
        %dma_start3A_660 = tpu.memref_squeeze %dma_start3A_659 : memref<1x128x64xf32, #tpu.memory_space<vmem>> -> memref<128x64xf32, #tpu.memory_space<vmem>>
        %dma_start3A_661 = arith.constant 0 : i32
        %dma_start3A_662 = tpu.memref_slice %arg10[%dma_start3A_654, %dma_start3A_661] : memref<10x128xi32, #tpu.memory_space<vmem>> -> memref<1x128xi32, #tpu.memory_space<vmem>>
        %dma_start3A_663 = tpu.memref_squeeze %dma_start3A_662 : memref<1x128xi32, #tpu.memory_space<vmem>> -> memref<128xi32, #tpu.memory_space<vmem>>
        %dma_start3A_664 = arith.constant 0 : i32
        %dma_start3A_665 = arith.constant 0 : i32
        %dma_start3A_666 = tpu.memref_slice %arg14[%dma_start3A_664, %dma_start3A_665] : memref<10240x64xf32, #tpu.memory_space<vmem_shared>> -> memref<10240x64xf32, #tpu.memory_space<vmem_shared>>
        %dma_start3A_667 = tpu.memref_slice %arg17[%dma_start3A_656] : memref<5x!tpu.dma_semaphore, #tpu.memory_space<semaphore_mem>> -> memref<1x!tpu.dma_semaphore, #tpu.memory_space<semaphore_mem>>
        %dma_start3A_668 = tpu.memref_squeeze %dma_start3A_667 : memref<1x!tpu.dma_semaphore, #tpu.memory_space<semaphore_mem>> -> memref<!tpu.dma_semaphore, #tpu.memory_space<semaphore_mem>>
        tpu.enqueue_indirect_dma source(%dma_start3A_666 : memref<10240x64xf32, #tpu.memory_space<vmem_shared>>) target(%dma_start3A_660 : memref<128x64xf32, #tpu.memory_space<vmem>>) offsets(%dma_start3A_663 : memref<128xi32, #tpu.memory_space<vmem>>) semaphore(%dma_start3A_668 : memref<!tpu.dma_semaphore, #tpu.memory_space<semaphore_mem>>)
        %dma_start3A_669 = arith.constant 1 : i32
        %dma_start3A_670 = arith.constant 1 : i32
        %dma_start3A_671 = arith.constant 1 : i32
        %dma_start3A_672 = arith.constant 0 : i32
        %dma_start3A_673 = arith.constant 0 : i32
        %dma_start3A_674 = tpu.memref_slice %arg13[%dma_start3A_670, %dma_start3A_672, %dma_start3A_673] : memref<5x128x64xf32, #tpu.memory_space<vmem>> -> memref<1x128x64xf32, #tpu.memory_space<vmem>>
        %dma_start3A_675 = tpu.memref_squeeze %dma_start3A_674 : memref<1x128x64xf32, #tpu.memory_space<vmem>> -> memref<128x64xf32, #tpu.memory_space<vmem>>
        %dma_start3A_676 = arith.constant 0 : i32
        %dma_start3A_677 = tpu.memref_slice %arg10[%dma_start3A_669, %dma_start3A_676] : memref<10x128xi32, #tpu.memory_space<vmem>> -> memref<1x128xi32, #tpu.memory_space<vmem>>
        %dma_start3A_678 = tpu.memref_squeeze %dma_start3A_677 : memref<1x128xi32, #tpu.memory_space<vmem>> -> memref<128xi32, #tpu.memory_space<vmem>>
        %dma_start3A_679 = arith.constant 0 : i32
        %dma_start3A_680 = arith.constant 0 : i32
        %dma_start3A_681 = tpu.memref_slice %arg14[%dma_start3A_679, %dma_start3A_680] : memref<10240x64xf32, #tpu.memory_space<vmem_shared>> -> memref<10240x64xf32, #tpu.memory_space<vmem_shared>>
        %dma_start3A_682 = tpu.memref_slice %arg17[%dma_start3A_671] : memref<5x!tpu.dma_semaphore, #tpu.memory_space<semaphore_mem>> -> memref<1x!tpu.dma_semaphore, #tpu.memory_space<semaphore_mem>>
        %dma_start3A_683 = tpu.memref_squeeze %dma_start3A_682 : memref<1x!tpu.dma_semaphore, #tpu.memory_space<semaphore_mem>> -> memref<!tpu.dma_semaphore, #tpu.memory_space<semaphore_mem>>
        tpu.enqueue_indirect_dma source(%dma_start3A_681 : memref<10240x64xf32, #tpu.memory_space<vmem_shared>>) target(%dma_start3A_675 : memref<128x64xf32, #tpu.memory_space<vmem>>) offsets(%dma_start3A_678 : memref<128xi32, #tpu.memory_space<vmem>>) semaphore(%dma_start3A_683 : memref<!tpu.dma_semaphore, #tpu.memory_space<semaphore_mem>>)
        %dma_start3A_684 = arith.constant 2 : i32
        %dma_start3A_685 = arith.constant 2 : i32
        %dma_start3A_686 = arith.constant 2 : i32
        %dma_start3A_687 = arith.constant 0 : i32
        %dma_start3A_688 = arith.constant 0 : i32
        %dma_start3A_689 = tpu.memref_slice %arg13[%dma_start3A_685, %dma_start3A_687, %dma_start3A_688] : memref<5x128x64xf32, #tpu.memory_space<vmem>> -> memref<1x128x64xf32, #tpu.memory_space<vmem>>
        %dma_start3A_690 = tpu.memref_squeeze %dma_start3A_689 : memref<1x128x64xf32, #tpu.memory_space<vmem>> -> memref<128x64xf32, #tpu.memory_space<vmem>>
        %dma_start3A_691 = arith.constant 0 : i32
        %dma_start3A_692 = tpu.memref_slice %arg10[%dma_start3A_684, %dma_start3A_691] : memref<10x128xi32, #tpu.memory_space<vmem>> -> memref<1x128xi32, #tpu.memory_space<vmem>>
        %dma_start3A_693 = tpu.memref_squeeze %dma_start3A_692 : memref<1x128xi32, #tpu.memory_space<vmem>> -> memref<128xi32, #tpu.memory_space<vmem>>
        %dma_start3A_694 = arith.constant 0 : i32
        %dma_start3A_695 = arith.constant 0 : i32
        %dma_start3A_696 = tpu.memref_slice %arg14[%dma_start3A_694, %dma_start3A_695] : memref<10240x64xf32, #tpu.memory_space<vmem_shared>> -> memref<10240x64xf32, #tpu.memory_space<vmem_shared>>
        %dma_start3A_697 = tpu.memref_slice %arg17[%dma_start3A_686] : memref<5x!tpu.dma_semaphore, #tpu.memory_space<semaphore_mem>> -> memref<1x!tpu.dma_semaphore, #tpu.memory_space<semaphore_mem>>
        %dma_start3A_698 = tpu.memref_squeeze %dma_start3A_697 : memref<1x!tpu.dma_semaphore, #tpu.memory_space<semaphore_mem>> -> memref<!tpu.dma_semaphore, #tpu.memory_space<semaphore_mem>>
        tpu.enqueue_indirect_dma source(%dma_start3A_696 : memref<10240x64xf32, #tpu.memory_space<vmem_shared>>) target(%dma_start3A_690 : memref<128x64xf32, #tpu.memory_space<vmem>>) offsets(%dma_start3A_693 : memref<128xi32, #tpu.memory_space<vmem>>) semaphore(%dma_start3A_698 : memref<!tpu.dma_semaphore, #tpu.memory_space<semaphore_mem>>)
        %dma_start3A_699 = arith.constant 3 : i32
        %dma_start3A_700 = arith.constant 3 : i32
        %dma_start3A_701 = arith.constant 3 : i32
        %dma_start3A_702 = arith.constant 0 : i32
        %dma_start3A_703 = arith.constant 0 : i32
        %dma_start3A_704 = tpu.memref_slice %arg13[%dma_start3A_700, %dma_start3A_702, %dma_start3A_703] : memref<5x128x64xf32, #tpu.memory_space<vmem>> -> memref<1x128x64xf32, #tpu.memory_space<vmem>>
        %dma_start3A_705 = tpu.memref_squeeze %dma_start3A_704 : memref<1x128x64xf32, #tpu.memory_space<vmem>> -> memref<128x64xf32, #tpu.memory_space<vmem>>
        %dma_start3A_706 = arith.constant 0 : i32
        %dma_start3A_707 = tpu.memref_slice %arg10[%dma_start3A_699, %dma_start3A_706] : memref<10x128xi32, #tpu.memory_space<vmem>> -> memref<1x128xi32, #tpu.memory_space<vmem>>
        %dma_start3A_708 = tpu.memref_squeeze %dma_start3A_707 : memref<1x128xi32, #tpu.memory_space<vmem>> -> memref<128xi32, #tpu.memory_space<vmem>>
        %dma_start3A_709 = arith.constant 0 : i32
        %dma_start3A_710 = arith.constant 0 : i32
        %dma_start3A_711 = tpu.memref_slice %arg14[%dma_start3A_709, %dma_start3A_710] : memref<10240x64xf32, #tpu.memory_space<vmem_shared>> -> memref<10240x64xf32, #tpu.memory_space<vmem_shared>>
        %dma_start3A_712 = tpu.memref_slice %arg17[%dma_start3A_701] : memref<5x!tpu.dma_semaphore, #tpu.memory_space<semaphore_mem>> -> memref<1x!tpu.dma_semaphore, #tpu.memory_space<semaphore_mem>>
        %dma_start3A_713 = tpu.memref_squeeze %dma_start3A_712 : memref<1x!tpu.dma_semaphore, #tpu.memory_space<semaphore_mem>> -> memref<!tpu.dma_semaphore, #tpu.memory_space<semaphore_mem>>
        tpu.enqueue_indirect_dma source(%dma_start3A_711 : memref<10240x64xf32, #tpu.memory_space<vmem_shared>>) target(%dma_start3A_705 : memref<128x64xf32, #tpu.memory_space<vmem>>) offsets(%dma_start3A_708 : memref<128xi32, #tpu.memory_space<vmem>>) semaphore(%dma_start3A_713 : memref<!tpu.dma_semaphore, #tpu.memory_space<semaphore_mem>>)
        %dma_start3A_714 = arith.constant 4 : i32
        %dma_start3A_715 = arith.constant 4 : i32
        %dma_start3A_716 = arith.constant 4 : i32
        %dma_start3A_717 = arith.constant 0 : i32
        %dma_start3A_718 = arith.constant 0 : i32
        %dma_start3A_719 = tpu.memref_slice %arg13[%dma_start3A_715, %dma_start3A_717, %dma_start3A_718] : memref<5x128x64xf32, #tpu.memory_space<vmem>> -> memref<1x128x64xf32, #tpu.memory_space<vmem>>
        %dma_start3A_720 = tpu.memref_squeeze %dma_start3A_719 : memref<1x128x64xf32, #tpu.memory_space<vmem>> -> memref<128x64xf32, #tpu.memory_space<vmem>>
        %dma_start3A_721 = arith.constant 0 : i32
        %dma_start3A_722 = tpu.memref_slice %arg10[%dma_start3A_714, %dma_start3A_721] : memref<10x128xi32, #tpu.memory_space<vmem>> -> memref<1x128xi32, #tpu.memory_space<vmem>>
        %dma_start3A_723 = tpu.memref_squeeze %dma_start3A_722 : memref<1x128xi32, #tpu.memory_space<vmem>> -> memref<128xi32, #tpu.memory_space<vmem>>
        %dma_start3A_724 = arith.constant 0 : i32
        %dma_start3A_725 = arith.constant 0 : i32
        %dma_start3A_726 = tpu.memref_slice %arg14[%dma_start3A_724, %dma_start3A_725] : memref<10240x64xf32, #tpu.memory_space<vmem_shared>> -> memref<10240x64xf32, #tpu.memory_space<vmem_shared>>
        %dma_start3A_727 = tpu.memref_slice %arg17[%dma_start3A_716] : memref<5x!tpu.dma_semaphore, #tpu.memory_space<semaphore_mem>> -> memref<1x!tpu.dma_semaphore, #tpu.memory_space<semaphore_mem>>
        %dma_start3A_728 = tpu.memref_squeeze %dma_start3A_727 : memref<1x!tpu.dma_semaphore, #tpu.memory_space<semaphore_mem>> -> memref<!tpu.dma_semaphore, #tpu.memory_space<semaphore_mem>>
        tpu.enqueue_indirect_dma source(%dma_start3A_726 : memref<10240x64xf32, #tpu.memory_space<vmem_shared>>) target(%dma_start3A_720 : memref<128x64xf32, #tpu.memory_space<vmem>>) offsets(%dma_start3A_723 : memref<128xi32, #tpu.memory_space<vmem>>) semaphore(%dma_start3A_728 : memref<!tpu.dma_semaphore, #tpu.memory_space<semaphore_mem>>)
      } else {
      }
      %add3A_611 = arith.constant 2 : i32
      %add3A_612 = arith.addi %add3A_367, %add3A_611 : i32
      %lt3A_613 = arith.constant 32 : i32
      %lt3A_614 = arith.cmpi slt, %add3A_612, %lt3A_613 : i32
      %convert_element_type3A_615 = arith.extui %lt3A_614 : i1 to i32
      %cond3A_616 = arith.constant 0 : i32
      %cond3A_617 = arith.cmpi ne, %convert_element_type3A_615, %cond3A_616 : i32
      scf.if %cond3A_617 {
        %add3A_618 = arith.constant 2 : i32
        %add3A_619 = arith.addi %add3A_367, %add3A_618 : i32
        %dma_start3A_620 = arith.constant 1 : i32
        %dma_start3A_621 = arith.constant 5 : i32
        %dma_start3A_622 = arith.constant 0 : i32
        %dma_start3A_623 = tpu.memref_slice %arg10[%dma_start3A_621, %dma_start3A_622] : memref<10x128xi32, #tpu.memory_space<vmem>> -> memref<5x128xi32, #tpu.memory_space<vmem>>
        %dma_start3A_624 = arith.constant 0 : i32
        %dma_start3A_625 = arith.constant 0 : i32
        %dma_start3A_626 = tpu.memref_slice %arg2[%arg1, %add3A_619, %dma_start3A_624, %dma_start3A_625] : memref<16x32x5x128xi32, #tpu.memory_space<hbm>> -> memref<1x1x5x128xi32, #tpu.memory_space<hbm>>
        %dma_start3A_627 = tpu.memref_squeeze %dma_start3A_626 : memref<1x1x5x128xi32, #tpu.memory_space<hbm>> -> memref<5x128xi32, #tpu.memory_space<hbm>>
        %dma_start3A_628 = tpu.memref_slice %arg20[%dma_start3A_620] : memref<2x!tpu.dma_semaphore, #tpu.memory_space<semaphore_mem>> -> memref<1x!tpu.dma_semaphore, #tpu.memory_space<semaphore_mem>>
        %dma_start3A_629 = tpu.memref_squeeze %dma_start3A_628 : memref<1x!tpu.dma_semaphore, #tpu.memory_space<semaphore_mem>> -> memref<!tpu.dma_semaphore, #tpu.memory_space<semaphore_mem>>
        %dma_start3A_630 = arith.constant 5 : i32
        %dma_start3A_631 = arith.constant 0 : i32
        %dma_start3A_632 = tpu.memref_slice %arg10[%dma_start3A_630, %dma_start3A_631] : memref<10x128xi32, #tpu.memory_space<vmem>> -> memref<5x128xi32, #tpu.memory_space<vmem>>
        %dma_start3A_633 = arith.constant 0 : i32
        %dma_start3A_634 = arith.constant 0 : i32
        %dma_start3A_635 = tpu.memref_slice %arg2[%arg1, %add3A_619, %dma_start3A_633, %dma_start3A_634] : memref<16x32x5x128xi32, #tpu.memory_space<hbm>> -> memref<1x1x5x128xi32, #tpu.memory_space<hbm>>
        %dma_start3A_636 = tpu.memref_squeeze %dma_start3A_635 : memref<1x1x5x128xi32, #tpu.memory_space<hbm>> -> memref<5x128xi32, #tpu.memory_space<hbm>>
        tpu.enqueue_dma source(%dma_start3A_636 : memref<5x128xi32, #tpu.memory_space<hbm>>) target(%dma_start3A_632 : memref<5x128xi32, #tpu.memory_space<vmem>>) target_semaphore(%dma_start3A_629 : memref<!tpu.dma_semaphore, #tpu.memory_space<semaphore_mem>>)
        %add3A_637 = arith.constant 2 : i32
        %add3A_638 = arith.addi %add3A_367, %add3A_637 : i32
        %dma_start3A_639 = arith.constant 1 : i32
        %dma_start3A_640 = arith.constant 5 : i32
        %dma_start3A_641 = arith.constant 0 : i32
        %dma_start3A_642 = tpu.memref_slice %arg11[%dma_start3A_640, %dma_start3A_641] : memref<10x128xi32, #tpu.memory_space<vmem>> -> memref<5x128xi32, #tpu.memory_space<vmem>>
        %dma_start3A_643 = arith.constant 0 : i32
        %dma_start3A_644 = arith.constant 0 : i32
        %dma_start3A_645 = tpu.memref_slice %arg3[%arg1, %add3A_638, %dma_start3A_643, %dma_start3A_644] : memref<16x32x5x128xi32, #tpu.memory_space<hbm>> -> memref<1x1x5x128xi32, #tpu.memory_space<hbm>>
        %dma_start3A_646 = tpu.memref_squeeze %dma_start3A_645 : memref<1x1x5x128xi32, #tpu.memory_space<hbm>> -> memref<5x128xi32, #tpu.memory_space<hbm>>
        %dma_start3A_647 = tpu.memref_slice %arg20[%dma_start3A_639] : memref<2x!tpu.dma_semaphore, #tpu.memory_space<semaphore_mem>> -> memref<1x!tpu.dma_semaphore, #tpu.memory_space<semaphore_mem>>
        %dma_start3A_648 = tpu.memref_squeeze %dma_start3A_647 : memref<1x!tpu.dma_semaphore, #tpu.memory_space<semaphore_mem>> -> memref<!tpu.dma_semaphore, #tpu.memory_space<semaphore_mem>>
        %dma_start3A_649 = arith.constant 5 : i32
        %dma_start3A_650 = arith.constant 0 : i32
        %dma_start3A_651 = tpu.memref_slice %arg11[%dma_start3A_649, %dma_start3A_650] : memref<10x128xi32, #tpu.memory_space<vmem>> -> memref<5x128xi32, #tpu.memory_space<vmem>>
        %dma_start3A_652 = arith.constant 0 : i32
        %dma_start3A_653 = arith.constant 0 : i32
        %dma_start3A_654 = tpu.memref_slice %arg3[%arg1, %add3A_638, %dma_start3A_652, %dma_start3A_653] : memref<16x32x5x128xi32, #tpu.memory_space<hbm>> -> memref<1x1x5x128xi32, #tpu.memory_space<hbm>>
        %dma_start3A_655 = tpu.memref_squeeze %dma_start3A_654 : memref<1x1x5x128xi32, #tpu.memory_space<hbm>> -> memref<5x128xi32, #tpu.memory_space<hbm>>
        tpu.enqueue_dma source(%dma_start3A_655 : memref<5x128xi32, #tpu.memory_space<hbm>>) target(%dma_start3A_651 : memref<5x128xi32, #tpu.memory_space<vmem>>) target_semaphore(%dma_start3A_648 : memref<!tpu.dma_semaphore, #tpu.memory_space<semaphore_mem>>)
      } else {
      }
    }
    %scan3A_116 = arith.constant 16 : i32
    %barrier3A_117 = arith.constant 0 : index
    tpu.barrier barrier_id(%barrier3A_117)
    "tpu.region"() ({
      %run_scoped3A_118 = tpu.sem_alloc : memref<!tpu.dma_semaphore, #tpu.memory_space<semaphore_mem>>
      %dma_start3A_119 = arith.constant 0 : i32
      %dma_start3A_120 = tpu.memref_slice %arg8[%arg0, %mul3A_0, %dma_start3A_119] : memref<2x10240x64xf32, #tpu.memory_space<hbm>> -> memref<1x640x64xf32, #tpu.memory_space<hbm>>
      %dma_start3A_121 = tpu.memref_squeeze %dma_start3A_120 : memref<1x640x64xf32, #tpu.memory_space<hbm>> -> memref<640x64xf32, #tpu.memory_space<hbm>>
      %dma_start3A_122 = arith.constant 0 : i32
      %dma_start3A_123 = tpu.memref_slice %arg15[%mul3A_0, %dma_start3A_122] : memref<10240x64xf32, #tpu.memory_space<vmem_shared>> -> memref<640x64xf32, #tpu.memory_space<vmem_shared>>
      tpu.enqueue_dma source(%dma_start3A_123 : memref<640x64xf32, #tpu.memory_space<vmem_shared>>) target(%dma_start3A_121 : memref<640x64xf32, #tpu.memory_space<hbm>>) target_semaphore(%run_scoped3A_118 : memref<!tpu.dma_semaphore, #tpu.memory_space<semaphore_mem>>)
      %dma_wait3A = arith.constant 0 : i32
      %dma_wait3A_124 = tpu.memref_slice %arg8[%arg0, %mul3A_0, %dma_wait3A] : memref<2x10240x64xf32, #tpu.memory_space<hbm>> -> memref<1x640x64xf32, #tpu.memory_space<hbm>>
      %dma_wait3A_125 = tpu.memref_squeeze %dma_wait3A_124 : memref<1x640x64xf32, #tpu.memory_space<hbm>> -> memref<640x64xf32, #tpu.memory_space<hbm>>
      %dma_wait3A_126 = arith.constant 0 : i32
      %dma_wait3A_127 = tpu.memref_slice %arg15[%mul3A_0, %dma_wait3A_126] : memref<10240x64xf32, #tpu.memory_space<vmem_shared>> -> memref<640x64xf32, #tpu.memory_space<vmem_shared>>
      tpu.wait_dma2 semaphore(%run_scoped3A_118 : memref<!tpu.dma_semaphore, #tpu.memory_space<semaphore_mem>>) src(%dma_wait3A_127 : memref<640x64xf32, #tpu.memory_space<vmem_shared>>) dst(%dma_wait3A_125 : memref<640x64xf32, #tpu.memory_space<hbm>>)
      tpu.yield
    }) : () -> ()
    return
  }
}

module attributes {stable_mosaic.version = 14 : i64} {
  func.func @_dense1_body(%arg0: i32, %arg1: memref<2x1280x64xf32, #tpu.memory_space<vmem>>, %arg2: memref<1280x1xf32, #tpu.memory_space<vmem>>, %arg3: memref<2x1280x64xf32, #tpu.memory_space<vmem>>, %arg4: memref<128x128xf32, #tpu.memory_space<vmem>>, %arg5: memref<128x128xf32, #tpu.memory_space<vmem>>, %arg6: memref<1x128xf32, #tpu.memory_space<vmem>>, %arg7: memref<2x1280x64xf32, #tpu.memory_space<vmem>>) attributes {dimension_semantics = [#tpu.dimension_semantics<arbitrary>], iteration_bounds = array<i64: 8>, scalar_prefetch = 0 : i64, scratch_operands = 0 : i64, tpu.core_type = #tpu.core_type<tc>, window_params = [{transform_indices = @transform_0, window_bounds = array<i64: 2, 1280, 64>}, {transform_indices = @transform_1, window_bounds = array<i64: 1280, 1>}, {transform_indices = @transform_2, window_bounds = array<i64: 2, 1280, 64>}, {pipeline_mode = #tpu.pipeline_mode<synchronous>, transform_indices = @transform_3, window_bounds = array<i64: 128, 128>}, {pipeline_mode = #tpu.pipeline_mode<synchronous>, transform_indices = @transform_4, window_bounds = array<i64: 128, 128>}, {pipeline_mode = #tpu.pipeline_mode<synchronous>, transform_indices = @transform_5, window_bounds = array<i64: 1, 128>}, {transform_indices = @transform_6, window_bounds = array<i64: 2, 1280, 64>}]} {
    %get3A = arith.constant 0 : index
    %get3A_0 = arith.constant 0 : index
    %get3A_1 = vector.load %arg2[%get3A, %get3A_0] : memref<1280x1xf32, #tpu.memory_space<vmem>>, vector<1280x1xf32>
    %max3A = arith.constant 1.000000e+00 : f32
    %max3A_2 = vector.broadcast %max3A : f32 to vector<1280x1xf32>
    %max3A_3 = arith.maximumf %get3A_1, %max3A_2 : vector<1280x1xf32>
    %get3A_4 = arith.constant 0 : index
    %get3A_5 = arith.constant 0 : index
    %get3A_6 = arith.constant 0 : index
    %get3A_7 = vector.load %arg1[%get3A_4, %get3A_5, %get3A_6] : memref<2x1280x64xf32, #tpu.memory_space<vmem>>, vector<1x1280x64xf32>
    %get3A_8 = vector.shape_cast %get3A_7 : vector<1x1280x64xf32> to vector<1280x64xf32>
    %get3A_9 = arith.constant 1 : index
    %get3A_10 = arith.constant 0 : index
    %get3A_11 = arith.constant 0 : index
    %get3A_12 = vector.load %arg1[%get3A_9, %get3A_10, %get3A_11] : memref<2x1280x64xf32, #tpu.memory_space<vmem>>, vector<1x1280x64xf32>
    %get3A_13 = vector.shape_cast %get3A_12 : vector<1x1280x64xf32> to vector<1280x64xf32>
    %concatenate3A = tpu.concatenate %get3A_8, %get3A_13 in 1 : vector<1280x64xf32>, vector<1280x64xf32> -> vector<1280x128xf32>
    %div3A = vector.broadcast %max3A_3 : vector<1280x1xf32> to vector<1280x128xf32>
    %div3A_14 = arith.divf %concatenate3A, %div3A : vector<1280x128xf32>
    %get3A_15 = arith.constant 0 : index
    %get3A_16 = arith.constant 0 : index
    %get3A_17 = arith.constant 0 : index
    %get3A_18 = vector.load %arg3[%get3A_15, %get3A_16, %get3A_17] : memref<2x1280x64xf32, #tpu.memory_space<vmem>>, vector<1x1280x64xf32>
    %get3A_19 = vector.shape_cast %get3A_18 : vector<1x1280x64xf32> to vector<1280x64xf32>
    %get3A_20 = arith.constant 1 : index
    %get3A_21 = arith.constant 0 : index
    %get3A_22 = arith.constant 0 : index
    %get3A_23 = vector.load %arg3[%get3A_20, %get3A_21, %get3A_22] : memref<2x1280x64xf32, #tpu.memory_space<vmem>>, vector<1x1280x64xf32>
    %get3A_24 = vector.shape_cast %get3A_23 : vector<1x1280x64xf32> to vector<1280x64xf32>
    %concatenate3A_25 = tpu.concatenate %get3A_19, %get3A_24 in 1 : vector<1280x64xf32>, vector<1280x64xf32> -> vector<1280x128xf32>
    %get3A_26 = arith.constant 0 : index
    %get3A_27 = arith.constant 0 : index
    %get3A_28 = vector.load %arg4[%get3A_26, %get3A_27] : memref<128x128xf32, #tpu.memory_space<vmem>>, vector<128x128xf32>
    %dot_general3A = arith.constant dense<0.000000e+00> : vector<1280x128xf32>
    %dot_general3A_29 = tpu.matmul %div3A_14, %get3A_28, %dot_general3A {dimension_numbers = #tpu.dot_dimension_numbers<[1], [0], [0], [1], [0, 0, 1, 1], [], []>, transpose_lhs_hint = false} : vector<1280x128xf32>, vector<128x128xf32>, vector<1280x128xf32> -> vector<1280x128xf32>
    %get3A_30 = arith.constant 0 : index
    %get3A_31 = arith.constant 0 : index
    %get3A_32 = vector.load %arg6[%get3A_30, %get3A_31] : memref<1x128xf32, #tpu.memory_space<vmem>>, vector<1x128xf32>
    %add3A = vector.broadcast %get3A_32 : vector<1x128xf32> to vector<1280x128xf32>
    %add3A_33 = arith.addf %dot_general3A_29, %add3A : vector<1280x128xf32>
    %get3A_34 = arith.constant 0 : index
    %get3A_35 = arith.constant 0 : index
    %get3A_36 = vector.load %arg5[%get3A_34, %get3A_35] : memref<128x128xf32, #tpu.memory_space<vmem>>, vector<128x128xf32>
    %dot_general3A_37 = arith.constant dense<0.000000e+00> : vector<1280x128xf32>
    %dot_general3A_38 = tpu.matmul %concatenate3A_25, %get3A_36, %dot_general3A_37 {dimension_numbers = #tpu.dot_dimension_numbers<[1], [0], [0], [1], [0, 0, 1, 1], [], []>, transpose_lhs_hint = false} : vector<1280x128xf32>, vector<128x128xf32>, vector<1280x128xf32> -> vector<1280x128xf32>
    %add3A_39 = arith.addf %add3A_33, %dot_general3A_38 : vector<1280x128xf32>
    %max3A_40 = arith.constant 0.000000e+00 : f32
    %max3A_41 = vector.broadcast %max3A_40 : f32 to vector<1280x128xf32>
    %max3A_42 = arith.maximumf %add3A_39, %max3A_41 : vector<1280x128xf32>
    %slice3A = vector.extract_strided_slice %max3A_42 {offsets = [0, 0], sizes = [1280, 64], strides = [1, 1]} : vector<1280x128xf32> to vector<1280x64xf32>
    %swap3A = arith.constant 0 : index
    %swap3A_43 = arith.constant 0 : index
    %swap3A_44 = arith.constant 0 : index
    %swap3A_45 = vector.load %arg7[%swap3A, %swap3A_43, %swap3A_44] : memref<2x1280x64xf32, #tpu.memory_space<vmem>>, vector<1x1280x64xf32>
    %swap3A_46 = vector.shape_cast %swap3A_45 : vector<1x1280x64xf32> to vector<1280x64xf32>
    %swap3A_47 = vector.shape_cast %slice3A : vector<1280x64xf32> to vector<1x1280x64xf32>
    tpu.vector_store %arg7[%swap3A, %swap3A_43, %swap3A_44], %swap3A_47 {strides = array<i32>} : memref<2x1280x64xf32, #tpu.memory_space<vmem>>, vector<1x1280x64xf32>,
    %slice3A_48 = vector.extract_strided_slice %max3A_42 {offsets = [0, 64], sizes = [1280, 64], strides = [1, 1]} : vector<1280x128xf32> to vector<1280x64xf32>
    %swap3A_49 = arith.constant 1 : index
    %swap3A_50 = arith.constant 0 : index
    %swap3A_51 = arith.constant 0 : index
    %swap3A_52 = vector.load %arg7[%swap3A_49, %swap3A_50, %swap3A_51] : memref<2x1280x64xf32, #tpu.memory_space<vmem>>, vector<1x1280x64xf32>
    %swap3A_53 = vector.shape_cast %swap3A_52 : vector<1x1280x64xf32> to vector<1280x64xf32>
    %swap3A_54 = vector.shape_cast %slice3A_48 : vector<1280x64xf32> to vector<1x1280x64xf32>
    tpu.vector_store %arg7[%swap3A_49, %swap3A_50, %swap3A_51], %swap3A_54 {strides = array<i32>} : memref<2x1280x64xf32, #tpu.memory_space<vmem>>, vector<1x1280x64xf32>,
    return
  }
  func.func @transform_0(%arg0: i32) -> (i32, i32, i32) {
    %c0_i32 = arith.constant 0 : i32
    %c0_i32_0 = arith.constant 0 : i32
    %c0_i32_1 = arith.constant 0 : i32
    return %c0_i32, %arg0, %c0_i32_0 : i32, i32, i32
  }
  func.func @transform_1(%arg0: i32) -> (i32, i32) {
    %c0_i32 = arith.constant 0 : i32
    %c0_i32_0 = arith.constant 0 : i32
    return %arg0, %c0_i32 : i32, i32
  }
  func.func @transform_2(%arg0: i32) -> (i32, i32, i32) {
    %c0_i32 = arith.constant 0 : i32
    %c0_i32_0 = arith.constant 0 : i32
    %c0_i32_1 = arith.constant 0 : i32
    return %c0_i32, %arg0, %c0_i32_0 : i32, i32, i32
  }
  func.func @transform_3(%arg0: i32) -> (i32, i32) {
    %c0_i32 = arith.constant 0 : i32
    %c0_i32_0 = arith.constant 0 : i32
    %c0_i32_1 = arith.constant 0 : i32
    return %c0_i32, %c0_i32_0 : i32, i32
  }
  func.func @transform_4(%arg0: i32) -> (i32, i32) {
    %c0_i32 = arith.constant 0 : i32
    %c0_i32_0 = arith.constant 0 : i32
    %c0_i32_1 = arith.constant 0 : i32
    return %c0_i32, %c0_i32_0 : i32, i32
  }
  func.func @transform_5(%arg0: i32) -> (i32, i32) {
    %c0_i32 = arith.constant 0 : i32
    %c0_i32_0 = arith.constant 0 : i32
    %c0_i32_1 = arith.constant 0 : i32
    return %c0_i32, %c0_i32_0 : i32, i32
  }
  func.func @transform_6(%arg0: i32) -> (i32, i32, i32) {
    %c0_i32 = arith.constant 0 : i32
    %c0_i32_0 = arith.constant 0 : i32
    %c0_i32_1 = arith.constant 0 : i32
    return %c0_i32, %arg0, %c0_i32_0 : i32, i32, i32
  }
}

module attributes {stable_mosaic.version = 14 : i64} {
  func.func @_dense2_body(%arg0: i32, %arg1: memref<1x1000x64xf32, #tpu.memory_space<vmem>>, %arg2: memref<1x1000x64xf32, #tpu.memory_space<vmem>>, %arg3: memref<1000x1xf32, #tpu.memory_space<vmem>>, %arg4: memref<1x1000x64xf32, #tpu.memory_space<vmem>>, %arg5: memref<1x1000x64xf32, #tpu.memory_space<vmem>>, %arg6: memref<128x128xf32, #tpu.memory_space<vmem>>, %arg7: memref<128x128xf32, #tpu.memory_space<vmem>>, %arg8: memref<1x128xf32, #tpu.memory_space<vmem>>, %arg9: memref<1000x128xf32, #tpu.memory_space<vmem>>) attributes {dimension_semantics = [#tpu.dimension_semantics<arbitrary>], iteration_bounds = array<i64: 10>, scalar_prefetch = 0 : i64, scratch_operands = 0 : i64, tpu.core_type = #tpu.core_type<tc>, window_params = [{transform_indices = @transform_0, window_bounds = array<i64: 1, 1000, 64>}, {transform_indices = @transform_1, window_bounds = array<i64: 1, 1000, 64>}, {transform_indices = @transform_2, window_bounds = array<i64: 1000, 1>}, {transform_indices = @transform_3, window_bounds = array<i64: 1, 1000, 64>}, {transform_indices = @transform_4, window_bounds = array<i64: 1, 1000, 64>}, {pipeline_mode = #tpu.pipeline_mode<synchronous>, transform_indices = @transform_5, window_bounds = array<i64: 128, 128>}, {pipeline_mode = #tpu.pipeline_mode<synchronous>, transform_indices = @transform_6, window_bounds = array<i64: 128, 128>}, {pipeline_mode = #tpu.pipeline_mode<synchronous>, transform_indices = @transform_7, window_bounds = array<i64: 1, 128>}, {transform_indices = @transform_8, window_bounds = array<i64: 1000, 128>}]} {
    %get3A = arith.constant 0 : index
    %get3A_0 = arith.constant 0 : index
    %get3A_1 = vector.load %arg3[%get3A, %get3A_0] : memref<1000x1xf32, #tpu.memory_space<vmem>>, vector<1000x1xf32>
    %max3A = arith.constant 1.000000e+00 : f32
    %max3A_2 = vector.broadcast %max3A : f32 to vector<1000x1xf32>
    %max3A_3 = arith.maximumf %get3A_1, %max3A_2 : vector<1000x1xf32>
    %get3A_4 = arith.constant 0 : index
    %get3A_5 = arith.constant 0 : index
    %get3A_6 = arith.constant 0 : index
    %get3A_7 = vector.load %arg1[%get3A_4, %get3A_5, %get3A_6] : memref<1x1000x64xf32, #tpu.memory_space<vmem>>, vector<1x1000x64xf32>
    %get3A_8 = vector.shape_cast %get3A_7 : vector<1x1000x64xf32> to vector<1000x64xf32>
    %get3A_9 = arith.constant 0 : index
    %get3A_10 = arith.constant 0 : index
    %get3A_11 = arith.constant 0 : index
    %get3A_12 = vector.load %arg2[%get3A_9, %get3A_10, %get3A_11] : memref<1x1000x64xf32, #tpu.memory_space<vmem>>, vector<1x1000x64xf32>
    %get3A_13 = vector.shape_cast %get3A_12 : vector<1x1000x64xf32> to vector<1000x64xf32>
    %concatenate3A = tpu.concatenate %get3A_8, %get3A_13 in 1 : vector<1000x64xf32>, vector<1000x64xf32> -> vector<1000x128xf32>
    %div3A = vector.broadcast %max3A_3 : vector<1000x1xf32> to vector<1000x128xf32>
    %div3A_14 = arith.divf %concatenate3A, %div3A : vector<1000x128xf32>
    %get3A_15 = arith.constant 0 : index
    %get3A_16 = arith.constant 0 : index
    %get3A_17 = arith.constant 0 : index
    %get3A_18 = vector.load %arg4[%get3A_15, %get3A_16, %get3A_17] : memref<1x1000x64xf32, #tpu.memory_space<vmem>>, vector<1x1000x64xf32>
    %get3A_19 = vector.shape_cast %get3A_18 : vector<1x1000x64xf32> to vector<1000x64xf32>
    %get3A_20 = arith.constant 0 : index
    %get3A_21 = arith.constant 0 : index
    %get3A_22 = arith.constant 0 : index
    %get3A_23 = vector.load %arg5[%get3A_20, %get3A_21, %get3A_22] : memref<1x1000x64xf32, #tpu.memory_space<vmem>>, vector<1x1000x64xf32>
    %get3A_24 = vector.shape_cast %get3A_23 : vector<1x1000x64xf32> to vector<1000x64xf32>
    %concatenate3A_25 = tpu.concatenate %get3A_19, %get3A_24 in 1 : vector<1000x64xf32>, vector<1000x64xf32> -> vector<1000x128xf32>
    %get3A_26 = arith.constant 0 : index
    %get3A_27 = arith.constant 0 : index
    %get3A_28 = vector.load %arg6[%get3A_26, %get3A_27] : memref<128x128xf32, #tpu.memory_space<vmem>>, vector<128x128xf32>
    %dot_general3A = arith.constant dense<0.000000e+00> : vector<1000x128xf32>
    %dot_general3A_29 = tpu.matmul %div3A_14, %get3A_28, %dot_general3A {dimension_numbers = #tpu.dot_dimension_numbers<[1], [0], [0], [1], [0, 0, 1, 1], [], []>, transpose_lhs_hint = false} : vector<1000x128xf32>, vector<128x128xf32>, vector<1000x128xf32> -> vector<1000x128xf32>
    %get3A_30 = arith.constant 0 : index
    %get3A_31 = arith.constant 0 : index
    %get3A_32 = vector.load %arg8[%get3A_30, %get3A_31] : memref<1x128xf32, #tpu.memory_space<vmem>>, vector<1x128xf32>
    %add3A = vector.broadcast %get3A_32 : vector<1x128xf32> to vector<1000x128xf32>
    %add3A_33 = arith.addf %dot_general3A_29, %add3A : vector<1000x128xf32>
    %get3A_34 = arith.constant 0 : index
    %get3A_35 = arith.constant 0 : index
    %get3A_36 = vector.load %arg7[%get3A_34, %get3A_35] : memref<128x128xf32, #tpu.memory_space<vmem>>, vector<128x128xf32>
    %dot_general3A_37 = arith.constant dense<0.000000e+00> : vector<1000x128xf32>
    %dot_general3A_38 = tpu.matmul %concatenate3A_25, %get3A_36, %dot_general3A_37 {dimension_numbers = #tpu.dot_dimension_numbers<[1], [0], [0], [1], [0, 0, 1, 1], [], []>, transpose_lhs_hint = false} : vector<1000x128xf32>, vector<128x128xf32>, vector<1000x128xf32> -> vector<1000x128xf32>
    %add3A_39 = arith.addf %add3A_33, %dot_general3A_38 : vector<1000x128xf32>
    %ne3A = arith.cmpf one, %add3A_39, %add3A_39 : vector<1000x128xf32>
    %jit3A = arith.constant 0.000000e+00 : f32
    %broadcast_in_dim3A = vector.broadcast %jit3A : f32 to vector<1000x128xf32>
    %select_n3A = arith.select %ne3A, %broadcast_in_dim3A, %add3A_39 : vector<1000x128xi1>, vector<1000x128xf32>
    %eq3A = arith.constant 0x7F800000 : f32
    %eq3A_40 = vector.broadcast %eq3A : f32 to vector<1000x128xf32>
    %eq3A_41 = arith.cmpf oeq, %select_n3A, %eq3A_40 : vector<1000x128xf32>
    %jit3A_42 = arith.constant 1.000000e+04 : f32
    %broadcast_in_dim3A_43 = vector.broadcast %jit3A_42 : f32 to vector<1000x128xf32>
    %select_n3A_44 = arith.select %eq3A_41, %broadcast_in_dim3A_43, %select_n3A : vector<1000x128xi1>, vector<1000x128xf32>
    %eq3A_45 = arith.constant 0xFF800000 : f32
    %eq3A_46 = vector.broadcast %eq3A_45 : f32 to vector<1000x128xf32>
    %eq3A_47 = arith.cmpf oeq, %select_n3A_44, %eq3A_46 : vector<1000x128xf32>
    %jit3A_48 = arith.constant -1.000000e+04 : f32
    %broadcast_in_dim3A_49 = vector.broadcast %jit3A_48 : f32 to vector<1000x128xf32>
    %select_n3A_50 = arith.select %eq3A_47, %broadcast_in_dim3A_49, %select_n3A_44 : vector<1000x128xi1>, vector<1000x128xf32>
    %swap3A = arith.constant 0 : index
    %swap3A_51 = arith.constant 0 : index
    %swap3A_52 = vector.load %arg9[%swap3A, %swap3A_51] : memref<1000x128xf32, #tpu.memory_space<vmem>>, vector<1000x128xf32>
    tpu.vector_store %arg9[%swap3A, %swap3A_51], %select_n3A_50 {strides = array<i32>} : memref<1000x128xf32, #tpu.memory_space<vmem>>, vector<1000x128xf32>,
    return
  }
  func.func @transform_0(%arg0: i32) -> (i32, i32, i32) {
    %c0_i32 = arith.constant 0 : i32
    %c0_i32_0 = arith.constant 0 : i32
    %c0_i32_1 = arith.constant 0 : i32
    return %c0_i32, %arg0, %c0_i32_0 : i32, i32, i32
  }
  func.func @transform_1(%arg0: i32) -> (i32, i32, i32) {
    %c1_i32 = arith.constant 1 : i32
    %c0_i32 = arith.constant 0 : i32
    %c0_i32_0 = arith.constant 0 : i32
    return %c1_i32, %arg0, %c0_i32 : i32, i32, i32
  }
  func.func @transform_2(%arg0: i32) -> (i32, i32) {
    %c0_i32 = arith.constant 0 : i32
    %c0_i32_0 = arith.constant 0 : i32
    return %arg0, %c0_i32 : i32, i32
  }
  func.func @transform_3(%arg0: i32) -> (i32, i32, i32) {
    %c0_i32 = arith.constant 0 : i32
    %c0_i32_0 = arith.constant 0 : i32
    %c0_i32_1 = arith.constant 0 : i32
    return %c0_i32, %arg0, %c0_i32_0 : i32, i32, i32
  }
  func.func @transform_4(%arg0: i32) -> (i32, i32, i32) {
    %c1_i32 = arith.constant 1 : i32
    %c0_i32 = arith.constant 0 : i32
    %c0_i32_0 = arith.constant 0 : i32
    return %c1_i32, %arg0, %c0_i32 : i32, i32, i32
  }
  func.func @transform_5(%arg0: i32) -> (i32, i32) {
    %c0_i32 = arith.constant 0 : i32
    %c0_i32_0 = arith.constant 0 : i32
    %c0_i32_1 = arith.constant 0 : i32
    return %c0_i32, %c0_i32_0 : i32, i32
  }
  func.func @transform_6(%arg0: i32) -> (i32, i32) {
    %c0_i32 = arith.constant 0 : i32
    %c0_i32_0 = arith.constant 0 : i32
    %c0_i32_1 = arith.constant 0 : i32
    return %c0_i32, %c0_i32_0 : i32, i32
  }
  func.func @transform_7(%arg0: i32) -> (i32, i32) {
    %c0_i32 = arith.constant 0 : i32
    %c0_i32_0 = arith.constant 0 : i32
    %c0_i32_1 = arith.constant 0 : i32
    return %c0_i32, %c0_i32_0 : i32, i32
  }
  func.func @transform_8(%arg0: i32) -> (i32, i32) {
    %c0_i32 = arith.constant 0 : i32
    %c0_i32_0 = arith.constant 0 : i32
    return %arg0, %c0_i32 : i32, i32
  }
}

</mosaic_0001>

<sc_bundles>
// kernel: kernel.6.cloned.1.call-start
scs
__scs_entry_jumppad:
0x0: {  	(pc) =	sbr.rel $0x88, $3  }
0x1: {  	(tag) =	ssettag $0x0;
	lr =	simm.s32 $0x1  }
0x2: {  	[smem:$0x3F99] =	sst lr;
	_ =	strace $0xD0000000  }
0x3: {  	_ = 	snop  }
0x4: {  	_ = 	snop  }
0x5: {  	_ = 	snop  }
0x6: {  	_ = 	snop  }
0x7: {  	_ = 	snop  }
__scs_overlays_trampoline_lowered:
0x8: {  	[smem:$0x3FA8] =	sst s0  }
0x9: {  	[smem:$0x3FA9] =	sst s1  }
0xa: {  	[smem:$0x3FAA] =	sst s2  }
0xb: {  	[smem:$0x3FAB] =	sst s3  }
0xc: {  	[smem:$0x3FAC] =	sst s4  }
0xd: {  	[smem:$0x3FAD] =	sst s5  }
0xe: {  	[smem:$0x3FAE] =	sst s6  }
0xf: {  	[smem:$0x3FAF] =	sst s7  }
0x10: {  	[smem:$0x3FB0] =	sst s8  }
0x11: {  	[smem:$0x3FB1] =	sst s9;
	s0 =	simm.s32 @!p0 $0x0  }
0x12: {  	s1 =	sld [smem:$0x3F97];
	s0 =	simm.s32 @p0 $0x1  }
0x13: {  	[smem:$0x3FB2] =	sst s0;
	s0 =	simm.s32 @!p1 $0x0  }
0x14: {  	s2 =	sld [smem:$0x3F96];
	s0 =	simm.s32 @p1 $0x1  }
0x15: {  	[smem:$0x3FB3] =	sst s0;
	s0 =	simm.s32 @!p2 $0x0  }
0x16: {  	s3 =	sld [smem:$0x3FDB];
	s0 =	simm.s32 @p2 $0x1  }
0x17: {  	s4 =	simm.s32 $0x1BF5;
	[smem:$0x3FB5] =	sst s0  }
0x18: {  	s0 =	sld [smem:$0x3F98];
	_ =	swait.ge [sflag:s4], $0x0  }
0x19: {  	s7 =	sld [smem:$0x3F99]  }
0x1a: {  	s8 =	sadd.s32 $0xFFFFE003, lr  }
0x1b: {  	s9 =	sadd.s32 $0xFFFFFEF7, lr;
	s5 =	simm.s32 $0xFFFFFFFF;
	p2 =	slt.u32 s8, $0xFFFFF086  }
0x1c: {  	p1 =	slt.u32 s9, $0xF7A;
	s5 =	simm.s32 @!p2 $0x0  }
0x1d: {  	s5 =	simm.s32 @p1 $0x1;
	p0 =	seq.s32 s7, s2  }
0x1e: {  	s7 =	smul.u32 @!p0 $0xF7A, s2;
	p2 =	seq.s32 @!p0 s5, $0x0  }
0x1f: {  	s9 =	smul.u32 $0xF7A, s1;
	s8 =	simm.s32 @!p0 $0x1BF5;
	p2 =	por !p2, p0  }
0x20: {  	[sflag:s8] =	ssyncset.s32 @!p0 $0xFFFFF086;
	s6 =	sadd.s32 @!p0 s3, s7;
	s7 =	simm.s32 @!p0 $0x108  }
0x21: {  	s3 =	sadd.s32 s3, s9;
	s6 =	sadd.s32 @!p0 $0x88, s6;
	s7 =	simm.s32 @p2 $0x1082  }
0x22: {  	[simem:s7], [sflag:s8] =	dma.local @!p0 [hbm:s6], $0xF7A  }
0x23: {  	s9 =	sor.u32 $0xD0000000, s2;
	s6 =	simm.s32 $0x108;
	_ =	swait.ge @!p0 [sflag:s8], $0x0  }
0x24: {  	s3 =	sadd.s32 $0x88, s3;
	s6 =	simm.s32 @!p1 $0x1082;
	[sflag:s4] =	ssyncset.s32 $0xFFFFF086  }
0x25: {  	[simem:s6], [sflag:s4] =	dma.local [hbm:s3], $0xF7A  }
0x26: {  	[smem:$0x3F99] =	sst s1;
	(tag) =	ssettag s2;
	_ =	strace s9  }
0x27: {  	s1 =	sld [smem:$0x3FA9]  }
0x28: {  	s2 =	sld [smem:$0x3FAA]  }
0x29: {  	s4 =	sld [smem:$0x3FAC]  }
0x2a: {  	p0 =	seq.s32 s5, $0x0;
	s5 =	sld [smem:$0x3FAD]  }
0x2b: {  	s6 =	sld [smem:$0x3FAE]  }
0x2c: {  	s7 =	sld [smem:$0x3FAF]  }
0x2d: {  	s3 =	simm.s32 $0x108;
	s8 =	sld [smem:$0x3FB0]  }
0x2e: {  	s3 =	simm.s32 @!p0 $0x1082;
	s9 =	sld [smem:$0x3FB1]  }
0x2f: {  	lr =	sadd.s32 s0, s3;
	s0 =	sld [smem:$0x3FA8]  }
0x30: {  	s3 =	sld [smem:$0x3FAB]  }
0x31: {  	[smem:$0x3FB4] =	sst s10  }
0x32: {  	s10 =	sld [smem:$0x3FB2];
	_ =	sdelay $0x3  }
0x33: {  	p0 =	seq.s32 s10, $0x1;
	s10 =	sld [smem:$0x3FB4];
	_ =	sdelay $0x3  }
0x34: {  	[smem:$0x3FB4] =	sst s10  }
0x35: {  	s10 =	sld [smem:$0x3FB3];
	_ =	sdelay $0x3  }
0x36: {  	p1 =	seq.s32 s10, $0x1;
	s10 =	sld [smem:$0x3FB4];
	_ =	sdelay $0x3  }
0x37: {  	[smem:$0x3FB4] =	sst s10  }
0x38: {  	s10 =	sld [smem:$0x3FB5]  }
0x39: {  	_ = 	snop;
	(pc) =	sbr.ind lr, $3  }
0x3a: {  	_ = 	snop  }
0x3b: {  	_ = 	snop  }
0x3c: {  	p2 =	seq.s32 s10, $0x1;
	s10 =	sld [smem:$0x3FB4]  }
0x3d: {  	_ =	shalt  }
0x3e: {  	_ =	shalt  }
0x3f: {  	_ =	shalt  }
0x40: {  	_ =	shalt  }
0x41: {  	_ =	shalt  }
0x42: {  	_ =	shalt  }
0x43: {  	_ =	shalt  }
0x44: {  	_ =	shalt  }
0x45: {  	_ =	shalt  }
0x46: {  	_ =	shalt  }
0x47: {  	_ =	shalt  }
0x48: {  	_ =	shalt  }
0x49: {  	_ =	shalt  }
0x4a: {  	_ =	shalt  }
0x4b: {  	_ =	shalt  }
0x4c: {  	_ =	shalt  }
0x4d: {  	_ =	shalt  }
0x4e: {  	_ =	shalt  }
0x4f: {  	_ =	shalt  }
0x50: {  	_ =	shalt  }
0x51: {  	_ =	shalt  }
0x52: {  	_ =	shalt  }
0x53: {  	_ =	shalt  }
0x54: {  	_ =	shalt  }
0x55: {  	_ =	shalt  }
0x56: {  	_ =	shalt  }
0x57: {  	_ =	shalt  }
0x58: {  	_ =	shalt  }
0x59: {  	_ =	shalt  }
0x5a: {  	_ =	shalt  }
0x5b: {  	_ =	shalt  }
0x5c: {  	_ =	shalt  }
0x5d: {  	_ =	shalt  }
0x5e: {  	_ =	shalt  }
0x5f: {  	_ =	shalt  }
0x60: {  	_ =	shalt  }
0x61: {  	_ =	shalt  }
0x62: {  	_ =	shalt  }
0x63: {  	_ =	shalt  }
0x64: {  	_ =	shalt  }
0x65: {  	_ =	shalt  }
0x66: {  	_ =	shalt  }
0x67: {  	_ =	shalt  }
0x68: {  	_ =	shalt  }
0x69: {  	_ =	shalt  }
0x6a: {  	_ =	shalt  }
0x6b: {  	_ =	shalt  }
0x6c: {  	_ =	shalt  }
0x6d: {  	_ =	shalt  }
0x6e: {  	_ =	shalt  }
0x6f: {  	_ =	shalt  }
0x70: {  	_ =	shalt  }
0x71: {  	_ =	shalt  }
0x72: {  	_ =	shalt  }
0x73: {  	_ =	shalt  }
0x74: {  	_ =	shalt  }
0x75: {  	_ =	shalt  }
0x76: {  	_ =	shalt  }
0x77: {  	_ =	shalt  }
0x78: {  	_ =	shalt  }
0x79: {  	_ =	shalt  }
0x7a: {  	_ =	shalt  }
0x7b: {  	_ =	shalt  }
0x7c: {  	_ =	shalt  }
0x7d: {  	_ =	shalt  }
0x7e: {  	_ =	shalt  }
0x7f: {  	_ =	shalt  }
0x80: {  	_ =	shalt  }
0x81: {  	_ =	shalt  }
0x82: {  	_ =	shalt  }
0x83: {  	_ =	shalt  }
0x84: {  	_ =	shalt  }
0x85: {  	_ =	shalt  }
0x86: {  	_ =	shalt  }
0x87: {  	_ =	shalt  }
.Lfunc_end0:
.L_simem_size_0:
called_computation_lowered:
.L_overlay_start_0:
0x88: {  	s2 =	sld [smem:$0x3FD9]  }
0x89: {  	s3 =	sld [smem:$0x3FFE];
	_ =	sdelay $0x1  }
0x8a: {  	s1 =	srdreg.scid  }
0x8b: {  	s0 =	sand.u32 $0x1, s1  }
0x8c: {  	s17 =	sshll.u32 s0, $0xA;
	s2 =	sadd.s32 s3, s2  }
0x8d: {  	s2 =	sadd.s32 s2, s17  }
0x8e: {  	[smem:$0x3FC0] =	sst s2  }
0x8f: {  	_ = 	snop  }
0x90: {  	s2 =	sld [smem:$0x3FD0];
	(tm) =	ssettm $0x1  }
0x91: {  	s18 =	sld [smem:$0x3FFB];
	_ =	sdelay $0x3  }
0x92: {  	_ =	strace s18  }
0x93: {  	s3 =	sld [smem:$0x3FFC];
	_ =	sdelay $0x3  }
0x94: {  	_ =	strace s3  }
0x95: {  	s3 =	sld [smem:$0x3FFD];
	_ =	sdelay $0x3  }
0x96: {  	_ =	strace s3  }
0x97: {  	_ =	strace $0x8FFFFFFF  }
0x98: {  	s19 =	sld [smem:$0x3FDB];
	_ =	sdelay $0x1  }
0x99: {  	s4 =	simm.s32 $_scs_section_size  }
0x9a: {  	s5 =	simm.s32 $_size__tile_overlayer_lowered;
	s6 =	simm.s32 $_tile_overlayer_lowered  }
0x9b: {  	s22 =	simm.s32 $0x1BFF;
	s21 =	sshll.u32 s6, $0x1;
	s3 =	sadd.s32 s4, s19  }
0x9c: {  	s7 =	simm.s32 $0x0;
	s20 =	sshll.u32 s5, $0x1;
	s5 =	sadd.s32 s21, s3  }
0x9d: {  	[timem:s7], [sflag:s22] =	dma.local [hbm:s5], s20  }
0x9e: {  	_ =	swait.ge [sflag:s22], s20  }
0x9f: {  	s4 =	ssub.s32 $0x0, s20;
	[sflag:s22] =	ssyncset.done $0x0  }
0xa0: {  	[sflag:s22] =	ssyncadd.s32 s4;
	_ =	sdelay $0x1  }
0xa1: {  	s23 =	simm.s32 $0x1B8B  }
0xa2: {  	_ =	swait.ge [sflag:s23], $0x1  }
0xa3: {  	[sflag:s23] =	ssyncset.done $0x0  }
0xa4: {  	s25 =	simm.s32 $0x1B8E;
	s24 =	sld [smem:$0x3FFE];
	[sflag:s23] =	ssyncadd.s32 $0xFFFFFFFF  }
0xa5: {  	s26 =	simm.s32 $execute0_lowered;
	[smem:$0x3FD2] =	sst s25  }
0xa6: {  	s5 =	sshll.u32 s26, $0x1;
	_ =	strace $0x80000046;
	[dreg:$0x1] =	wrdreg $0xFFFFFFFF  }
0xa7: {  	s28 =	simm.s32 $_size_execute0_lowered;
	s3 =	sadd.s32 s3, s5;
	[dreg:$0x0] =	wrdreg $0x0  }
0xa8: {  	s5 =	sshll.u32 s28, $0x1;
	[dreg:$0x2] =	wrdreg s3  }
0xa9: {  	[dreg:$0x3] =	wrdreg s5  }
0xaa: {  	[dreg:$0x4] =	wrdreg $0xC0  }
0xab: {  	_ =	task [dreg:s7], $0x5FFFF  }
0xac: {  	[dreg:$0x1] =	wrdreg $0xFFFFFFFF  }
0xad: {  	[dreg:$0x0] =	wrdreg $0x60  }
0xae: {  	[dreg:$0x2] =	wrdreg s24  }
0xaf: {  	[dreg:$0x3] =	wrdreg s2  }
0xb0: {  	[dreg:$0x4] =	wrdreg $0xAA800  }
0xb1: {  	[dreg:$0x5] =	wrdreg $0x14A800  }
0xb2: {  	[dreg:$0x6] =	wrdreg $0x1EA800  }
0xb3: {  	[dreg:$0x7] =	wrdreg $0x9  }
0xb4: {  	_ =	task.clear_ibuf [dreg:s7], $0x8FFFF;
	_ =	strace $0x90000046  }
0xb5: {  	s29 =	simm.s32 $0x9;
	_ =	strace $0x80000048  }
0xb6: {  	_ =	swait.ge [sflag:s29], $0x1  }
0xb7: {  	[sflag:s29] =	ssyncadd.s32 $0xFFFFFFFF  }
0xb8: {  	_ =	strace $0x90000048  }
0xb9: {  	_ =	sfence  }
0xba: {  	s30 =	sld [smem:$0x0];
	_ =	sdelay $0x2  }
0xbb: {  	s31 =	sshll.u32 s1, $0xD;
	s1 =	sshrl.u32 s1, $0x2  }
0xbc: {  	s3 =	sand.u32 $0x4000, s31;
	s1 =	sadd.s32 s1, s30  }
0xbd: {  	s0 =	sor.u32 s3, s0;
	s1 =	sshll.u32 s1, $0x11  }
0xbe: {  	s0 =	sor.u32 s1, s0  }
0xbf: {  	s0 =	sadd.s32 $0x8F2B, s0  }
0xc0: {  	[sflag:s0] =	ssyncadd.remote.s32 $0x1  }
0xc1: {  	_ =	sfence.sel $0xFFFF  }
0xc2: {  	[dreg:$0x0] =	wrdreg $0xFFFFFFFF;
	(pc) =	sbr.abs _section_cstart, $3  }
0xc3: {  	[dreg:$0x1] =	wrdreg $0xFFFFFFFF  }
0xc4: {  	_ =	task.clear_ibuf [dreg:s7], $0x2FFFF;
	_ =	strace $0x9FFFFFFF  }
0xc5: {  	(tm) =	ssettm $0x7FFFFFFF  }
tec
execute0_lowered:
.L_overlay_start_1:
0x0: {  	(tag) =	ssettag $0x1  }
0x1: {  	s0 =	rddreg [dreg:$0x0]  }
0x2: {  	s1 =	rddreg [dreg:$0x1]  }
0x3: {  	s18 =	rddreg [dreg:$0x2]  }
0x4: {  	s3 =	rddreg [dreg:$0x3]  }
0x5: {  	s2 =	rddreg [dreg:$0x4];
	s16 =	stileid.u32  }
0x6: {  	s7 =	simm.s32 $0x0;
	s6 =	srdreg.scid;
	s29 =	simm.s32 $0x80  }
0x7: {  	s30 =	simm.s32 $0xA80;
	s31 =	simm.s32 $0x6;
	s5 =	smul.u32 $0x280, s16  }
0x8: {  	[smem:$0x7FF] =	sst s7;
	s6 =	sand.u32 $0x1, s6;
	s24 =	smul.u32 $0xA000, s16  }
0x9: {  	s8 =	sadd.s32 $0x83E00, s0;
	s10 =	sadd.s32 $0x79E00, s0;
	s15 =	smul.u32 $0x5000, s16  }
0xa: {  	s13 =	sadd.s32 $0x8E400, s0;
	s4 =	sshll.u32 s16, $0x6;
	s23 =	smul.u32 $0xA00, s16  }
0xb: {  	s16 =	simm.s32 $0x6A80;
	_ =	strace $0x80000047;
	s9 =	smul.u32 $0xA0000, s6  }
0xc: {  	s12 =	smul.u32 $0x2800, s6;
	[dreg:$0x6] =	wrdreg s13;
	s25 =	ssub.s32 $0x2, s6  }
0xd: {  	p0 =	seq.s32 s6, $0x1;
	p1 =	seq.s32 s6, $0x0;
	s11 =	sshrl.u32 s5, $0x3  }
0xe: {  	s14 =	sshrl.u32 s25, $0x1;
	s13 =	sadd.s32 s24, s18;
	s17 =	sadd.s32 s24, s3  }
0xf: {  	s7 =	sshrl.u32 s24, $0x3;
	s11 =	sadd.s32 s11, s0;
	s9 =	sadd.s32 s24, s9  }
0x10: {  	s12 =	sadd.s32 s5, s12;
	s26 =	ssub.s32 s25, s14;
	s14 =	sor.u32 $0x1C0E, s4  }
0x11: {  	[dreg:$0x9] =	wrdreg s17;
	s1 =	sadd.s32 s1, s7;
	s7 =	sadd.s32 s5, s2  }
0x12: {  	s17 =	sshrl.u32 s15, $0x3;
	s15 =	simm.s32 $0x4A80;
	s4 =	simm.s32 $0x8  }
0x13: {  	s9 =	sshrl.u32 s9, $0x3;
	s12 =	sshrl.u32 s12, $0x3;
	[dreg:$0xa] =	wrdreg s1  }
0x14: {  	[dreg:$0xb] =	wrdreg s7;
	s19 =	sadd.s32 $0x8DE00, s11;
	s20 =	sadd.s32 s8, s17  }
0x15: {  	s21 =	sor.u32 $0x50, s17;
	s1 =	sadd.s32 s10, s17;
	[dreg:$0x8] =	wrdreg s14  }
0x16: {  	s25 =	smax.u32 s26, $0x1;
	s26 =	sadd.s32 s23, s8;
	[dreg:$0xc] =	wrdreg s19  }
0x17: {  	s7 =	simm.s32 $0x780;
	s11 =	simm.s32 $0x2A80;
	[dreg:$0xd] =	wrdreg s20  }
0x18: {  	s9 =	sadd.s32 s9, s0;
	s0 =	sadd.s32 s12, s0;
	[dreg:$0xe] =	wrdreg s1  }
0x19: {  	s22 =	sadd.s32 s8, s21;
	s5 =	sadd.s32 s10, s21;
	[dreg:$0x13] =	wrdreg s25  }
0x1a: {  	[dreg:$0x15] =	wrdreg s26;
	s12 =	simm.s32 $0x8A80;
	s1 =	simm.s32 $0x0  }
0x1b: {  	s19 =	simm.s32 $0x1;
	s21 =	simm.s32 $0x7;
	[dreg:$0xf] =	wrdreg s22  }
.Ltmp0:
0x1c: {  	s28 =	sadd.s32 $0x51E00, s9;
	[dreg:$0x10] =	wrdreg s5;
	(pc) =	sbr.rel .LBB2_1-.Ltmp0, $4  }
0x1d: {  	s24 =	sadd.s32 $0x8F000, s9;
	s0 =	sadd.s32 $0x8E600, s0;
	[dreg:$0x7] =	wrdreg s28  }
0x1e: {  	s9 =	sadd.s32 s23, s10;
	s5 =	simm.s32 $0xE;
	[dreg:$0x11] =	wrdreg s24  }
0x1f: {  	s10 =	simm.s32 $0x280;
	[dreg:$0x12] =	wrdreg s0;
	s28 =	sshrl.u32 s13, $0x3  }
0x20: {  	s22 =	simm.s32 $0x3;
	s13 =	simm.s32 $0xA;
	[dreg:$0x14] =	wrdreg s28  }
.LBB2_4:
0x21: {  	[bflag:$0x0] =	sbarrier.arrive $0xFFFF  }
0x22: {  	s14 =	rddreg [dreg:$0x8]  }
0x23: {  	s0 =	rddreg [dreg:$0x11]  }
0x24: {  	s5 =	simm.s32 $0xE;
	s1 =	rddreg [dreg:$0x17]  }
0x25: {  	[hbm:s0], [sflag:s14] =	dma.local [spmem:s1], $0x1400  }
0x26: {  	_ =	swait.ge [sflag:s5], $0x1400  }
0x27: {  	[sflag:s5] =	ssyncset.done $0x0;
	s24 =	rddreg [dreg:$0x12]  }
0x28: {  	s25 =	rddreg [dreg:$0x18];
	[sflag:s5] =	ssyncadd.s32 $0xFFFFEC00  }
0x29: {  	[hbm:s24], [sflag:s14] =	dma.local [spmem:s25], $0x50  }
0x2a: {  	_ =	swait.ge [sflag:s5], $0x50  }
0x2b: {  	s26 =	rddreg [dreg:$0x16]  }
0x2c: {  	s28 =	rddreg [dreg:$0x13];
	s1 =	sadd.s32 $0x1, s26  }
0x2d: {  	p2 =	sne.s32 s1, s28  }
.Ltmp1:
0x2e: {  	_ = 	snop;
	(pc) =	sbr.rel @!p2 .LBB2_5-.Ltmp1, $3  }
0x2f: {  	_ =	sdelay $0x1  }
0x30: {  	s9 =	smov.u32 s11;
	s10 =	simm.s32 $0x280;
	[sflag:s5] =	ssyncset.done $0x0  }
0x31: {  	s11 =	simm.s32 $0x2A80;
	s16 =	simm.s32 $0x6A80;
	[sflag:s5] =	ssyncadd.s32 $0xFFFFFFB0  }
.LBB2_1:
0x32: {  	[dreg:$0x16] =	wrdreg s1  }
0x33: {  	s0 =	rddreg [dreg:$0x7]  }
0x34: {  	s17 =	rddreg [dreg:$0x14]  }
0x35: {  	[spmem:s17], [sflag:s14] =	dma.local [hbm:s0], $0x1400  }
0x36: {  	_ =	swait.ge [sflag:s5], $0x1400  }
0x37: {  	s20 =	rddreg [dreg:$0x9]  }
0x38: {  	[sflag:s5] =	ssyncset.done $0x0;
	s24 =	rddreg [dreg:$0xa];
	s23 =	sshrl.u32 s20, $0x3  }
0x39: {  	[sflag:s5] =	ssyncadd.s32 $0xFFFFEC00;
	[dreg:$0x17] =	wrdreg s23  }
0x3a: {  	[spmem:s23], [sflag:s14] =	dma.local [hbm:s24], $0x1400  }
0x3b: {  	_ =	swait.ge [sflag:s5], $0x1400  }
0x3c: {  	s25 =	rddreg [dreg:$0xb]  }
0x3d: {  	[sflag:s5] =	ssyncset.done $0x0;
	s28 =	rddreg [dreg:$0xc];
	s26 =	sshrl.u32 s25, $0x3  }
0x3e: {  	[sflag:s5] =	ssyncadd.s32 $0xFFFFEC00;
	[dreg:$0x18] =	wrdreg s26  }
0x3f: {  	[spmem:s26], [sflag:s14] =	dma.local [hbm:s28], $0x50  }
0x40: {  	_ =	swait.ge [sflag:s5], $0x50  }
0x41: {  	s2 =	simm.s32 $0x0;
	[sflag:s5] =	ssyncset.done $0x0  }
0x42: {  	s6 =	simm.s32 $0xA00;
	s8 =	rddreg [dreg:$0x6];
	[sflag:s5] =	ssyncadd.s32 $0xFFFFFFB0  }
0x43: {  	[tilespmem:s6], [sflag:$0xE] =	stream.linear.gather [hbm4b:s8+s2], $0x80, $0x38;
	[tilespmem:$0x1ED00] =	vst v63  }
0x44: {  	_ =	swait.ge [sflag:s5], $0x80  }
0x45: {  	[sflag:s5] =	ssyncset.done $0x0  }
0x46: {  	s14 =	rddreg [dreg:$0xd];
	[sflag:s5] =	ssyncadd.s32 $0xFFFFFF80  }
0x47: {  	[tilespmem:s2], [sflag:$0xE] =	stream.linear.gather [hbm4b:s14+s2], $0x280, $0x38;
	[tilespmem:$0x1ED00] =	vst v63  }
0x48: {  	_ =	swait.ge [sflag:s5], $0x280  }
0x49: {  	[sflag:s5] =	ssyncset.done $0x0  }
0x4a: {  	s20 =	simm.s32 $0x500;
	s17 =	rddreg [dreg:$0xe];
	[sflag:s5] =	ssyncadd.s32 $0xFFFFFD80  }
0x4b: {  	[tilespmem:s20], [sflag:$0xE] =	stream.linear.gather [hbm4b:s17+s2], $0x280, $0x38;
	[tilespmem:$0x1ED00] =	vst v63  }
0x4c: {  	_ =	swait.ge [sflag:s5], $0x280  }
0x4d: {  	[sflag:s5] =	ssyncset.done $0x0  }
0x4e: {  	s23 =	rddreg [dreg:$0xf];
	[sflag:s5] =	ssyncadd.s32 $0xFFFFFD80  }
0x4f: {  	[tilespmem:s10], [sflag:$0xD] =	stream.linear.gather [hbm4b:s23+s2], $0x280, $0x38;
	[tilespmem:$0x1ED00] =	vst v63  }
0x50: {  	s24 =	rddreg [dreg:$0x10]  }
0x51: {  	[tilespmem:s7], [sflag:$0xD] =	stream.linear.gather [hbm4b:s24+s2], $0x280, $0x38;
	[tilespmem:$0x1ED00] =	vst v63  }
0x52: {  	[bflag:$0x0] =	sbarrier.arrive $0xFFFF  }
0x53: {  	[tilespmem:s30], [sflag:$0x1] =	stream.indirect.gather [spmem:s18], $0x40, s2, s29, $0xb8;
	[tilespmem:$0x1ED00] =	vst v63  }
0x54: {  	_ = 	snop  }
0x55: {  	[tilespmem:s11], [sflag:$0x2] =	stream.indirect.gather [spmem:s18], $0x40, s29, s29, $0xb8;
	[tilespmem:$0x1ED00] =	vst v63  }
0x56: {  	s25 =	simm.s32 $0x100  }
0x57: {  	[tilespmem:s15], [sflag:$0x3] =	stream.indirect.gather [spmem:s18], $0x40, s25, s29, $0xb8;
	[tilespmem:$0x1ED00] =	vst v63  }
0x58: {  	s26 =	simm.s32 $0x180  }
0x59: {  	[tilespmem:s16], [sflag:$0x4] =	stream.indirect.gather [spmem:s18], $0x40, s26, s29, $0xb8;
	[tilespmem:$0x1ED00] =	vst v63  }
0x5a: {  	s28 =	simm.s32 $0x200;
	s8 =	simm.s32 $0x0  }
0x5b: {  	[tilespmem:s12], [sflag:$0x5] =	stream.indirect.gather [spmem:s18], $0x40, s28, s29, $0xb8;
	[tilespmem:$0x1ED00] =	vst v63  }
0x5c: {  	s14 =	simm.s32 $0x0;
	s17 =	simm.s32 $0x4A80;
	s12 =	simm.s32 $0x8A80  }
.LBB2_2:
0x5d: {  	p2 =	slt.u32 s8, $0x8;
	p3 =	sgt.u32 s8, $0x7  }
0x5e: {  	_ =	swait.ge [sflag:s19], $0x2000;
	p2 =	por !p1, !p2;
	p3 =	por !p3, !p0  }
0x5f: {  	[sflag:s19] =	ssyncset.done $0x0;
	p2 =	por !p2, !p2;
	p3 =	por !p3, !p3  }
0x60: {  	s0 =	simm.s32 $0x500;
	[sflag:s19] =	ssyncadd.s32 $0xFFFFE000;
	p2 =	por p2, p3  }
0x61: {  	[spmem:s3] =	stream.indirect.scatter.add.f32 [tilespmem:s30], [sflag:$0x6], $0x40, s0, s29, $0xb8;
	[tilespmem:$0x1ED00] =	vst v63  }
0x62: {  	s25 =	simm.s32 @!p2 $0x2  }
0x63: {  	s24 =	simm.s32 @!p2 $0x80;
	_ =	swait.ge @!p2 [sflag:s25], $0x2000  }
0x64: {  	s0 =	simm.s32 @!p2 $0x580;
	s1 =	simm.s32 @!p2 $0x2A80;
	[sflag:s25] =	ssyncset.done @!p2 $0x0  }
0x65: {  	s23 =	simm.s32 @p2 $0x80;
	s5 =	simm.s32 @p2 $0x500;
	[sflag:s25] =	ssyncadd.s32 @!p2 $0xFFFFE000  }
0x66: {  	[spmem:s3] =	stream.indirect.scatter.add.f32 @!p2 [tilespmem:s1], [sflag:$0x7], $0x40, s0, s24, $0xb8;
	[tilespmem:$0x1ED00] =	vst v63  }
0x67: {  	s26 =	simm.s32 @p2 $0x2;
	s0 =	simm.s32 @p2 $0xA00;
	s15 =	rddreg [dreg:$0x4]  }
0x68: {  	[spmem:s15] =	stream.indirect.scatter.add.f32 @p2 [tilespmem:s0], [sflag:$0xB], $0x1, s5, s23, $0xb8;
	[tilespmem:$0x1ED00] =	vst v63  }
0x69: {  	_ =	swait.ge @p2 [sflag:s26], $0x2000  }
0x6a: {  	[sflag:s26] =	ssyncset.done @p2 $0x0  }
0x6b: {  	s1 =	simm.s32 @p2 $0x2A80;
	s5 =	simm.s32 @p2 $0x580;
	[sflag:s26] =	ssyncadd.s32 @p2 $0xFFFFE000  }
0x6c: {  	[spmem:s3] =	stream.indirect.scatter.add.f32 @p2 [tilespmem:s1], [sflag:$0x7], $0x40, s5, s23, $0xb8;
	[tilespmem:$0x1ED00] =	vst v63  }
0x6d: {  	_ = 	snop  }
0x6e: {  	[spmem:s15] =	stream.indirect.scatter.add.f32 @p2 [tilespmem:s0], [sflag:$0xB], $0x1, s5, s23, $0xb8;
	[tilespmem:$0x1ED00] =	vst v63  }
0x6f: {  	_ =	swait.ge [sflag:s22], $0x2000  }
0x70: {  	[sflag:s22] =	ssyncset.done $0x0  }
0x71: {  	s7 =	simm.s32 $0x600;
	s28 =	simm.s32 @!p2 $0x4;
	[sflag:s22] =	ssyncadd.s32 $0xFFFFE000  }
0x72: {  	[spmem:s3] =	stream.indirect.scatter.add.f32 [tilespmem:s17], [sflag:$0x8], $0x40, s7, s29, $0xb8;
	[tilespmem:$0x1ED00] =	vst v63  }
0x73: {  	_ =	swait.ge @!p2 [sflag:s28], $0x2000  }
0x74: {  	[sflag:s28] =	ssyncset.done @!p2 $0x0  }
0x75: {  	s6 =	simm.s32 @!p2 $0x680;
	s1 =	simm.s32 @!p2 $0x6A80;
	[sflag:s28] =	ssyncadd.s32 @!p2 $0xFFFFE000  }
0x76: {  	[spmem:s3] =	stream.indirect.scatter.add.f32 @!p2 [tilespmem:s1], [sflag:$0x9], $0x40, s6, s24, $0xb8;
	[tilespmem:$0x1ED00] =	vst v63  }
0x77: {  	s6 =	simm.s32 @p2 $0x600  }
0x78: {  	[spmem:s15] =	stream.indirect.scatter.add.f32 @p2 [tilespmem:s0], [sflag:$0xB], $0x1, s6, s23, $0xb8;
	[tilespmem:$0x1ED00] =	vst v63  }
0x79: {  	s6 =	simm.s32 @p2 $0x4  }
0x7a: {  	_ =	swait.ge @p2 [sflag:s6], $0x2000  }
0x7b: {  	[sflag:s6] =	ssyncset.done @p2 $0x0  }
0x7c: {  	s20 =	simm.s32 @p2 $0x680;
	s1 =	simm.s32 @p2 $0x6A80;
	[sflag:s6] =	ssyncadd.s32 @p2 $0xFFFFE000  }
0x7d: {  	[spmem:s3] =	stream.indirect.scatter.add.f32 @p2 [tilespmem:s1], [sflag:$0x9], $0x40, s20, s23, $0xb8;
	[tilespmem:$0x1ED00] =	vst v63  }
0x7e: {  	s2 =	simm.s32 $0x5  }
0x7f: {  	[spmem:s15] =	stream.indirect.scatter.add.f32 @p2 [tilespmem:s0], [sflag:$0xB], $0x1, s20, s23, $0xb8;
	[tilespmem:$0x1ED00] =	vst v63  }
0x80: {  	_ =	swait.ge [sflag:s2], $0x2000  }
0x81: {  	[sflag:s2] =	ssyncset.done $0x0  }
0x82: {  	s20 =	simm.s32 $0x700;
	[sflag:s2] =	ssyncadd.s32 $0xFFFFE000  }
0x83: {  	[spmem:s3] =	stream.indirect.scatter.add.f32 [tilespmem:s12], [sflag:$0xA], $0x40, s20, s29, $0xb8;
	[tilespmem:$0x1ED00] =	vst v63  }
0x84: {  	s20 =	simm.s32 @p2 $0x700  }
0x85: {  	[spmem:s15] =	stream.indirect.scatter.add.f32 @p2 [tilespmem:s0], [sflag:$0xB], $0x1, s20, s23, $0xb8;
	[tilespmem:$0x1ED00] =	vst v63  }
0x86: {  	_ =	swait.ge [sflag:s31], $0x2000  }
0x87: {  	[sflag:s31] =	ssyncset.done $0x0  }
0x88: {  	[sflag:s31] =	ssyncadd.s32 $0xFFFFE000  }
0x89: {  	_ =	swait.ge [sflag:s21], $0x2000  }
0x8a: {  	[sflag:s21] =	ssyncset.done $0x0  }
0x8b: {  	[sflag:s21] =	ssyncadd.s32 $0xFFFFE000  }
0x8c: {  	_ =	swait.ge [sflag:s4], $0x2000  }
0x8d: {  	[sflag:s4] =	ssyncset.done $0x0  }
0x8e: {  	s7 =	simm.s32 $0x9;
	[sflag:s4] =	ssyncadd.s32 $0xFFFFE000  }
0x8f: {  	_ =	swait.ge [sflag:s7], $0x2000  }
0x90: {  	[sflag:s7] =	ssyncset.done $0x0  }
0x91: {  	[sflag:s7] =	ssyncadd.s32 $0xFFFFE000  }
0x92: {  	_ =	swait.ge [sflag:s13], $0x2000  }
0x93: {  	[sflag:s13] =	ssyncset.done $0x0  }
0x94: {  	s20 =	simm.s32 @p2 $0xB;
	[sflag:s13] =	ssyncadd.s32 $0xFFFFE000  }
0x95: {  	_ =	swait.ge @p2 [sflag:s20], $0x280  }
0x96: {  	[sflag:s20] =	ssyncset.done @p2 $0x0  }
0x97: {  	s5 =	simm.s32 $0xD;
	[sflag:s20] =	ssyncadd.s32 @p2 $0xFFFFFD80  }
0x98: {  	_ =	swait.ge [sflag:s5], $0x280  }
0x99: {  	[sflag:s5] =	ssyncset.done $0x0  }
0x9a: {  	[sflag:s5] =	ssyncadd.s32 $0xFFFFFD80  }
0x9b: {  	_ =	swait.ge [sflag:s5], $0x280  }
0x9c: {  	[sflag:s5] =	ssyncset.done $0x0  }
0x9d: {  	[sflag:s5] =	ssyncadd.s32 $0xFFFFFD80  }
0x9e: {  	[tilespmem:s30], [sflag:$0x1] =	stream.indirect.gather [spmem:s18], $0x40, s10, s29, $0xb8;
	[tilespmem:$0x1ED00] =	vst v63  }
0x9f: {  	s5 =	simm.s32 $0x300  }
0xa0: {  	[tilespmem:s11], [sflag:$0x2] =	stream.indirect.gather [spmem:s18], $0x40, s5, s29, $0xb8;
	[tilespmem:$0x1ED00] =	vst v63  }
0xa1: {  	s10 =	simm.s32 $0x380  }
0xa2: {  	[tilespmem:s17], [sflag:$0x3] =	stream.indirect.gather [spmem:s18], $0x40, s10, s29, $0xb8;
	[tilespmem:$0x1ED00] =	vst v63  }
0xa3: {  	p3 =	seq.s32 s14, $0x960;
	s11 =	simm.s32 $0x400;
	s10 =	rddreg [dreg:$0x15]  }
0xa4: {  	[tilespmem:s16], [sflag:$0x4] =	stream.indirect.gather [spmem:s18], $0x40, s11, s29, $0xb8;
	[tilespmem:$0x1ED00] =	vst v63  }
0xa5: {  	s5 =	simm.s32 $0x480;
	s30 =	sadd.s32 @!p3 s14, s10  }
0xa6: {  	[tilespmem:s12], [sflag:$0x5] =	stream.indirect.gather [spmem:s18], $0x40, s5, s29, $0xb8;
	[tilespmem:$0x1ED00] =	vst v63  }
0xa7: {  	s1 =	simm.s32 @!p3 $0x0;
	s30 =	sadd.s32 @!p3 $0xA0, s30  }
0xa8: {  	[tilespmem:s1], [sflag:$0xC] =	stream.linear.gather @!p3 [hbm4b:s30+s1], $0x280, $0x38;
	[tilespmem:$0x1ED00] =	vst v63  }
0xa9: {  	s30 =	sadd.s32 @!p3 s14, s9  }
0xaa: {  	s11 =	smov.u32 s9;
	s9 =	simm.s32 @!p3 $0x500;
	s30 =	sadd.s32 @!p3 $0xA0, s30  }
0xab: {  	[tilespmem:s9], [sflag:$0xC] =	stream.linear.gather @!p3 [hbm4b:s30+s1], $0x280, $0x38;
	[tilespmem:$0x1ED00] =	vst v63  }
0xac: {  	_ =	swait.ge [sflag:s19], $0x2000  }
0xad: {  	[sflag:s19] =	ssyncset.done $0x0  }
0xae: {  	s30 =	simm.s32 $0xA80;
	s9 =	simm.s32 $0x780;
	[sflag:s19] =	ssyncadd.s32 $0xFFFFE000  }
0xaf: {  	[spmem:s3] =	stream.indirect.scatter.add.f32 [tilespmem:s30], [sflag:$0x6], $0x40, s9, s29, $0xb8;
	[tilespmem:$0x1ED00] =	vst v63  }
0xb0: {  	_ =	swait.ge @!p2 [sflag:s25], $0x2000  }
0xb1: {  	[sflag:s25] =	ssyncset.done @!p2 $0x0  }
0xb2: {  	s1 =	simm.s32 @!p2 $0x800;
	s9 =	simm.s32 @!p2 $0x2A80;
	[sflag:s25] =	ssyncadd.s32 @!p2 $0xFFFFE000  }
0xb3: {  	[spmem:s3] =	stream.indirect.scatter.add.f32 @!p2 [tilespmem:s9], [sflag:$0x7], $0x40, s1, s24, $0xb8;
	[tilespmem:$0x1ED00] =	vst v63  }
0xb4: {  	s1 =	simm.s32 @p2 $0x780  }
0xb5: {  	[spmem:s15] =	stream.indirect.scatter.add.f32 @p2 [tilespmem:s0], [sflag:$0xB], $0x1, s1, s23, $0xb8;
	[tilespmem:$0x1ED00] =	vst v63  }
0xb6: {  	_ =	swait.ge @p2 [sflag:s26], $0x2000  }
0xb7: {  	[sflag:s26] =	ssyncset.done @p2 $0x0  }
0xb8: {  	s9 =	simm.s32 @p2 $0x2A80;
	s1 =	simm.s32 @p2 $0x800;
	[sflag:s26] =	ssyncadd.s32 @p2 $0xFFFFE000  }
0xb9: {  	[spmem:s3] =	stream.indirect.scatter.add.f32 @p2 [tilespmem:s9], [sflag:$0x7], $0x40, s1, s23, $0xb8;
	[tilespmem:$0x1ED00] =	vst v63  }
0xba: {  	_ = 	snop  }
0xbb: {  	[spmem:s15] =	stream.indirect.scatter.add.f32 @p2 [tilespmem:s0], [sflag:$0xB], $0x1, s1, s23, $0xb8;
	[tilespmem:$0x1ED00] =	vst v63  }
0xbc: {  	_ =	swait.ge [sflag:s22], $0x2000  }
0xbd: {  	[sflag:s22] =	ssyncset.done $0x0  }
0xbe: {  	s26 =	simm.s32 $0x880;
	[sflag:s22] =	ssyncadd.s32 $0xFFFFE000  }
0xbf: {  	[spmem:s3] =	stream.indirect.scatter.add.f32 [tilespmem:s17], [sflag:$0x8], $0x40, s26, s29, $0xb8;
	[tilespmem:$0x1ED00] =	vst v63  }
0xc0: {  	_ =	swait.ge @!p2 [sflag:s28], $0x2000  }
0xc1: {  	[sflag:s28] =	ssyncset.done @!p2 $0x0  }
0xc2: {  	s9 =	simm.s32 @!p2 $0x6A80;
	s1 =	simm.s32 @!p2 $0x900;
	[sflag:s28] =	ssyncadd.s32 @!p2 $0xFFFFE000  }
0xc3: {  	[spmem:s3] =	stream.indirect.scatter.add.f32 @!p2 [tilespmem:s9], [sflag:$0x9], $0x40, s1, s24, $0xb8;
	[tilespmem:$0x1ED00] =	vst v63  }
0xc4: {  	s1 =	simm.s32 @p2 $0x880  }
0xc5: {  	[spmem:s15] =	stream.indirect.scatter.add.f32 @p2 [tilespmem:s0], [sflag:$0xB], $0x1, s1, s23, $0xb8;
	[tilespmem:$0x1ED00] =	vst v63  }
0xc6: {  	_ =	swait.ge @p2 [sflag:s6], $0x2000  }
0xc7: {  	[sflag:s6] =	ssyncset.done @p2 $0x0  }
0xc8: {  	s1 =	simm.s32 @p2 $0x900;
	[sflag:s6] =	ssyncadd.s32 @p2 $0xFFFFE000;
	s6 =	simm.s32 @p2 $0x6A80  }
0xc9: {  	[spmem:s3] =	stream.indirect.scatter.add.f32 @p2 [tilespmem:s6], [sflag:$0x9], $0x40, s1, s23, $0xb8;
	[tilespmem:$0x1ED00] =	vst v63  }
0xca: {  	_ = 	snop  }
0xcb: {  	[spmem:s15] =	stream.indirect.scatter.add.f32 @p2 [tilespmem:s0], [sflag:$0xB], $0x1, s1, s23, $0xb8;
	[tilespmem:$0x1ED00] =	vst v63  }
0xcc: {  	_ =	swait.ge [sflag:s2], $0x2000  }
0xcd: {  	[sflag:s2] =	ssyncset.done $0x0  }
0xce: {  	s28 =	simm.s32 $0x980;
	[sflag:s2] =	ssyncadd.s32 $0xFFFFE000  }
0xcf: {  	[spmem:s3] =	stream.indirect.scatter.add.f32 [tilespmem:s12], [sflag:$0xA], $0x40, s28, s29, $0xb8;
	[tilespmem:$0x1ED00] =	vst v63  }
0xd0: {  	s1 =	simm.s32 @p2 $0x980  }
0xd1: {  	[spmem:s15] =	stream.indirect.scatter.add.f32 @p2 [tilespmem:s0], [sflag:$0xB], $0x1, s1, s23, $0xb8;
	[tilespmem:$0x1ED00] =	vst v63  }
0xd2: {  	_ =	swait.ge [sflag:s31], $0x2000  }
0xd3: {  	[sflag:s31] =	ssyncset.done $0x0  }
0xd4: {  	[sflag:s31] =	ssyncadd.s32 $0xFFFFE000  }
0xd5: {  	_ =	swait.ge [sflag:s21], $0x2000  }
0xd6: {  	[sflag:s21] =	ssyncset.done $0x0  }
0xd7: {  	[sflag:s21] =	ssyncadd.s32 $0xFFFFE000  }
0xd8: {  	_ =	swait.ge [sflag:s4], $0x2000  }
0xd9: {  	[sflag:s4] =	ssyncset.done $0x0  }
0xda: {  	[sflag:s4] =	ssyncadd.s32 $0xFFFFE000  }
0xdb: {  	_ =	swait.ge [sflag:s7], $0x2000  }
0xdc: {  	[sflag:s7] =	ssyncset.done $0x0  }
0xdd: {  	[sflag:s7] =	ssyncadd.s32 $0xFFFFE000  }
0xde: {  	_ =	swait.ge [sflag:s13], $0x2000  }
.Ltmp2:
0xdf: {  	[sflag:s13] =	ssyncset.done $0x0;
	(pc) =	sbr.rel @p3 .LBB2_4-.Ltmp2, $4  }
0xe0: {  	[sflag:s13] =	ssyncadd.s32 $0xFFFFE000  }
0xe1: {  	s16 =	simm.s32 $0x2A80;
	_ =	swait.ge @p2 [sflag:s20], $0x280  }
0xe2: {  	s5 =	simm.s32 $0x6A80;
	s12 =	simm.s32 $0x8A80;
	[sflag:s20] =	ssyncset.done @p2 $0x0  }
0xe3: {  	s15 =	simm.s32 $0x4A80;
	s7 =	simm.s32 $0x780;
	[sflag:s20] =	ssyncadd.s32 @p2 $0xFFFFFD80  }
0xe4: {  	s0 =	simm.s32 $0xC  }
0xe5: {  	_ =	swait.ge [sflag:s0], $0x280  }
0xe6: {  	[sflag:s0] =	ssyncset.done $0x0  }
0xe7: {  	[sflag:s0] =	ssyncadd.s32 $0xFFFFFD80  }
0xe8: {  	_ =	swait.ge [sflag:s0], $0x280  }
0xe9: {  	[sflag:s0] =	ssyncset.done $0x0  }
0xea: {  	s1 =	simm.s32 $0x0;
	[sflag:s0] =	ssyncadd.s32 $0xFFFFFD80  }
0xeb: {  	[tilespmem:s30], [sflag:$0x1] =	stream.indirect.gather [spmem:s18], $0x40, s1, s29, $0xb8;
	[tilespmem:$0x1ED00] =	vst v63  }
0xec: {  	_ = 	snop  }
0xed: {  	[tilespmem:s16], [sflag:$0x2] =	stream.indirect.gather [spmem:s18], $0x40, s29, s29, $0xb8;
	[tilespmem:$0x1ED00] =	vst v63  }
0xee: {  	s23 =	simm.s32 $0x100;
	s24 =	simm.s32 $0x180  }
0xef: {  	[tilespmem:s15], [sflag:$0x3] =	stream.indirect.gather [spmem:s18], $0x40, s23, s29, $0xb8;
	[tilespmem:$0x1ED00] =	vst v63  }
0xf0: {  	s25 =	simm.s32 $0x200;
	s26 =	sadd.s32 s14, s10;
	s2 =	simm.s32 $0x280  }
0xf1: {  	[tilespmem:s5], [sflag:$0x4] =	stream.indirect.gather [spmem:s18], $0x40, s24, s29, $0xb8;
	[tilespmem:$0x1ED00] =	vst v63  }
0xf2: {  	s28 =	sadd.s32 s14, s11;
	s8 =	sadd.s32 $0x1, s8;
	s14 =	sadd.s32 $0xA0, s14  }
0xf3: {  	[tilespmem:s12], [sflag:$0x5] =	stream.indirect.gather [spmem:s18], $0x40, s25, s29, $0xb8;
	[tilespmem:$0x1ED00] =	vst v63  }
.Ltmp3:
0xf4: {  	s9 =	smov.u32 s11;
	s10 =	simm.s32 $0x280;
	(pc) =	sbr.rel .LBB2_2-.Ltmp3, $4  }
0xf5: {  	s17 =	simm.s32 $0x4A80;
	s11 =	simm.s32 $0x2A80;
	s0 =	sadd.s32 $0xF0, s26  }
0xf6: {  	[tilespmem:s2], [sflag:$0xD] =	stream.linear.gather [hbm4b:s0+s1], $0x280, $0x38;
	[tilespmem:$0x1ED00] =	vst v63  }
0xf7: {  	s16 =	simm.s32 $0x6A80;
	s12 =	simm.s32 $0x8A80;
	s0 =	sadd.s32 $0xF0, s28  }
0xf8: {  	[tilespmem:s7], [sflag:$0xD] =	stream.linear.gather [hbm4b:s0+s1], $0x280, $0x38;
	[tilespmem:$0x1ED00] =	vst v63  }
.LBB2_5:
0xf9: {  	_ =	sfence.sel $0x180000  }
0xfa: {  	[bflag:$0x0] =	sbarrier.arrive $0xFFFF  }
0xfb: {  	_ =	strace $0x90000047  }
0xfc: {  	s0 =	stileid.u32;
	[bflag:$0x2] =	sbarrier.arrive $0xFFFF  }
0xfd: {  	p0 =	sne.s32 s0, $0x0;
	s0 =	rddreg [dreg:$0x5]  }
0xfe: {  	s0 =	sadd.s32 @!p0 $0x100000, s0  }
0xff: {  	[sflag:s0] =	ssyncadd.tile.s32 @!p0 $0x1;
	_ =	shalt  }
.Lfunc_end2:
_tile_overlayer_lowered:
.L_overlay_start_2:
0x100: {  	(tag) =	ssettag $0x2  }
0x101: {  	s0 =	rddreg [dreg:$0x0];
	s2 =	stileid.u32  }
0x102: {  	s1 =	rddreg [dreg:$0x1];
	p0 =	sne.s32 s2, $0x0  }
0x103: {  	s3 =	rddreg [dreg:$0x2];
	[bflag:$0x3] =	sbarrier.arrive $0xFFFF;
	s2 =	simm.s32 @!p0 $0x1C0E  }
0x104: {  	[timem:s3], [sflag:s2] =	dma.local @!p0 [hbm:s0], s1  }
0x105: {  	s0 =	simm.s32 @!p0 $0xE  }
0x106: {  	_ =	swait.ge @!p0 [sflag:s0], s1  }
0x107: {  	s1 =	ssub.s32 @!p0 $0x0, s1;
	[sflag:s0] =	ssyncset.done @!p0 $0x0  }
0x108: {  	[sflag:s0] =	ssyncadd.s32 @!p0 s1  }
0x109: {  	[bflag:$0x3] =	sbarrier.arrive $0xFFFF  }
0x10a: {  	_ =	shalt  }

// kernel: kernel.9.cloned.1.call-start
scs
__scs_entry_jumppad:
0x0: {  	(pc) =	sbr.rel $0x88, $3  }
0x1: {  	(tag) =	ssettag $0x0;
	lr =	simm.s32 $0x1  }
0x2: {  	[smem:$0x3F99] =	sst lr;
	_ =	strace $0xD0000000  }
0x3: {  	_ = 	snop  }
0x4: {  	_ = 	snop  }
0x5: {  	_ = 	snop  }
0x6: {  	_ = 	snop  }
0x7: {  	_ = 	snop  }
__scs_overlays_trampoline_lowered:
0x8: {  	[smem:$0x3FA8] =	sst s0  }
0x9: {  	[smem:$0x3FA9] =	sst s1  }
0xa: {  	[smem:$0x3FAA] =	sst s2  }
0xb: {  	[smem:$0x3FAB] =	sst s3  }
0xc: {  	[smem:$0x3FAC] =	sst s4  }
0xd: {  	[smem:$0x3FAD] =	sst s5  }
0xe: {  	[smem:$0x3FAE] =	sst s6  }
0xf: {  	[smem:$0x3FAF] =	sst s7  }
0x10: {  	[smem:$0x3FB0] =	sst s8  }
0x11: {  	[smem:$0x3FB1] =	sst s9;
	s0 =	simm.s32 @!p0 $0x0  }
0x12: {  	s1 =	sld [smem:$0x3F97];
	s0 =	simm.s32 @p0 $0x1  }
0x13: {  	[smem:$0x3FB2] =	sst s0;
	s0 =	simm.s32 @!p1 $0x0  }
0x14: {  	s2 =	sld [smem:$0x3F96];
	s0 =	simm.s32 @p1 $0x1  }
0x15: {  	[smem:$0x3FB3] =	sst s0;
	s0 =	simm.s32 @!p2 $0x0  }
0x16: {  	s3 =	sld [smem:$0x3FDB];
	s0 =	simm.s32 @p2 $0x1  }
0x17: {  	s4 =	simm.s32 $0x1BF5;
	[smem:$0x3FB5] =	sst s0  }
0x18: {  	s0 =	sld [smem:$0x3F98];
	_ =	swait.ge [sflag:s4], $0x0  }
0x19: {  	s7 =	sld [smem:$0x3F99]  }
0x1a: {  	s8 =	sadd.s32 $0xFFFFE003, lr  }
0x1b: {  	s9 =	sadd.s32 $0xFFFFFEF7, lr;
	s5 =	simm.s32 $0xFFFFFFFF;
	p2 =	slt.u32 s8, $0xFFFFF086  }
0x1c: {  	p1 =	slt.u32 s9, $0xF7A;
	s5 =	simm.s32 @!p2 $0x0  }
0x1d: {  	s5 =	simm.s32 @p1 $0x1;
	p0 =	seq.s32 s7, s2  }
0x1e: {  	s7 =	smul.u32 @!p0 $0xF7A, s2;
	p2 =	seq.s32 @!p0 s5, $0x0  }
0x1f: {  	s9 =	smul.u32 $0xF7A, s1;
	s8 =	simm.s32 @!p0 $0x1BF5;
	p2 =	por !p2, p0  }
0x20: {  	[sflag:s8] =	ssyncset.s32 @!p0 $0xFFFFF086;
	s6 =	sadd.s32 @!p0 s3, s7;
	s7 =	simm.s32 @!p0 $0x108  }
0x21: {  	s3 =	sadd.s32 s3, s9;
	s6 =	sadd.s32 @!p0 $0x88, s6;
	s7 =	simm.s32 @p2 $0x1082  }
0x22: {  	[simem:s7], [sflag:s8] =	dma.local @!p0 [hbm:s6], $0xF7A  }
0x23: {  	s9 =	sor.u32 $0xD0000000, s2;
	s6 =	simm.s32 $0x108;
	_ =	swait.ge @!p0 [sflag:s8], $0x0  }
0x24: {  	s3 =	sadd.s32 $0x88, s3;
	s6 =	simm.s32 @!p1 $0x1082;
	[sflag:s4] =	ssyncset.s32 $0xFFFFF086  }
0x25: {  	[simem:s6], [sflag:s4] =	dma.local [hbm:s3], $0xF7A  }
0x26: {  	[smem:$0x3F99] =	sst s1;
	(tag) =	ssettag s2;
	_ =	strace s9  }
0x27: {  	s1 =	sld [smem:$0x3FA9]  }
0x28: {  	s2 =	sld [smem:$0x3FAA]  }
0x29: {  	s4 =	sld [smem:$0x3FAC]  }
0x2a: {  	p0 =	seq.s32 s5, $0x0;
	s5 =	sld [smem:$0x3FAD]  }
0x2b: {  	s6 =	sld [smem:$0x3FAE]  }
0x2c: {  	s7 =	sld [smem:$0x3FAF]  }
0x2d: {  	s3 =	simm.s32 $0x108;
	s8 =	sld [smem:$0x3FB0]  }
0x2e: {  	s3 =	simm.s32 @!p0 $0x1082;
	s9 =	sld [smem:$0x3FB1]  }
0x2f: {  	lr =	sadd.s32 s0, s3;
	s0 =	sld [smem:$0x3FA8]  }
0x30: {  	s3 =	sld [smem:$0x3FAB]  }
0x31: {  	[smem:$0x3FB4] =	sst s10  }
0x32: {  	s10 =	sld [smem:$0x3FB2];
	_ =	sdelay $0x3  }
0x33: {  	p0 =	seq.s32 s10, $0x1;
	s10 =	sld [smem:$0x3FB4];
	_ =	sdelay $0x3  }
0x34: {  	[smem:$0x3FB4] =	sst s10  }
0x35: {  	s10 =	sld [smem:$0x3FB3];
	_ =	sdelay $0x3  }
0x36: {  	p1 =	seq.s32 s10, $0x1;
	s10 =	sld [smem:$0x3FB4];
	_ =	sdelay $0x3  }
0x37: {  	[smem:$0x3FB4] =	sst s10  }
0x38: {  	s10 =	sld [smem:$0x3FB5]  }
0x39: {  	_ = 	snop;
	(pc) =	sbr.ind lr, $3  }
0x3a: {  	_ = 	snop  }
0x3b: {  	_ = 	snop  }
0x3c: {  	p2 =	seq.s32 s10, $0x1;
	s10 =	sld [smem:$0x3FB4]  }
0x3d: {  	_ =	shalt  }
0x3e: {  	_ =	shalt  }
0x3f: {  	_ =	shalt  }
0x40: {  	_ =	shalt  }
0x41: {  	_ =	shalt  }
0x42: {  	_ =	shalt  }
0x43: {  	_ =	shalt  }
0x44: {  	_ =	shalt  }
0x45: {  	_ =	shalt  }
0x46: {  	_ =	shalt  }
0x47: {  	_ =	shalt  }
0x48: {  	_ =	shalt  }
0x49: {  	_ =	shalt  }
0x4a: {  	_ =	shalt  }
0x4b: {  	_ =	shalt  }
0x4c: {  	_ =	shalt  }
0x4d: {  	_ =	shalt  }
0x4e: {  	_ =	shalt  }
0x4f: {  	_ =	shalt  }
0x50: {  	_ =	shalt  }
0x51: {  	_ =	shalt  }
0x52: {  	_ =	shalt  }
0x53: {  	_ =	shalt  }
0x54: {  	_ =	shalt  }
0x55: {  	_ =	shalt  }
0x56: {  	_ =	shalt  }
0x57: {  	_ =	shalt  }
0x58: {  	_ =	shalt  }
0x59: {  	_ =	shalt  }
0x5a: {  	_ =	shalt  }
0x5b: {  	_ =	shalt  }
0x5c: {  	_ =	shalt  }
0x5d: {  	_ =	shalt  }
0x5e: {  	_ =	shalt  }
0x5f: {  	_ =	shalt  }
0x60: {  	_ =	shalt  }
0x61: {  	_ =	shalt  }
0x62: {  	_ =	shalt  }
0x63: {  	_ =	shalt  }
0x64: {  	_ =	shalt  }
0x65: {  	_ =	shalt  }
0x66: {  	_ =	shalt  }
0x67: {  	_ =	shalt  }
0x68: {  	_ =	shalt  }
0x69: {  	_ =	shalt  }
0x6a: {  	_ =	shalt  }
0x6b: {  	_ =	shalt  }
0x6c: {  	_ =	shalt  }
0x6d: {  	_ =	shalt  }
0x6e: {  	_ =	shalt  }
0x6f: {  	_ =	shalt  }
0x70: {  	_ =	shalt  }
0x71: {  	_ =	shalt  }
0x72: {  	_ =	shalt  }
0x73: {  	_ =	shalt  }
0x74: {  	_ =	shalt  }
0x75: {  	_ =	shalt  }
0x76: {  	_ =	shalt  }
0x77: {  	_ =	shalt  }
0x78: {  	_ =	shalt  }
0x79: {  	_ =	shalt  }
0x7a: {  	_ =	shalt  }
0x7b: {  	_ =	shalt  }
0x7c: {  	_ =	shalt  }
0x7d: {  	_ =	shalt  }
0x7e: {  	_ =	shalt  }
0x7f: {  	_ =	shalt  }
0x80: {  	_ =	shalt  }
0x81: {  	_ =	shalt  }
0x82: {  	_ =	shalt  }
0x83: {  	_ =	shalt  }
0x84: {  	_ =	shalt  }
0x85: {  	_ =	shalt  }
0x86: {  	_ =	shalt  }
0x87: {  	_ =	shalt  }
.Lfunc_end0:
.L_simem_size_0:
called_computation.1_lowered:
.L_overlay_start_0:
0x88: {  	s2 =	sld [smem:$0x3FD9]  }
0x89: {  	s3 =	sld [smem:$0x3FFE];
	_ =	sdelay $0x1  }
0x8a: {  	s1 =	srdreg.scid  }
0x8b: {  	s0 =	sand.u32 $0x1, s1  }
0x8c: {  	s17 =	sshll.u32 s0, $0xA;
	s2 =	sadd.s32 s3, s2  }
0x8d: {  	s2 =	sadd.s32 s2, s17  }
0x8e: {  	[smem:$0x3FC0] =	sst s2  }
0x8f: {  	_ = 	snop  }
0x90: {  	s2 =	sld [smem:$0x3FD0];
	(tm) =	ssettm $0x1  }
0x91: {  	s18 =	sld [smem:$0x3FFB];
	_ =	sdelay $0x3  }
0x92: {  	_ =	strace s18  }
0x93: {  	s3 =	sld [smem:$0x3FFC];
	_ =	sdelay $0x3  }
0x94: {  	_ =	strace s3  }
0x95: {  	s3 =	sld [smem:$0x3FFD];
	_ =	sdelay $0x3  }
0x96: {  	_ =	strace s3  }
0x97: {  	_ =	strace $0x8FFFFFFF  }
0x98: {  	s19 =	sld [smem:$0x3FDB];
	_ =	sdelay $0x1  }
0x99: {  	s4 =	simm.s32 $_scs_section_size  }
0x9a: {  	s5 =	simm.s32 $_size__tile_overlayer_lowered;
	s6 =	simm.s32 $_tile_overlayer_lowered  }
0x9b: {  	s22 =	simm.s32 $0x1BFF;
	s21 =	sshll.u32 s6, $0x1;
	s3 =	sadd.s32 s4, s19  }
0x9c: {  	s7 =	simm.s32 $0x0;
	s20 =	sshll.u32 s5, $0x1;
	s5 =	sadd.s32 s21, s3  }
0x9d: {  	[timem:s7], [sflag:s22] =	dma.local [hbm:s5], s20  }
0x9e: {  	_ =	swait.ge [sflag:s22], s20  }
0x9f: {  	s4 =	ssub.s32 $0x0, s20;
	[sflag:s22] =	ssyncset.done $0x0  }
0xa0: {  	[sflag:s22] =	ssyncadd.s32 s4;
	_ =	sdelay $0x1  }
0xa1: {  	s23 =	simm.s32 $0x1B8B  }
0xa2: {  	_ =	swait.ge [sflag:s23], $0x1  }
0xa3: {  	[sflag:s23] =	ssyncset.done $0x0  }
0xa4: {  	s25 =	simm.s32 $0x1B8E;
	s24 =	sld [smem:$0x3FFE];
	[sflag:s23] =	ssyncadd.s32 $0xFFFFFFFF  }
0xa5: {  	s26 =	simm.s32 $execute0_lowered;
	[smem:$0x3FD2] =	sst s25  }
0xa6: {  	s5 =	sshll.u32 s26, $0x1;
	_ =	strace $0x80000049;
	[dreg:$0x1] =	wrdreg $0xFFFFFFFF  }
0xa7: {  	s28 =	simm.s32 $_size_execute0_lowered;
	s3 =	sadd.s32 s3, s5;
	[dreg:$0x0] =	wrdreg $0x0  }
0xa8: {  	s5 =	sshll.u32 s28, $0x1;
	[dreg:$0x2] =	wrdreg s3  }
0xa9: {  	[dreg:$0x3] =	wrdreg s5  }
0xaa: {  	[dreg:$0x4] =	wrdreg $0xC0  }
0xab: {  	_ =	task [dreg:s7], $0x5FFFF  }
0xac: {  	[dreg:$0x1] =	wrdreg $0xFFFFFFFF  }
0xad: {  	[dreg:$0x0] =	wrdreg $0x60  }
0xae: {  	[dreg:$0x2] =	wrdreg s24  }
0xaf: {  	[dreg:$0x3] =	wrdreg s2  }
0xb0: {  	[dreg:$0x4] =	wrdreg $0xAA000  }
0xb1: {  	[dreg:$0x5] =	wrdreg $0x14A000  }
0xb2: {  	[dreg:$0x6] =	wrdreg $0x9  }
0xb3: {  	_ =	task.clear_ibuf [dreg:s7], $0x7FFFF;
	_ =	strace $0x90000049  }
0xb4: {  	s29 =	simm.s32 $0x9;
	_ =	strace $0x8000004B  }
0xb5: {  	_ =	swait.ge [sflag:s29], $0x1  }
0xb6: {  	[sflag:s29] =	ssyncadd.s32 $0xFFFFFFFF  }
0xb7: {  	_ =	strace $0x9000004B  }
0xb8: {  	_ =	sfence  }
0xb9: {  	s30 =	sld [smem:$0x0];
	_ =	sdelay $0x2  }
0xba: {  	s31 =	sshll.u32 s1, $0xD;
	s1 =	sshrl.u32 s1, $0x2  }
0xbb: {  	s3 =	sand.u32 $0x4000, s31;
	s1 =	sadd.s32 s1, s30  }
0xbc: {  	s0 =	sor.u32 s3, s0;
	s1 =	sshll.u32 s1, $0x11  }
0xbd: {  	s0 =	sor.u32 s1, s0  }
0xbe: {  	s0 =	sadd.s32 $0x8F2B, s0  }
0xbf: {  	[sflag:s0] =	ssyncadd.remote.s32 $0x1  }
0xc0: {  	_ =	sfence.sel $0xFFFF  }
0xc1: {  	[dreg:$0x0] =	wrdreg $0xFFFFFFFF;
	(pc) =	sbr.abs _section_cstart, $3  }
0xc2: {  	[dreg:$0x1] =	wrdreg $0xFFFFFFFF  }
0xc3: {  	_ =	task.clear_ibuf [dreg:s7], $0x2FFFF;
	_ =	strace $0x9FFFFFFF  }
0xc4: {  	(tm) =	ssettm $0x7FFFFFFF  }
0xc5: {  	_ =	shalt  }
tec
execute0_lowered:
.L_overlay_start_1:
0x0: {  	(tag) =	ssettag $0x1  }
0x1: {  	s0 =	rddreg [dreg:$0x0]  }
0x2: {  	s1 =	rddreg [dreg:$0x1]  }
0x3: {  	s2 =	rddreg [dreg:$0x2];
	s4 =	srdreg.scid  }
0x4: {  	s12 =	stileid.u32;
	s3 =	rddreg [dreg:$0x3];
	s29 =	simm.s32 $0x6A00  }
0x5: {  	s31 =	simm.s32 $0x8A00;
	s16 =	simm.s32 $0x7;
	s28 =	simm.s32 $0xB  }
0x6: {  	s30 =	simm.s32 $0x0;
	s5 =	sand.u32 $0x1, s4;
	s6 =	smul.u32 $0xA000, s12  }
0x7: {  	s4 =	simm.s32 $0x0;
	s8 =	sadd.s32 $0x83E00, s0;
	s10 =	smul.u32 $0x5000, s12  }
0x8: {  	s9 =	sadd.s32 $0x79E00, s0;
	s18 =	sshll.u32 s12, $0x6;
	s24 =	smul.u32 $0xA00, s12  }
0x9: {  	s7 =	smul.u32 $0xA0000, s5;
	[smem:$0x7FF] =	sst s4;
	s5 =	ssub.s32 $0x2, s5  }
0xa: {  	_ =	strace $0x8000004A;
	s17 =	sshrl.u32 s5, $0x1;
	s11 =	sadd.s32 s6, s2  }
0xb: {  	s19 =	sadd.s32 s6, s3;
	s10 =	sshrl.u32 s10, $0x3;
	s14 =	sadd.s32 s24, s9  }
0xc: {  	s15 =	sadd.s32 s24, s8;
	s24 =	simm.s32 $0x2A00;
	s7 =	sadd.s32 s6, s7  }
0xd: {  	s5 =	ssub.s32 s5, s17;
	s6 =	sshrl.u32 s6, $0x3;
	s20 =	sadd.s32 s8, s10  }
0xe: {  	s21 =	sor.u32 $0x50, s10;
	s22 =	sadd.s32 s9, s10;
	s26 =	sshrl.u32 s11, $0x3  }
0xf: {  	s10 =	simm.s32 $0xD;
	s11 =	simm.s32 $0x5;
	s17 =	simm.s32 $0xA  }
0x10: {  	s7 =	sshrl.u32 s7, $0x3;
	s1 =	sadd.s32 s1, s6;
	[dreg:$0x8] =	wrdreg s20  }
0x11: {  	[dreg:$0x9] =	wrdreg s22;
	s23 =	sadd.s32 s8, s21;
	s25 =	smax.u32 s5, $0x1  }
0x12: {  	[dreg:$0xe] =	wrdreg s26;
	s8 =	sshrl.u32 s19, $0x3;
	s20 =	simm.s32 $0x280  }
0x13: {  	s22 =	simm.s32 $0x80;
	s26 =	simm.s32 $0x4A00;
	s6 =	simm.s32 $0x9  }
0x14: {  	s19 =	simm.s32 $0x980;
	s0 =	sadd.s32 s7, s0;
	[dreg:$0x7] =	wrdreg s1  }
0x15: {  	s7 =	sor.u32 $0x1C0D, s18;
	[dreg:$0xa] =	wrdreg s23;
	s1 =	sadd.s32 s9, s21  }
0x16: {  	[dreg:$0xd] =	wrdreg s25;
	s21 =	simm.s32 $0x780;
	s23 =	simm.s32 $0xA00  }
.Ltmp0:
0x17: {  	s9 =	simm.s32 $0x4;
	[dreg:$0xf] =	wrdreg s8;
	(pc) =	sbr.rel .LBB2_1-.Ltmp0, $4  }
0x18: {  	s18 =	simm.s32 $0x8;
	s25 =	simm.s32 $0xC;
	[dreg:$0x6] =	wrdreg s7  }
0x19: {  	s13 =	sadd.s32 $0x51E00, s0;
	[dreg:$0xb] =	wrdreg s1;
	s0 =	sadd.s32 $0x8F000, s0  }
0x1a: {  	s1 =	simm.s32 $0x1;
	s7 =	simm.s32 $0x3;
	[dreg:$0x5] =	wrdreg s13  }
0x1b: {  	[dreg:$0xc] =	wrdreg s0;
	s0 =	simm.s32 $0x2;
	s13 =	simm.s32 $0x6  }
.LBB2_4:
0x1c: {  	[bflag:$0x0] =	sbarrier.arrive $0xFFFF  }
0x1d: {  	s10 =	rddreg [dreg:$0x6]  }
0x1e: {  	s5 =	rddreg [dreg:$0xc]  }
0x1f: {  	s8 =	rddreg [dreg:$0xf]  }
0x20: {  	[hbm:s5], [sflag:s10] =	dma.local [spmem:s8], $0x1400  }
0x21: {  	s10 =	simm.s32 $0xD  }
0x22: {  	_ =	swait.ge [sflag:s10], $0x1400  }
0x23: {  	s30 =	rddreg [dreg:$0x10]  }
0x24: {  	s12 =	rddreg [dreg:$0xd];
	s30 =	sadd.s32 $0x1, s30  }
0x25: {  	p0 =	sne.s32 s30, s12  }
.Ltmp1:
0x26: {  	_ = 	snop;
	(pc) =	sbr.rel @!p0 .LBB2_5-.Ltmp1, $3  }
0x27: {  	_ =	sdelay $0x1  }
0x28: {  	[sflag:s10] =	ssyncset.done $0x0  }
0x29: {  	[sflag:s10] =	ssyncadd.s32 $0xFFFFEC00  }
.LBB2_1:
0x2a: {  	[dreg:$0x10] =	wrdreg s30  }
0x2b: {  	s5 =	rddreg [dreg:$0x5]  }
0x2c: {  	s30 =	smov.u32 s8;
	s8 =	rddreg [dreg:$0xe]  }
0x2d: {  	s12 =	rddreg [dreg:$0x6]  }
0x2e: {  	[spmem:s8], [sflag:s12] =	dma.local [hbm:s5], $0x1400  }
0x2f: {  	_ =	swait.ge [sflag:s10], $0x1400  }
0x30: {  	[sflag:s10] =	ssyncset.done $0x0  }
0x31: {  	s8 =	rddreg [dreg:$0x7];
	[sflag:s10] =	ssyncadd.s32 $0xFFFFEC00  }
0x32: {  	[spmem:s30], [sflag:s12] =	dma.local [hbm:s8], $0x1400  }
0x33: {  	_ =	swait.ge [sflag:s10], $0x1400  }
0x34: {  	[sflag:s10] =	ssyncset.done $0x0  }
0x35: {  	s8 =	rddreg [dreg:$0x8];
	[sflag:s10] =	ssyncadd.s32 $0xFFFFEC00  }
0x36: {  	[tilespmem:s4], [sflag:$0xD] =	stream.linear.gather [hbm4b:s8+s4], $0x280, $0x38;
	[tilespmem:$0x1EA00] =	vst v63  }
0x37: {  	_ =	swait.ge [sflag:s10], $0x280  }
0x38: {  	[sflag:s10] =	ssyncset.done $0x0  }
0x39: {  	s8 =	simm.s32 $0x500;
	s5 =	rddreg [dreg:$0x9];
	[sflag:s10] =	ssyncadd.s32 $0xFFFFFD80  }
0x3a: {  	[tilespmem:s8], [sflag:$0xD] =	stream.linear.gather [hbm4b:s5+s4], $0x280, $0x38;
	[tilespmem:$0x1EA00] =	vst v63  }
0x3b: {  	_ =	swait.ge [sflag:s10], $0x280  }
0x3c: {  	[sflag:s10] =	ssyncset.done $0x0  }
0x3d: {  	[sflag:s10] =	ssyncadd.s32 $0xFFFFFD80;
	s10 =	rddreg [dreg:$0xa]  }
0x3e: {  	[tilespmem:s20], [sflag:$0xC] =	stream.linear.gather [hbm4b:s10+s4], $0x280, $0x38;
	[tilespmem:$0x1EA00] =	vst v63  }
0x3f: {  	s8 =	rddreg [dreg:$0xb]  }
0x40: {  	[tilespmem:s21], [sflag:$0xC] =	stream.linear.gather [hbm4b:s8+s4], $0x280, $0x38;
	[tilespmem:$0x1EA00] =	vst v63  }
0x41: {  	[bflag:$0x0] =	sbarrier.arrive $0xFFFF  }
0x42: {  	[tilespmem:s23], [sflag:$0x1] =	stream.indirect.gather [spmem:s2], $0x40, s4, s22, $0xb8;
	[tilespmem:$0x1EA00] =	vst v63  }
0x43: {  	_ = 	snop  }
0x44: {  	[tilespmem:s24], [sflag:$0x2] =	stream.indirect.gather [spmem:s2], $0x40, s22, s22, $0xb8;
	[tilespmem:$0x1EA00] =	vst v63  }
0x45: {  	s10 =	simm.s32 $0x100  }
0x46: {  	[tilespmem:s26], [sflag:$0x3] =	stream.indirect.gather [spmem:s2], $0x40, s10, s22, $0xb8;
	[tilespmem:$0x1EA00] =	vst v63  }
0x47: {  	s8 =	simm.s32 $0x180  }
0x48: {  	[tilespmem:s29], [sflag:$0x4] =	stream.indirect.gather [spmem:s2], $0x40, s8, s22, $0xb8;
	[tilespmem:$0x1EA00] =	vst v63  }
0x49: {  	s12 =	simm.s32 $0x900;
	s30 =	simm.s32 $0xFFFFF6A0;
	s10 =	simm.s32 $0x200  }
0x4a: {  	[tilespmem:s31], [sflag:$0x5] =	stream.indirect.gather [spmem:s2], $0x40, s10, s22, $0xb8;
	[tilespmem:$0x1EA00] =	vst v63  }
.LBB2_2:
0x4b: {  	_ =	swait.ge [sflag:s1], $0x2000  }
0x4c: {  	[sflag:s1] =	ssyncset.done $0x0  }
0x4d: {  	s5 =	simm.s32 $0x500;
	[sflag:s1] =	ssyncadd.s32 $0xFFFFE000  }
0x4e: {  	[spmem:s3] =	stream.indirect.scatter.add.f32 [tilespmem:s23], [sflag:$0x6], $0x40, s5, s22, $0xb8;
	[tilespmem:$0x1EA00] =	vst v63  }
0x4f: {  	_ =	swait.ge [sflag:s0], $0x2000  }
0x50: {  	[sflag:s0] =	ssyncset.done $0x0  }
0x51: {  	s8 =	simm.s32 $0x580;
	[sflag:s0] =	ssyncadd.s32 $0xFFFFE000  }
0x52: {  	[spmem:s3] =	stream.indirect.scatter.add.f32 [tilespmem:s24], [sflag:$0x7], $0x40, s8, s22, $0xb8;
	[tilespmem:$0x1EA00] =	vst v63  }
0x53: {  	_ =	swait.ge [sflag:s7], $0x2000  }
0x54: {  	[sflag:s7] =	ssyncset.done $0x0  }
0x55: {  	s10 =	simm.s32 $0x600;
	[sflag:s7] =	ssyncadd.s32 $0xFFFFE000  }
0x56: {  	[spmem:s3] =	stream.indirect.scatter.add.f32 [tilespmem:s26], [sflag:$0x8], $0x40, s10, s22, $0xb8;
	[tilespmem:$0x1EA00] =	vst v63  }
0x57: {  	_ =	swait.ge [sflag:s9], $0x2000  }
0x58: {  	[sflag:s9] =	ssyncset.done $0x0  }
0x59: {  	s8 =	simm.s32 $0x680;
	[sflag:s9] =	ssyncadd.s32 $0xFFFFE000  }
0x5a: {  	[spmem:s3] =	stream.indirect.scatter.add.f32 [tilespmem:s29], [sflag:$0x9], $0x40, s8, s22, $0xb8;
	[tilespmem:$0x1EA00] =	vst v63  }
0x5b: {  	_ =	swait.ge [sflag:s11], $0x2000  }
0x5c: {  	[sflag:s11] =	ssyncset.done $0x0  }
0x5d: {  	s10 =	simm.s32 $0x700;
	[sflag:s11] =	ssyncadd.s32 $0xFFFFE000  }
0x5e: {  	[spmem:s3] =	stream.indirect.scatter.add.f32 [tilespmem:s31], [sflag:$0xA], $0x40, s10, s22, $0xb8;
	[tilespmem:$0x1EA00] =	vst v63  }
0x5f: {  	_ =	swait.ge [sflag:s13], $0x2000  }
0x60: {  	[sflag:s13] =	ssyncset.done $0x0  }
0x61: {  	[sflag:s13] =	ssyncadd.s32 $0xFFFFE000  }
0x62: {  	_ =	swait.ge [sflag:s16], $0x2000  }
0x63: {  	[sflag:s16] =	ssyncset.done $0x0  }
0x64: {  	[sflag:s16] =	ssyncadd.s32 $0xFFFFE000  }
0x65: {  	_ =	swait.ge [sflag:s18], $0x2000  }
0x66: {  	[sflag:s18] =	ssyncset.done $0x0  }
0x67: {  	[sflag:s18] =	ssyncadd.s32 $0xFFFFE000  }
0x68: {  	_ =	swait.ge [sflag:s6], $0x2000  }
0x69: {  	[sflag:s6] =	ssyncset.done $0x0  }
0x6a: {  	[sflag:s6] =	ssyncadd.s32 $0xFFFFE000  }
0x6b: {  	_ =	swait.ge [sflag:s17], $0x2000  }
0x6c: {  	[sflag:s17] =	ssyncset.done $0x0  }
0x6d: {  	[sflag:s17] =	ssyncadd.s32 $0xFFFFE000  }
0x6e: {  	_ =	swait.ge [sflag:s25], $0x280  }
0x6f: {  	[sflag:s25] =	ssyncset.done $0x0  }
0x70: {  	[sflag:s25] =	ssyncadd.s32 $0xFFFFFD80  }
0x71: {  	_ =	swait.ge [sflag:s25], $0x280  }
0x72: {  	[sflag:s25] =	ssyncset.done $0x0  }
0x73: {  	[sflag:s25] =	ssyncadd.s32 $0xFFFFFD80  }
0x74: {  	[tilespmem:s23], [sflag:$0x1] =	stream.indirect.gather [spmem:s2], $0x40, s20, s22, $0xb8;
	[tilespmem:$0x1EA00] =	vst v63  }
0x75: {  	s8 =	simm.s32 $0x300  }
0x76: {  	[tilespmem:s24], [sflag:$0x2] =	stream.indirect.gather [spmem:s2], $0x40, s8, s22, $0xb8;
	[tilespmem:$0x1EA00] =	vst v63  }
0x77: {  	s10 =	simm.s32 $0x380  }
0x78: {  	[tilespmem:s26], [sflag:$0x3] =	stream.indirect.gather [spmem:s2], $0x40, s10, s22, $0xb8;
	[tilespmem:$0x1EA00] =	vst v63  }
0x79: {  	p0 =	seq.s32 s30, $0x0;
	s8 =	simm.s32 $0x400  }
0x7a: {  	[tilespmem:s29], [sflag:$0x4] =	stream.indirect.gather [spmem:s2], $0x40, s8, s22, $0xb8;
	[tilespmem:$0x1EA00] =	vst v63  }
0x7b: {  	s5 =	sadd.s32 @!p0 s30, s15;
	s10 =	simm.s32 $0x480  }
0x7c: {  	[tilespmem:s31], [sflag:$0x5] =	stream.indirect.gather [spmem:s2], $0x40, s10, s22, $0xb8;
	[tilespmem:$0x1EA00] =	vst v63  }
0x7d: {  	s5 =	sadd.s32 @!p0 $0xA00, s5;
	s8 =	simm.s32 @!p0 $0x0  }
0x7e: {  	[tilespmem:s8], [sflag:$0xB] =	stream.linear.gather @!p0 [hbm4b:s5+s8], $0x280, $0x38;
	[tilespmem:$0x1EA00] =	vst v63  }
0x7f: {  	s5 =	sadd.s32 @!p0 s30, s14  }
0x80: {  	s10 =	simm.s32 @!p0 $0x500;
	s5 =	sadd.s32 @!p0 $0xA00, s5  }
0x81: {  	[tilespmem:s10], [sflag:$0xB] =	stream.linear.gather @!p0 [hbm4b:s5+s8], $0x280, $0x38;
	[tilespmem:$0x1EA00] =	vst v63  }
0x82: {  	_ =	swait.ge [sflag:s1], $0x2000  }
0x83: {  	[sflag:s1] =	ssyncset.done $0x0  }
0x84: {  	[sflag:s1] =	ssyncadd.s32 $0xFFFFE000  }
0x85: {  	[spmem:s3] =	stream.indirect.scatter.add.f32 [tilespmem:s23], [sflag:$0x6], $0x40, s21, s22, $0xb8;
	[tilespmem:$0x1EA00] =	vst v63  }
0x86: {  	_ =	swait.ge [sflag:s0], $0x2000  }
0x87: {  	[sflag:s0] =	ssyncset.done $0x0  }
0x88: {  	s8 =	simm.s32 $0x800;
	[sflag:s0] =	ssyncadd.s32 $0xFFFFE000  }
0x89: {  	[spmem:s3] =	stream.indirect.scatter.add.f32 [tilespmem:s24], [sflag:$0x7], $0x40, s8, s22, $0xb8;
	[tilespmem:$0x1EA00] =	vst v63  }
0x8a: {  	_ =	swait.ge [sflag:s7], $0x2000  }
0x8b: {  	[sflag:s7] =	ssyncset.done $0x0  }
0x8c: {  	s10 =	simm.s32 $0x880;
	[sflag:s7] =	ssyncadd.s32 $0xFFFFE000  }
0x8d: {  	[spmem:s3] =	stream.indirect.scatter.add.f32 [tilespmem:s26], [sflag:$0x8], $0x40, s10, s22, $0xb8;
	[tilespmem:$0x1EA00] =	vst v63  }
0x8e: {  	_ =	swait.ge [sflag:s9], $0x2000  }
0x8f: {  	[sflag:s9] =	ssyncset.done $0x0  }
0x90: {  	[sflag:s9] =	ssyncadd.s32 $0xFFFFE000  }
0x91: {  	[spmem:s3] =	stream.indirect.scatter.add.f32 [tilespmem:s29], [sflag:$0x9], $0x40, s12, s22, $0xb8;
	[tilespmem:$0x1EA00] =	vst v63  }
0x92: {  	_ =	swait.ge [sflag:s11], $0x2000  }
0x93: {  	[sflag:s11] =	ssyncset.done $0x0  }
0x94: {  	[sflag:s11] =	ssyncadd.s32 $0xFFFFE000  }
0x95: {  	[spmem:s3] =	stream.indirect.scatter.add.f32 [tilespmem:s31], [sflag:$0xA], $0x40, s19, s22, $0xb8;
	[tilespmem:$0x1EA00] =	vst v63  }
0x96: {  	_ =	swait.ge [sflag:s13], $0x2000  }
0x97: {  	[sflag:s13] =	ssyncset.done $0x0  }
0x98: {  	[sflag:s13] =	ssyncadd.s32 $0xFFFFE000  }
0x99: {  	_ =	swait.ge [sflag:s16], $0x2000  }
0x9a: {  	[sflag:s16] =	ssyncset.done $0x0  }
0x9b: {  	[sflag:s16] =	ssyncadd.s32 $0xFFFFE000  }
0x9c: {  	_ =	swait.ge [sflag:s18], $0x2000  }
0x9d: {  	[sflag:s18] =	ssyncset.done $0x0  }
0x9e: {  	[sflag:s18] =	ssyncadd.s32 $0xFFFFE000  }
0x9f: {  	_ =	swait.ge [sflag:s6], $0x2000  }
.Ltmp2:
0xa0: {  	[sflag:s6] =	ssyncset.done $0x0;
	(pc) =	sbr.rel @p0 .LBB2_4-.Ltmp2, $4  }
0xa1: {  	[sflag:s6] =	ssyncadd.s32 $0xFFFFE000  }
0xa2: {  	_ =	swait.ge [sflag:s17], $0x2000  }
0xa3: {  	[sflag:s17] =	ssyncset.done $0x0  }
0xa4: {  	[sflag:s17] =	ssyncadd.s32 $0xFFFFE000  }
0xa5: {  	_ =	swait.ge [sflag:s28], $0x280  }
0xa6: {  	[sflag:s28] =	ssyncset.done $0x0  }
0xa7: {  	[sflag:s28] =	ssyncadd.s32 $0xFFFFFD80  }
0xa8: {  	_ =	swait.ge [sflag:s28], $0x280  }
0xa9: {  	[sflag:s28] =	ssyncset.done $0x0  }
0xaa: {  	[sflag:s28] =	ssyncadd.s32 $0xFFFFFD80  }
0xab: {  	[tilespmem:s23], [sflag:$0x1] =	stream.indirect.gather [spmem:s2], $0x40, s4, s22, $0xb8;
	[tilespmem:$0x1EA00] =	vst v63  }
0xac: {  	_ = 	snop  }
0xad: {  	[tilespmem:s24], [sflag:$0x2] =	stream.indirect.gather [spmem:s2], $0x40, s22, s22, $0xb8;
	[tilespmem:$0x1EA00] =	vst v63  }
0xae: {  	s5 =	simm.s32 $0x100  }
0xaf: {  	[tilespmem:s26], [sflag:$0x3] =	stream.indirect.gather [spmem:s2], $0x40, s5, s22, $0xb8;
	[tilespmem:$0x1EA00] =	vst v63  }
0xb0: {  	s8 =	simm.s32 $0x180  }
0xb1: {  	[tilespmem:s29], [sflag:$0x4] =	stream.indirect.gather [spmem:s2], $0x40, s8, s22, $0xb8;
	[tilespmem:$0x1EA00] =	vst v63  }
0xb2: {  	s10 =	simm.s32 $0x200  }
0xb3: {  	[tilespmem:s31], [sflag:$0x5] =	stream.indirect.gather [spmem:s2], $0x40, s10, s22, $0xb8;
	[tilespmem:$0x1EA00] =	vst v63  }
.Ltmp3:
0xb4: {  	s8 =	sadd.s32 s30, s15;
	(pc) =	sbr.rel .LBB2_2-.Ltmp3, $4  }
0xb5: {  	s5 =	sadd.s32 $0xA50, s8;
	s10 =	sadd.s32 s30, s14  }
0xb6: {  	[tilespmem:s20], [sflag:$0xC] =	stream.linear.gather [hbm4b:s5+s4], $0x280, $0x38;
	[tilespmem:$0x1EA00] =	vst v63  }
0xb7: {  	s30 =	sadd.s32 $0xA0, s30;
	s5 =	sadd.s32 $0xA50, s10  }
0xb8: {  	[tilespmem:s21], [sflag:$0xC] =	stream.linear.gather [hbm4b:s5+s4], $0x280, $0x38;
	[tilespmem:$0x1EA00] =	vst v63  }
.LBB2_5:
0xb9: {  	_ =	sfence.sel $0x180000  }
0xba: {  	[bflag:$0x0] =	sbarrier.arrive $0xFFFF  }
0xbb: {  	_ =	strace $0x9000004A  }
0xbc: {  	s0 =	stileid.u32;
	[bflag:$0x2] =	sbarrier.arrive $0xFFFF  }
0xbd: {  	p0 =	sne.s32 s0, $0x0;
	s0 =	rddreg [dreg:$0x4]  }
0xbe: {  	s0 =	sadd.s32 @!p0 $0x100000, s0  }
0xbf: {  	[sflag:s0] =	ssyncadd.tile.s32 @!p0 $0x1;
	_ =	shalt  }
.Lfunc_end2:
_tile_overlayer_lowered:
.L_overlay_start_2:
0xc0: {  	(tag) =	ssettag $0x2  }
0xc1: {  	s0 =	rddreg [dreg:$0x0];
	s2 =	stileid.u32  }
0xc2: {  	s1 =	rddreg [dreg:$0x1];
	p0 =	sne.s32 s2, $0x0  }
0xc3: {  	s3 =	rddreg [dreg:$0x2];
	[bflag:$0x3] =	sbarrier.arrive $0xFFFF;
	s2 =	simm.s32 @!p0 $0x1C0D  }
0xc4: {  	[timem:s3], [sflag:s2] =	dma.local @!p0 [hbm:s0], s1  }
0xc5: {  	s0 =	simm.s32 @!p0 $0xD  }
0xc6: {  	_ =	swait.ge @!p0 [sflag:s0], s1  }
0xc7: {  	s1 =	ssub.s32 @!p0 $0x0, s1;
	[sflag:s0] =	ssyncset.done @!p0 $0x0  }
0xc8: {  	[sflag:s0] =	ssyncadd.s32 @!p0 s1  }
0xc9: {  	[bflag:$0x3] =	sbarrier.arrive $0xFFFF  }
0xca: {  	_ =	shalt  }

</sc_bundles>
